<compile_context>
chip_gen: v7x
topology: tpu7x:2x2x1
jax: 0.10.2.dev20260603
libtpu: 0.0.44.dev20260713+nightly
codegen_flags: <defaults>
</compile_context>

<pallas_src>
import functools

import jax
import jax.numpy as jnp
from jax import lax
from jax.experimental import pallas as pl
from jax.experimental.pallas import tpu as pltpu
from jax.experimental.pallas import tpu_sc as plsc

MU_ = 256
L_ = 16
NC_ = 2
NS_ = 16
NW_ = NC_ * NS_
N_ROWS_ = 8 * 16384
HALF_ = N_ROWS_ // 2
C_ = 128

_mesh = plsc.VectorSubcoreMesh(core_axis_name="c", subcore_axis_name="s")

SC_ROWS_W_ = HALF_ // NW_
SC_NCHUNK_ = SC_ROWS_W_ // C_


@functools.partial(
    pl.kernel,
    mesh=_mesh,
    compiler_params=pltpu.CompilerParams(needs_layout_passes=False),
    out_type=jax.ShapeDtypeStruct((HALF_, MU_), jnp.float32),
    scratch_types=[
        pltpu.VMEM((SC_ROWS_W_,), jnp.float32),
        pltpu.VMEM((C_, MU_), jnp.float32),
        pltpu.VMEM((C_, MU_), jnp.float32),
        pltpu.VMEM((C_,), jnp.int32),
        pltpu.VMEM((C_,), jnp.int32),
        pltpu.SemaphoreType.DMA,
        pltpu.SemaphoreType.DMA,
    ],
)
def _sc_onehot(x_hbm, out_hbm, xv, rows_a, rows_b, addr_a, addr_b, sem_a, sem_b):
    wid = lax.axis_index("s") * NC_ + lax.axis_index("c")
    row0 = wid * SC_ROWS_W_
    pltpu.sync_copy(x_hbm.at[pl.ds(row0, SC_ROWS_W_)], xv)

    zeros16 = jnp.zeros((L_,), jnp.float32)

    def _zero_body(j, carry):
        for k in range(MU_ // L_):
            rows_a[j, pl.ds(k * L_, L_)] = zeros16
            rows_b[j, pl.ds(k * L_, L_)] = zeros16
        return carry

    lax.fori_loop(0, C_, _zero_body, 0, unroll=False)

    ones16 = jnp.full((L_,), 1.0, jnp.float32)
    lane_iota = lax.iota(jnp.int32, L_)
    rows = (rows_a, rows_b)
    addrs = (addr_a, addr_b)
    sems = (sem_a, sem_b)
    copies = [None, None]

    for g in range(SC_NCHUNK_):
        b = g % 2
        rbuf, abuf, sem = rows[b], addrs[b], sems[b]
        if copies[b] is not None:
            copies[b].wait()
        for j in range(C_ // L_):
            row16 = j * L_ + lane_iota
            if g >= 2:
                old = abuf[pl.ds(j * L_, L_)]
                plsc.store_scatter(rbuf, [row16, old], zeros16)
            x16 = xv[pl.ds(g * C_ + j * L_, L_)]
            idx16 = ((x16 + 1.0) * 128.0).astype(jnp.int32)
            in_range = idx16 < MU_
            col16 = jnp.minimum(idx16, MU_ - 1)
            v16 = jnp.where(in_range, ones16, zeros16)
            plsc.store_scatter(rbuf, [row16, col16], v16)
            abuf[pl.ds(j * L_, L_)] = col16
        copies[b] = pltpu.async_copy(
            rbuf, out_hbm.at[pl.ds(row0 + g * C_, C_)], sem
        )
    copies[0].wait()
    copies[1].wait()


TC_R_ = 8


def _tc_body(x_ref, o_ref):
    idx = ((x_ref[...] + 1.0) * 128.0).astype(jnp.int32)
    iota = jax.lax.broadcasted_iota(jnp.int32, (TC_R_, MU_, MU_), 2)
    o_ref[...] = (idx[:, :, None] == iota).astype(jnp.float32)


def _tc_onehot(xr):
    nb = xr.shape[0]
    return pl.pallas_call(
        _tc_body,
        grid=(nb // TC_R_,),
        in_specs=[pl.BlockSpec((TC_R_, MU_), lambda i: (i, 0))],
        out_specs=pl.BlockSpec((TC_R_, MU_, MU_), lambda i: (i, 0, 0)),
        out_shape=jax.ShapeDtypeStruct((nb, MU_, MU_), jnp.float32),
    )(xr)


def kernel(x):
    b, t, _ = x.shape
    xf = x.reshape(b * t)
    sc_out = _sc_onehot(xf[:HALF_])
    tc_out = _tc_onehot(xf[HALF_:].reshape(HALF_ // MU_, MU_))
    return (sc_out, tc_out)

# --- scband reference (transcript-rebuilt; emitter-appended) ---
"""Pipeline reference for scband-mu-law-one-hot-21569325761050 (READ-ONLY COPY).

The authoritative reference and input builder live on the scoring server;
editing this copy changes nothing except your own understanding.
"""

import jax, jax.numpy as jnp
import numpy as np

MU = 256

def setup_inputs(seed: int = 0) -> dict:
    key = jax.random.key(seed)
    # x in [0, 1) so quantized indices land in [mu/2, mu-1]; faithful to mu-law-encoded
    # audio normalized to [-1, 1] (rand keeps indices strictly in-range for one_hot)
    x = jax.random.uniform(key, (8, 16384, 1), dtype=jnp.float32)
    return {"x": x}

def reference(x):
    # x_int = cast((x + 1) / 2 * mu, int32)  (K.cast truncates; values are >= 0 so trunc == floor)
    x_int = ((x + 1.0) / 2.0 * MU).astype(jnp.int32)
    x_int = jnp.squeeze(x_int, axis=2)
    # K.one_hot -> jax.nn.one_hot (out-of-range indices map to all-zero rows, matching TF)
    return jax.nn.one_hot(x_int, MU, dtype=jnp.float32)

if __name__ == "__main__":
    import jax
    _d = setup_inputs()
    print(jax.jit(kernel)(*tuple(_d.values())))

</pallas_src>

<mosaic_0001>
#map = affine_map<(d0, d1) -> (0)>
#map1 = affine_map<(d0, d1) -> (0, 0)>
module attributes {stable_mosaic.version = 14 : i64} {
  func.func @_sc_onehot(%arg0: i32, %arg1: i32, %arg2: memref<65536xf32, #tpu.memory_space<hbm>>, %arg3: memref<65536x256xf32, #tpu.memory_space<hbm>>, %arg4: memref<2048xf32, #tpu.memory_space<vmem>>, %arg5: memref<128x256xf32, #tpu.memory_space<vmem>>, %arg6: memref<128x256xf32, #tpu.memory_space<vmem>>, %arg7: memref<128xi32, #tpu.memory_space<vmem>>, %arg8: memref<128xi32, #tpu.memory_space<vmem>>, %arg9: memref<!tpu.dma_semaphore, #tpu.memory_space<semaphore_mem>>, %arg10: memref<!tpu.dma_semaphore, #tpu.memory_space<semaphore_mem>>) attributes {dimension_semantics = [#tpu.dimension_semantics<core_parallel>, #tpu.dimension_semantics<subcore_parallel>], iteration_bounds = array<i64: 2, 16>, scalar_prefetch = 0 : i64, scratch_operands = 7 : i64, tpu.core_type = #tpu.core_type<sc_vector_subcore>, window_params = [{transform_indices = #map}, {transform_indices = #map1}]} {
    %mul3A = arith.constant 2 : i32
    %mul3A_0 = arith.muli %arg1, %mul3A : i32
    %add3A = arith.addi %mul3A_0, %arg0 : i32
    %mul3A_1 = arith.constant 2048 : i32
    %mul3A_2 = arith.muli %add3A, %mul3A_1 : i32
    "tpu.region"() ({
      %run_scoped3A = tpu.sem_alloc : memref<!tpu.dma_semaphore, #tpu.memory_space<semaphore_mem>>
      %dma_start3A_3075 = tpu.memref_slice %arg2[%mul3A_2] : memref<65536xf32, #tpu.memory_space<hbm>> -> memref<2048xf32, #tpu.memory_space<hbm>>
      %dma_start3A_3076 = tpu.memref_slice %arg2[%mul3A_2] : memref<65536xf32, #tpu.memory_space<hbm>> -> memref<2048xf32, #tpu.memory_space<hbm>>
      tpu.enqueue_dma source(%dma_start3A_3076 : memref<2048xf32, #tpu.memory_space<hbm>>) target(%arg4 : memref<2048xf32, #tpu.memory_space<vmem>>) target_semaphore(%run_scoped3A : memref<!tpu.dma_semaphore, #tpu.memory_space<semaphore_mem>>)
      %dma_wait3A_3077 = tpu.memref_slice %arg2[%mul3A_2] : memref<65536xf32, #tpu.memory_space<hbm>> -> memref<2048xf32, #tpu.memory_space<hbm>>
      %dma_wait3A_3078 = tpu.memref_slice %arg2[%mul3A_2] : memref<65536xf32, #tpu.memory_space<hbm>> -> memref<2048xf32, #tpu.memory_space<hbm>>
      tpu.wait_dma2 semaphore(%run_scoped3A : memref<!tpu.dma_semaphore, #tpu.memory_space<semaphore_mem>>) src(%dma_wait3A_3078 : memref<2048xf32, #tpu.memory_space<hbm>>) dst(%arg4 : memref<2048xf32, #tpu.memory_space<vmem>>)
      tpu.yield
    }) : () -> ()
    %broadcast_in_dim3A = arith.constant 0.000000e+00 : f32
    %broadcast_in_dim3A_3 = vector.broadcast %broadcast_in_dim3A : f32 to vector<16xf32>
    %scan3A = arith.constant 0 : i32
    %scan3A_4 = arith.constant 0 : i32
    %scan3A_5 = arith.constant 128 : i32
    %scan3A_6 = arith.addi %scan3A_4, %scan3A_5 : i32
    %scan3A_7 = arith.constant 1 : i32
    scf.for %scan3A_3075 = %scan3A_4 to %scan3A_6 step %scan3A_7  : i32 {
      %swap3A_3076 = arith.index_cast %scan3A_3075 : i32 to index
      %swap3A_3077 = arith.constant 0 : index
      %swap3A_3078 = tpu.vector_load %arg5[%swap3A_3076, %swap3A_3077] {strides = array<i32>} : memref<128x256xf32, #tpu.memory_space<vmem>>, vector<16xf32>,
      tpu.vector_store %arg5[%swap3A_3076, %swap3A_3077], %broadcast_in_dim3A_3 {strides = array<i32>} : memref<128x256xf32, #tpu.memory_space<vmem>>, vector<16xf32>,
      %swap3A_3079 = arith.index_cast %scan3A_3075 : i32 to index
      %swap3A_3080 = arith.constant 0 : index
      %swap3A_3081 = tpu.vector_load %arg6[%swap3A_3079, %swap3A_3080] {strides = array<i32>} : memref<128x256xf32, #tpu.memory_space<vmem>>, vector<16xf32>,
      tpu.vector_store %arg6[%swap3A_3079, %swap3A_3080], %broadcast_in_dim3A_3 {strides = array<i32>} : memref<128x256xf32, #tpu.memory_space<vmem>>, vector<16xf32>,
      %swap3A_3082 = arith.index_cast %scan3A_3075 : i32 to index
      %swap3A_3083 = arith.constant 16 : index
      %swap3A_3084 = tpu.vector_load %arg5[%swap3A_3082, %swap3A_3083] {strides = array<i32>} : memref<128x256xf32, #tpu.memory_space<vmem>>, vector<16xf32>,
      tpu.vector_store %arg5[%swap3A_3082, %swap3A_3083], %broadcast_in_dim3A_3 {strides = array<i32>} : memref<128x256xf32, #tpu.memory_space<vmem>>, vector<16xf32>,
      %swap3A_3085 = arith.index_cast %scan3A_3075 : i32 to index
      %swap3A_3086 = arith.constant 16 : index
      %swap3A_3087 = tpu.vector_load %arg6[%swap3A_3085, %swap3A_3086] {strides = array<i32>} : memref<128x256xf32, #tpu.memory_space<vmem>>, vector<16xf32>,
      tpu.vector_store %arg6[%swap3A_3085, %swap3A_3086], %broadcast_in_dim3A_3 {strides = array<i32>} : memref<128x256xf32, #tpu.memory_space<vmem>>, vector<16xf32>,
      %swap3A_3088 = arith.index_cast %scan3A_3075 : i32 to index
      %swap3A_3089 = arith.constant 32 : index
      %swap3A_3090 = tpu.vector_load %arg5[%swap3A_3088, %swap3A_3089] {strides = array<i32>} : memref<128x256xf32, #tpu.memory_space<vmem>>, vector<16xf32>,
      tpu.vector_store %arg5[%swap3A_3088, %swap3A_3089], %broadcast_in_dim3A_3 {strides = array<i32>} : memref<128x256xf32, #tpu.memory_space<vmem>>, vector<16xf32>,
      %swap3A_3091 = arith.index_cast %scan3A_3075 : i32 to index
      %swap3A_3092 = arith.constant 32 : index
      %swap3A_3093 = tpu.vector_load %arg6[%swap3A_3091, %swap3A_3092] {strides = array<i32>} : memref<128x256xf32, #tpu.memory_space<vmem>>, vector<16xf32>,
      tpu.vector_store %arg6[%swap3A_3091, %swap3A_3092], %broadcast_in_dim3A_3 {strides = array<i32>} : memref<128x256xf32, #tpu.memory_space<vmem>>, vector<16xf32>,
      %swap3A_3094 = arith.index_cast %scan3A_3075 : i32 to index
      %swap3A_3095 = arith.constant 48 : index
      %swap3A_3096 = tpu.vector_load %arg5[%swap3A_3094, %swap3A_3095] {strides = array<i32>} : memref<128x256xf32, #tpu.memory_space<vmem>>, vector<16xf32>,
      tpu.vector_store %arg5[%swap3A_3094, %swap3A_3095], %broadcast_in_dim3A_3 {strides = array<i32>} : memref<128x256xf32, #tpu.memory_space<vmem>>, vector<16xf32>,
      %swap3A_3097 = arith.index_cast %scan3A_3075 : i32 to index
      %swap3A_3098 = arith.constant 48 : index
      %swap3A_3099 = tpu.vector_load %arg6[%swap3A_3097, %swap3A_3098] {strides = array<i32>} : memref<128x256xf32, #tpu.memory_space<vmem>>, vector<16xf32>,
      tpu.vector_store %arg6[%swap3A_3097, %swap3A_3098], %broadcast_in_dim3A_3 {strides = array<i32>} : memref<128x256xf32, #tpu.memory_space<vmem>>, vector<16xf32>,
      %swap3A_3100 = arith.index_cast %scan3A_3075 : i32 to index
      %swap3A_3101 = arith.constant 64 : index
      %swap3A_3102 = tpu.vector_load %arg5[%swap3A_3100, %swap3A_3101] {strides = array<i32>} : memref<128x256xf32, #tpu.memory_space<vmem>>, vector<16xf32>,
      tpu.vector_store %arg5[%swap3A_3100, %swap3A_3101], %broadcast_in_dim3A_3 {strides = array<i32>} : memref<128x256xf32, #tpu.memory_space<vmem>>, vector<16xf32>,
      %swap3A_3103 = arith.index_cast %scan3A_3075 : i32 to index
      %swap3A_3104 = arith.constant 64 : index
      %swap3A_3105 = tpu.vector_load %arg6[%swap3A_3103, %swap3A_3104] {strides = array<i32>} : memref<128x256xf32, #tpu.memory_space<vmem>>, vector<16xf32>,
      tpu.vector_store %arg6[%swap3A_3103, %swap3A_3104], %broadcast_in_dim3A_3 {strides = array<i32>} : memref<128x256xf32, #tpu.memory_space<vmem>>, vector<16xf32>,
      %swap3A_3106 = arith.index_cast %scan3A_3075 : i32 to index
      %swap3A_3107 = arith.constant 80 : index
      %swap3A_3108 = tpu.vector_load %arg5[%swap3A_3106, %swap3A_3107] {strides = array<i32>} : memref<128x256xf32, #tpu.memory_space<vmem>>, vector<16xf32>,
      tpu.vector_store %arg5[%swap3A_3106, %swap3A_3107], %broadcast_in_dim3A_3 {strides = array<i32>} : memref<128x256xf32, #tpu.memory_space<vmem>>, vector<16xf32>,
      %swap3A_3109 = arith.index_cast %scan3A_3075 : i32 to index
      %swap3A_3110 = arith.constant 80 : index
      %swap3A_3111 = tpu.vector_load %arg6[%swap3A_3109, %swap3A_3110] {strides = array<i32>} : memref<128x256xf32, #tpu.memory_space<vmem>>, vector<16xf32>,
      tpu.vector_store %arg6[%swap3A_3109, %swap3A_3110], %broadcast_in_dim3A_3 {strides = array<i32>} : memref<128x256xf32, #tpu.memory_space<vmem>>, vector<16xf32>,
      %swap3A_3112 = arith.index_cast %scan3A_3075 : i32 to index
      %swap3A_3113 = arith.constant 96 : index
      %swap3A_3114 = tpu.vector_load %arg5[%swap3A_3112, %swap3A_3113] {strides = array<i32>} : memref<128x256xf32, #tpu.memory_space<vmem>>, vector<16xf32>,
      tpu.vector_store %arg5[%swap3A_3112, %swap3A_3113], %broadcast_in_dim3A_3 {strides = array<i32>} : memref<128x256xf32, #tpu.memory_space<vmem>>, vector<16xf32>,
      %swap3A_3115 = arith.index_cast %scan3A_3075 : i32 to index
      %swap3A_3116 = arith.constant 96 : index
      %swap3A_3117 = tpu.vector_load %arg6[%swap3A_3115, %swap3A_3116] {strides = array<i32>} : memref<128x256xf32, #tpu.memory_space<vmem>>, vector<16xf32>,
      tpu.vector_store %arg6[%swap3A_3115, %swap3A_3116], %broadcast_in_dim3A_3 {strides = array<i32>} : memref<128x256xf32, #tpu.memory_space<vmem>>, vector<16xf32>,
      %swap3A_3118 = arith.index_cast %scan3A_3075 : i32 to index
      %swap3A_3119 = arith.constant 112 : index
      %swap3A_3120 = tpu.vector_load %arg5[%swap3A_3118, %swap3A_3119] {strides = array<i32>} : memref<128x256xf32, #tpu.memory_space<vmem>>, vector<16xf32>,
      tpu.vector_store %arg5[%swap3A_3118, %swap3A_3119], %broadcast_in_dim3A_3 {strides = array<i32>} : memref<128x256xf32, #tpu.memory_space<vmem>>, vector<16xf32>,
      %swap3A_3121 = arith.index_cast %scan3A_3075 : i32 to index
      %swap3A_3122 = arith.constant 112 : index
      %swap3A_3123 = tpu.vector_load %arg6[%swap3A_3121, %swap3A_3122] {strides = array<i32>} : memref<128x256xf32, #tpu.memory_space<vmem>>, vector<16xf32>,
      tpu.vector_store %arg6[%swap3A_3121, %swap3A_3122], %broadcast_in_dim3A_3 {strides = array<i32>} : memref<128x256xf32, #tpu.memory_space<vmem>>, vector<16xf32>,
      %swap3A_3124 = arith.index_cast %scan3A_3075 : i32 to index
      %swap3A_3125 = arith.constant 128 : index
      %swap3A_3126 = tpu.vector_load %arg5[%swap3A_3124, %swap3A_3125] {strides = array<i32>} : memref<128x256xf32, #tpu.memory_space<vmem>>, vector<16xf32>,
      tpu.vector_store %arg5[%swap3A_3124, %swap3A_3125], %broadcast_in_dim3A_3 {strides = array<i32>} : memref<128x256xf32, #tpu.memory_space<vmem>>, vector<16xf32>,
      %swap3A_3127 = arith.index_cast %scan3A_3075 : i32 to index
      %swap3A_3128 = arith.constant 128 : index
      %swap3A_3129 = tpu.vector_load %arg6[%swap3A_3127, %swap3A_3128] {strides = array<i32>} : memref<128x256xf32, #tpu.memory_space<vmem>>, vector<16xf32>,
      tpu.vector_store %arg6[%swap3A_3127, %swap3A_3128], %broadcast_in_dim3A_3 {strides = array<i32>} : memref<128x256xf32, #tpu.memory_space<vmem>>, vector<16xf32>,
      %swap3A_3130 = arith.index_cast %scan3A_3075 : i32 to index
      %swap3A_3131 = arith.constant 144 : index
      %swap3A_3132 = tpu.vector_load %arg5[%swap3A_3130, %swap3A_3131] {strides = array<i32>} : memref<128x256xf32, #tpu.memory_space<vmem>>, vector<16xf32>,
      tpu.vector_store %arg5[%swap3A_3130, %swap3A_3131], %broadcast_in_dim3A_3 {strides = array<i32>} : memref<128x256xf32, #tpu.memory_space<vmem>>, vector<16xf32>,
      %swap3A_3133 = arith.index_cast %scan3A_3075 : i32 to index
      %swap3A_3134 = arith.constant 144 : index
      %swap3A_3135 = tpu.vector_load %arg6[%swap3A_3133, %swap3A_3134] {strides = array<i32>} : memref<128x256xf32, #tpu.memory_space<vmem>>, vector<16xf32>,
      tpu.vector_store %arg6[%swap3A_3133, %swap3A_3134], %broadcast_in_dim3A_3 {strides = array<i32>} : memref<128x256xf32, #tpu.memory_space<vmem>>, vector<16xf32>,
      %swap3A_3136 = arith.index_cast %scan3A_3075 : i32 to index
      %swap3A_3137 = arith.constant 160 : index
      %swap3A_3138 = tpu.vector_load %arg5[%swap3A_3136, %swap3A_3137] {strides = array<i32>} : memref<128x256xf32, #tpu.memory_space<vmem>>, vector<16xf32>,
      tpu.vector_store %arg5[%swap3A_3136, %swap3A_3137], %broadcast_in_dim3A_3 {strides = array<i32>} : memref<128x256xf32, #tpu.memory_space<vmem>>, vector<16xf32>,
      %swap3A_3139 = arith.index_cast %scan3A_3075 : i32 to index
      %swap3A_3140 = arith.constant 160 : index
      %swap3A_3141 = tpu.vector_load %arg6[%swap3A_3139, %swap3A_3140] {strides = array<i32>} : memref<128x256xf32, #tpu.memory_space<vmem>>, vector<16xf32>,
      tpu.vector_store %arg6[%swap3A_3139, %swap3A_3140], %broadcast_in_dim3A_3 {strides = array<i32>} : memref<128x256xf32, #tpu.memory_space<vmem>>, vector<16xf32>,
      %swap3A_3142 = arith.index_cast %scan3A_3075 : i32 to index
      %swap3A_3143 = arith.constant 176 : index
      %swap3A_3144 = tpu.vector_load %arg5[%swap3A_3142, %swap3A_3143] {strides = array<i32>} : memref<128x256xf32, #tpu.memory_space<vmem>>, vector<16xf32>,
      tpu.vector_store %arg5[%swap3A_3142, %swap3A_3143], %broadcast_in_dim3A_3 {strides = array<i32>} : memref<128x256xf32, #tpu.memory_space<vmem>>, vector<16xf32>,
      %swap3A_3145 = arith.index_cast %scan3A_3075 : i32 to index
      %swap3A_3146 = arith.constant 176 : index
      %swap3A_3147 = tpu.vector_load %arg6[%swap3A_3145, %swap3A_3146] {strides = array<i32>} : memref<128x256xf32, #tpu.memory_space<vmem>>, vector<16xf32>,
      tpu.vector_store %arg6[%swap3A_3145, %swap3A_3146], %broadcast_in_dim3A_3 {strides = array<i32>} : memref<128x256xf32, #tpu.memory_space<vmem>>, vector<16xf32>,
      %swap3A_3148 = arith.index_cast %scan3A_3075 : i32 to index
      %swap3A_3149 = arith.constant 192 : index
      %swap3A_3150 = tpu.vector_load %arg5[%swap3A_3148, %swap3A_3149] {strides = array<i32>} : memref<128x256xf32, #tpu.memory_space<vmem>>, vector<16xf32>,
      tpu.vector_store %arg5[%swap3A_3148, %swap3A_3149], %broadcast_in_dim3A_3 {strides = array<i32>} : memref<128x256xf32, #tpu.memory_space<vmem>>, vector<16xf32>,
      %swap3A_3151 = arith.index_cast %scan3A_3075 : i32 to index
      %swap3A_3152 = arith.constant 192 : index
      %swap3A_3153 = tpu.vector_load %arg6[%swap3A_3151, %swap3A_3152] {strides = array<i32>} : memref<128x256xf32, #tpu.memory_space<vmem>>, vector<16xf32>,
      tpu.vector_store %arg6[%swap3A_3151, %swap3A_3152], %broadcast_in_dim3A_3 {strides = array<i32>} : memref<128x256xf32, #tpu.memory_space<vmem>>, vector<16xf32>,
      %swap3A_3154 = arith.index_cast %scan3A_3075 : i32 to index
      %swap3A_3155 = arith.constant 208 : index
      %swap3A_3156 = tpu.vector_load %arg5[%swap3A_3154, %swap3A_3155] {strides = array<i32>} : memref<128x256xf32, #tpu.memory_space<vmem>>, vector<16xf32>,
      tpu.vector_store %arg5[%swap3A_3154, %swap3A_3155], %broadcast_in_dim3A_3 {strides = array<i32>} : memref<128x256xf32, #tpu.memory_space<vmem>>, vector<16xf32>,
      %swap3A_3157 = arith.index_cast %scan3A_3075 : i32 to index
      %swap3A_3158 = arith.constant 208 : index
      %swap3A_3159 = tpu.vector_load %arg6[%swap3A_3157, %swap3A_3158] {strides = array<i32>} : memref<128x256xf32, #tpu.memory_space<vmem>>, vector<16xf32>,
      tpu.vector_store %arg6[%swap3A_3157, %swap3A_3158], %broadcast_in_dim3A_3 {strides = array<i32>} : memref<128x256xf32, #tpu.memory_space<vmem>>, vector<16xf32>,
      %swap3A_3160 = arith.index_cast %scan3A_3075 : i32 to index
      %swap3A_3161 = arith.constant 224 : index
      %swap3A_3162 = tpu.vector_load %arg5[%swap3A_3160, %swap3A_3161] {strides = array<i32>} : memref<128x256xf32, #tpu.memory_space<vmem>>, vector<16xf32>,
      tpu.vector_store %arg5[%swap3A_3160, %swap3A_3161], %broadcast_in_dim3A_3 {strides = array<i32>} : memref<128x256xf32, #tpu.memory_space<vmem>>, vector<16xf32>,
      %swap3A_3163 = arith.index_cast %scan3A_3075 : i32 to index
      %swap3A_3164 = arith.constant 224 : index
      %swap3A_3165 = tpu.vector_load %arg6[%swap3A_3163, %swap3A_3164] {strides = array<i32>} : memref<128x256xf32, #tpu.memory_space<vmem>>, vector<16xf32>,
      tpu.vector_store %arg6[%swap3A_3163, %swap3A_3164], %broadcast_in_dim3A_3 {strides = array<i32>} : memref<128x256xf32, #tpu.memory_space<vmem>>, vector<16xf32>,
      %swap3A_3166 = arith.index_cast %scan3A_3075 : i32 to index
      %swap3A_3167 = arith.constant 240 : index
      %swap3A_3168 = tpu.vector_load %arg5[%swap3A_3166, %swap3A_3167] {strides = array<i32>} : memref<128x256xf32, #tpu.memory_space<vmem>>, vector<16xf32>,
      tpu.vector_store %arg5[%swap3A_3166, %swap3A_3167], %broadcast_in_dim3A_3 {strides = array<i32>} : memref<128x256xf32, #tpu.memory_space<vmem>>, vector<16xf32>,
      %swap3A_3169 = arith.index_cast %scan3A_3075 : i32 to index
      %swap3A_3170 = arith.constant 240 : index
      %swap3A_3171 = tpu.vector_load %arg6[%swap3A_3169, %swap3A_3170] {strides = array<i32>} : memref<128x256xf32, #tpu.memory_space<vmem>>, vector<16xf32>,
      tpu.vector_store %arg6[%swap3A_3169, %swap3A_3170], %broadcast_in_dim3A_3 {strides = array<i32>} : memref<128x256xf32, #tpu.memory_space<vmem>>, vector<16xf32>,
    }
    %scan3A_8 = arith.constant 128 : i32
    %broadcast_in_dim3A_9 = arith.constant 1.000000e+00 : f32
    %broadcast_in_dim3A_10 = vector.broadcast %broadcast_in_dim3A_9 : f32 to vector<16xf32>
    %iota3A = tpu.iota {dimensions = array<i32: 0>} : vector<16xi32>
    %add3A_11 = arith.constant 0 : i32
    %add3A_12 = vector.broadcast %add3A_11 : i32 to vector<16xi32>
    %add3A_13 = arith.addi %add3A_12, %iota3A : vector<16xi32>
    %get3A = arith.constant 0 : index
    %get3A_14 = tpu.vector_load %arg4[%get3A] {strides = array<i32>} : memref<2048xf32, #tpu.memory_space<vmem>>, vector<16xf32>,
    %add3A_15 = arith.constant 1.000000e+00 : f32
    %add3A_16 = vector.broadcast %add3A_15 : f32 to vector<16xf32>
    %add3A_17 = arith.addf %get3A_14, %add3A_16 : vector<16xf32>
    %mul3A_18 = arith.constant 1.280000e+02 : f32
    %mul3A_19 = vector.broadcast %mul3A_18 : f32 to vector<16xf32>
    %mul3A_20 = arith.mulf %add3A_17, %mul3A_19 : vector<16xf32>
    %convert_element_type3A = arith.fptosi %mul3A_20 : vector<16xf32> to vector<16xi32>
    %lt3A = arith.constant 256 : i32
    %lt3A_21 = vector.broadcast %lt3A : i32 to vector<16xi32>
    %lt3A_22 = arith.cmpi slt, %convert_element_type3A, %lt3A_21 : vector<16xi32>
    %min3A = arith.constant 255 : i32
    %min3A_23 = vector.broadcast %min3A : i32 to vector<16xi32>
    %min3A_24 = arith.minsi %convert_element_type3A, %min3A_23 : vector<16xi32>
    %select_n3A = arith.select %lt3A_22, %broadcast_in_dim3A_10, %broadcast_in_dim3A_3 : vector<16xi1>, vector<16xf32>
    tpu.vector_store_idx %arg5[%add3A_13, %min3A_24], %select_n3A : memref<128x256xf32, #tpu.memory_space<vmem>>[vector<16xi32>, vector<16xi32>], vector<16xf32>,
    %swap3A = arith.constant 0 : index
    %swap3A_25 = tpu.vector_load %arg7[%swap3A] {strides = array<i32>} : memref<128xi32, #tpu.memory_space<vmem>>, vector<16xi32>,
    tpu.vector_store %arg7[%swap3A], %min3A_24 {strides = array<i32>} : memref<128xi32, #tpu.memory_space<vmem>>, vector<16xi32>,
    %add3A_26 = arith.constant 16 : i32
    %add3A_27 = vector.broadcast %add3A_26 : i32 to vector<16xi32>
    %add3A_28 = arith.addi %add3A_27, %iota3A : vector<16xi32>
    %get3A_29 = arith.constant 16 : index
    %get3A_30 = tpu.vector_load %arg4[%get3A_29] {strides = array<i32>} : memref<2048xf32, #tpu.memory_space<vmem>>, vector<16xf32>,
    %add3A_31 = arith.constant 1.000000e+00 : f32
    %add3A_32 = vector.broadcast %add3A_31 : f32 to vector<16xf32>
    %add3A_33 = arith.addf %get3A_30, %add3A_32 : vector<16xf32>
    %mul3A_34 = arith.constant 1.280000e+02 : f32
    %mul3A_35 = vector.broadcast %mul3A_34 : f32 to vector<16xf32>
    %mul3A_36 = arith.mulf %add3A_33, %mul3A_35 : vector<16xf32>
    %convert_element_type3A_37 = arith.fptosi %mul3A_36 : vector<16xf32> to vector<16xi32>
    %lt3A_38 = arith.constant 256 : i32
    %lt3A_39 = vector.broadcast %lt3A_38 : i32 to vector<16xi32>
    %lt3A_40 = arith.cmpi slt, %convert_element_type3A_37, %lt3A_39 : vector<16xi32>
    %min3A_41 = arith.constant 255 : i32
    %min3A_42 = vector.broadcast %min3A_41 : i32 to vector<16xi32>
    %min3A_43 = arith.minsi %convert_element_type3A_37, %min3A_42 : vector<16xi32>
    %select_n3A_44 = arith.select %lt3A_40, %broadcast_in_dim3A_10, %broadcast_in_dim3A_3 : vector<16xi1>, vector<16xf32>
    tpu.vector_store_idx %arg5[%add3A_28, %min3A_43], %select_n3A_44 : memref<128x256xf32, #tpu.memory_space<vmem>>[vector<16xi32>, vector<16xi32>], vector<16xf32>,
    %swap3A_45 = arith.constant 16 : index
    %swap3A_46 = tpu.vector_load %arg7[%swap3A_45] {strides = array<i32>} : memref<128xi32, #tpu.memory_space<vmem>>, vector<16xi32>,
    tpu.vector_store %arg7[%swap3A_45], %min3A_43 {strides = array<i32>} : memref<128xi32, #tpu.memory_space<vmem>>, vector<16xi32>,
    %add3A_47 = arith.constant 32 : i32
    %add3A_48 = vector.broadcast %add3A_47 : i32 to vector<16xi32>
    %add3A_49 = arith.addi %add3A_48, %iota3A : vector<16xi32>
    %get3A_50 = arith.constant 32 : index
    %get3A_51 = tpu.vector_load %arg4[%get3A_50] {strides = array<i32>} : memref<2048xf32, #tpu.memory_space<vmem>>, vector<16xf32>,
    %add3A_52 = arith.constant 1.000000e+00 : f32
    %add3A_53 = vector.broadcast %add3A_52 : f32 to vector<16xf32>
    %add3A_54 = arith.addf %get3A_51, %add3A_53 : vector<16xf32>
    %mul3A_55 = arith.constant 1.280000e+02 : f32
    %mul3A_56 = vector.broadcast %mul3A_55 : f32 to vector<16xf32>
    %mul3A_57 = arith.mulf %add3A_54, %mul3A_56 : vector<16xf32>
    %convert_element_type3A_58 = arith.fptosi %mul3A_57 : vector<16xf32> to vector<16xi32>
    %lt3A_59 = arith.constant 256 : i32
    %lt3A_60 = vector.broadcast %lt3A_59 : i32 to vector<16xi32>
    %lt3A_61 = arith.cmpi slt, %convert_element_type3A_58, %lt3A_60 : vector<16xi32>
    %min3A_62 = arith.constant 255 : i32
    %min3A_63 = vector.broadcast %min3A_62 : i32 to vector<16xi32>
    %min3A_64 = arith.minsi %convert_element_type3A_58, %min3A_63 : vector<16xi32>
    %select_n3A_65 = arith.select %lt3A_61, %broadcast_in_dim3A_10, %broadcast_in_dim3A_3 : vector<16xi1>, vector<16xf32>
    tpu.vector_store_idx %arg5[%add3A_49, %min3A_64], %select_n3A_65 : memref<128x256xf32, #tpu.memory_space<vmem>>[vector<16xi32>, vector<16xi32>], vector<16xf32>,
    %swap3A_66 = arith.constant 32 : index
    %swap3A_67 = tpu.vector_load %arg7[%swap3A_66] {strides = array<i32>} : memref<128xi32, #tpu.memory_space<vmem>>, vector<16xi32>,
    tpu.vector_store %arg7[%swap3A_66], %min3A_64 {strides = array<i32>} : memref<128xi32, #tpu.memory_space<vmem>>, vector<16xi32>,
    %add3A_68 = arith.constant 48 : i32
    %add3A_69 = vector.broadcast %add3A_68 : i32 to vector<16xi32>
    %add3A_70 = arith.addi %add3A_69, %iota3A : vector<16xi32>
    %get3A_71 = arith.constant 48 : index
    %get3A_72 = tpu.vector_load %arg4[%get3A_71] {strides = array<i32>} : memref<2048xf32, #tpu.memory_space<vmem>>, vector<16xf32>,
    %add3A_73 = arith.constant 1.000000e+00 : f32
    %add3A_74 = vector.broadcast %add3A_73 : f32 to vector<16xf32>
    %add3A_75 = arith.addf %get3A_72, %add3A_74 : vector<16xf32>
    %mul3A_76 = arith.constant 1.280000e+02 : f32
    %mul3A_77 = vector.broadcast %mul3A_76 : f32 to vector<16xf32>
    %mul3A_78 = arith.mulf %add3A_75, %mul3A_77 : vector<16xf32>
    %convert_element_type3A_79 = arith.fptosi %mul3A_78 : vector<16xf32> to vector<16xi32>
    %lt3A_80 = arith.constant 256 : i32
    %lt3A_81 = vector.broadcast %lt3A_80 : i32 to vector<16xi32>
    %lt3A_82 = arith.cmpi slt, %convert_element_type3A_79, %lt3A_81 : vector<16xi32>
    %min3A_83 = arith.constant 255 : i32
    %min3A_84 = vector.broadcast %min3A_83 : i32 to vector<16xi32>
    %min3A_85 = arith.minsi %convert_element_type3A_79, %min3A_84 : vector<16xi32>
    %select_n3A_86 = arith.select %lt3A_82, %broadcast_in_dim3A_10, %broadcast_in_dim3A_3 : vector<16xi1>, vector<16xf32>
    tpu.vector_store_idx %arg5[%add3A_70, %min3A_85], %select_n3A_86 : memref<128x256xf32, #tpu.memory_space<vmem>>[vector<16xi32>, vector<16xi32>], vector<16xf32>,
    %swap3A_87 = arith.constant 48 : index
    %swap3A_88 = tpu.vector_load %arg7[%swap3A_87] {strides = array<i32>} : memref<128xi32, #tpu.memory_space<vmem>>, vector<16xi32>,
    tpu.vector_store %arg7[%swap3A_87], %min3A_85 {strides = array<i32>} : memref<128xi32, #tpu.memory_space<vmem>>, vector<16xi32>,
    %add3A_89 = arith.constant 64 : i32
    %add3A_90 = vector.broadcast %add3A_89 : i32 to vector<16xi32>
    %add3A_91 = arith.addi %add3A_90, %iota3A : vector<16xi32>
    %get3A_92 = arith.constant 64 : index
    %get3A_93 = tpu.vector_load %arg4[%get3A_92] {strides = array<i32>} : memref<2048xf32, #tpu.memory_space<vmem>>, vector<16xf32>,
    %add3A_94 = arith.constant 1.000000e+00 : f32
    %add3A_95 = vector.broadcast %add3A_94 : f32 to vector<16xf32>
    %add3A_96 = arith.addf %get3A_93, %add3A_95 : vector<16xf32>
    %mul3A_97 = arith.constant 1.280000e+02 : f32
    %mul3A_98 = vector.broadcast %mul3A_97 : f32 to vector<16xf32>
    %mul3A_99 = arith.mulf %add3A_96, %mul3A_98 : vector<16xf32>
    %convert_element_type3A_100 = arith.fptosi %mul3A_99 : vector<16xf32> to vector<16xi32>
    %lt3A_101 = arith.constant 256 : i32
    %lt3A_102 = vector.broadcast %lt3A_101 : i32 to vector<16xi32>
    %lt3A_103 = arith.cmpi slt, %convert_element_type3A_100, %lt3A_102 : vector<16xi32>
    %min3A_104 = arith.constant 255 : i32
    %min3A_105 = vector.broadcast %min3A_104 : i32 to vector<16xi32>
    %min3A_106 = arith.minsi %convert_element_type3A_100, %min3A_105 : vector<16xi32>
    %select_n3A_107 = arith.select %lt3A_103, %broadcast_in_dim3A_10, %broadcast_in_dim3A_3 : vector<16xi1>, vector<16xf32>
    tpu.vector_store_idx %arg5[%add3A_91, %min3A_106], %select_n3A_107 : memref<128x256xf32, #tpu.memory_space<vmem>>[vector<16xi32>, vector<16xi32>], vector<16xf32>,
    %swap3A_108 = arith.constant 64 : index
    %swap3A_109 = tpu.vector_load %arg7[%swap3A_108] {strides = array<i32>} : memref<128xi32, #tpu.memory_space<vmem>>, vector<16xi32>,
    tpu.vector_store %arg7[%swap3A_108], %min3A_106 {strides = array<i32>} : memref<128xi32, #tpu.memory_space<vmem>>, vector<16xi32>,
    %add3A_110 = arith.constant 80 : i32
    %add3A_111 = vector.broadcast %add3A_110 : i32 to vector<16xi32>
    %add3A_112 = arith.addi %add3A_111, %iota3A : vector<16xi32>
    %get3A_113 = arith.constant 80 : index
    %get3A_114 = tpu.vector_load %arg4[%get3A_113] {strides = array<i32>} : memref<2048xf32, #tpu.memory_space<vmem>>, vector<16xf32>,
    %add3A_115 = arith.constant 1.000000e+00 : f32
    %add3A_116 = vector.broadcast %add3A_115 : f32 to vector<16xf32>
    %add3A_117 = arith.addf %get3A_114, %add3A_116 : vector<16xf32>
    %mul3A_118 = arith.constant 1.280000e+02 : f32
    %mul3A_119 = vector.broadcast %mul3A_118 : f32 to vector<16xf32>
    %mul3A_120 = arith.mulf %add3A_117, %mul3A_119 : vector<16xf32>
    %convert_element_type3A_121 = arith.fptosi %mul3A_120 : vector<16xf32> to vector<16xi32>
    %lt3A_122 = arith.constant 256 : i32
    %lt3A_123 = vector.broadcast %lt3A_122 : i32 to vector<16xi32>
    %lt3A_124 = arith.cmpi slt, %convert_element_type3A_121, %lt3A_123 : vector<16xi32>
    %min3A_125 = arith.constant 255 : i32
    %min3A_126 = vector.broadcast %min3A_125 : i32 to vector<16xi32>
    %min3A_127 = arith.minsi %convert_element_type3A_121, %min3A_126 : vector<16xi32>
    %select_n3A_128 = arith.select %lt3A_124, %broadcast_in_dim3A_10, %broadcast_in_dim3A_3 : vector<16xi1>, vector<16xf32>
    tpu.vector_store_idx %arg5[%add3A_112, %min3A_127], %select_n3A_128 : memref<128x256xf32, #tpu.memory_space<vmem>>[vector<16xi32>, vector<16xi32>], vector<16xf32>,
    %swap3A_129 = arith.constant 80 : index
    %swap3A_130 = tpu.vector_load %arg7[%swap3A_129] {strides = array<i32>} : memref<128xi32, #tpu.memory_space<vmem>>, vector<16xi32>,
    tpu.vector_store %arg7[%swap3A_129], %min3A_127 {strides = array<i32>} : memref<128xi32, #tpu.memory_space<vmem>>, vector<16xi32>,
    %add3A_131 = arith.constant 96 : i32
    %add3A_132 = vector.broadcast %add3A_131 : i32 to vector<16xi32>
    %add3A_133 = arith.addi %add3A_132, %iota3A : vector<16xi32>
    %get3A_134 = arith.constant 96 : index
    %get3A_135 = tpu.vector_load %arg4[%get3A_134] {strides = array<i32>} : memref<2048xf32, #tpu.memory_space<vmem>>, vector<16xf32>,
    %add3A_136 = arith.constant 1.000000e+00 : f32
    %add3A_137 = vector.broadcast %add3A_136 : f32 to vector<16xf32>
    %add3A_138 = arith.addf %get3A_135, %add3A_137 : vector<16xf32>
    %mul3A_139 = arith.constant 1.280000e+02 : f32
    %mul3A_140 = vector.broadcast %mul3A_139 : f32 to vector<16xf32>
    %mul3A_141 = arith.mulf %add3A_138, %mul3A_140 : vector<16xf32>
    %convert_element_type3A_142 = arith.fptosi %mul3A_141 : vector<16xf32> to vector<16xi32>
    %lt3A_143 = arith.constant 256 : i32
    %lt3A_144 = vector.broadcast %lt3A_143 : i32 to vector<16xi32>
    %lt3A_145 = arith.cmpi slt, %convert_element_type3A_142, %lt3A_144 : vector<16xi32>
    %min3A_146 = arith.constant 255 : i32
    %min3A_147 = vector.broadcast %min3A_146 : i32 to vector<16xi32>
    %min3A_148 = arith.minsi %convert_element_type3A_142, %min3A_147 : vector<16xi32>
    %select_n3A_149 = arith.select %lt3A_145, %broadcast_in_dim3A_10, %broadcast_in_dim3A_3 : vector<16xi1>, vector<16xf32>
    tpu.vector_store_idx %arg5[%add3A_133, %min3A_148], %select_n3A_149 : memref<128x256xf32, #tpu.memory_space<vmem>>[vector<16xi32>, vector<16xi32>], vector<16xf32>,
    %swap3A_150 = arith.constant 96 : index
    %swap3A_151 = tpu.vector_load %arg7[%swap3A_150] {strides = array<i32>} : memref<128xi32, #tpu.memory_space<vmem>>, vector<16xi32>,
    tpu.vector_store %arg7[%swap3A_150], %min3A_148 {strides = array<i32>} : memref<128xi32, #tpu.memory_space<vmem>>, vector<16xi32>,
    %add3A_152 = arith.constant 112 : i32
    %add3A_153 = vector.broadcast %add3A_152 : i32 to vector<16xi32>
    %add3A_154 = arith.addi %add3A_153, %iota3A : vector<16xi32>
    %get3A_155 = arith.constant 112 : index
    %get3A_156 = tpu.vector_load %arg4[%get3A_155] {strides = array<i32>} : memref<2048xf32, #tpu.memory_space<vmem>>, vector<16xf32>,
    %add3A_157 = arith.constant 1.000000e+00 : f32
    %add3A_158 = vector.broadcast %add3A_157 : f32 to vector<16xf32>
    %add3A_159 = arith.addf %get3A_156, %add3A_158 : vector<16xf32>
    %mul3A_160 = arith.constant 1.280000e+02 : f32
    %mul3A_161 = vector.broadcast %mul3A_160 : f32 to vector<16xf32>
    %mul3A_162 = arith.mulf %add3A_159, %mul3A_161 : vector<16xf32>
    %convert_element_type3A_163 = arith.fptosi %mul3A_162 : vector<16xf32> to vector<16xi32>
    %lt3A_164 = arith.constant 256 : i32
    %lt3A_165 = vector.broadcast %lt3A_164 : i32 to vector<16xi32>
    %lt3A_166 = arith.cmpi slt, %convert_element_type3A_163, %lt3A_165 : vector<16xi32>
    %min3A_167 = arith.constant 255 : i32
    %min3A_168 = vector.broadcast %min3A_167 : i32 to vector<16xi32>
    %min3A_169 = arith.minsi %convert_element_type3A_163, %min3A_168 : vector<16xi32>
    %select_n3A_170 = arith.select %lt3A_166, %broadcast_in_dim3A_10, %broadcast_in_dim3A_3 : vector<16xi1>, vector<16xf32>
    tpu.vector_store_idx %arg5[%add3A_154, %min3A_169], %select_n3A_170 : memref<128x256xf32, #tpu.memory_space<vmem>>[vector<16xi32>, vector<16xi32>], vector<16xf32>,
    %swap3A_171 = arith.constant 112 : index
    %swap3A_172 = tpu.vector_load %arg7[%swap3A_171] {strides = array<i32>} : memref<128xi32, #tpu.memory_space<vmem>>, vector<16xi32>,
    tpu.vector_store %arg7[%swap3A_171], %min3A_169 {strides = array<i32>} : memref<128xi32, #tpu.memory_space<vmem>>, vector<16xi32>,
    %add3A_173 = arith.constant 0 : i32
    %add3A_174 = arith.addi %mul3A_2, %add3A_173 : i32
    %dma_start3A = arith.constant 0 : i32
    %dma_start3A_175 = tpu.memref_slice %arg3[%add3A_174, %dma_start3A] : memref<65536x256xf32, #tpu.memory_space<hbm>> -> memref<128x256xf32, #tpu.memory_space<hbm>>
    %dma_start3A_176 = arith.constant 0 : i32
    %dma_start3A_177 = tpu.memref_slice %arg3[%add3A_174, %dma_start3A_176] : memref<65536x256xf32, #tpu.memory_space<hbm>> -> memref<128x256xf32, #tpu.memory_space<hbm>>
    tpu.enqueue_dma source(%arg5 : memref<128x256xf32, #tpu.memory_space<vmem>>) target(%dma_start3A_177 : memref<128x256xf32, #tpu.memory_space<hbm>>) target_semaphore(%arg9 : memref<!tpu.dma_semaphore, #tpu.memory_space<semaphore_mem>>)
    %add3A_178 = arith.constant 0 : i32
    %add3A_179 = vector.broadcast %add3A_178 : i32 to vector<16xi32>
    %add3A_180 = arith.addi %add3A_179, %iota3A : vector<16xi32>
    %get3A_181 = arith.constant 128 : index
    %get3A_182 = tpu.vector_load %arg4[%get3A_181] {strides = array<i32>} : memref<2048xf32, #tpu.memory_space<vmem>>, vector<16xf32>,
    %add3A_183 = arith.constant 1.000000e+00 : f32
    %add3A_184 = vector.broadcast %add3A_183 : f32 to vector<16xf32>
    %add3A_185 = arith.addf %get3A_182, %add3A_184 : vector<16xf32>
    %mul3A_186 = arith.constant 1.280000e+02 : f32
    %mul3A_187 = vector.broadcast %mul3A_186 : f32 to vector<16xf32>
    %mul3A_188 = arith.mulf %add3A_185, %mul3A_187 : vector<16xf32>
    %convert_element_type3A_189 = arith.fptosi %mul3A_188 : vector<16xf32> to vector<16xi32>
    %lt3A_190 = arith.constant 256 : i32
    %lt3A_191 = vector.broadcast %lt3A_190 : i32 to vector<16xi32>
    %lt3A_192 = arith.cmpi slt, %convert_element_type3A_189, %lt3A_191 : vector<16xi32>
    %min3A_193 = arith.constant 255 : i32
    %min3A_194 = vector.broadcast %min3A_193 : i32 to vector<16xi32>
    %min3A_195 = arith.minsi %convert_element_type3A_189, %min3A_194 : vector<16xi32>
    %select_n3A_196 = arith.select %lt3A_192, %broadcast_in_dim3A_10, %broadcast_in_dim3A_3 : vector<16xi1>, vector<16xf32>
    tpu.vector_store_idx %arg6[%add3A_180, %min3A_195], %select_n3A_196 : memref<128x256xf32, #tpu.memory_space<vmem>>[vector<16xi32>, vector<16xi32>], vector<16xf32>,
    %swap3A_197 = arith.constant 0 : index
    %swap3A_198 = tpu.vector_load %arg8[%swap3A_197] {strides = array<i32>} : memref<128xi32, #tpu.memory_space<vmem>>, vector<16xi32>,
    tpu.vector_store %arg8[%swap3A_197], %min3A_195 {strides = array<i32>} : memref<128xi32, #tpu.memory_space<vmem>>, vector<16xi32>,
    %add3A_199 = arith.constant 16 : i32
    %add3A_200 = vector.broadcast %add3A_199 : i32 to vector<16xi32>
    %add3A_201 = arith.addi %add3A_200, %iota3A : vector<16xi32>
    %get3A_202 = arith.constant 144 : index
    %get3A_203 = tpu.vector_load %arg4[%get3A_202] {strides = array<i32>} : memref<2048xf32, #tpu.memory_space<vmem>>, vector<16xf32>,
    %add3A_204 = arith.constant 1.000000e+00 : f32
    %add3A_205 = vector.broadcast %add3A_204 : f32 to vector<16xf32>
    %add3A_206 = arith.addf %get3A_203, %add3A_205 : vector<16xf32>
    %mul3A_207 = arith.constant 1.280000e+02 : f32
    %mul3A_208 = vector.broadcast %mul3A_207 : f32 to vector<16xf32>
    %mul3A_209 = arith.mulf %add3A_206, %mul3A_208 : vector<16xf32>
    %convert_element_type3A_210 = arith.fptosi %mul3A_209 : vector<16xf32> to vector<16xi32>
    %lt3A_211 = arith.constant 256 : i32
    %lt3A_212 = vector.broadcast %lt3A_211 : i32 to vector<16xi32>
    %lt3A_213 = arith.cmpi slt, %convert_element_type3A_210, %lt3A_212 : vector<16xi32>
    %min3A_214 = arith.constant 255 : i32
    %min3A_215 = vector.broadcast %min3A_214 : i32 to vector<16xi32>
    %min3A_216 = arith.minsi %convert_element_type3A_210, %min3A_215 : vector<16xi32>
    %select_n3A_217 = arith.select %lt3A_213, %broadcast_in_dim3A_10, %broadcast_in_dim3A_3 : vector<16xi1>, vector<16xf32>
    tpu.vector_store_idx %arg6[%add3A_201, %min3A_216], %select_n3A_217 : memref<128x256xf32, #tpu.memory_space<vmem>>[vector<16xi32>, vector<16xi32>], vector<16xf32>,
    %swap3A_218 = arith.constant 16 : index
    %swap3A_219 = tpu.vector_load %arg8[%swap3A_218] {strides = array<i32>} : memref<128xi32, #tpu.memory_space<vmem>>, vector<16xi32>,
    tpu.vector_store %arg8[%swap3A_218], %min3A_216 {strides = array<i32>} : memref<128xi32, #tpu.memory_space<vmem>>, vector<16xi32>,
    %add3A_220 = arith.constant 32 : i32
    %add3A_221 = vector.broadcast %add3A_220 : i32 to vector<16xi32>
    %add3A_222 = arith.addi %add3A_221, %iota3A : vector<16xi32>
    %get3A_223 = arith.constant 160 : index
    %get3A_224 = tpu.vector_load %arg4[%get3A_223] {strides = array<i32>} : memref<2048xf32, #tpu.memory_space<vmem>>, vector<16xf32>,
    %add3A_225 = arith.constant 1.000000e+00 : f32
    %add3A_226 = vector.broadcast %add3A_225 : f32 to vector<16xf32>
    %add3A_227 = arith.addf %get3A_224, %add3A_226 : vector<16xf32>
    %mul3A_228 = arith.constant 1.280000e+02 : f32
    %mul3A_229 = vector.broadcast %mul3A_228 : f32 to vector<16xf32>
    %mul3A_230 = arith.mulf %add3A_227, %mul3A_229 : vector<16xf32>
    %convert_element_type3A_231 = arith.fptosi %mul3A_230 : vector<16xf32> to vector<16xi32>
    %lt3A_232 = arith.constant 256 : i32
    %lt3A_233 = vector.broadcast %lt3A_232 : i32 to vector<16xi32>
    %lt3A_234 = arith.cmpi slt, %convert_element_type3A_231, %lt3A_233 : vector<16xi32>
    %min3A_235 = arith.constant 255 : i32
    %min3A_236 = vector.broadcast %min3A_235 : i32 to vector<16xi32>
    %min3A_237 = arith.minsi %convert_element_type3A_231, %min3A_236 : vector<16xi32>
    %select_n3A_238 = arith.select %lt3A_234, %broadcast_in_dim3A_10, %broadcast_in_dim3A_3 : vector<16xi1>, vector<16xf32>
    tpu.vector_store_idx %arg6[%add3A_222, %min3A_237], %select_n3A_238 : memref<128x256xf32, #tpu.memory_space<vmem>>[vector<16xi32>, vector<16xi32>], vector<16xf32>,
    %swap3A_239 = arith.constant 32 : index
    %swap3A_240 = tpu.vector_load %arg8[%swap3A_239] {strides = array<i32>} : memref<128xi32, #tpu.memory_space<vmem>>, vector<16xi32>,
    tpu.vector_store %arg8[%swap3A_239], %min3A_237 {strides = array<i32>} : memref<128xi32, #tpu.memory_space<vmem>>, vector<16xi32>,
    %add3A_241 = arith.constant 48 : i32
    %add3A_242 = vector.broadcast %add3A_241 : i32 to vector<16xi32>
    %add3A_243 = arith.addi %add3A_242, %iota3A : vector<16xi32>
    %get3A_244 = arith.constant 176 : index
    %get3A_245 = tpu.vector_load %arg4[%get3A_244] {strides = array<i32>} : memref<2048xf32, #tpu.memory_space<vmem>>, vector<16xf32>,
    %add3A_246 = arith.constant 1.000000e+00 : f32
    %add3A_247 = vector.broadcast %add3A_246 : f32 to vector<16xf32>
    %add3A_248 = arith.addf %get3A_245, %add3A_247 : vector<16xf32>
    %mul3A_249 = arith.constant 1.280000e+02 : f32
    %mul3A_250 = vector.broadcast %mul3A_249 : f32 to vector<16xf32>
    %mul3A_251 = arith.mulf %add3A_248, %mul3A_250 : vector<16xf32>
    %convert_element_type3A_252 = arith.fptosi %mul3A_251 : vector<16xf32> to vector<16xi32>
    %lt3A_253 = arith.constant 256 : i32
    %lt3A_254 = vector.broadcast %lt3A_253 : i32 to vector<16xi32>
    %lt3A_255 = arith.cmpi slt, %convert_element_type3A_252, %lt3A_254 : vector<16xi32>
    %min3A_256 = arith.constant 255 : i32
    %min3A_257 = vector.broadcast %min3A_256 : i32 to vector<16xi32>
    %min3A_258 = arith.minsi %convert_element_type3A_252, %min3A_257 : vector<16xi32>
    %select_n3A_259 = arith.select %lt3A_255, %broadcast_in_dim3A_10, %broadcast_in_dim3A_3 : vector<16xi1>, vector<16xf32>
    tpu.vector_store_idx %arg6[%add3A_243, %min3A_258], %select_n3A_259 : memref<128x256xf32, #tpu.memory_space<vmem>>[vector<16xi32>, vector<16xi32>], vector<16xf32>,
    %swap3A_260 = arith.constant 48 : index
    %swap3A_261 = tpu.vector_load %arg8[%swap3A_260] {strides = array<i32>} : memref<128xi32, #tpu.memory_space<vmem>>, vector<16xi32>,
    tpu.vector_store %arg8[%swap3A_260], %min3A_258 {strides = array<i32>} : memref<128xi32, #tpu.memory_space<vmem>>, vector<16xi32>,
    %add3A_262 = arith.constant 64 : i32
    %add3A_263 = vector.broadcast %add3A_262 : i32 to vector<16xi32>
    %add3A_264 = arith.addi %add3A_263, %iota3A : vector<16xi32>
    %get3A_265 = arith.constant 192 : index
    %get3A_266 = tpu.vector_load %arg4[%get3A_265] {strides = array<i32>} : memref<2048xf32, #tpu.memory_space<vmem>>, vector<16xf32>,
    %add3A_267 = arith.constant 1.000000e+00 : f32
    %add3A_268 = vector.broadcast %add3A_267 : f32 to vector<16xf32>
    %add3A_269 = arith.addf %get3A_266, %add3A_268 : vector<16xf32>
    %mul3A_270 = arith.constant 1.280000e+02 : f32
    %mul3A_271 = vector.broadcast %mul3A_270 : f32 to vector<16xf32>
    %mul3A_272 = arith.mulf %add3A_269, %mul3A_271 : vector<16xf32>
    %convert_element_type3A_273 = arith.fptosi %mul3A_272 : vector<16xf32> to vector<16xi32>
    %lt3A_274 = arith.constant 256 : i32
    %lt3A_275 = vector.broadcast %lt3A_274 : i32 to vector<16xi32>
    %lt3A_276 = arith.cmpi slt, %convert_element_type3A_273, %lt3A_275 : vector<16xi32>
    %min3A_277 = arith.constant 255 : i32
    %min3A_278 = vector.broadcast %min3A_277 : i32 to vector<16xi32>
    %min3A_279 = arith.minsi %convert_element_type3A_273, %min3A_278 : vector<16xi32>
    %select_n3A_280 = arith.select %lt3A_276, %broadcast_in_dim3A_10, %broadcast_in_dim3A_3 : vector<16xi1>, vector<16xf32>
    tpu.vector_store_idx %arg6[%add3A_264, %min3A_279], %select_n3A_280 : memref<128x256xf32, #tpu.memory_space<vmem>>[vector<16xi32>, vector<16xi32>], vector<16xf32>,
    %swap3A_281 = arith.constant 64 : index
    %swap3A_282 = tpu.vector_load %arg8[%swap3A_281] {strides = array<i32>} : memref<128xi32, #tpu.memory_space<vmem>>, vector<16xi32>,
    tpu.vector_store %arg8[%swap3A_281], %min3A_279 {strides = array<i32>} : memref<128xi32, #tpu.memory_space<vmem>>, vector<16xi32>,
    %add3A_283 = arith.constant 80 : i32
    %add3A_284 = vector.broadcast %add3A_283 : i32 to vector<16xi32>
    %add3A_285 = arith.addi %add3A_284, %iota3A : vector<16xi32>
    %get3A_286 = arith.constant 208 : index
    %get3A_287 = tpu.vector_load %arg4[%get3A_286] {strides = array<i32>} : memref<2048xf32, #tpu.memory_space<vmem>>, vector<16xf32>,
    %add3A_288 = arith.constant 1.000000e+00 : f32
    %add3A_289 = vector.broadcast %add3A_288 : f32 to vector<16xf32>
    %add3A_290 = arith.addf %get3A_287, %add3A_289 : vector<16xf32>
    %mul3A_291 = arith.constant 1.280000e+02 : f32
    %mul3A_292 = vector.broadcast %mul3A_291 : f32 to vector<16xf32>
    %mul3A_293 = arith.mulf %add3A_290, %mul3A_292 : vector<16xf32>
    %convert_element_type3A_294 = arith.fptosi %mul3A_293 : vector<16xf32> to vector<16xi32>
    %lt3A_295 = arith.constant 256 : i32
    %lt3A_296 = vector.broadcast %lt3A_295 : i32 to vector<16xi32>
    %lt3A_297 = arith.cmpi slt, %convert_element_type3A_294, %lt3A_296 : vector<16xi32>
    %min3A_298 = arith.constant 255 : i32
    %min3A_299 = vector.broadcast %min3A_298 : i32 to vector<16xi32>
    %min3A_300 = arith.minsi %convert_element_type3A_294, %min3A_299 : vector<16xi32>
    %select_n3A_301 = arith.select %lt3A_297, %broadcast_in_dim3A_10, %broadcast_in_dim3A_3 : vector<16xi1>, vector<16xf32>
    tpu.vector_store_idx %arg6[%add3A_285, %min3A_300], %select_n3A_301 : memref<128x256xf32, #tpu.memory_space<vmem>>[vector<16xi32>, vector<16xi32>], vector<16xf32>,
    %swap3A_302 = arith.constant 80 : index
    %swap3A_303 = tpu.vector_load %arg8[%swap3A_302] {strides = array<i32>} : memref<128xi32, #tpu.memory_space<vmem>>, vector<16xi32>,
    tpu.vector_store %arg8[%swap3A_302], %min3A_300 {strides = array<i32>} : memref<128xi32, #tpu.memory_space<vmem>>, vector<16xi32>,
    %add3A_304 = arith.constant 96 : i32
    %add3A_305 = vector.broadcast %add3A_304 : i32 to vector<16xi32>
    %add3A_306 = arith.addi %add3A_305, %iota3A : vector<16xi32>
    %get3A_307 = arith.constant 224 : index
    %get3A_308 = tpu.vector_load %arg4[%get3A_307] {strides = array<i32>} : memref<2048xf32, #tpu.memory_space<vmem>>, vector<16xf32>,
    %add3A_309 = arith.constant 1.000000e+00 : f32
    %add3A_310 = vector.broadcast %add3A_309 : f32 to vector<16xf32>
    %add3A_311 = arith.addf %get3A_308, %add3A_310 : vector<16xf32>
    %mul3A_312 = arith.constant 1.280000e+02 : f32
    %mul3A_313 = vector.broadcast %mul3A_312 : f32 to vector<16xf32>
    %mul3A_314 = arith.mulf %add3A_311, %mul3A_313 : vector<16xf32>
    %convert_element_type3A_315 = arith.fptosi %mul3A_314 : vector<16xf32> to vector<16xi32>
    %lt3A_316 = arith.constant 256 : i32
    %lt3A_317 = vector.broadcast %lt3A_316 : i32 to vector<16xi32>
    %lt3A_318 = arith.cmpi slt, %convert_element_type3A_315, %lt3A_317 : vector<16xi32>
    %min3A_319 = arith.constant 255 : i32
    %min3A_320 = vector.broadcast %min3A_319 : i32 to vector<16xi32>
    %min3A_321 = arith.minsi %convert_element_type3A_315, %min3A_320 : vector<16xi32>
    %select_n3A_322 = arith.select %lt3A_318, %broadcast_in_dim3A_10, %broadcast_in_dim3A_3 : vector<16xi1>, vector<16xf32>
    tpu.vector_store_idx %arg6[%add3A_306, %min3A_321], %select_n3A_322 : memref<128x256xf32, #tpu.memory_space<vmem>>[vector<16xi32>, vector<16xi32>], vector<16xf32>,
    %swap3A_323 = arith.constant 96 : index
    %swap3A_324 = tpu.vector_load %arg8[%swap3A_323] {strides = array<i32>} : memref<128xi32, #tpu.memory_space<vmem>>, vector<16xi32>,
    tpu.vector_store %arg8[%swap3A_323], %min3A_321 {strides = array<i32>} : memref<128xi32, #tpu.memory_space<vmem>>, vector<16xi32>,
    %add3A_325 = arith.constant 112 : i32
    %add3A_326 = vector.broadcast %add3A_325 : i32 to vector<16xi32>
    %add3A_327 = arith.addi %add3A_326, %iota3A : vector<16xi32>
    %get3A_328 = arith.constant 240 : index
    %get3A_329 = tpu.vector_load %arg4[%get3A_328] {strides = array<i32>} : memref<2048xf32, #tpu.memory_space<vmem>>, vector<16xf32>,
    %add3A_330 = arith.constant 1.000000e+00 : f32
    %add3A_331 = vector.broadcast %add3A_330 : f32 to vector<16xf32>
    %add3A_332 = arith.addf %get3A_329, %add3A_331 : vector<16xf32>
    %mul3A_333 = arith.constant 1.280000e+02 : f32
    %mul3A_334 = vector.broadcast %mul3A_333 : f32 to vector<16xf32>
    %mul3A_335 = arith.mulf %add3A_332, %mul3A_334 : vector<16xf32>
    %convert_element_type3A_336 = arith.fptosi %mul3A_335 : vector<16xf32> to vector<16xi32>
    %lt3A_337 = arith.constant 256 : i32
    %lt3A_338 = vector.broadcast %lt3A_337 : i32 to vector<16xi32>
    %lt3A_339 = arith.cmpi slt, %convert_element_type3A_336, %lt3A_338 : vector<16xi32>
    %min3A_340 = arith.constant 255 : i32
    %min3A_341 = vector.broadcast %min3A_340 : i32 to vector<16xi32>
    %min3A_342 = arith.minsi %convert_element_type3A_336, %min3A_341 : vector<16xi32>
    %select_n3A_343 = arith.select %lt3A_339, %broadcast_in_dim3A_10, %broadcast_in_dim3A_3 : vector<16xi1>, vector<16xf32>
    tpu.vector_store_idx %arg6[%add3A_327, %min3A_342], %select_n3A_343 : memref<128x256xf32, #tpu.memory_space<vmem>>[vector<16xi32>, vector<16xi32>], vector<16xf32>,
    %swap3A_344 = arith.constant 112 : index
    %swap3A_345 = tpu.vector_load %arg8[%swap3A_344] {strides = array<i32>} : memref<128xi32, #tpu.memory_space<vmem>>, vector<16xi32>,
    tpu.vector_store %arg8[%swap3A_344], %min3A_342 {strides = array<i32>} : memref<128xi32, #tpu.memory_space<vmem>>, vector<16xi32>,
    %add3A_346 = arith.constant 128 : i32
    %add3A_347 = arith.addi %mul3A_2, %add3A_346 : i32
    %dma_start3A_348 = arith.constant 0 : i32
    %dma_start3A_349 = tpu.memref_slice %arg3[%add3A_347, %dma_start3A_348] : memref<65536x256xf32, #tpu.memory_space<hbm>> -> memref<128x256xf32, #tpu.memory_space<hbm>>
    %dma_start3A_350 = arith.constant 0 : i32
    %dma_start3A_351 = tpu.memref_slice %arg3[%add3A_347, %dma_start3A_350] : memref<65536x256xf32, #tpu.memory_space<hbm>> -> memref<128x256xf32, #tpu.memory_space<hbm>>
    tpu.enqueue_dma source(%arg6 : memref<128x256xf32, #tpu.memory_space<vmem>>) target(%dma_start3A_351 : memref<128x256xf32, #tpu.memory_space<hbm>>) target_semaphore(%arg10 : memref<!tpu.dma_semaphore, #tpu.memory_space<semaphore_mem>>)
    %dma_wait3A = arith.constant 0 : i32
    %dma_wait3A_352 = tpu.memref_slice %arg3[%add3A_174, %dma_wait3A] : memref<65536x256xf32, #tpu.memory_space<hbm>> -> memref<128x256xf32, #tpu.memory_space<hbm>>
    %dma_wait3A_353 = arith.constant 0 : i32
    %dma_wait3A_354 = tpu.memref_slice %arg3[%add3A_174, %dma_wait3A_353] : memref<65536x256xf32, #tpu.memory_space<hbm>> -> memref<128x256xf32, #tpu.memory_space<hbm>>
    tpu.wait_dma2 semaphore(%arg9 : memref<!tpu.dma_semaphore, #tpu.memory_space<semaphore_mem>>) src(%arg5 : memref<128x256xf32, #tpu.memory_space<vmem>>) dst(%dma_wait3A_354 : memref<128x256xf32, #tpu.memory_space<hbm>>)
    %add3A_355 = arith.constant 0 : i32
    %add3A_356 = vector.broadcast %add3A_355 : i32 to vector<16xi32>
    %add3A_357 = arith.addi %add3A_356, %iota3A : vector<16xi32>
    %get3A_358 = arith.constant 0 : index
    %get3A_359 = tpu.vector_load %arg7[%get3A_358] {strides = array<i32>} : memref<128xi32, #tpu.memory_space<vmem>>, vector<16xi32>,
    tpu.vector_store_idx %arg5[%add3A_357, %get3A_359], %broadcast_in_dim3A_3 : memref<128x256xf32, #tpu.memory_space<vmem>>[vector<16xi32>, vector<16xi32>], vector<16xf32>,
    %get3A_360 = arith.constant 256 : index
    %get3A_361 = tpu.vector_load %arg4[%get3A_360] {strides = array<i32>} : memref<2048xf32, #tpu.memory_space<vmem>>, vector<16xf32>,
    %add3A_362 = arith.constant 1.000000e+00 : f32
    %add3A_363 = vector.broadcast %add3A_362 : f32 to vector<16xf32>
    %add3A_364 = arith.addf %get3A_361, %add3A_363 : vector<16xf32>
    %mul3A_365 = arith.constant 1.280000e+02 : f32
    %mul3A_366 = vector.broadcast %mul3A_365 : f32 to vector<16xf32>
    %mul3A_367 = arith.mulf %add3A_364, %mul3A_366 : vector<16xf32>
    %convert_element_type3A_368 = arith.fptosi %mul3A_367 : vector<16xf32> to vector<16xi32>
    %lt3A_369 = arith.constant 256 : i32
    %lt3A_370 = vector.broadcast %lt3A_369 : i32 to vector<16xi32>
    %lt3A_371 = arith.cmpi slt, %convert_element_type3A_368, %lt3A_370 : vector<16xi32>
    %min3A_372 = arith.constant 255 : i32
    %min3A_373 = vector.broadcast %min3A_372 : i32 to vector<16xi32>
    %min3A_374 = arith.minsi %convert_element_type3A_368, %min3A_373 : vector<16xi32>
    %select_n3A_375 = arith.select %lt3A_371, %broadcast_in_dim3A_10, %broadcast_in_dim3A_3 : vector<16xi1>, vector<16xf32>
    tpu.vector_store_idx %arg5[%add3A_357, %min3A_374], %select_n3A_375 : memref<128x256xf32, #tpu.memory_space<vmem>>[vector<16xi32>, vector<16xi32>], vector<16xf32>,
    %swap3A_376 = arith.constant 0 : index
    %swap3A_377 = tpu.vector_load %arg7[%swap3A_376] {strides = array<i32>} : memref<128xi32, #tpu.memory_space<vmem>>, vector<16xi32>,
    tpu.vector_store %arg7[%swap3A_376], %min3A_374 {strides = array<i32>} : memref<128xi32, #tpu.memory_space<vmem>>, vector<16xi32>,
    %add3A_378 = arith.constant 16 : i32
    %add3A_379 = vector.broadcast %add3A_378 : i32 to vector<16xi32>
    %add3A_380 = arith.addi %add3A_379, %iota3A : vector<16xi32>
    %get3A_381 = arith.constant 16 : index
    %get3A_382 = tpu.vector_load %arg7[%get3A_381] {strides = array<i32>} : memref<128xi32, #tpu.memory_space<vmem>>, vector<16xi32>,
    tpu.vector_store_idx %arg5[%add3A_380, %get3A_382], %broadcast_in_dim3A_3 : memref<128x256xf32, #tpu.memory_space<vmem>>[vector<16xi32>, vector<16xi32>], vector<16xf32>,
    %get3A_383 = arith.constant 272 : index
    %get3A_384 = tpu.vector_load %arg4[%get3A_383] {strides = array<i32>} : memref<2048xf32, #tpu.memory_space<vmem>>, vector<16xf32>,
    %add3A_385 = arith.constant 1.000000e+00 : f32
    %add3A_386 = vector.broadcast %add3A_385 : f32 to vector<16xf32>
    %add3A_387 = arith.addf %get3A_384, %add3A_386 : vector<16xf32>
    %mul3A_388 = arith.constant 1.280000e+02 : f32
    %mul3A_389 = vector.broadcast %mul3A_388 : f32 to vector<16xf32>
    %mul3A_390 = arith.mulf %add3A_387, %mul3A_389 : vector<16xf32>
    %convert_element_type3A_391 = arith.fptosi %mul3A_390 : vector<16xf32> to vector<16xi32>
    %lt3A_392 = arith.constant 256 : i32
    %lt3A_393 = vector.broadcast %lt3A_392 : i32 to vector<16xi32>
    %lt3A_394 = arith.cmpi slt, %convert_element_type3A_391, %lt3A_393 : vector<16xi32>
    %min3A_395 = arith.constant 255 : i32
    %min3A_396 = vector.broadcast %min3A_395 : i32 to vector<16xi32>
    %min3A_397 = arith.minsi %convert_element_type3A_391, %min3A_396 : vector<16xi32>
    %select_n3A_398 = arith.select %lt3A_394, %broadcast_in_dim3A_10, %broadcast_in_dim3A_3 : vector<16xi1>, vector<16xf32>
    tpu.vector_store_idx %arg5[%add3A_380, %min3A_397], %select_n3A_398 : memref<128x256xf32, #tpu.memory_space<vmem>>[vector<16xi32>, vector<16xi32>], vector<16xf32>,
    %swap3A_399 = arith.constant 16 : index
    %swap3A_400 = tpu.vector_load %arg7[%swap3A_399] {strides = array<i32>} : memref<128xi32, #tpu.memory_space<vmem>>, vector<16xi32>,
    tpu.vector_store %arg7[%swap3A_399], %min3A_397 {strides = array<i32>} : memref<128xi32, #tpu.memory_space<vmem>>, vector<16xi32>,
    %add3A_401 = arith.constant 32 : i32
    %add3A_402 = vector.broadcast %add3A_401 : i32 to vector<16xi32>
    %add3A_403 = arith.addi %add3A_402, %iota3A : vector<16xi32>
    %get3A_404 = arith.constant 32 : index
    %get3A_405 = tpu.vector_load %arg7[%get3A_404] {strides = array<i32>} : memref<128xi32, #tpu.memory_space<vmem>>, vector<16xi32>,
    tpu.vector_store_idx %arg5[%add3A_403, %get3A_405], %broadcast_in_dim3A_3 : memref<128x256xf32, #tpu.memory_space<vmem>>[vector<16xi32>, vector<16xi32>], vector<16xf32>,
    %get3A_406 = arith.constant 288 : index
    %get3A_407 = tpu.vector_load %arg4[%get3A_406] {strides = array<i32>} : memref<2048xf32, #tpu.memory_space<vmem>>, vector<16xf32>,
    %add3A_408 = arith.constant 1.000000e+00 : f32
    %add3A_409 = vector.broadcast %add3A_408 : f32 to vector<16xf32>
    %add3A_410 = arith.addf %get3A_407, %add3A_409 : vector<16xf32>
    %mul3A_411 = arith.constant 1.280000e+02 : f32
    %mul3A_412 = vector.broadcast %mul3A_411 : f32 to vector<16xf32>
    %mul3A_413 = arith.mulf %add3A_410, %mul3A_412 : vector<16xf32>
    %convert_element_type3A_414 = arith.fptosi %mul3A_413 : vector<16xf32> to vector<16xi32>
    %lt3A_415 = arith.constant 256 : i32
    %lt3A_416 = vector.broadcast %lt3A_415 : i32 to vector<16xi32>
    %lt3A_417 = arith.cmpi slt, %convert_element_type3A_414, %lt3A_416 : vector<16xi32>
    %min3A_418 = arith.constant 255 : i32
    %min3A_419 = vector.broadcast %min3A_418 : i32 to vector<16xi32>
    %min3A_420 = arith.minsi %convert_element_type3A_414, %min3A_419 : vector<16xi32>
    %select_n3A_421 = arith.select %lt3A_417, %broadcast_in_dim3A_10, %broadcast_in_dim3A_3 : vector<16xi1>, vector<16xf32>
    tpu.vector_store_idx %arg5[%add3A_403, %min3A_420], %select_n3A_421 : memref<128x256xf32, #tpu.memory_space<vmem>>[vector<16xi32>, vector<16xi32>], vector<16xf32>,
    %swap3A_422 = arith.constant 32 : index
    %swap3A_423 = tpu.vector_load %arg7[%swap3A_422] {strides = array<i32>} : memref<128xi32, #tpu.memory_space<vmem>>, vector<16xi32>,
    tpu.vector_store %arg7[%swap3A_422], %min3A_420 {strides = array<i32>} : memref<128xi32, #tpu.memory_space<vmem>>, vector<16xi32>,
    %add3A_424 = arith.constant 48 : i32
    %add3A_425 = vector.broadcast %add3A_424 : i32 to vector<16xi32>
    %add3A_426 = arith.addi %add3A_425, %iota3A : vector<16xi32>
    %get3A_427 = arith.constant 48 : index
    %get3A_428 = tpu.vector_load %arg7[%get3A_427] {strides = array<i32>} : memref<128xi32, #tpu.memory_space<vmem>>, vector<16xi32>,
    tpu.vector_store_idx %arg5[%add3A_426, %get3A_428], %broadcast_in_dim3A_3 : memref<128x256xf32, #tpu.memory_space<vmem>>[vector<16xi32>, vector<16xi32>], vector<16xf32>,
    %get3A_429 = arith.constant 304 : index
    %get3A_430 = tpu.vector_load %arg4[%get3A_429] {strides = array<i32>} : memref<2048xf32, #tpu.memory_space<vmem>>, vector<16xf32>,
    %add3A_431 = arith.constant 1.000000e+00 : f32
    %add3A_432 = vector.broadcast %add3A_431 : f32 to vector<16xf32>
    %add3A_433 = arith.addf %get3A_430, %add3A_432 : vector<16xf32>
    %mul3A_434 = arith.constant 1.280000e+02 : f32
    %mul3A_435 = vector.broadcast %mul3A_434 : f32 to vector<16xf32>
    %mul3A_436 = arith.mulf %add3A_433, %mul3A_435 : vector<16xf32>
    %convert_element_type3A_437 = arith.fptosi %mul3A_436 : vector<16xf32> to vector<16xi32>
    %lt3A_438 = arith.constant 256 : i32
    %lt3A_439 = vector.broadcast %lt3A_438 : i32 to vector<16xi32>
    %lt3A_440 = arith.cmpi slt, %convert_element_type3A_437, %lt3A_439 : vector<16xi32>
    %min3A_441 = arith.constant 255 : i32
    %min3A_442 = vector.broadcast %min3A_441 : i32 to vector<16xi32>
    %min3A_443 = arith.minsi %convert_element_type3A_437, %min3A_442 : vector<16xi32>
    %select_n3A_444 = arith.select %lt3A_440, %broadcast_in_dim3A_10, %broadcast_in_dim3A_3 : vector<16xi1>, vector<16xf32>
    tpu.vector_store_idx %arg5[%add3A_426, %min3A_443], %select_n3A_444 : memref<128x256xf32, #tpu.memory_space<vmem>>[vector<16xi32>, vector<16xi32>], vector<16xf32>,
    %swap3A_445 = arith.constant 48 : index
    %swap3A_446 = tpu.vector_load %arg7[%swap3A_445] {strides = array<i32>} : memref<128xi32, #tpu.memory_space<vmem>>, vector<16xi32>,
    tpu.vector_store %arg7[%swap3A_445], %min3A_443 {strides = array<i32>} : memref<128xi32, #tpu.memory_space<vmem>>, vector<16xi32>,
    %add3A_447 = arith.constant 64 : i32
    %add3A_448 = vector.broadcast %add3A_447 : i32 to vector<16xi32>
    %add3A_449 = arith.addi %add3A_448, %iota3A : vector<16xi32>
    %get3A_450 = arith.constant 64 : index
    %get3A_451 = tpu.vector_load %arg7[%get3A_450] {strides = array<i32>} : memref<128xi32, #tpu.memory_space<vmem>>, vector<16xi32>,
    tpu.vector_store_idx %arg5[%add3A_449, %get3A_451], %broadcast_in_dim3A_3 : memref<128x256xf32, #tpu.memory_space<vmem>>[vector<16xi32>, vector<16xi32>], vector<16xf32>,
    %get3A_452 = arith.constant 320 : index
    %get3A_453 = tpu.vector_load %arg4[%get3A_452] {strides = array<i32>} : memref<2048xf32, #tpu.memory_space<vmem>>, vector<16xf32>,
    %add3A_454 = arith.constant 1.000000e+00 : f32
    %add3A_455 = vector.broadcast %add3A_454 : f32 to vector<16xf32>
    %add3A_456 = arith.addf %get3A_453, %add3A_455 : vector<16xf32>
    %mul3A_457 = arith.constant 1.280000e+02 : f32
    %mul3A_458 = vector.broadcast %mul3A_457 : f32 to vector<16xf32>
    %mul3A_459 = arith.mulf %add3A_456, %mul3A_458 : vector<16xf32>
    %convert_element_type3A_460 = arith.fptosi %mul3A_459 : vector<16xf32> to vector<16xi32>
    %lt3A_461 = arith.constant 256 : i32
    %lt3A_462 = vector.broadcast %lt3A_461 : i32 to vector<16xi32>
    %lt3A_463 = arith.cmpi slt, %convert_element_type3A_460, %lt3A_462 : vector<16xi32>
    %min3A_464 = arith.constant 255 : i32
    %min3A_465 = vector.broadcast %min3A_464 : i32 to vector<16xi32>
    %min3A_466 = arith.minsi %convert_element_type3A_460, %min3A_465 : vector<16xi32>
    %select_n3A_467 = arith.select %lt3A_463, %broadcast_in_dim3A_10, %broadcast_in_dim3A_3 : vector<16xi1>, vector<16xf32>
    tpu.vector_store_idx %arg5[%add3A_449, %min3A_466], %select_n3A_467 : memref<128x256xf32, #tpu.memory_space<vmem>>[vector<16xi32>, vector<16xi32>], vector<16xf32>,
    %swap3A_468 = arith.constant 64 : index
    %swap3A_469 = tpu.vector_load %arg7[%swap3A_468] {strides = array<i32>} : memref<128xi32, #tpu.memory_space<vmem>>, vector<16xi32>,
    tpu.vector_store %arg7[%swap3A_468], %min3A_466 {strides = array<i32>} : memref<128xi32, #tpu.memory_space<vmem>>, vector<16xi32>,
    %add3A_470 = arith.constant 80 : i32
    %add3A_471 = vector.broadcast %add3A_470 : i32 to vector<16xi32>
    %add3A_472 = arith.addi %add3A_471, %iota3A : vector<16xi32>
    %get3A_473 = arith.constant 80 : index
    %get3A_474 = tpu.vector_load %arg7[%get3A_473] {strides = array<i32>} : memref<128xi32, #tpu.memory_space<vmem>>, vector<16xi32>,
    tpu.vector_store_idx %arg5[%add3A_472, %get3A_474], %broadcast_in_dim3A_3 : memref<128x256xf32, #tpu.memory_space<vmem>>[vector<16xi32>, vector<16xi32>], vector<16xf32>,
    %get3A_475 = arith.constant 336 : index
    %get3A_476 = tpu.vector_load %arg4[%get3A_475] {strides = array<i32>} : memref<2048xf32, #tpu.memory_space<vmem>>, vector<16xf32>,
    %add3A_477 = arith.constant 1.000000e+00 : f32
    %add3A_478 = vector.broadcast %add3A_477 : f32 to vector<16xf32>
    %add3A_479 = arith.addf %get3A_476, %add3A_478 : vector<16xf32>
    %mul3A_480 = arith.constant 1.280000e+02 : f32
    %mul3A_481 = vector.broadcast %mul3A_480 : f32 to vector<16xf32>
    %mul3A_482 = arith.mulf %add3A_479, %mul3A_481 : vector<16xf32>
    %convert_element_type3A_483 = arith.fptosi %mul3A_482 : vector<16xf32> to vector<16xi32>
    %lt3A_484 = arith.constant 256 : i32
    %lt3A_485 = vector.broadcast %lt3A_484 : i32 to vector<16xi32>
    %lt3A_486 = arith.cmpi slt, %convert_element_type3A_483, %lt3A_485 : vector<16xi32>
    %min3A_487 = arith.constant 255 : i32
    %min3A_488 = vector.broadcast %min3A_487 : i32 to vector<16xi32>
    %min3A_489 = arith.minsi %convert_element_type3A_483, %min3A_488 : vector<16xi32>
    %select_n3A_490 = arith.select %lt3A_486, %broadcast_in_dim3A_10, %broadcast_in_dim3A_3 : vector<16xi1>, vector<16xf32>
    tpu.vector_store_idx %arg5[%add3A_472, %min3A_489], %select_n3A_490 : memref<128x256xf32, #tpu.memory_space<vmem>>[vector<16xi32>, vector<16xi32>], vector<16xf32>,
    %swap3A_491 = arith.constant 80 : index
    %swap3A_492 = tpu.vector_load %arg7[%swap3A_491] {strides = array<i32>} : memref<128xi32, #tpu.memory_space<vmem>>, vector<16xi32>,
    tpu.vector_store %arg7[%swap3A_491], %min3A_489 {strides = array<i32>} : memref<128xi32, #tpu.memory_space<vmem>>, vector<16xi32>,
    %add3A_493 = arith.constant 96 : i32
    %add3A_494 = vector.broadcast %add3A_493 : i32 to vector<16xi32>
    %add3A_495 = arith.addi %add3A_494, %iota3A : vector<16xi32>
    %get3A_496 = arith.constant 96 : index
    %get3A_497 = tpu.vector_load %arg7[%get3A_496] {strides = array<i32>} : memref<128xi32, #tpu.memory_space<vmem>>, vector<16xi32>,
    tpu.vector_store_idx %arg5[%add3A_495, %get3A_497], %broadcast_in_dim3A_3 : memref<128x256xf32, #tpu.memory_space<vmem>>[vector<16xi32>, vector<16xi32>], vector<16xf32>,
    %get3A_498 = arith.constant 352 : index
    %get3A_499 = tpu.vector_load %arg4[%get3A_498] {strides = array<i32>} : memref<2048xf32, #tpu.memory_space<vmem>>, vector<16xf32>,
    %add3A_500 = arith.constant 1.000000e+00 : f32
    %add3A_501 = vector.broadcast %add3A_500 : f32 to vector<16xf32>
    %add3A_502 = arith.addf %get3A_499, %add3A_501 : vector<16xf32>
    %mul3A_503 = arith.constant 1.280000e+02 : f32
    %mul3A_504 = vector.broadcast %mul3A_503 : f32 to vector<16xf32>
    %mul3A_505 = arith.mulf %add3A_502, %mul3A_504 : vector<16xf32>
    %convert_element_type3A_506 = arith.fptosi %mul3A_505 : vector<16xf32> to vector<16xi32>
    %lt3A_507 = arith.constant 256 : i32
    %lt3A_508 = vector.broadcast %lt3A_507 : i32 to vector<16xi32>
    %lt3A_509 = arith.cmpi slt, %convert_element_type3A_506, %lt3A_508 : vector<16xi32>
    %min3A_510 = arith.constant 255 : i32
    %min3A_511 = vector.broadcast %min3A_510 : i32 to vector<16xi32>
    %min3A_512 = arith.minsi %convert_element_type3A_506, %min3A_511 : vector<16xi32>
    %select_n3A_513 = arith.select %lt3A_509, %broadcast_in_dim3A_10, %broadcast_in_dim3A_3 : vector<16xi1>, vector<16xf32>
    tpu.vector_store_idx %arg5[%add3A_495, %min3A_512], %select_n3A_513 : memref<128x256xf32, #tpu.memory_space<vmem>>[vector<16xi32>, vector<16xi32>], vector<16xf32>,
    %swap3A_514 = arith.constant 96 : index
    %swap3A_515 = tpu.vector_load %arg7[%swap3A_514] {strides = array<i32>} : memref<128xi32, #tpu.memory_space<vmem>>, vector<16xi32>,
    tpu.vector_store %arg7[%swap3A_514], %min3A_512 {strides = array<i32>} : memref<128xi32, #tpu.memory_space<vmem>>, vector<16xi32>,
    %add3A_516 = arith.constant 112 : i32
    %add3A_517 = vector.broadcast %add3A_516 : i32 to vector<16xi32>
    %add3A_518 = arith.addi %add3A_517, %iota3A : vector<16xi32>
    %get3A_519 = arith.constant 112 : index
    %get3A_520 = tpu.vector_load %arg7[%get3A_519] {strides = array<i32>} : memref<128xi32, #tpu.memory_space<vmem>>, vector<16xi32>,
    tpu.vector_store_idx %arg5[%add3A_518, %get3A_520], %broadcast_in_dim3A_3 : memref<128x256xf32, #tpu.memory_space<vmem>>[vector<16xi32>, vector<16xi32>], vector<16xf32>,
    %get3A_521 = arith.constant 368 : index
    %get3A_522 = tpu.vector_load %arg4[%get3A_521] {strides = array<i32>} : memref<2048xf32, #tpu.memory_space<vmem>>, vector<16xf32>,
    %add3A_523 = arith.constant 1.000000e+00 : f32
    %add3A_524 = vector.broadcast %add3A_523 : f32 to vector<16xf32>
    %add3A_525 = arith.addf %get3A_522, %add3A_524 : vector<16xf32>
    %mul3A_526 = arith.constant 1.280000e+02 : f32
    %mul3A_527 = vector.broadcast %mul3A_526 : f32 to vector<16xf32>
    %mul3A_528 = arith.mulf %add3A_525, %mul3A_527 : vector<16xf32>
    %convert_element_type3A_529 = arith.fptosi %mul3A_528 : vector<16xf32> to vector<16xi32>
    %lt3A_530 = arith.constant 256 : i32
    %lt3A_531 = vector.broadcast %lt3A_530 : i32 to vector<16xi32>
    %lt3A_532 = arith.cmpi slt, %convert_element_type3A_529, %lt3A_531 : vector<16xi32>
    %min3A_533 = arith.constant 255 : i32
    %min3A_534 = vector.broadcast %min3A_533 : i32 to vector<16xi32>
    %min3A_535 = arith.minsi %convert_element_type3A_529, %min3A_534 : vector<16xi32>
    %select_n3A_536 = arith.select %lt3A_532, %broadcast_in_dim3A_10, %broadcast_in_dim3A_3 : vector<16xi1>, vector<16xf32>
    tpu.vector_store_idx %arg5[%add3A_518, %min3A_535], %select_n3A_536 : memref<128x256xf32, #tpu.memory_space<vmem>>[vector<16xi32>, vector<16xi32>], vector<16xf32>,
    %swap3A_537 = arith.constant 112 : index
    %swap3A_538 = tpu.vector_load %arg7[%swap3A_537] {strides = array<i32>} : memref<128xi32, #tpu.memory_space<vmem>>, vector<16xi32>,
    tpu.vector_store %arg7[%swap3A_537], %min3A_535 {strides = array<i32>} : memref<128xi32, #tpu.memory_space<vmem>>, vector<16xi32>,
    %add3A_539 = arith.constant 256 : i32
    %add3A_540 = arith.addi %mul3A_2, %add3A_539 : i32
    %dma_start3A_541 = arith.constant 0 : i32
    %dma_start3A_542 = tpu.memref_slice %arg3[%add3A_540, %dma_start3A_541] : memref<65536x256xf32, #tpu.memory_space<hbm>> -> memref<128x256xf32, #tpu.memory_space<hbm>>
    %dma_start3A_543 = arith.constant 0 : i32
    %dma_start3A_544 = tpu.memref_slice %arg3[%add3A_540, %dma_start3A_543] : memref<65536x256xf32, #tpu.memory_space<hbm>> -> memref<128x256xf32, #tpu.memory_space<hbm>>
    tpu.enqueue_dma source(%arg5 : memref<128x256xf32, #tpu.memory_space<vmem>>) target(%dma_start3A_544 : memref<128x256xf32, #tpu.memory_space<hbm>>) target_semaphore(%arg9 : memref<!tpu.dma_semaphore, #tpu.memory_space<semaphore_mem>>)
    %dma_wait3A_545 = arith.constant 0 : i32
    %dma_wait3A_546 = tpu.memref_slice %arg3[%add3A_347, %dma_wait3A_545] : memref<65536x256xf32, #tpu.memory_space<hbm>> -> memref<128x256xf32, #tpu.memory_space<hbm>>
    %dma_wait3A_547 = arith.constant 0 : i32
    %dma_wait3A_548 = tpu.memref_slice %arg3[%add3A_347, %dma_wait3A_547] : memref<65536x256xf32, #tpu.memory_space<hbm>> -> memref<128x256xf32, #tpu.memory_space<hbm>>
    tpu.wait_dma2 semaphore(%arg10 : memref<!tpu.dma_semaphore, #tpu.memory_space<semaphore_mem>>) src(%arg6 : memref<128x256xf32, #tpu.memory_space<vmem>>) dst(%dma_wait3A_548 : memref<128x256xf32, #tpu.memory_space<hbm>>)
    %add3A_549 = arith.constant 0 : i32
    %add3A_550 = vector.broadcast %add3A_549 : i32 to vector<16xi32>
    %add3A_551 = arith.addi %add3A_550, %iota3A : vector<16xi32>
    %get3A_552 = arith.constant 0 : index
    %get3A_553 = tpu.vector_load %arg8[%get3A_552] {strides = array<i32>} : memref<128xi32, #tpu.memory_space<vmem>>, vector<16xi32>,
    tpu.vector_store_idx %arg6[%add3A_551, %get3A_553], %broadcast_in_dim3A_3 : memref<128x256xf32, #tpu.memory_space<vmem>>[vector<16xi32>, vector<16xi32>], vector<16xf32>,
    %get3A_554 = arith.constant 384 : index
    %get3A_555 = tpu.vector_load %arg4[%get3A_554] {strides = array<i32>} : memref<2048xf32, #tpu.memory_space<vmem>>, vector<16xf32>,
    %add3A_556 = arith.constant 1.000000e+00 : f32
    %add3A_557 = vector.broadcast %add3A_556 : f32 to vector<16xf32>
    %add3A_558 = arith.addf %get3A_555, %add3A_557 : vector<16xf32>
    %mul3A_559 = arith.constant 1.280000e+02 : f32
    %mul3A_560 = vector.broadcast %mul3A_559 : f32 to vector<16xf32>
    %mul3A_561 = arith.mulf %add3A_558, %mul3A_560 : vector<16xf32>
    %convert_element_type3A_562 = arith.fptosi %mul3A_561 : vector<16xf32> to vector<16xi32>
    %lt3A_563 = arith.constant 256 : i32
    %lt3A_564 = vector.broadcast %lt3A_563 : i32 to vector<16xi32>
    %lt3A_565 = arith.cmpi slt, %convert_element_type3A_562, %lt3A_564 : vector<16xi32>
    %min3A_566 = arith.constant 255 : i32
    %min3A_567 = vector.broadcast %min3A_566 : i32 to vector<16xi32>
    %min3A_568 = arith.minsi %convert_element_type3A_562, %min3A_567 : vector<16xi32>
    %select_n3A_569 = arith.select %lt3A_565, %broadcast_in_dim3A_10, %broadcast_in_dim3A_3 : vector<16xi1>, vector<16xf32>
    tpu.vector_store_idx %arg6[%add3A_551, %min3A_568], %select_n3A_569 : memref<128x256xf32, #tpu.memory_space<vmem>>[vector<16xi32>, vector<16xi32>], vector<16xf32>,
    %swap3A_570 = arith.constant 0 : index
    %swap3A_571 = tpu.vector_load %arg8[%swap3A_570] {strides = array<i32>} : memref<128xi32, #tpu.memory_space<vmem>>, vector<16xi32>,
    tpu.vector_store %arg8[%swap3A_570], %min3A_568 {strides = array<i32>} : memref<128xi32, #tpu.memory_space<vmem>>, vector<16xi32>,
    %add3A_572 = arith.constant 16 : i32
    %add3A_573 = vector.broadcast %add3A_572 : i32 to vector<16xi32>
    %add3A_574 = arith.addi %add3A_573, %iota3A : vector<16xi32>
    %get3A_575 = arith.constant 16 : index
    %get3A_576 = tpu.vector_load %arg8[%get3A_575] {strides = array<i32>} : memref<128xi32, #tpu.memory_space<vmem>>, vector<16xi32>,
    tpu.vector_store_idx %arg6[%add3A_574, %get3A_576], %broadcast_in_dim3A_3 : memref<128x256xf32, #tpu.memory_space<vmem>>[vector<16xi32>, vector<16xi32>], vector<16xf32>,
    %get3A_577 = arith.constant 400 : index
    %get3A_578 = tpu.vector_load %arg4[%get3A_577] {strides = array<i32>} : memref<2048xf32, #tpu.memory_space<vmem>>, vector<16xf32>,
    %add3A_579 = arith.constant 1.000000e+00 : f32
    %add3A_580 = vector.broadcast %add3A_579 : f32 to vector<16xf32>
    %add3A_581 = arith.addf %get3A_578, %add3A_580 : vector<16xf32>
    %mul3A_582 = arith.constant 1.280000e+02 : f32
    %mul3A_583 = vector.broadcast %mul3A_582 : f32 to vector<16xf32>
    %mul3A_584 = arith.mulf %add3A_581, %mul3A_583 : vector<16xf32>
    %convert_element_type3A_585 = arith.fptosi %mul3A_584 : vector<16xf32> to vector<16xi32>
    %lt3A_586 = arith.constant 256 : i32
    %lt3A_587 = vector.broadcast %lt3A_586 : i32 to vector<16xi32>
    %lt3A_588 = arith.cmpi slt, %convert_element_type3A_585, %lt3A_587 : vector<16xi32>
    %min3A_589 = arith.constant 255 : i32
    %min3A_590 = vector.broadcast %min3A_589 : i32 to vector<16xi32>
    %min3A_591 = arith.minsi %convert_element_type3A_585, %min3A_590 : vector<16xi32>
    %select_n3A_592 = arith.select %lt3A_588, %broadcast_in_dim3A_10, %broadcast_in_dim3A_3 : vector<16xi1>, vector<16xf32>
    tpu.vector_store_idx %arg6[%add3A_574, %min3A_591], %select_n3A_592 : memref<128x256xf32, #tpu.memory_space<vmem>>[vector<16xi32>, vector<16xi32>], vector<16xf32>,
    %swap3A_593 = arith.constant 16 : index
    %swap3A_594 = tpu.vector_load %arg8[%swap3A_593] {strides = array<i32>} : memref<128xi32, #tpu.memory_space<vmem>>, vector<16xi32>,
    tpu.vector_store %arg8[%swap3A_593], %min3A_591 {strides = array<i32>} : memref<128xi32, #tpu.memory_space<vmem>>, vector<16xi32>,
    %add3A_595 = arith.constant 32 : i32
    %add3A_596 = vector.broadcast %add3A_595 : i32 to vector<16xi32>
    %add3A_597 = arith.addi %add3A_596, %iota3A : vector<16xi32>
    %get3A_598 = arith.constant 32 : index
    %get3A_599 = tpu.vector_load %arg8[%get3A_598] {strides = array<i32>} : memref<128xi32, #tpu.memory_space<vmem>>, vector<16xi32>,
    tpu.vector_store_idx %arg6[%add3A_597, %get3A_599], %broadcast_in_dim3A_3 : memref<128x256xf32, #tpu.memory_space<vmem>>[vector<16xi32>, vector<16xi32>], vector<16xf32>,
    %get3A_600 = arith.constant 416 : index
    %get3A_601 = tpu.vector_load %arg4[%get3A_600] {strides = array<i32>} : memref<2048xf32, #tpu.memory_space<vmem>>, vector<16xf32>,
    %add3A_602 = arith.constant 1.000000e+00 : f32
    %add3A_603 = vector.broadcast %add3A_602 : f32 to vector<16xf32>
    %add3A_604 = arith.addf %get3A_601, %add3A_603 : vector<16xf32>
    %mul3A_605 = arith.constant 1.280000e+02 : f32
    %mul3A_606 = vector.broadcast %mul3A_605 : f32 to vector<16xf32>
    %mul3A_607 = arith.mulf %add3A_604, %mul3A_606 : vector<16xf32>
    %convert_element_type3A_608 = arith.fptosi %mul3A_607 : vector<16xf32> to vector<16xi32>
    %lt3A_609 = arith.constant 256 : i32
    %lt3A_610 = vector.broadcast %lt3A_609 : i32 to vector<16xi32>
    %lt3A_611 = arith.cmpi slt, %convert_element_type3A_608, %lt3A_610 : vector<16xi32>
    %min3A_612 = arith.constant 255 : i32
    %min3A_613 = vector.broadcast %min3A_612 : i32 to vector<16xi32>
    %min3A_614 = arith.minsi %convert_element_type3A_608, %min3A_613 : vector<16xi32>
    %select_n3A_615 = arith.select %lt3A_611, %broadcast_in_dim3A_10, %broadcast_in_dim3A_3 : vector<16xi1>, vector<16xf32>
    tpu.vector_store_idx %arg6[%add3A_597, %min3A_614], %select_n3A_615 : memref<128x256xf32, #tpu.memory_space<vmem>>[vector<16xi32>, vector<16xi32>], vector<16xf32>,
    %swap3A_616 = arith.constant 32 : index
    %swap3A_617 = tpu.vector_load %arg8[%swap3A_616] {strides = array<i32>} : memref<128xi32, #tpu.memory_space<vmem>>, vector<16xi32>,
    tpu.vector_store %arg8[%swap3A_616], %min3A_614 {strides = array<i32>} : memref<128xi32, #tpu.memory_space<vmem>>, vector<16xi32>,
    %add3A_618 = arith.constant 48 : i32
    %add3A_619 = vector.broadcast %add3A_618 : i32 to vector<16xi32>
    %add3A_620 = arith.addi %add3A_619, %iota3A : vector<16xi32>
    %get3A_621 = arith.constant 48 : index
    %get3A_622 = tpu.vector_load %arg8[%get3A_621] {strides = array<i32>} : memref<128xi32, #tpu.memory_space<vmem>>, vector<16xi32>,
    tpu.vector_store_idx %arg6[%add3A_620, %get3A_622], %broadcast_in_dim3A_3 : memref<128x256xf32, #tpu.memory_space<vmem>>[vector<16xi32>, vector<16xi32>], vector<16xf32>,
    %get3A_623 = arith.constant 432 : index
    %get3A_624 = tpu.vector_load %arg4[%get3A_623] {strides = array<i32>} : memref<2048xf32, #tpu.memory_space<vmem>>, vector<16xf32>,
    %add3A_625 = arith.constant 1.000000e+00 : f32
    %add3A_626 = vector.broadcast %add3A_625 : f32 to vector<16xf32>
    %add3A_627 = arith.addf %get3A_624, %add3A_626 : vector<16xf32>
    %mul3A_628 = arith.constant 1.280000e+02 : f32
    %mul3A_629 = vector.broadcast %mul3A_628 : f32 to vector<16xf32>
    %mul3A_630 = arith.mulf %add3A_627, %mul3A_629 : vector<16xf32>
    %convert_element_type3A_631 = arith.fptosi %mul3A_630 : vector<16xf32> to vector<16xi32>
    %lt3A_632 = arith.constant 256 : i32
    %lt3A_633 = vector.broadcast %lt3A_632 : i32 to vector<16xi32>
    %lt3A_634 = arith.cmpi slt, %convert_element_type3A_631, %lt3A_633 : vector<16xi32>
    %min3A_635 = arith.constant 255 : i32
    %min3A_636 = vector.broadcast %min3A_635 : i32 to vector<16xi32>
    %min3A_637 = arith.minsi %convert_element_type3A_631, %min3A_636 : vector<16xi32>
    %select_n3A_638 = arith.select %lt3A_634, %broadcast_in_dim3A_10, %broadcast_in_dim3A_3 : vector<16xi1>, vector<16xf32>
    tpu.vector_store_idx %arg6[%add3A_620, %min3A_637], %select_n3A_638 : memref<128x256xf32, #tpu.memory_space<vmem>>[vector<16xi32>, vector<16xi32>], vector<16xf32>,
    %swap3A_639 = arith.constant 48 : index
    %swap3A_640 = tpu.vector_load %arg8[%swap3A_639] {strides = array<i32>} : memref<128xi32, #tpu.memory_space<vmem>>, vector<16xi32>,
    tpu.vector_store %arg8[%swap3A_639], %min3A_637 {strides = array<i32>} : memref<128xi32, #tpu.memory_space<vmem>>, vector<16xi32>,
    %add3A_641 = arith.constant 64 : i32
    %add3A_642 = vector.broadcast %add3A_641 : i32 to vector<16xi32>
    %add3A_643 = arith.addi %add3A_642, %iota3A : vector<16xi32>
    %get3A_644 = arith.constant 64 : index
    %get3A_645 = tpu.vector_load %arg8[%get3A_644] {strides = array<i32>} : memref<128xi32, #tpu.memory_space<vmem>>, vector<16xi32>,
    tpu.vector_store_idx %arg6[%add3A_643, %get3A_645], %broadcast_in_dim3A_3 : memref<128x256xf32, #tpu.memory_space<vmem>>[vector<16xi32>, vector<16xi32>], vector<16xf32>,
    %get3A_646 = arith.constant 448 : index
    %get3A_647 = tpu.vector_load %arg4[%get3A_646] {strides = array<i32>} : memref<2048xf32, #tpu.memory_space<vmem>>, vector<16xf32>,
    %add3A_648 = arith.constant 1.000000e+00 : f32
    %add3A_649 = vector.broadcast %add3A_648 : f32 to vector<16xf32>
    %add3A_650 = arith.addf %get3A_647, %add3A_649 : vector<16xf32>
    %mul3A_651 = arith.constant 1.280000e+02 : f32
    %mul3A_652 = vector.broadcast %mul3A_651 : f32 to vector<16xf32>
    %mul3A_653 = arith.mulf %add3A_650, %mul3A_652 : vector<16xf32>
    %convert_element_type3A_654 = arith.fptosi %mul3A_653 : vector<16xf32> to vector<16xi32>
    %lt3A_655 = arith.constant 256 : i32
    %lt3A_656 = vector.broadcast %lt3A_655 : i32 to vector<16xi32>
    %lt3A_657 = arith.cmpi slt, %convert_element_type3A_654, %lt3A_656 : vector<16xi32>
    %min3A_658 = arith.constant 255 : i32
    %min3A_659 = vector.broadcast %min3A_658 : i32 to vector<16xi32>
    %min3A_660 = arith.minsi %convert_element_type3A_654, %min3A_659 : vector<16xi32>
    %select_n3A_661 = arith.select %lt3A_657, %broadcast_in_dim3A_10, %broadcast_in_dim3A_3 : vector<16xi1>, vector<16xf32>
    tpu.vector_store_idx %arg6[%add3A_643, %min3A_660], %select_n3A_661 : memref<128x256xf32, #tpu.memory_space<vmem>>[vector<16xi32>, vector<16xi32>], vector<16xf32>,
    %swap3A_662 = arith.constant 64 : index
    %swap3A_663 = tpu.vector_load %arg8[%swap3A_662] {strides = array<i32>} : memref<128xi32, #tpu.memory_space<vmem>>, vector<16xi32>,
    tpu.vector_store %arg8[%swap3A_662], %min3A_660 {strides = array<i32>} : memref<128xi32, #tpu.memory_space<vmem>>, vector<16xi32>,
    %add3A_664 = arith.constant 80 : i32
    %add3A_665 = vector.broadcast %add3A_664 : i32 to vector<16xi32>
    %add3A_666 = arith.addi %add3A_665, %iota3A : vector<16xi32>
    %get3A_667 = arith.constant 80 : index
    %get3A_668 = tpu.vector_load %arg8[%get3A_667] {strides = array<i32>} : memref<128xi32, #tpu.memory_space<vmem>>, vector<16xi32>,
    tpu.vector_store_idx %arg6[%add3A_666, %get3A_668], %broadcast_in_dim3A_3 : memref<128x256xf32, #tpu.memory_space<vmem>>[vector<16xi32>, vector<16xi32>], vector<16xf32>,
    %get3A_669 = arith.constant 464 : index
    %get3A_670 = tpu.vector_load %arg4[%get3A_669] {strides = array<i32>} : memref<2048xf32, #tpu.memory_space<vmem>>, vector<16xf32>,
    %add3A_671 = arith.constant 1.000000e+00 : f32
    %add3A_672 = vector.broadcast %add3A_671 : f32 to vector<16xf32>
    %add3A_673 = arith.addf %get3A_670, %add3A_672 : vector<16xf32>
    %mul3A_674 = arith.constant 1.280000e+02 : f32
    %mul3A_675 = vector.broadcast %mul3A_674 : f32 to vector<16xf32>
    %mul3A_676 = arith.mulf %add3A_673, %mul3A_675 : vector<16xf32>
    %convert_element_type3A_677 = arith.fptosi %mul3A_676 : vector<16xf32> to vector<16xi32>
    %lt3A_678 = arith.constant 256 : i32
    %lt3A_679 = vector.broadcast %lt3A_678 : i32 to vector<16xi32>
    %lt3A_680 = arith.cmpi slt, %convert_element_type3A_677, %lt3A_679 : vector<16xi32>
    %min3A_681 = arith.constant 255 : i32
    %min3A_682 = vector.broadcast %min3A_681 : i32 to vector<16xi32>
    %min3A_683 = arith.minsi %convert_element_type3A_677, %min3A_682 : vector<16xi32>
    %select_n3A_684 = arith.select %lt3A_680, %broadcast_in_dim3A_10, %broadcast_in_dim3A_3 : vector<16xi1>, vector<16xf32>
    tpu.vector_store_idx %arg6[%add3A_666, %min3A_683], %select_n3A_684 : memref<128x256xf32, #tpu.memory_space<vmem>>[vector<16xi32>, vector<16xi32>], vector<16xf32>,
    %swap3A_685 = arith.constant 80 : index
    %swap3A_686 = tpu.vector_load %arg8[%swap3A_685] {strides = array<i32>} : memref<128xi32, #tpu.memory_space<vmem>>, vector<16xi32>,
    tpu.vector_store %arg8[%swap3A_685], %min3A_683 {strides = array<i32>} : memref<128xi32, #tpu.memory_space<vmem>>, vector<16xi32>,
    %add3A_687 = arith.constant 96 : i32
    %add3A_688 = vector.broadcast %add3A_687 : i32 to vector<16xi32>
    %add3A_689 = arith.addi %add3A_688, %iota3A : vector<16xi32>
    %get3A_690 = arith.constant 96 : index
    %get3A_691 = tpu.vector_load %arg8[%get3A_690] {strides = array<i32>} : memref<128xi32, #tpu.memory_space<vmem>>, vector<16xi32>,
    tpu.vector_store_idx %arg6[%add3A_689, %get3A_691], %broadcast_in_dim3A_3 : memref<128x256xf32, #tpu.memory_space<vmem>>[vector<16xi32>, vector<16xi32>], vector<16xf32>,
    %get3A_692 = arith.constant 480 : index
    %get3A_693 = tpu.vector_load %arg4[%get3A_692] {strides = array<i32>} : memref<2048xf32, #tpu.memory_space<vmem>>, vector<16xf32>,
    %add3A_694 = arith.constant 1.000000e+00 : f32
    %add3A_695 = vector.broadcast %add3A_694 : f32 to vector<16xf32>
    %add3A_696 = arith.addf %get3A_693, %add3A_695 : vector<16xf32>
    %mul3A_697 = arith.constant 1.280000e+02 : f32
    %mul3A_698 = vector.broadcast %mul3A_697 : f32 to vector<16xf32>
    %mul3A_699 = arith.mulf %add3A_696, %mul3A_698 : vector<16xf32>
    %convert_element_type3A_700 = arith.fptosi %mul3A_699 : vector<16xf32> to vector<16xi32>
    %lt3A_701 = arith.constant 256 : i32
    %lt3A_702 = vector.broadcast %lt3A_701 : i32 to vector<16xi32>
    %lt3A_703 = arith.cmpi slt, %convert_element_type3A_700, %lt3A_702 : vector<16xi32>
    %min3A_704 = arith.constant 255 : i32
    %min3A_705 = vector.broadcast %min3A_704 : i32 to vector<16xi32>
    %min3A_706 = arith.minsi %convert_element_type3A_700, %min3A_705 : vector<16xi32>
    %select_n3A_707 = arith.select %lt3A_703, %broadcast_in_dim3A_10, %broadcast_in_dim3A_3 : vector<16xi1>, vector<16xf32>
    tpu.vector_store_idx %arg6[%add3A_689, %min3A_706], %select_n3A_707 : memref<128x256xf32, #tpu.memory_space<vmem>>[vector<16xi32>, vector<16xi32>], vector<16xf32>,
    %swap3A_708 = arith.constant 96 : index
    %swap3A_709 = tpu.vector_load %arg8[%swap3A_708] {strides = array<i32>} : memref<128xi32, #tpu.memory_space<vmem>>, vector<16xi32>,
    tpu.vector_store %arg8[%swap3A_708], %min3A_706 {strides = array<i32>} : memref<128xi32, #tpu.memory_space<vmem>>, vector<16xi32>,
    %add3A_710 = arith.constant 112 : i32
    %add3A_711 = vector.broadcast %add3A_710 : i32 to vector<16xi32>
    %add3A_712 = arith.addi %add3A_711, %iota3A : vector<16xi32>
    %get3A_713 = arith.constant 112 : index
    %get3A_714 = tpu.vector_load %arg8[%get3A_713] {strides = array<i32>} : memref<128xi32, #tpu.memory_space<vmem>>, vector<16xi32>,
    tpu.vector_store_idx %arg6[%add3A_712, %get3A_714], %broadcast_in_dim3A_3 : memref<128x256xf32, #tpu.memory_space<vmem>>[vector<16xi32>, vector<16xi32>], vector<16xf32>,
    %get3A_715 = arith.constant 496 : index
    %get3A_716 = tpu.vector_load %arg4[%get3A_715] {strides = array<i32>} : memref<2048xf32, #tpu.memory_space<vmem>>, vector<16xf32>,
    %add3A_717 = arith.constant 1.000000e+00 : f32
    %add3A_718 = vector.broadcast %add3A_717 : f32 to vector<16xf32>
    %add3A_719 = arith.addf %get3A_716, %add3A_718 : vector<16xf32>
    %mul3A_720 = arith.constant 1.280000e+02 : f32
    %mul3A_721 = vector.broadcast %mul3A_720 : f32 to vector<16xf32>
    %mul3A_722 = arith.mulf %add3A_719, %mul3A_721 : vector<16xf32>
    %convert_element_type3A_723 = arith.fptosi %mul3A_722 : vector<16xf32> to vector<16xi32>
    %lt3A_724 = arith.constant 256 : i32
    %lt3A_725 = vector.broadcast %lt3A_724 : i32 to vector<16xi32>
    %lt3A_726 = arith.cmpi slt, %convert_element_type3A_723, %lt3A_725 : vector<16xi32>
    %min3A_727 = arith.constant 255 : i32
    %min3A_728 = vector.broadcast %min3A_727 : i32 to vector<16xi32>
    %min3A_729 = arith.minsi %convert_element_type3A_723, %min3A_728 : vector<16xi32>
    %select_n3A_730 = arith.select %lt3A_726, %broadcast_in_dim3A_10, %broadcast_in_dim3A_3 : vector<16xi1>, vector<16xf32>
    tpu.vector_store_idx %arg6[%add3A_712, %min3A_729], %select_n3A_730 : memref<128x256xf32, #tpu.memory_space<vmem>>[vector<16xi32>, vector<16xi32>], vector<16xf32>,
    %swap3A_731 = arith.constant 112 : index
    %swap3A_732 = tpu.vector_load %arg8[%swap3A_731] {strides = array<i32>} : memref<128xi32, #tpu.memory_space<vmem>>, vector<16xi32>,
    tpu.vector_store %arg8[%swap3A_731], %min3A_729 {strides = array<i32>} : memref<128xi32, #tpu.memory_space<vmem>>, vector<16xi32>,
    %add3A_733 = arith.constant 384 : i32
    %add3A_734 = arith.addi %mul3A_2, %add3A_733 : i32
    %dma_start3A_735 = arith.constant 0 : i32
    %dma_start3A_736 = tpu.memref_slice %arg3[%add3A_734, %dma_start3A_735] : memref<65536x256xf32, #tpu.memory_space<hbm>> -> memref<128x256xf32, #tpu.memory_space<hbm>>
    %dma_start3A_737 = arith.constant 0 : i32
    %dma_start3A_738 = tpu.memref_slice %arg3[%add3A_734, %dma_start3A_737] : memref<65536x256xf32, #tpu.memory_space<hbm>> -> memref<128x256xf32, #tpu.memory_space<hbm>>
    tpu.enqueue_dma source(%arg6 : memref<128x256xf32, #tpu.memory_space<vmem>>) target(%dma_start3A_738 : memref<128x256xf32, #tpu.memory_space<hbm>>) target_semaphore(%arg10 : memref<!tpu.dma_semaphore, #tpu.memory_space<semaphore_mem>>)
    %dma_wait3A_739 = arith.constant 0 : i32
    %dma_wait3A_740 = tpu.memref_slice %arg3[%add3A_540, %dma_wait3A_739] : memref<65536x256xf32, #tpu.memory_space<hbm>> -> memref<128x256xf32, #tpu.memory_space<hbm>>
    %dma_wait3A_741 = arith.constant 0 : i32
    %dma_wait3A_742 = tpu.memref_slice %arg3[%add3A_540, %dma_wait3A_741] : memref<65536x256xf32, #tpu.memory_space<hbm>> -> memref<128x256xf32, #tpu.memory_space<hbm>>
    tpu.wait_dma2 semaphore(%arg9 : memref<!tpu.dma_semaphore, #tpu.memory_space<semaphore_mem>>) src(%arg5 : memref<128x256xf32, #tpu.memory_space<vmem>>) dst(%dma_wait3A_742 : memref<128x256xf32, #tpu.memory_space<hbm>>)
    %add3A_743 = arith.constant 0 : i32
    %add3A_744 = vector.broadcast %add3A_743 : i32 to vector<16xi32>
    %add3A_745 = arith.addi %add3A_744, %iota3A : vector<16xi32>
    %get3A_746 = arith.constant 0 : index
    %get3A_747 = tpu.vector_load %arg7[%get3A_746] {strides = array<i32>} : memref<128xi32, #tpu.memory_space<vmem>>, vector<16xi32>,
    tpu.vector_store_idx %arg5[%add3A_745, %get3A_747], %broadcast_in_dim3A_3 : memref<128x256xf32, #tpu.memory_space<vmem>>[vector<16xi32>, vector<16xi32>], vector<16xf32>,
    %get3A_748 = arith.constant 512 : index
    %get3A_749 = tpu.vector_load %arg4[%get3A_748] {strides = array<i32>} : memref<2048xf32, #tpu.memory_space<vmem>>, vector<16xf32>,
    %add3A_750 = arith.constant 1.000000e+00 : f32
    %add3A_751 = vector.broadcast %add3A_750 : f32 to vector<16xf32>
    %add3A_752 = arith.addf %get3A_749, %add3A_751 : vector<16xf32>
    %mul3A_753 = arith.constant 1.280000e+02 : f32
    %mul3A_754 = vector.broadcast %mul3A_753 : f32 to vector<16xf32>
    %mul3A_755 = arith.mulf %add3A_752, %mul3A_754 : vector<16xf32>
    %convert_element_type3A_756 = arith.fptosi %mul3A_755 : vector<16xf32> to vector<16xi32>
    %lt3A_757 = arith.constant 256 : i32
    %lt3A_758 = vector.broadcast %lt3A_757 : i32 to vector<16xi32>
    %lt3A_759 = arith.cmpi slt, %convert_element_type3A_756, %lt3A_758 : vector<16xi32>
    %min3A_760 = arith.constant 255 : i32
    %min3A_761 = vector.broadcast %min3A_760 : i32 to vector<16xi32>
    %min3A_762 = arith.minsi %convert_element_type3A_756, %min3A_761 : vector<16xi32>
    %select_n3A_763 = arith.select %lt3A_759, %broadcast_in_dim3A_10, %broadcast_in_dim3A_3 : vector<16xi1>, vector<16xf32>
    tpu.vector_store_idx %arg5[%add3A_745, %min3A_762], %select_n3A_763 : memref<128x256xf32, #tpu.memory_space<vmem>>[vector<16xi32>, vector<16xi32>], vector<16xf32>,
    %swap3A_764 = arith.constant 0 : index
    %swap3A_765 = tpu.vector_load %arg7[%swap3A_764] {strides = array<i32>} : memref<128xi32, #tpu.memory_space<vmem>>, vector<16xi32>,
    tpu.vector_store %arg7[%swap3A_764], %min3A_762 {strides = array<i32>} : memref<128xi32, #tpu.memory_space<vmem>>, vector<16xi32>,
    %add3A_766 = arith.constant 16 : i32
    %add3A_767 = vector.broadcast %add3A_766 : i32 to vector<16xi32>
    %add3A_768 = arith.addi %add3A_767, %iota3A : vector<16xi32>
    %get3A_769 = arith.constant 16 : index
    %get3A_770 = tpu.vector_load %arg7[%get3A_769] {strides = array<i32>} : memref<128xi32, #tpu.memory_space<vmem>>, vector<16xi32>,
    tpu.vector_store_idx %arg5[%add3A_768, %get3A_770], %broadcast_in_dim3A_3 : memref<128x256xf32, #tpu.memory_space<vmem>>[vector<16xi32>, vector<16xi32>], vector<16xf32>,
    %get3A_771 = arith.constant 528 : index
    %get3A_772 = tpu.vector_load %arg4[%get3A_771] {strides = array<i32>} : memref<2048xf32, #tpu.memory_space<vmem>>, vector<16xf32>,
    %add3A_773 = arith.constant 1.000000e+00 : f32
    %add3A_774 = vector.broadcast %add3A_773 : f32 to vector<16xf32>
    %add3A_775 = arith.addf %get3A_772, %add3A_774 : vector<16xf32>
    %mul3A_776 = arith.constant 1.280000e+02 : f32
    %mul3A_777 = vector.broadcast %mul3A_776 : f32 to vector<16xf32>
    %mul3A_778 = arith.mulf %add3A_775, %mul3A_777 : vector<16xf32>
    %convert_element_type3A_779 = arith.fptosi %mul3A_778 : vector<16xf32> to vector<16xi32>
    %lt3A_780 = arith.constant 256 : i32
    %lt3A_781 = vector.broadcast %lt3A_780 : i32 to vector<16xi32>
    %lt3A_782 = arith.cmpi slt, %convert_element_type3A_779, %lt3A_781 : vector<16xi32>
    %min3A_783 = arith.constant 255 : i32
    %min3A_784 = vector.broadcast %min3A_783 : i32 to vector<16xi32>
    %min3A_785 = arith.minsi %convert_element_type3A_779, %min3A_784 : vector<16xi32>
    %select_n3A_786 = arith.select %lt3A_782, %broadcast_in_dim3A_10, %broadcast_in_dim3A_3 : vector<16xi1>, vector<16xf32>
    tpu.vector_store_idx %arg5[%add3A_768, %min3A_785], %select_n3A_786 : memref<128x256xf32, #tpu.memory_space<vmem>>[vector<16xi32>, vector<16xi32>], vector<16xf32>,
    %swap3A_787 = arith.constant 16 : index
    %swap3A_788 = tpu.vector_load %arg7[%swap3A_787] {strides = array<i32>} : memref<128xi32, #tpu.memory_space<vmem>>, vector<16xi32>,
    tpu.vector_store %arg7[%swap3A_787], %min3A_785 {strides = array<i32>} : memref<128xi32, #tpu.memory_space<vmem>>, vector<16xi32>,
    %add3A_789 = arith.constant 32 : i32
    %add3A_790 = vector.broadcast %add3A_789 : i32 to vector<16xi32>
    %add3A_791 = arith.addi %add3A_790, %iota3A : vector<16xi32>
    %get3A_792 = arith.constant 32 : index
    %get3A_793 = tpu.vector_load %arg7[%get3A_792] {strides = array<i32>} : memref<128xi32, #tpu.memory_space<vmem>>, vector<16xi32>,
    tpu.vector_store_idx %arg5[%add3A_791, %get3A_793], %broadcast_in_dim3A_3 : memref<128x256xf32, #tpu.memory_space<vmem>>[vector<16xi32>, vector<16xi32>], vector<16xf32>,
    %get3A_794 = arith.constant 544 : index
    %get3A_795 = tpu.vector_load %arg4[%get3A_794] {strides = array<i32>} : memref<2048xf32, #tpu.memory_space<vmem>>, vector<16xf32>,
    %add3A_796 = arith.constant 1.000000e+00 : f32
    %add3A_797 = vector.broadcast %add3A_796 : f32 to vector<16xf32>
    %add3A_798 = arith.addf %get3A_795, %add3A_797 : vector<16xf32>
    %mul3A_799 = arith.constant 1.280000e+02 : f32
    %mul3A_800 = vector.broadcast %mul3A_799 : f32 to vector<16xf32>
    %mul3A_801 = arith.mulf %add3A_798, %mul3A_800 : vector<16xf32>
    %convert_element_type3A_802 = arith.fptosi %mul3A_801 : vector<16xf32> to vector<16xi32>
    %lt3A_803 = arith.constant 256 : i32
    %lt3A_804 = vector.broadcast %lt3A_803 : i32 to vector<16xi32>
    %lt3A_805 = arith.cmpi slt, %convert_element_type3A_802, %lt3A_804 : vector<16xi32>
    %min3A_806 = arith.constant 255 : i32
    %min3A_807 = vector.broadcast %min3A_806 : i32 to vector<16xi32>
    %min3A_808 = arith.minsi %convert_element_type3A_802, %min3A_807 : vector<16xi32>
    %select_n3A_809 = arith.select %lt3A_805, %broadcast_in_dim3A_10, %broadcast_in_dim3A_3 : vector<16xi1>, vector<16xf32>
    tpu.vector_store_idx %arg5[%add3A_791, %min3A_808], %select_n3A_809 : memref<128x256xf32, #tpu.memory_space<vmem>>[vector<16xi32>, vector<16xi32>], vector<16xf32>,
    %swap3A_810 = arith.constant 32 : index
    %swap3A_811 = tpu.vector_load %arg7[%swap3A_810] {strides = array<i32>} : memref<128xi32, #tpu.memory_space<vmem>>, vector<16xi32>,
    tpu.vector_store %arg7[%swap3A_810], %min3A_808 {strides = array<i32>} : memref<128xi32, #tpu.memory_space<vmem>>, vector<16xi32>,
    %add3A_812 = arith.constant 48 : i32
    %add3A_813 = vector.broadcast %add3A_812 : i32 to vector<16xi32>
    %add3A_814 = arith.addi %add3A_813, %iota3A : vector<16xi32>
    %get3A_815 = arith.constant 48 : index
    %get3A_816 = tpu.vector_load %arg7[%get3A_815] {strides = array<i32>} : memref<128xi32, #tpu.memory_space<vmem>>, vector<16xi32>,
    tpu.vector_store_idx %arg5[%add3A_814, %get3A_816], %broadcast_in_dim3A_3 : memref<128x256xf32, #tpu.memory_space<vmem>>[vector<16xi32>, vector<16xi32>], vector<16xf32>,
    %get3A_817 = arith.constant 560 : index
    %get3A_818 = tpu.vector_load %arg4[%get3A_817] {strides = array<i32>} : memref<2048xf32, #tpu.memory_space<vmem>>, vector<16xf32>,
    %add3A_819 = arith.constant 1.000000e+00 : f32
    %add3A_820 = vector.broadcast %add3A_819 : f32 to vector<16xf32>
    %add3A_821 = arith.addf %get3A_818, %add3A_820 : vector<16xf32>
    %mul3A_822 = arith.constant 1.280000e+02 : f32
    %mul3A_823 = vector.broadcast %mul3A_822 : f32 to vector<16xf32>
    %mul3A_824 = arith.mulf %add3A_821, %mul3A_823 : vector<16xf32>
    %convert_element_type3A_825 = arith.fptosi %mul3A_824 : vector<16xf32> to vector<16xi32>
    %lt3A_826 = arith.constant 256 : i32
    %lt3A_827 = vector.broadcast %lt3A_826 : i32 to vector<16xi32>
    %lt3A_828 = arith.cmpi slt, %convert_element_type3A_825, %lt3A_827 : vector<16xi32>
    %min3A_829 = arith.constant 255 : i32
    %min3A_830 = vector.broadcast %min3A_829 : i32 to vector<16xi32>
    %min3A_831 = arith.minsi %convert_element_type3A_825, %min3A_830 : vector<16xi32>
    %select_n3A_832 = arith.select %lt3A_828, %broadcast_in_dim3A_10, %broadcast_in_dim3A_3 : vector<16xi1>, vector<16xf32>
    tpu.vector_store_idx %arg5[%add3A_814, %min3A_831], %select_n3A_832 : memref<128x256xf32, #tpu.memory_space<vmem>>[vector<16xi32>, vector<16xi32>], vector<16xf32>,
    %swap3A_833 = arith.constant 48 : index
    %swap3A_834 = tpu.vector_load %arg7[%swap3A_833] {strides = array<i32>} : memref<128xi32, #tpu.memory_space<vmem>>, vector<16xi32>,
    tpu.vector_store %arg7[%swap3A_833], %min3A_831 {strides = array<i32>} : memref<128xi32, #tpu.memory_space<vmem>>, vector<16xi32>,
    %add3A_835 = arith.constant 64 : i32
    %add3A_836 = vector.broadcast %add3A_835 : i32 to vector<16xi32>
    %add3A_837 = arith.addi %add3A_836, %iota3A : vector<16xi32>
    %get3A_838 = arith.constant 64 : index
    %get3A_839 = tpu.vector_load %arg7[%get3A_838] {strides = array<i32>} : memref<128xi32, #tpu.memory_space<vmem>>, vector<16xi32>,
    tpu.vector_store_idx %arg5[%add3A_837, %get3A_839], %broadcast_in_dim3A_3 : memref<128x256xf32, #tpu.memory_space<vmem>>[vector<16xi32>, vector<16xi32>], vector<16xf32>,
    %get3A_840 = arith.constant 576 : index
    %get3A_841 = tpu.vector_load %arg4[%get3A_840] {strides = array<i32>} : memref<2048xf32, #tpu.memory_space<vmem>>, vector<16xf32>,
    %add3A_842 = arith.constant 1.000000e+00 : f32
    %add3A_843 = vector.broadcast %add3A_842 : f32 to vector<16xf32>
    %add3A_844 = arith.addf %get3A_841, %add3A_843 : vector<16xf32>
    %mul3A_845 = arith.constant 1.280000e+02 : f32
    %mul3A_846 = vector.broadcast %mul3A_845 : f32 to vector<16xf32>
    %mul3A_847 = arith.mulf %add3A_844, %mul3A_846 : vector<16xf32>
    %convert_element_type3A_848 = arith.fptosi %mul3A_847 : vector<16xf32> to vector<16xi32>
    %lt3A_849 = arith.constant 256 : i32
    %lt3A_850 = vector.broadcast %lt3A_849 : i32 to vector<16xi32>
    %lt3A_851 = arith.cmpi slt, %convert_element_type3A_848, %lt3A_850 : vector<16xi32>
    %min3A_852 = arith.constant 255 : i32
    %min3A_853 = vector.broadcast %min3A_852 : i32 to vector<16xi32>
    %min3A_854 = arith.minsi %convert_element_type3A_848, %min3A_853 : vector<16xi32>
    %select_n3A_855 = arith.select %lt3A_851, %broadcast_in_dim3A_10, %broadcast_in_dim3A_3 : vector<16xi1>, vector<16xf32>
    tpu.vector_store_idx %arg5[%add3A_837, %min3A_854], %select_n3A_855 : memref<128x256xf32, #tpu.memory_space<vmem>>[vector<16xi32>, vector<16xi32>], vector<16xf32>,
    %swap3A_856 = arith.constant 64 : index
    %swap3A_857 = tpu.vector_load %arg7[%swap3A_856] {strides = array<i32>} : memref<128xi32, #tpu.memory_space<vmem>>, vector<16xi32>,
    tpu.vector_store %arg7[%swap3A_856], %min3A_854 {strides = array<i32>} : memref<128xi32, #tpu.memory_space<vmem>>, vector<16xi32>,
    %add3A_858 = arith.constant 80 : i32
    %add3A_859 = vector.broadcast %add3A_858 : i32 to vector<16xi32>
    %add3A_860 = arith.addi %add3A_859, %iota3A : vector<16xi32>
    %get3A_861 = arith.constant 80 : index
    %get3A_862 = tpu.vector_load %arg7[%get3A_861] {strides = array<i32>} : memref<128xi32, #tpu.memory_space<vmem>>, vector<16xi32>,
    tpu.vector_store_idx %arg5[%add3A_860, %get3A_862], %broadcast_in_dim3A_3 : memref<128x256xf32, #tpu.memory_space<vmem>>[vector<16xi32>, vector<16xi32>], vector<16xf32>,
    %get3A_863 = arith.constant 592 : index
    %get3A_864 = tpu.vector_load %arg4[%get3A_863] {strides = array<i32>} : memref<2048xf32, #tpu.memory_space<vmem>>, vector<16xf32>,
    %add3A_865 = arith.constant 1.000000e+00 : f32
    %add3A_866 = vector.broadcast %add3A_865 : f32 to vector<16xf32>
    %add3A_867 = arith.addf %get3A_864, %add3A_866 : vector<16xf32>
    %mul3A_868 = arith.constant 1.280000e+02 : f32
    %mul3A_869 = vector.broadcast %mul3A_868 : f32 to vector<16xf32>
    %mul3A_870 = arith.mulf %add3A_867, %mul3A_869 : vector<16xf32>
    %convert_element_type3A_871 = arith.fptosi %mul3A_870 : vector<16xf32> to vector<16xi32>
    %lt3A_872 = arith.constant 256 : i32
    %lt3A_873 = vector.broadcast %lt3A_872 : i32 to vector<16xi32>
    %lt3A_874 = arith.cmpi slt, %convert_element_type3A_871, %lt3A_873 : vector<16xi32>
    %min3A_875 = arith.constant 255 : i32
    %min3A_876 = vector.broadcast %min3A_875 : i32 to vector<16xi32>
    %min3A_877 = arith.minsi %convert_element_type3A_871, %min3A_876 : vector<16xi32>
    %select_n3A_878 = arith.select %lt3A_874, %broadcast_in_dim3A_10, %broadcast_in_dim3A_3 : vector<16xi1>, vector<16xf32>
    tpu.vector_store_idx %arg5[%add3A_860, %min3A_877], %select_n3A_878 : memref<128x256xf32, #tpu.memory_space<vmem>>[vector<16xi32>, vector<16xi32>], vector<16xf32>,
    %swap3A_879 = arith.constant 80 : index
    %swap3A_880 = tpu.vector_load %arg7[%swap3A_879] {strides = array<i32>} : memref<128xi32, #tpu.memory_space<vmem>>, vector<16xi32>,
    tpu.vector_store %arg7[%swap3A_879], %min3A_877 {strides = array<i32>} : memref<128xi32, #tpu.memory_space<vmem>>, vector<16xi32>,
    %add3A_881 = arith.constant 96 : i32
    %add3A_882 = vector.broadcast %add3A_881 : i32 to vector<16xi32>
    %add3A_883 = arith.addi %add3A_882, %iota3A : vector<16xi32>
    %get3A_884 = arith.constant 96 : index
    %get3A_885 = tpu.vector_load %arg7[%get3A_884] {strides = array<i32>} : memref<128xi32, #tpu.memory_space<vmem>>, vector<16xi32>,
    tpu.vector_store_idx %arg5[%add3A_883, %get3A_885], %broadcast_in_dim3A_3 : memref<128x256xf32, #tpu.memory_space<vmem>>[vector<16xi32>, vector<16xi32>], vector<16xf32>,
    %get3A_886 = arith.constant 608 : index
    %get3A_887 = tpu.vector_load %arg4[%get3A_886] {strides = array<i32>} : memref<2048xf32, #tpu.memory_space<vmem>>, vector<16xf32>,
    %add3A_888 = arith.constant 1.000000e+00 : f32
    %add3A_889 = vector.broadcast %add3A_888 : f32 to vector<16xf32>
    %add3A_890 = arith.addf %get3A_887, %add3A_889 : vector<16xf32>
    %mul3A_891 = arith.constant 1.280000e+02 : f32
    %mul3A_892 = vector.broadcast %mul3A_891 : f32 to vector<16xf32>
    %mul3A_893 = arith.mulf %add3A_890, %mul3A_892 : vector<16xf32>
    %convert_element_type3A_894 = arith.fptosi %mul3A_893 : vector<16xf32> to vector<16xi32>
    %lt3A_895 = arith.constant 256 : i32
    %lt3A_896 = vector.broadcast %lt3A_895 : i32 to vector<16xi32>
    %lt3A_897 = arith.cmpi slt, %convert_element_type3A_894, %lt3A_896 : vector<16xi32>
    %min3A_898 = arith.constant 255 : i32
    %min3A_899 = vector.broadcast %min3A_898 : i32 to vector<16xi32>
    %min3A_900 = arith.minsi %convert_element_type3A_894, %min3A_899 : vector<16xi32>
    %select_n3A_901 = arith.select %lt3A_897, %broadcast_in_dim3A_10, %broadcast_in_dim3A_3 : vector<16xi1>, vector<16xf32>
    tpu.vector_store_idx %arg5[%add3A_883, %min3A_900], %select_n3A_901 : memref<128x256xf32, #tpu.memory_space<vmem>>[vector<16xi32>, vector<16xi32>], vector<16xf32>,
    %swap3A_902 = arith.constant 96 : index
    %swap3A_903 = tpu.vector_load %arg7[%swap3A_902] {strides = array<i32>} : memref<128xi32, #tpu.memory_space<vmem>>, vector<16xi32>,
    tpu.vector_store %arg7[%swap3A_902], %min3A_900 {strides = array<i32>} : memref<128xi32, #tpu.memory_space<vmem>>, vector<16xi32>,
    %add3A_904 = arith.constant 112 : i32
    %add3A_905 = vector.broadcast %add3A_904 : i32 to vector<16xi32>
    %add3A_906 = arith.addi %add3A_905, %iota3A : vector<16xi32>
    %get3A_907 = arith.constant 112 : index
    %get3A_908 = tpu.vector_load %arg7[%get3A_907] {strides = array<i32>} : memref<128xi32, #tpu.memory_space<vmem>>, vector<16xi32>,
    tpu.vector_store_idx %arg5[%add3A_906, %get3A_908], %broadcast_in_dim3A_3 : memref<128x256xf32, #tpu.memory_space<vmem>>[vector<16xi32>, vector<16xi32>], vector<16xf32>,
    %get3A_909 = arith.constant 624 : index
    %get3A_910 = tpu.vector_load %arg4[%get3A_909] {strides = array<i32>} : memref<2048xf32, #tpu.memory_space<vmem>>, vector<16xf32>,
    %add3A_911 = arith.constant 1.000000e+00 : f32
    %add3A_912 = vector.broadcast %add3A_911 : f32 to vector<16xf32>
    %add3A_913 = arith.addf %get3A_910, %add3A_912 : vector<16xf32>
    %mul3A_914 = arith.constant 1.280000e+02 : f32
    %mul3A_915 = vector.broadcast %mul3A_914 : f32 to vector<16xf32>
    %mul3A_916 = arith.mulf %add3A_913, %mul3A_915 : vector<16xf32>
    %convert_element_type3A_917 = arith.fptosi %mul3A_916 : vector<16xf32> to vector<16xi32>
    %lt3A_918 = arith.constant 256 : i32
    %lt3A_919 = vector.broadcast %lt3A_918 : i32 to vector<16xi32>
    %lt3A_920 = arith.cmpi slt, %convert_element_type3A_917, %lt3A_919 : vector<16xi32>
    %min3A_921 = arith.constant 255 : i32
    %min3A_922 = vector.broadcast %min3A_921 : i32 to vector<16xi32>
    %min3A_923 = arith.minsi %convert_element_type3A_917, %min3A_922 : vector<16xi32>
    %select_n3A_924 = arith.select %lt3A_920, %broadcast_in_dim3A_10, %broadcast_in_dim3A_3 : vector<16xi1>, vector<16xf32>
    tpu.vector_store_idx %arg5[%add3A_906, %min3A_923], %select_n3A_924 : memref<128x256xf32, #tpu.memory_space<vmem>>[vector<16xi32>, vector<16xi32>], vector<16xf32>,
    %swap3A_925 = arith.constant 112 : index
    %swap3A_926 = tpu.vector_load %arg7[%swap3A_925] {strides = array<i32>} : memref<128xi32, #tpu.memory_space<vmem>>, vector<16xi32>,
    tpu.vector_store %arg7[%swap3A_925], %min3A_923 {strides = array<i32>} : memref<128xi32, #tpu.memory_space<vmem>>, vector<16xi32>,
    %add3A_927 = arith.constant 512 : i32
    %add3A_928 = arith.addi %mul3A_2, %add3A_927 : i32
    %dma_start3A_929 = arith.constant 0 : i32
    %dma_start3A_930 = tpu.memref_slice %arg3[%add3A_928, %dma_start3A_929] : memref<65536x256xf32, #tpu.memory_space<hbm>> -> memref<128x256xf32, #tpu.memory_space<hbm>>
    %dma_start3A_931 = arith.constant 0 : i32
    %dma_start3A_932 = tpu.memref_slice %arg3[%add3A_928, %dma_start3A_931] : memref<65536x256xf32, #tpu.memory_space<hbm>> -> memref<128x256xf32, #tpu.memory_space<hbm>>
    tpu.enqueue_dma source(%arg5 : memref<128x256xf32, #tpu.memory_space<vmem>>) target(%dma_start3A_932 : memref<128x256xf32, #tpu.memory_space<hbm>>) target_semaphore(%arg9 : memref<!tpu.dma_semaphore, #tpu.memory_space<semaphore_mem>>)
    %dma_wait3A_933 = arith.constant 0 : i32
    %dma_wait3A_934 = tpu.memref_slice %arg3[%add3A_734, %dma_wait3A_933] : memref<65536x256xf32, #tpu.memory_space<hbm>> -> memref<128x256xf32, #tpu.memory_space<hbm>>
    %dma_wait3A_935 = arith.constant 0 : i32
    %dma_wait3A_936 = tpu.memref_slice %arg3[%add3A_734, %dma_wait3A_935] : memref<65536x256xf32, #tpu.memory_space<hbm>> -> memref<128x256xf32, #tpu.memory_space<hbm>>
    tpu.wait_dma2 semaphore(%arg10 : memref<!tpu.dma_semaphore, #tpu.memory_space<semaphore_mem>>) src(%arg6 : memref<128x256xf32, #tpu.memory_space<vmem>>) dst(%dma_wait3A_936 : memref<128x256xf32, #tpu.memory_space<hbm>>)
    %add3A_937 = arith.constant 0 : i32
    %add3A_938 = vector.broadcast %add3A_937 : i32 to vector<16xi32>
    %add3A_939 = arith.addi %add3A_938, %iota3A : vector<16xi32>
    %get3A_940 = arith.constant 0 : index
    %get3A_941 = tpu.vector_load %arg8[%get3A_940] {strides = array<i32>} : memref<128xi32, #tpu.memory_space<vmem>>, vector<16xi32>,
    tpu.vector_store_idx %arg6[%add3A_939, %get3A_941], %broadcast_in_dim3A_3 : memref<128x256xf32, #tpu.memory_space<vmem>>[vector<16xi32>, vector<16xi32>], vector<16xf32>,
    %get3A_942 = arith.constant 640 : index
    %get3A_943 = tpu.vector_load %arg4[%get3A_942] {strides = array<i32>} : memref<2048xf32, #tpu.memory_space<vmem>>, vector<16xf32>,
    %add3A_944 = arith.constant 1.000000e+00 : f32
    %add3A_945 = vector.broadcast %add3A_944 : f32 to vector<16xf32>
    %add3A_946 = arith.addf %get3A_943, %add3A_945 : vector<16xf32>
    %mul3A_947 = arith.constant 1.280000e+02 : f32
    %mul3A_948 = vector.broadcast %mul3A_947 : f32 to vector<16xf32>
    %mul3A_949 = arith.mulf %add3A_946, %mul3A_948 : vector<16xf32>
    %convert_element_type3A_950 = arith.fptosi %mul3A_949 : vector<16xf32> to vector<16xi32>
    %lt3A_951 = arith.constant 256 : i32
    %lt3A_952 = vector.broadcast %lt3A_951 : i32 to vector<16xi32>
    %lt3A_953 = arith.cmpi slt, %convert_element_type3A_950, %lt3A_952 : vector<16xi32>
    %min3A_954 = arith.constant 255 : i32
    %min3A_955 = vector.broadcast %min3A_954 : i32 to vector<16xi32>
    %min3A_956 = arith.minsi %convert_element_type3A_950, %min3A_955 : vector<16xi32>
    %select_n3A_957 = arith.select %lt3A_953, %broadcast_in_dim3A_10, %broadcast_in_dim3A_3 : vector<16xi1>, vector<16xf32>
    tpu.vector_store_idx %arg6[%add3A_939, %min3A_956], %select_n3A_957 : memref<128x256xf32, #tpu.memory_space<vmem>>[vector<16xi32>, vector<16xi32>], vector<16xf32>,
    %swap3A_958 = arith.constant 0 : index
    %swap3A_959 = tpu.vector_load %arg8[%swap3A_958] {strides = array<i32>} : memref<128xi32, #tpu.memory_space<vmem>>, vector<16xi32>,
    tpu.vector_store %arg8[%swap3A_958], %min3A_956 {strides = array<i32>} : memref<128xi32, #tpu.memory_space<vmem>>, vector<16xi32>,
    %add3A_960 = arith.constant 16 : i32
    %add3A_961 = vector.broadcast %add3A_960 : i32 to vector<16xi32>
    %add3A_962 = arith.addi %add3A_961, %iota3A : vector<16xi32>
    %get3A_963 = arith.constant 16 : index
    %get3A_964 = tpu.vector_load %arg8[%get3A_963] {strides = array<i32>} : memref<128xi32, #tpu.memory_space<vmem>>, vector<16xi32>,
    tpu.vector_store_idx %arg6[%add3A_962, %get3A_964], %broadcast_in_dim3A_3 : memref<128x256xf32, #tpu.memory_space<vmem>>[vector<16xi32>, vector<16xi32>], vector<16xf32>,
    %get3A_965 = arith.constant 656 : index
    %get3A_966 = tpu.vector_load %arg4[%get3A_965] {strides = array<i32>} : memref<2048xf32, #tpu.memory_space<vmem>>, vector<16xf32>,
    %add3A_967 = arith.constant 1.000000e+00 : f32
    %add3A_968 = vector.broadcast %add3A_967 : f32 to vector<16xf32>
    %add3A_969 = arith.addf %get3A_966, %add3A_968 : vector<16xf32>
    %mul3A_970 = arith.constant 1.280000e+02 : f32
    %mul3A_971 = vector.broadcast %mul3A_970 : f32 to vector<16xf32>
    %mul3A_972 = arith.mulf %add3A_969, %mul3A_971 : vector<16xf32>
    %convert_element_type3A_973 = arith.fptosi %mul3A_972 : vector<16xf32> to vector<16xi32>
    %lt3A_974 = arith.constant 256 : i32
    %lt3A_975 = vector.broadcast %lt3A_974 : i32 to vector<16xi32>
    %lt3A_976 = arith.cmpi slt, %convert_element_type3A_973, %lt3A_975 : vector<16xi32>
    %min3A_977 = arith.constant 255 : i32
    %min3A_978 = vector.broadcast %min3A_977 : i32 to vector<16xi32>
    %min3A_979 = arith.minsi %convert_element_type3A_973, %min3A_978 : vector<16xi32>
    %select_n3A_980 = arith.select %lt3A_976, %broadcast_in_dim3A_10, %broadcast_in_dim3A_3 : vector<16xi1>, vector<16xf32>
    tpu.vector_store_idx %arg6[%add3A_962, %min3A_979], %select_n3A_980 : memref<128x256xf32, #tpu.memory_space<vmem>>[vector<16xi32>, vector<16xi32>], vector<16xf32>,
    %swap3A_981 = arith.constant 16 : index
    %swap3A_982 = tpu.vector_load %arg8[%swap3A_981] {strides = array<i32>} : memref<128xi32, #tpu.memory_space<vmem>>, vector<16xi32>,
    tpu.vector_store %arg8[%swap3A_981], %min3A_979 {strides = array<i32>} : memref<128xi32, #tpu.memory_space<vmem>>, vector<16xi32>,
    %add3A_983 = arith.constant 32 : i32
    %add3A_984 = vector.broadcast %add3A_983 : i32 to vector<16xi32>
    %add3A_985 = arith.addi %add3A_984, %iota3A : vector<16xi32>
    %get3A_986 = arith.constant 32 : index
    %get3A_987 = tpu.vector_load %arg8[%get3A_986] {strides = array<i32>} : memref<128xi32, #tpu.memory_space<vmem>>, vector<16xi32>,
    tpu.vector_store_idx %arg6[%add3A_985, %get3A_987], %broadcast_in_dim3A_3 : memref<128x256xf32, #tpu.memory_space<vmem>>[vector<16xi32>, vector<16xi32>], vector<16xf32>,
    %get3A_988 = arith.constant 672 : index
    %get3A_989 = tpu.vector_load %arg4[%get3A_988] {strides = array<i32>} : memref<2048xf32, #tpu.memory_space<vmem>>, vector<16xf32>,
    %add3A_990 = arith.constant 1.000000e+00 : f32
    %add3A_991 = vector.broadcast %add3A_990 : f32 to vector<16xf32>
    %add3A_992 = arith.addf %get3A_989, %add3A_991 : vector<16xf32>
    %mul3A_993 = arith.constant 1.280000e+02 : f32
    %mul3A_994 = vector.broadcast %mul3A_993 : f32 to vector<16xf32>
    %mul3A_995 = arith.mulf %add3A_992, %mul3A_994 : vector<16xf32>
    %convert_element_type3A_996 = arith.fptosi %mul3A_995 : vector<16xf32> to vector<16xi32>
    %lt3A_997 = arith.constant 256 : i32
    %lt3A_998 = vector.broadcast %lt3A_997 : i32 to vector<16xi32>
    %lt3A_999 = arith.cmpi slt, %convert_element_type3A_996, %lt3A_998 : vector<16xi32>
    %min3A_1000 = arith.constant 255 : i32
    %min3A_1001 = vector.broadcast %min3A_1000 : i32 to vector<16xi32>
    %min3A_1002 = arith.minsi %convert_element_type3A_996, %min3A_1001 : vector<16xi32>
    %select_n3A_1003 = arith.select %lt3A_999, %broadcast_in_dim3A_10, %broadcast_in_dim3A_3 : vector<16xi1>, vector<16xf32>
    tpu.vector_store_idx %arg6[%add3A_985, %min3A_1002], %select_n3A_1003 : memref<128x256xf32, #tpu.memory_space<vmem>>[vector<16xi32>, vector<16xi32>], vector<16xf32>,
    %swap3A_1004 = arith.constant 32 : index
    %swap3A_1005 = tpu.vector_load %arg8[%swap3A_1004] {strides = array<i32>} : memref<128xi32, #tpu.memory_space<vmem>>, vector<16xi32>,
    tpu.vector_store %arg8[%swap3A_1004], %min3A_1002 {strides = array<i32>} : memref<128xi32, #tpu.memory_space<vmem>>, vector<16xi32>,
    %add3A_1006 = arith.constant 48 : i32
    %add3A_1007 = vector.broadcast %add3A_1006 : i32 to vector<16xi32>
    %add3A_1008 = arith.addi %add3A_1007, %iota3A : vector<16xi32>
    %get3A_1009 = arith.constant 48 : index
    %get3A_1010 = tpu.vector_load %arg8[%get3A_1009] {strides = array<i32>} : memref<128xi32, #tpu.memory_space<vmem>>, vector<16xi32>,
    tpu.vector_store_idx %arg6[%add3A_1008, %get3A_1010], %broadcast_in_dim3A_3 : memref<128x256xf32, #tpu.memory_space<vmem>>[vector<16xi32>, vector<16xi32>], vector<16xf32>,
    %get3A_1011 = arith.constant 688 : index
    %get3A_1012 = tpu.vector_load %arg4[%get3A_1011] {strides = array<i32>} : memref<2048xf32, #tpu.memory_space<vmem>>, vector<16xf32>,
    %add3A_1013 = arith.constant 1.000000e+00 : f32
    %add3A_1014 = vector.broadcast %add3A_1013 : f32 to vector<16xf32>
    %add3A_1015 = arith.addf %get3A_1012, %add3A_1014 : vector<16xf32>
    %mul3A_1016 = arith.constant 1.280000e+02 : f32
    %mul3A_1017 = vector.broadcast %mul3A_1016 : f32 to vector<16xf32>
    %mul3A_1018 = arith.mulf %add3A_1015, %mul3A_1017 : vector<16xf32>
    %convert_element_type3A_1019 = arith.fptosi %mul3A_1018 : vector<16xf32> to vector<16xi32>
    %lt3A_1020 = arith.constant 256 : i32
    %lt3A_1021 = vector.broadcast %lt3A_1020 : i32 to vector<16xi32>
    %lt3A_1022 = arith.cmpi slt, %convert_element_type3A_1019, %lt3A_1021 : vector<16xi32>
    %min3A_1023 = arith.constant 255 : i32
    %min3A_1024 = vector.broadcast %min3A_1023 : i32 to vector<16xi32>
    %min3A_1025 = arith.minsi %convert_element_type3A_1019, %min3A_1024 : vector<16xi32>
    %select_n3A_1026 = arith.select %lt3A_1022, %broadcast_in_dim3A_10, %broadcast_in_dim3A_3 : vector<16xi1>, vector<16xf32>
    tpu.vector_store_idx %arg6[%add3A_1008, %min3A_1025], %select_n3A_1026 : memref<128x256xf32, #tpu.memory_space<vmem>>[vector<16xi32>, vector<16xi32>], vector<16xf32>,
    %swap3A_1027 = arith.constant 48 : index
    %swap3A_1028 = tpu.vector_load %arg8[%swap3A_1027] {strides = array<i32>} : memref<128xi32, #tpu.memory_space<vmem>>, vector<16xi32>,
    tpu.vector_store %arg8[%swap3A_1027], %min3A_1025 {strides = array<i32>} : memref<128xi32, #tpu.memory_space<vmem>>, vector<16xi32>,
    %add3A_1029 = arith.constant 64 : i32
    %add3A_1030 = vector.broadcast %add3A_1029 : i32 to vector<16xi32>
    %add3A_1031 = arith.addi %add3A_1030, %iota3A : vector<16xi32>
    %get3A_1032 = arith.constant 64 : index
    %get3A_1033 = tpu.vector_load %arg8[%get3A_1032] {strides = array<i32>} : memref<128xi32, #tpu.memory_space<vmem>>, vector<16xi32>,
    tpu.vector_store_idx %arg6[%add3A_1031, %get3A_1033], %broadcast_in_dim3A_3 : memref<128x256xf32, #tpu.memory_space<vmem>>[vector<16xi32>, vector<16xi32>], vector<16xf32>,
    %get3A_1034 = arith.constant 704 : index
    %get3A_1035 = tpu.vector_load %arg4[%get3A_1034] {strides = array<i32>} : memref<2048xf32, #tpu.memory_space<vmem>>, vector<16xf32>,
    %add3A_1036 = arith.constant 1.000000e+00 : f32
    %add3A_1037 = vector.broadcast %add3A_1036 : f32 to vector<16xf32>
    %add3A_1038 = arith.addf %get3A_1035, %add3A_1037 : vector<16xf32>
    %mul3A_1039 = arith.constant 1.280000e+02 : f32
    %mul3A_1040 = vector.broadcast %mul3A_1039 : f32 to vector<16xf32>
    %mul3A_1041 = arith.mulf %add3A_1038, %mul3A_1040 : vector<16xf32>
    %convert_element_type3A_1042 = arith.fptosi %mul3A_1041 : vector<16xf32> to vector<16xi32>
    %lt3A_1043 = arith.constant 256 : i32
    %lt3A_1044 = vector.broadcast %lt3A_1043 : i32 to vector<16xi32>
    %lt3A_1045 = arith.cmpi slt, %convert_element_type3A_1042, %lt3A_1044 : vector<16xi32>
    %min3A_1046 = arith.constant 255 : i32
    %min3A_1047 = vector.broadcast %min3A_1046 : i32 to vector<16xi32>
    %min3A_1048 = arith.minsi %convert_element_type3A_1042, %min3A_1047 : vector<16xi32>
    %select_n3A_1049 = arith.select %lt3A_1045, %broadcast_in_dim3A_10, %broadcast_in_dim3A_3 : vector<16xi1>, vector<16xf32>
    tpu.vector_store_idx %arg6[%add3A_1031, %min3A_1048], %select_n3A_1049 : memref<128x256xf32, #tpu.memory_space<vmem>>[vector<16xi32>, vector<16xi32>], vector<16xf32>,
    %swap3A_1050 = arith.constant 64 : index
    %swap3A_1051 = tpu.vector_load %arg8[%swap3A_1050] {strides = array<i32>} : memref<128xi32, #tpu.memory_space<vmem>>, vector<16xi32>,
    tpu.vector_store %arg8[%swap3A_1050], %min3A_1048 {strides = array<i32>} : memref<128xi32, #tpu.memory_space<vmem>>, vector<16xi32>,
    %add3A_1052 = arith.constant 80 : i32
    %add3A_1053 = vector.broadcast %add3A_1052 : i32 to vector<16xi32>
    %add3A_1054 = arith.addi %add3A_1053, %iota3A : vector<16xi32>
    %get3A_1055 = arith.constant 80 : index
    %get3A_1056 = tpu.vector_load %arg8[%get3A_1055] {strides = array<i32>} : memref<128xi32, #tpu.memory_space<vmem>>, vector<16xi32>,
    tpu.vector_store_idx %arg6[%add3A_1054, %get3A_1056], %broadcast_in_dim3A_3 : memref<128x256xf32, #tpu.memory_space<vmem>>[vector<16xi32>, vector<16xi32>], vector<16xf32>,
    %get3A_1057 = arith.constant 720 : index
    %get3A_1058 = tpu.vector_load %arg4[%get3A_1057] {strides = array<i32>} : memref<2048xf32, #tpu.memory_space<vmem>>, vector<16xf32>,
    %add3A_1059 = arith.constant 1.000000e+00 : f32
    %add3A_1060 = vector.broadcast %add3A_1059 : f32 to vector<16xf32>
    %add3A_1061 = arith.addf %get3A_1058, %add3A_1060 : vector<16xf32>
    %mul3A_1062 = arith.constant 1.280000e+02 : f32
    %mul3A_1063 = vector.broadcast %mul3A_1062 : f32 to vector<16xf32>
    %mul3A_1064 = arith.mulf %add3A_1061, %mul3A_1063 : vector<16xf32>
    %convert_element_type3A_1065 = arith.fptosi %mul3A_1064 : vector<16xf32> to vector<16xi32>
    %lt3A_1066 = arith.constant 256 : i32
    %lt3A_1067 = vector.broadcast %lt3A_1066 : i32 to vector<16xi32>
    %lt3A_1068 = arith.cmpi slt, %convert_element_type3A_1065, %lt3A_1067 : vector<16xi32>
    %min3A_1069 = arith.constant 255 : i32
    %min3A_1070 = vector.broadcast %min3A_1069 : i32 to vector<16xi32>
    %min3A_1071 = arith.minsi %convert_element_type3A_1065, %min3A_1070 : vector<16xi32>
    %select_n3A_1072 = arith.select %lt3A_1068, %broadcast_in_dim3A_10, %broadcast_in_dim3A_3 : vector<16xi1>, vector<16xf32>
    tpu.vector_store_idx %arg6[%add3A_1054, %min3A_1071], %select_n3A_1072 : memref<128x256xf32, #tpu.memory_space<vmem>>[vector<16xi32>, vector<16xi32>], vector<16xf32>,
    %swap3A_1073 = arith.constant 80 : index
    %swap3A_1074 = tpu.vector_load %arg8[%swap3A_1073] {strides = array<i32>} : memref<128xi32, #tpu.memory_space<vmem>>, vector<16xi32>,
    tpu.vector_store %arg8[%swap3A_1073], %min3A_1071 {strides = array<i32>} : memref<128xi32, #tpu.memory_space<vmem>>, vector<16xi32>,
    %add3A_1075 = arith.constant 96 : i32
    %add3A_1076 = vector.broadcast %add3A_1075 : i32 to vector<16xi32>
    %add3A_1077 = arith.addi %add3A_1076, %iota3A : vector<16xi32>
    %get3A_1078 = arith.constant 96 : index
    %get3A_1079 = tpu.vector_load %arg8[%get3A_1078] {strides = array<i32>} : memref<128xi32, #tpu.memory_space<vmem>>, vector<16xi32>,
    tpu.vector_store_idx %arg6[%add3A_1077, %get3A_1079], %broadcast_in_dim3A_3 : memref<128x256xf32, #tpu.memory_space<vmem>>[vector<16xi32>, vector<16xi32>], vector<16xf32>,
    %get3A_1080 = arith.constant 736 : index
    %get3A_1081 = tpu.vector_load %arg4[%get3A_1080] {strides = array<i32>} : memref<2048xf32, #tpu.memory_space<vmem>>, vector<16xf32>,
    %add3A_1082 = arith.constant 1.000000e+00 : f32
    %add3A_1083 = vector.broadcast %add3A_1082 : f32 to vector<16xf32>
    %add3A_1084 = arith.addf %get3A_1081, %add3A_1083 : vector<16xf32>
    %mul3A_1085 = arith.constant 1.280000e+02 : f32
    %mul3A_1086 = vector.broadcast %mul3A_1085 : f32 to vector<16xf32>
    %mul3A_1087 = arith.mulf %add3A_1084, %mul3A_1086 : vector<16xf32>
    %convert_element_type3A_1088 = arith.fptosi %mul3A_1087 : vector<16xf32> to vector<16xi32>
    %lt3A_1089 = arith.constant 256 : i32
    %lt3A_1090 = vector.broadcast %lt3A_1089 : i32 to vector<16xi32>
    %lt3A_1091 = arith.cmpi slt, %convert_element_type3A_1088, %lt3A_1090 : vector<16xi32>
    %min3A_1092 = arith.constant 255 : i32
    %min3A_1093 = vector.broadcast %min3A_1092 : i32 to vector<16xi32>
    %min3A_1094 = arith.minsi %convert_element_type3A_1088, %min3A_1093 : vector<16xi32>
    %select_n3A_1095 = arith.select %lt3A_1091, %broadcast_in_dim3A_10, %broadcast_in_dim3A_3 : vector<16xi1>, vector<16xf32>
    tpu.vector_store_idx %arg6[%add3A_1077, %min3A_1094], %select_n3A_1095 : memref<128x256xf32, #tpu.memory_space<vmem>>[vector<16xi32>, vector<16xi32>], vector<16xf32>,
    %swap3A_1096 = arith.constant 96 : index
    %swap3A_1097 = tpu.vector_load %arg8[%swap3A_1096] {strides = array<i32>} : memref<128xi32, #tpu.memory_space<vmem>>, vector<16xi32>,
    tpu.vector_store %arg8[%swap3A_1096], %min3A_1094 {strides = array<i32>} : memref<128xi32, #tpu.memory_space<vmem>>, vector<16xi32>,
    %add3A_1098 = arith.constant 112 : i32
    %add3A_1099 = vector.broadcast %add3A_1098 : i32 to vector<16xi32>
    %add3A_1100 = arith.addi %add3A_1099, %iota3A : vector<16xi32>
    %get3A_1101 = arith.constant 112 : index
    %get3A_1102 = tpu.vector_load %arg8[%get3A_1101] {strides = array<i32>} : memref<128xi32, #tpu.memory_space<vmem>>, vector<16xi32>,
    tpu.vector_store_idx %arg6[%add3A_1100, %get3A_1102], %broadcast_in_dim3A_3 : memref<128x256xf32, #tpu.memory_space<vmem>>[vector<16xi32>, vector<16xi32>], vector<16xf32>,
    %get3A_1103 = arith.constant 752 : index
    %get3A_1104 = tpu.vector_load %arg4[%get3A_1103] {strides = array<i32>} : memref<2048xf32, #tpu.memory_space<vmem>>, vector<16xf32>,
    %add3A_1105 = arith.constant 1.000000e+00 : f32
    %add3A_1106 = vector.broadcast %add3A_1105 : f32 to vector<16xf32>
    %add3A_1107 = arith.addf %get3A_1104, %add3A_1106 : vector<16xf32>
    %mul3A_1108 = arith.constant 1.280000e+02 : f32
    %mul3A_1109 = vector.broadcast %mul3A_1108 : f32 to vector<16xf32>
    %mul3A_1110 = arith.mulf %add3A_1107, %mul3A_1109 : vector<16xf32>
    %convert_element_type3A_1111 = arith.fptosi %mul3A_1110 : vector<16xf32> to vector<16xi32>
    %lt3A_1112 = arith.constant 256 : i32
    %lt3A_1113 = vector.broadcast %lt3A_1112 : i32 to vector<16xi32>
    %lt3A_1114 = arith.cmpi slt, %convert_element_type3A_1111, %lt3A_1113 : vector<16xi32>
    %min3A_1115 = arith.constant 255 : i32
    %min3A_1116 = vector.broadcast %min3A_1115 : i32 to vector<16xi32>
    %min3A_1117 = arith.minsi %convert_element_type3A_1111, %min3A_1116 : vector<16xi32>
    %select_n3A_1118 = arith.select %lt3A_1114, %broadcast_in_dim3A_10, %broadcast_in_dim3A_3 : vector<16xi1>, vector<16xf32>
    tpu.vector_store_idx %arg6[%add3A_1100, %min3A_1117], %select_n3A_1118 : memref<128x256xf32, #tpu.memory_space<vmem>>[vector<16xi32>, vector<16xi32>], vector<16xf32>,
    %swap3A_1119 = arith.constant 112 : index
    %swap3A_1120 = tpu.vector_load %arg8[%swap3A_1119] {strides = array<i32>} : memref<128xi32, #tpu.memory_space<vmem>>, vector<16xi32>,
    tpu.vector_store %arg8[%swap3A_1119], %min3A_1117 {strides = array<i32>} : memref<128xi32, #tpu.memory_space<vmem>>, vector<16xi32>,
    %add3A_1121 = arith.constant 640 : i32
    %add3A_1122 = arith.addi %mul3A_2, %add3A_1121 : i32
    %dma_start3A_1123 = arith.constant 0 : i32
    %dma_start3A_1124 = tpu.memref_slice %arg3[%add3A_1122, %dma_start3A_1123] : memref<65536x256xf32, #tpu.memory_space<hbm>> -> memref<128x256xf32, #tpu.memory_space<hbm>>
    %dma_start3A_1125 = arith.constant 0 : i32
    %dma_start3A_1126 = tpu.memref_slice %arg3[%add3A_1122, %dma_start3A_1125] : memref<65536x256xf32, #tpu.memory_space<hbm>> -> memref<128x256xf32, #tpu.memory_space<hbm>>
    tpu.enqueue_dma source(%arg6 : memref<128x256xf32, #tpu.memory_space<vmem>>) target(%dma_start3A_1126 : memref<128x256xf32, #tpu.memory_space<hbm>>) target_semaphore(%arg10 : memref<!tpu.dma_semaphore, #tpu.memory_space<semaphore_mem>>)
    %dma_wait3A_1127 = arith.constant 0 : i32
    %dma_wait3A_1128 = tpu.memref_slice %arg3[%add3A_928, %dma_wait3A_1127] : memref<65536x256xf32, #tpu.memory_space<hbm>> -> memref<128x256xf32, #tpu.memory_space<hbm>>
    %dma_wait3A_1129 = arith.constant 0 : i32
    %dma_wait3A_1130 = tpu.memref_slice %arg3[%add3A_928, %dma_wait3A_1129] : memref<65536x256xf32, #tpu.memory_space<hbm>> -> memref<128x256xf32, #tpu.memory_space<hbm>>
    tpu.wait_dma2 semaphore(%arg9 : memref<!tpu.dma_semaphore, #tpu.memory_space<semaphore_mem>>) src(%arg5 : memref<128x256xf32, #tpu.memory_space<vmem>>) dst(%dma_wait3A_1130 : memref<128x256xf32, #tpu.memory_space<hbm>>)
    %add3A_1131 = arith.constant 0 : i32
    %add3A_1132 = vector.broadcast %add3A_1131 : i32 to vector<16xi32>
    %add3A_1133 = arith.addi %add3A_1132, %iota3A : vector<16xi32>
    %get3A_1134 = arith.constant 0 : index
    %get3A_1135 = tpu.vector_load %arg7[%get3A_1134] {strides = array<i32>} : memref<128xi32, #tpu.memory_space<vmem>>, vector<16xi32>,
    tpu.vector_store_idx %arg5[%add3A_1133, %get3A_1135], %broadcast_in_dim3A_3 : memref<128x256xf32, #tpu.memory_space<vmem>>[vector<16xi32>, vector<16xi32>], vector<16xf32>,
    %get3A_1136 = arith.constant 768 : index
    %get3A_1137 = tpu.vector_load %arg4[%get3A_1136] {strides = array<i32>} : memref<2048xf32, #tpu.memory_space<vmem>>, vector<16xf32>,
    %add3A_1138 = arith.constant 1.000000e+00 : f32
    %add3A_1139 = vector.broadcast %add3A_1138 : f32 to vector<16xf32>
    %add3A_1140 = arith.addf %get3A_1137, %add3A_1139 : vector<16xf32>
    %mul3A_1141 = arith.constant 1.280000e+02 : f32
    %mul3A_1142 = vector.broadcast %mul3A_1141 : f32 to vector<16xf32>
    %mul3A_1143 = arith.mulf %add3A_1140, %mul3A_1142 : vector<16xf32>
    %convert_element_type3A_1144 = arith.fptosi %mul3A_1143 : vector<16xf32> to vector<16xi32>
    %lt3A_1145 = arith.constant 256 : i32
    %lt3A_1146 = vector.broadcast %lt3A_1145 : i32 to vector<16xi32>
    %lt3A_1147 = arith.cmpi slt, %convert_element_type3A_1144, %lt3A_1146 : vector<16xi32>
    %min3A_1148 = arith.constant 255 : i32
    %min3A_1149 = vector.broadcast %min3A_1148 : i32 to vector<16xi32>
    %min3A_1150 = arith.minsi %convert_element_type3A_1144, %min3A_1149 : vector<16xi32>
    %select_n3A_1151 = arith.select %lt3A_1147, %broadcast_in_dim3A_10, %broadcast_in_dim3A_3 : vector<16xi1>, vector<16xf32>
    tpu.vector_store_idx %arg5[%add3A_1133, %min3A_1150], %select_n3A_1151 : memref<128x256xf32, #tpu.memory_space<vmem>>[vector<16xi32>, vector<16xi32>], vector<16xf32>,
    %swap3A_1152 = arith.constant 0 : index
    %swap3A_1153 = tpu.vector_load %arg7[%swap3A_1152] {strides = array<i32>} : memref<128xi32, #tpu.memory_space<vmem>>, vector<16xi32>,
    tpu.vector_store %arg7[%swap3A_1152], %min3A_1150 {strides = array<i32>} : memref<128xi32, #tpu.memory_space<vmem>>, vector<16xi32>,
    %add3A_1154 = arith.constant 16 : i32
    %add3A_1155 = vector.broadcast %add3A_1154 : i32 to vector<16xi32>
    %add3A_1156 = arith.addi %add3A_1155, %iota3A : vector<16xi32>
    %get3A_1157 = arith.constant 16 : index
    %get3A_1158 = tpu.vector_load %arg7[%get3A_1157] {strides = array<i32>} : memref<128xi32, #tpu.memory_space<vmem>>, vector<16xi32>,
    tpu.vector_store_idx %arg5[%add3A_1156, %get3A_1158], %broadcast_in_dim3A_3 : memref<128x256xf32, #tpu.memory_space<vmem>>[vector<16xi32>, vector<16xi32>], vector<16xf32>,
    %get3A_1159 = arith.constant 784 : index
    %get3A_1160 = tpu.vector_load %arg4[%get3A_1159] {strides = array<i32>} : memref<2048xf32, #tpu.memory_space<vmem>>, vector<16xf32>,
    %add3A_1161 = arith.constant 1.000000e+00 : f32
    %add3A_1162 = vector.broadcast %add3A_1161 : f32 to vector<16xf32>
    %add3A_1163 = arith.addf %get3A_1160, %add3A_1162 : vector<16xf32>
    %mul3A_1164 = arith.constant 1.280000e+02 : f32
    %mul3A_1165 = vector.broadcast %mul3A_1164 : f32 to vector<16xf32>
    %mul3A_1166 = arith.mulf %add3A_1163, %mul3A_1165 : vector<16xf32>
    %convert_element_type3A_1167 = arith.fptosi %mul3A_1166 : vector<16xf32> to vector<16xi32>
    %lt3A_1168 = arith.constant 256 : i32
    %lt3A_1169 = vector.broadcast %lt3A_1168 : i32 to vector<16xi32>
    %lt3A_1170 = arith.cmpi slt, %convert_element_type3A_1167, %lt3A_1169 : vector<16xi32>
    %min3A_1171 = arith.constant 255 : i32
    %min3A_1172 = vector.broadcast %min3A_1171 : i32 to vector<16xi32>
    %min3A_1173 = arith.minsi %convert_element_type3A_1167, %min3A_1172 : vector<16xi32>
    %select_n3A_1174 = arith.select %lt3A_1170, %broadcast_in_dim3A_10, %broadcast_in_dim3A_3 : vector<16xi1>, vector<16xf32>
    tpu.vector_store_idx %arg5[%add3A_1156, %min3A_1173], %select_n3A_1174 : memref<128x256xf32, #tpu.memory_space<vmem>>[vector<16xi32>, vector<16xi32>], vector<16xf32>,
    %swap3A_1175 = arith.constant 16 : index
    %swap3A_1176 = tpu.vector_load %arg7[%swap3A_1175] {strides = array<i32>} : memref<128xi32, #tpu.memory_space<vmem>>, vector<16xi32>,
    tpu.vector_store %arg7[%swap3A_1175], %min3A_1173 {strides = array<i32>} : memref<128xi32, #tpu.memory_space<vmem>>, vector<16xi32>,
    %add3A_1177 = arith.constant 32 : i32
    %add3A_1178 = vector.broadcast %add3A_1177 : i32 to vector<16xi32>
    %add3A_1179 = arith.addi %add3A_1178, %iota3A : vector<16xi32>
    %get3A_1180 = arith.constant 32 : index
    %get3A_1181 = tpu.vector_load %arg7[%get3A_1180] {strides = array<i32>} : memref<128xi32, #tpu.memory_space<vmem>>, vector<16xi32>,
    tpu.vector_store_idx %arg5[%add3A_1179, %get3A_1181], %broadcast_in_dim3A_3 : memref<128x256xf32, #tpu.memory_space<vmem>>[vector<16xi32>, vector<16xi32>], vector<16xf32>,
    %get3A_1182 = arith.constant 800 : index
    %get3A_1183 = tpu.vector_load %arg4[%get3A_1182] {strides = array<i32>} : memref<2048xf32, #tpu.memory_space<vmem>>, vector<16xf32>,
    %add3A_1184 = arith.constant 1.000000e+00 : f32
    %add3A_1185 = vector.broadcast %add3A_1184 : f32 to vector<16xf32>
    %add3A_1186 = arith.addf %get3A_1183, %add3A_1185 : vector<16xf32>
    %mul3A_1187 = arith.constant 1.280000e+02 : f32
    %mul3A_1188 = vector.broadcast %mul3A_1187 : f32 to vector<16xf32>
    %mul3A_1189 = arith.mulf %add3A_1186, %mul3A_1188 : vector<16xf32>
    %convert_element_type3A_1190 = arith.fptosi %mul3A_1189 : vector<16xf32> to vector<16xi32>
    %lt3A_1191 = arith.constant 256 : i32
    %lt3A_1192 = vector.broadcast %lt3A_1191 : i32 to vector<16xi32>
    %lt3A_1193 = arith.cmpi slt, %convert_element_type3A_1190, %lt3A_1192 : vector<16xi32>
    %min3A_1194 = arith.constant 255 : i32
    %min3A_1195 = vector.broadcast %min3A_1194 : i32 to vector<16xi32>
    %min3A_1196 = arith.minsi %convert_element_type3A_1190, %min3A_1195 : vector<16xi32>
    %select_n3A_1197 = arith.select %lt3A_1193, %broadcast_in_dim3A_10, %broadcast_in_dim3A_3 : vector<16xi1>, vector<16xf32>
    tpu.vector_store_idx %arg5[%add3A_1179, %min3A_1196], %select_n3A_1197 : memref<128x256xf32, #tpu.memory_space<vmem>>[vector<16xi32>, vector<16xi32>], vector<16xf32>,
    %swap3A_1198 = arith.constant 32 : index
    %swap3A_1199 = tpu.vector_load %arg7[%swap3A_1198] {strides = array<i32>} : memref<128xi32, #tpu.memory_space<vmem>>, vector<16xi32>,
    tpu.vector_store %arg7[%swap3A_1198], %min3A_1196 {strides = array<i32>} : memref<128xi32, #tpu.memory_space<vmem>>, vector<16xi32>,
    %add3A_1200 = arith.constant 48 : i32
    %add3A_1201 = vector.broadcast %add3A_1200 : i32 to vector<16xi32>
    %add3A_1202 = arith.addi %add3A_1201, %iota3A : vector<16xi32>
    %get3A_1203 = arith.constant 48 : index
    %get3A_1204 = tpu.vector_load %arg7[%get3A_1203] {strides = array<i32>} : memref<128xi32, #tpu.memory_space<vmem>>, vector<16xi32>,
    tpu.vector_store_idx %arg5[%add3A_1202, %get3A_1204], %broadcast_in_dim3A_3 : memref<128x256xf32, #tpu.memory_space<vmem>>[vector<16xi32>, vector<16xi32>], vector<16xf32>,
    %get3A_1205 = arith.constant 816 : index
    %get3A_1206 = tpu.vector_load %arg4[%get3A_1205] {strides = array<i32>} : memref<2048xf32, #tpu.memory_space<vmem>>, vector<16xf32>,
    %add3A_1207 = arith.constant 1.000000e+00 : f32
    %add3A_1208 = vector.broadcast %add3A_1207 : f32 to vector<16xf32>
    %add3A_1209 = arith.addf %get3A_1206, %add3A_1208 : vector<16xf32>
    %mul3A_1210 = arith.constant 1.280000e+02 : f32
    %mul3A_1211 = vector.broadcast %mul3A_1210 : f32 to vector<16xf32>
    %mul3A_1212 = arith.mulf %add3A_1209, %mul3A_1211 : vector<16xf32>
    %convert_element_type3A_1213 = arith.fptosi %mul3A_1212 : vector<16xf32> to vector<16xi32>
    %lt3A_1214 = arith.constant 256 : i32
    %lt3A_1215 = vector.broadcast %lt3A_1214 : i32 to vector<16xi32>
    %lt3A_1216 = arith.cmpi slt, %convert_element_type3A_1213, %lt3A_1215 : vector<16xi32>
    %min3A_1217 = arith.constant 255 : i32
    %min3A_1218 = vector.broadcast %min3A_1217 : i32 to vector<16xi32>
    %min3A_1219 = arith.minsi %convert_element_type3A_1213, %min3A_1218 : vector<16xi32>
    %select_n3A_1220 = arith.select %lt3A_1216, %broadcast_in_dim3A_10, %broadcast_in_dim3A_3 : vector<16xi1>, vector<16xf32>
    tpu.vector_store_idx %arg5[%add3A_1202, %min3A_1219], %select_n3A_1220 : memref<128x256xf32, #tpu.memory_space<vmem>>[vector<16xi32>, vector<16xi32>], vector<16xf32>,
    %swap3A_1221 = arith.constant 48 : index
    %swap3A_1222 = tpu.vector_load %arg7[%swap3A_1221] {strides = array<i32>} : memref<128xi32, #tpu.memory_space<vmem>>, vector<16xi32>,
    tpu.vector_store %arg7[%swap3A_1221], %min3A_1219 {strides = array<i32>} : memref<128xi32, #tpu.memory_space<vmem>>, vector<16xi32>,
    %add3A_1223 = arith.constant 64 : i32
    %add3A_1224 = vector.broadcast %add3A_1223 : i32 to vector<16xi32>
    %add3A_1225 = arith.addi %add3A_1224, %iota3A : vector<16xi32>
    %get3A_1226 = arith.constant 64 : index
    %get3A_1227 = tpu.vector_load %arg7[%get3A_1226] {strides = array<i32>} : memref<128xi32, #tpu.memory_space<vmem>>, vector<16xi32>,
    tpu.vector_store_idx %arg5[%add3A_1225, %get3A_1227], %broadcast_in_dim3A_3 : memref<128x256xf32, #tpu.memory_space<vmem>>[vector<16xi32>, vector<16xi32>], vector<16xf32>,
    %get3A_1228 = arith.constant 832 : index
    %get3A_1229 = tpu.vector_load %arg4[%get3A_1228] {strides = array<i32>} : memref<2048xf32, #tpu.memory_space<vmem>>, vector<16xf32>,
    %add3A_1230 = arith.constant 1.000000e+00 : f32
    %add3A_1231 = vector.broadcast %add3A_1230 : f32 to vector<16xf32>
    %add3A_1232 = arith.addf %get3A_1229, %add3A_1231 : vector<16xf32>
    %mul3A_1233 = arith.constant 1.280000e+02 : f32
    %mul3A_1234 = vector.broadcast %mul3A_1233 : f32 to vector<16xf32>
    %mul3A_1235 = arith.mulf %add3A_1232, %mul3A_1234 : vector<16xf32>
    %convert_element_type3A_1236 = arith.fptosi %mul3A_1235 : vector<16xf32> to vector<16xi32>
    %lt3A_1237 = arith.constant 256 : i32
    %lt3A_1238 = vector.broadcast %lt3A_1237 : i32 to vector<16xi32>
    %lt3A_1239 = arith.cmpi slt, %convert_element_type3A_1236, %lt3A_1238 : vector<16xi32>
    %min3A_1240 = arith.constant 255 : i32
    %min3A_1241 = vector.broadcast %min3A_1240 : i32 to vector<16xi32>
    %min3A_1242 = arith.minsi %convert_element_type3A_1236, %min3A_1241 : vector<16xi32>
    %select_n3A_1243 = arith.select %lt3A_1239, %broadcast_in_dim3A_10, %broadcast_in_dim3A_3 : vector<16xi1>, vector<16xf32>
    tpu.vector_store_idx %arg5[%add3A_1225, %min3A_1242], %select_n3A_1243 : memref<128x256xf32, #tpu.memory_space<vmem>>[vector<16xi32>, vector<16xi32>], vector<16xf32>,
    %swap3A_1244 = arith.constant 64 : index
    %swap3A_1245 = tpu.vector_load %arg7[%swap3A_1244] {strides = array<i32>} : memref<128xi32, #tpu.memory_space<vmem>>, vector<16xi32>,
    tpu.vector_store %arg7[%swap3A_1244], %min3A_1242 {strides = array<i32>} : memref<128xi32, #tpu.memory_space<vmem>>, vector<16xi32>,
    %add3A_1246 = arith.constant 80 : i32
    %add3A_1247 = vector.broadcast %add3A_1246 : i32 to vector<16xi32>
    %add3A_1248 = arith.addi %add3A_1247, %iota3A : vector<16xi32>
    %get3A_1249 = arith.constant 80 : index
    %get3A_1250 = tpu.vector_load %arg7[%get3A_1249] {strides = array<i32>} : memref<128xi32, #tpu.memory_space<vmem>>, vector<16xi32>,
    tpu.vector_store_idx %arg5[%add3A_1248, %get3A_1250], %broadcast_in_dim3A_3 : memref<128x256xf32, #tpu.memory_space<vmem>>[vector<16xi32>, vector<16xi32>], vector<16xf32>,
    %get3A_1251 = arith.constant 848 : index
    %get3A_1252 = tpu.vector_load %arg4[%get3A_1251] {strides = array<i32>} : memref<2048xf32, #tpu.memory_space<vmem>>, vector<16xf32>,
    %add3A_1253 = arith.constant 1.000000e+00 : f32
    %add3A_1254 = vector.broadcast %add3A_1253 : f32 to vector<16xf32>
    %add3A_1255 = arith.addf %get3A_1252, %add3A_1254 : vector<16xf32>
    %mul3A_1256 = arith.constant 1.280000e+02 : f32
    %mul3A_1257 = vector.broadcast %mul3A_1256 : f32 to vector<16xf32>
    %mul3A_1258 = arith.mulf %add3A_1255, %mul3A_1257 : vector<16xf32>
    %convert_element_type3A_1259 = arith.fptosi %mul3A_1258 : vector<16xf32> to vector<16xi32>
    %lt3A_1260 = arith.constant 256 : i32
    %lt3A_1261 = vector.broadcast %lt3A_1260 : i32 to vector<16xi32>
    %lt3A_1262 = arith.cmpi slt, %convert_element_type3A_1259, %lt3A_1261 : vector<16xi32>
    %min3A_1263 = arith.constant 255 : i32
    %min3A_1264 = vector.broadcast %min3A_1263 : i32 to vector<16xi32>
    %min3A_1265 = arith.minsi %convert_element_type3A_1259, %min3A_1264 : vector<16xi32>
    %select_n3A_1266 = arith.select %lt3A_1262, %broadcast_in_dim3A_10, %broadcast_in_dim3A_3 : vector<16xi1>, vector<16xf32>
    tpu.vector_store_idx %arg5[%add3A_1248, %min3A_1265], %select_n3A_1266 : memref<128x256xf32, #tpu.memory_space<vmem>>[vector<16xi32>, vector<16xi32>], vector<16xf32>,
    %swap3A_1267 = arith.constant 80 : index
    %swap3A_1268 = tpu.vector_load %arg7[%swap3A_1267] {strides = array<i32>} : memref<128xi32, #tpu.memory_space<vmem>>, vector<16xi32>,
    tpu.vector_store %arg7[%swap3A_1267], %min3A_1265 {strides = array<i32>} : memref<128xi32, #tpu.memory_space<vmem>>, vector<16xi32>,
    %add3A_1269 = arith.constant 96 : i32
    %add3A_1270 = vector.broadcast %add3A_1269 : i32 to vector<16xi32>
    %add3A_1271 = arith.addi %add3A_1270, %iota3A : vector<16xi32>
    %get3A_1272 = arith.constant 96 : index
    %get3A_1273 = tpu.vector_load %arg7[%get3A_1272] {strides = array<i32>} : memref<128xi32, #tpu.memory_space<vmem>>, vector<16xi32>,
    tpu.vector_store_idx %arg5[%add3A_1271, %get3A_1273], %broadcast_in_dim3A_3 : memref<128x256xf32, #tpu.memory_space<vmem>>[vector<16xi32>, vector<16xi32>], vector<16xf32>,
    %get3A_1274 = arith.constant 864 : index
    %get3A_1275 = tpu.vector_load %arg4[%get3A_1274] {strides = array<i32>} : memref<2048xf32, #tpu.memory_space<vmem>>, vector<16xf32>,
    %add3A_1276 = arith.constant 1.000000e+00 : f32
    %add3A_1277 = vector.broadcast %add3A_1276 : f32 to vector<16xf32>
    %add3A_1278 = arith.addf %get3A_1275, %add3A_1277 : vector<16xf32>
    %mul3A_1279 = arith.constant 1.280000e+02 : f32
    %mul3A_1280 = vector.broadcast %mul3A_1279 : f32 to vector<16xf32>
    %mul3A_1281 = arith.mulf %add3A_1278, %mul3A_1280 : vector<16xf32>
    %convert_element_type3A_1282 = arith.fptosi %mul3A_1281 : vector<16xf32> to vector<16xi32>
    %lt3A_1283 = arith.constant 256 : i32
    %lt3A_1284 = vector.broadcast %lt3A_1283 : i32 to vector<16xi32>
    %lt3A_1285 = arith.cmpi slt, %convert_element_type3A_1282, %lt3A_1284 : vector<16xi32>
    %min3A_1286 = arith.constant 255 : i32
    %min3A_1287 = vector.broadcast %min3A_1286 : i32 to vector<16xi32>
    %min3A_1288 = arith.minsi %convert_element_type3A_1282, %min3A_1287 : vector<16xi32>
    %select_n3A_1289 = arith.select %lt3A_1285, %broadcast_in_dim3A_10, %broadcast_in_dim3A_3 : vector<16xi1>, vector<16xf32>
    tpu.vector_store_idx %arg5[%add3A_1271, %min3A_1288], %select_n3A_1289 : memref<128x256xf32, #tpu.memory_space<vmem>>[vector<16xi32>, vector<16xi32>], vector<16xf32>,
    %swap3A_1290 = arith.constant 96 : index
    %swap3A_1291 = tpu.vector_load %arg7[%swap3A_1290] {strides = array<i32>} : memref<128xi32, #tpu.memory_space<vmem>>, vector<16xi32>,
    tpu.vector_store %arg7[%swap3A_1290], %min3A_1288 {strides = array<i32>} : memref<128xi32, #tpu.memory_space<vmem>>, vector<16xi32>,
    %add3A_1292 = arith.constant 112 : i32
    %add3A_1293 = vector.broadcast %add3A_1292 : i32 to vector<16xi32>
    %add3A_1294 = arith.addi %add3A_1293, %iota3A : vector<16xi32>
    %get3A_1295 = arith.constant 112 : index
    %get3A_1296 = tpu.vector_load %arg7[%get3A_1295] {strides = array<i32>} : memref<128xi32, #tpu.memory_space<vmem>>, vector<16xi32>,
    tpu.vector_store_idx %arg5[%add3A_1294, %get3A_1296], %broadcast_in_dim3A_3 : memref<128x256xf32, #tpu.memory_space<vmem>>[vector<16xi32>, vector<16xi32>], vector<16xf32>,
    %get3A_1297 = arith.constant 880 : index
    %get3A_1298 = tpu.vector_load %arg4[%get3A_1297] {strides = array<i32>} : memref<2048xf32, #tpu.memory_space<vmem>>, vector<16xf32>,
    %add3A_1299 = arith.constant 1.000000e+00 : f32
    %add3A_1300 = vector.broadcast %add3A_1299 : f32 to vector<16xf32>
    %add3A_1301 = arith.addf %get3A_1298, %add3A_1300 : vector<16xf32>
    %mul3A_1302 = arith.constant 1.280000e+02 : f32
    %mul3A_1303 = vector.broadcast %mul3A_1302 : f32 to vector<16xf32>
    %mul3A_1304 = arith.mulf %add3A_1301, %mul3A_1303 : vector<16xf32>
    %convert_element_type3A_1305 = arith.fptosi %mul3A_1304 : vector<16xf32> to vector<16xi32>
    %lt3A_1306 = arith.constant 256 : i32
    %lt3A_1307 = vector.broadcast %lt3A_1306 : i32 to vector<16xi32>
    %lt3A_1308 = arith.cmpi slt, %convert_element_type3A_1305, %lt3A_1307 : vector<16xi32>
    %min3A_1309 = arith.constant 255 : i32
    %min3A_1310 = vector.broadcast %min3A_1309 : i32 to vector<16xi32>
    %min3A_1311 = arith.minsi %convert_element_type3A_1305, %min3A_1310 : vector<16xi32>
    %select_n3A_1312 = arith.select %lt3A_1308, %broadcast_in_dim3A_10, %broadcast_in_dim3A_3 : vector<16xi1>, vector<16xf32>
    tpu.vector_store_idx %arg5[%add3A_1294, %min3A_1311], %select_n3A_1312 : memref<128x256xf32, #tpu.memory_space<vmem>>[vector<16xi32>, vector<16xi32>], vector<16xf32>,
    %swap3A_1313 = arith.constant 112 : index
    %swap3A_1314 = tpu.vector_load %arg7[%swap3A_1313] {strides = array<i32>} : memref<128xi32, #tpu.memory_space<vmem>>, vector<16xi32>,
    tpu.vector_store %arg7[%swap3A_1313], %min3A_1311 {strides = array<i32>} : memref<128xi32, #tpu.memory_space<vmem>>, vector<16xi32>,
    %add3A_1315 = arith.constant 768 : i32
    %add3A_1316 = arith.addi %mul3A_2, %add3A_1315 : i32
    %dma_start3A_1317 = arith.constant 0 : i32
    %dma_start3A_1318 = tpu.memref_slice %arg3[%add3A_1316, %dma_start3A_1317] : memref<65536x256xf32, #tpu.memory_space<hbm>> -> memref<128x256xf32, #tpu.memory_space<hbm>>
    %dma_start3A_1319 = arith.constant 0 : i32
    %dma_start3A_1320 = tpu.memref_slice %arg3[%add3A_1316, %dma_start3A_1319] : memref<65536x256xf32, #tpu.memory_space<hbm>> -> memref<128x256xf32, #tpu.memory_space<hbm>>
    tpu.enqueue_dma source(%arg5 : memref<128x256xf32, #tpu.memory_space<vmem>>) target(%dma_start3A_1320 : memref<128x256xf32, #tpu.memory_space<hbm>>) target_semaphore(%arg9 : memref<!tpu.dma_semaphore, #tpu.memory_space<semaphore_mem>>)
    %dma_wait3A_1321 = arith.constant 0 : i32
    %dma_wait3A_1322 = tpu.memref_slice %arg3[%add3A_1122, %dma_wait3A_1321] : memref<65536x256xf32, #tpu.memory_space<hbm>> -> memref<128x256xf32, #tpu.memory_space<hbm>>
    %dma_wait3A_1323 = arith.constant 0 : i32
    %dma_wait3A_1324 = tpu.memref_slice %arg3[%add3A_1122, %dma_wait3A_1323] : memref<65536x256xf32, #tpu.memory_space<hbm>> -> memref<128x256xf32, #tpu.memory_space<hbm>>
    tpu.wait_dma2 semaphore(%arg10 : memref<!tpu.dma_semaphore, #tpu.memory_space<semaphore_mem>>) src(%arg6 : memref<128x256xf32, #tpu.memory_space<vmem>>) dst(%dma_wait3A_1324 : memref<128x256xf32, #tpu.memory_space<hbm>>)
    %add3A_1325 = arith.constant 0 : i32
    %add3A_1326 = vector.broadcast %add3A_1325 : i32 to vector<16xi32>
    %add3A_1327 = arith.addi %add3A_1326, %iota3A : vector<16xi32>
    %get3A_1328 = arith.constant 0 : index
    %get3A_1329 = tpu.vector_load %arg8[%get3A_1328] {strides = array<i32>} : memref<128xi32, #tpu.memory_space<vmem>>, vector<16xi32>,
    tpu.vector_store_idx %arg6[%add3A_1327, %get3A_1329], %broadcast_in_dim3A_3 : memref<128x256xf32, #tpu.memory_space<vmem>>[vector<16xi32>, vector<16xi32>], vector<16xf32>,
    %get3A_1330 = arith.constant 896 : index
    %get3A_1331 = tpu.vector_load %arg4[%get3A_1330] {strides = array<i32>} : memref<2048xf32, #tpu.memory_space<vmem>>, vector<16xf32>,
    %add3A_1332 = arith.constant 1.000000e+00 : f32
    %add3A_1333 = vector.broadcast %add3A_1332 : f32 to vector<16xf32>
    %add3A_1334 = arith.addf %get3A_1331, %add3A_1333 : vector<16xf32>
    %mul3A_1335 = arith.constant 1.280000e+02 : f32
    %mul3A_1336 = vector.broadcast %mul3A_1335 : f32 to vector<16xf32>
    %mul3A_1337 = arith.mulf %add3A_1334, %mul3A_1336 : vector<16xf32>
    %convert_element_type3A_1338 = arith.fptosi %mul3A_1337 : vector<16xf32> to vector<16xi32>
    %lt3A_1339 = arith.constant 256 : i32
    %lt3A_1340 = vector.broadcast %lt3A_1339 : i32 to vector<16xi32>
    %lt3A_1341 = arith.cmpi slt, %convert_element_type3A_1338, %lt3A_1340 : vector<16xi32>
    %min3A_1342 = arith.constant 255 : i32
    %min3A_1343 = vector.broadcast %min3A_1342 : i32 to vector<16xi32>
    %min3A_1344 = arith.minsi %convert_element_type3A_1338, %min3A_1343 : vector<16xi32>
    %select_n3A_1345 = arith.select %lt3A_1341, %broadcast_in_dim3A_10, %broadcast_in_dim3A_3 : vector<16xi1>, vector<16xf32>
    tpu.vector_store_idx %arg6[%add3A_1327, %min3A_1344], %select_n3A_1345 : memref<128x256xf32, #tpu.memory_space<vmem>>[vector<16xi32>, vector<16xi32>], vector<16xf32>,
    %swap3A_1346 = arith.constant 0 : index
    %swap3A_1347 = tpu.vector_load %arg8[%swap3A_1346] {strides = array<i32>} : memref<128xi32, #tpu.memory_space<vmem>>, vector<16xi32>,
    tpu.vector_store %arg8[%swap3A_1346], %min3A_1344 {strides = array<i32>} : memref<128xi32, #tpu.memory_space<vmem>>, vector<16xi32>,
    %add3A_1348 = arith.constant 16 : i32
    %add3A_1349 = vector.broadcast %add3A_1348 : i32 to vector<16xi32>
    %add3A_1350 = arith.addi %add3A_1349, %iota3A : vector<16xi32>
    %get3A_1351 = arith.constant 16 : index
    %get3A_1352 = tpu.vector_load %arg8[%get3A_1351] {strides = array<i32>} : memref<128xi32, #tpu.memory_space<vmem>>, vector<16xi32>,
    tpu.vector_store_idx %arg6[%add3A_1350, %get3A_1352], %broadcast_in_dim3A_3 : memref<128x256xf32, #tpu.memory_space<vmem>>[vector<16xi32>, vector<16xi32>], vector<16xf32>,
    %get3A_1353 = arith.constant 912 : index
    %get3A_1354 = tpu.vector_load %arg4[%get3A_1353] {strides = array<i32>} : memref<2048xf32, #tpu.memory_space<vmem>>, vector<16xf32>,
    %add3A_1355 = arith.constant 1.000000e+00 : f32
    %add3A_1356 = vector.broadcast %add3A_1355 : f32 to vector<16xf32>
    %add3A_1357 = arith.addf %get3A_1354, %add3A_1356 : vector<16xf32>
    %mul3A_1358 = arith.constant 1.280000e+02 : f32
    %mul3A_1359 = vector.broadcast %mul3A_1358 : f32 to vector<16xf32>
    %mul3A_1360 = arith.mulf %add3A_1357, %mul3A_1359 : vector<16xf32>
    %convert_element_type3A_1361 = arith.fptosi %mul3A_1360 : vector<16xf32> to vector<16xi32>
    %lt3A_1362 = arith.constant 256 : i32
    %lt3A_1363 = vector.broadcast %lt3A_1362 : i32 to vector<16xi32>
    %lt3A_1364 = arith.cmpi slt, %convert_element_type3A_1361, %lt3A_1363 : vector<16xi32>
    %min3A_1365 = arith.constant 255 : i32
    %min3A_1366 = vector.broadcast %min3A_1365 : i32 to vector<16xi32>
    %min3A_1367 = arith.minsi %convert_element_type3A_1361, %min3A_1366 : vector<16xi32>
    %select_n3A_1368 = arith.select %lt3A_1364, %broadcast_in_dim3A_10, %broadcast_in_dim3A_3 : vector<16xi1>, vector<16xf32>
    tpu.vector_store_idx %arg6[%add3A_1350, %min3A_1367], %select_n3A_1368 : memref<128x256xf32, #tpu.memory_space<vmem>>[vector<16xi32>, vector<16xi32>], vector<16xf32>,
    %swap3A_1369 = arith.constant 16 : index
    %swap3A_1370 = tpu.vector_load %arg8[%swap3A_1369] {strides = array<i32>} : memref<128xi32, #tpu.memory_space<vmem>>, vector<16xi32>,
    tpu.vector_store %arg8[%swap3A_1369], %min3A_1367 {strides = array<i32>} : memref<128xi32, #tpu.memory_space<vmem>>, vector<16xi32>,
    %add3A_1371 = arith.constant 32 : i32
    %add3A_1372 = vector.broadcast %add3A_1371 : i32 to vector<16xi32>
    %add3A_1373 = arith.addi %add3A_1372, %iota3A : vector<16xi32>
    %get3A_1374 = arith.constant 32 : index
    %get3A_1375 = tpu.vector_load %arg8[%get3A_1374] {strides = array<i32>} : memref<128xi32, #tpu.memory_space<vmem>>, vector<16xi32>,
    tpu.vector_store_idx %arg6[%add3A_1373, %get3A_1375], %broadcast_in_dim3A_3 : memref<128x256xf32, #tpu.memory_space<vmem>>[vector<16xi32>, vector<16xi32>], vector<16xf32>,
    %get3A_1376 = arith.constant 928 : index
    %get3A_1377 = tpu.vector_load %arg4[%get3A_1376] {strides = array<i32>} : memref<2048xf32, #tpu.memory_space<vmem>>, vector<16xf32>,
    %add3A_1378 = arith.constant 1.000000e+00 : f32
    %add3A_1379 = vector.broadcast %add3A_1378 : f32 to vector<16xf32>
    %add3A_1380 = arith.addf %get3A_1377, %add3A_1379 : vector<16xf32>
    %mul3A_1381 = arith.constant 1.280000e+02 : f32
    %mul3A_1382 = vector.broadcast %mul3A_1381 : f32 to vector<16xf32>
    %mul3A_1383 = arith.mulf %add3A_1380, %mul3A_1382 : vector<16xf32>
    %convert_element_type3A_1384 = arith.fptosi %mul3A_1383 : vector<16xf32> to vector<16xi32>
    %lt3A_1385 = arith.constant 256 : i32
    %lt3A_1386 = vector.broadcast %lt3A_1385 : i32 to vector<16xi32>
    %lt3A_1387 = arith.cmpi slt, %convert_element_type3A_1384, %lt3A_1386 : vector<16xi32>
    %min3A_1388 = arith.constant 255 : i32
    %min3A_1389 = vector.broadcast %min3A_1388 : i32 to vector<16xi32>
    %min3A_1390 = arith.minsi %convert_element_type3A_1384, %min3A_1389 : vector<16xi32>
    %select_n3A_1391 = arith.select %lt3A_1387, %broadcast_in_dim3A_10, %broadcast_in_dim3A_3 : vector<16xi1>, vector<16xf32>
    tpu.vector_store_idx %arg6[%add3A_1373, %min3A_1390], %select_n3A_1391 : memref<128x256xf32, #tpu.memory_space<vmem>>[vector<16xi32>, vector<16xi32>], vector<16xf32>,
    %swap3A_1392 = arith.constant 32 : index
    %swap3A_1393 = tpu.vector_load %arg8[%swap3A_1392] {strides = array<i32>} : memref<128xi32, #tpu.memory_space<vmem>>, vector<16xi32>,
    tpu.vector_store %arg8[%swap3A_1392], %min3A_1390 {strides = array<i32>} : memref<128xi32, #tpu.memory_space<vmem>>, vector<16xi32>,
    %add3A_1394 = arith.constant 48 : i32
    %add3A_1395 = vector.broadcast %add3A_1394 : i32 to vector<16xi32>
    %add3A_1396 = arith.addi %add3A_1395, %iota3A : vector<16xi32>
    %get3A_1397 = arith.constant 48 : index
    %get3A_1398 = tpu.vector_load %arg8[%get3A_1397] {strides = array<i32>} : memref<128xi32, #tpu.memory_space<vmem>>, vector<16xi32>,
    tpu.vector_store_idx %arg6[%add3A_1396, %get3A_1398], %broadcast_in_dim3A_3 : memref<128x256xf32, #tpu.memory_space<vmem>>[vector<16xi32>, vector<16xi32>], vector<16xf32>,
    %get3A_1399 = arith.constant 944 : index
    %get3A_1400 = tpu.vector_load %arg4[%get3A_1399] {strides = array<i32>} : memref<2048xf32, #tpu.memory_space<vmem>>, vector<16xf32>,
    %add3A_1401 = arith.constant 1.000000e+00 : f32
    %add3A_1402 = vector.broadcast %add3A_1401 : f32 to vector<16xf32>
    %add3A_1403 = arith.addf %get3A_1400, %add3A_1402 : vector<16xf32>
    %mul3A_1404 = arith.constant 1.280000e+02 : f32
    %mul3A_1405 = vector.broadcast %mul3A_1404 : f32 to vector<16xf32>
    %mul3A_1406 = arith.mulf %add3A_1403, %mul3A_1405 : vector<16xf32>
    %convert_element_type3A_1407 = arith.fptosi %mul3A_1406 : vector<16xf32> to vector<16xi32>
    %lt3A_1408 = arith.constant 256 : i32
    %lt3A_1409 = vector.broadcast %lt3A_1408 : i32 to vector<16xi32>
    %lt3A_1410 = arith.cmpi slt, %convert_element_type3A_1407, %lt3A_1409 : vector<16xi32>
    %min3A_1411 = arith.constant 255 : i32
    %min3A_1412 = vector.broadcast %min3A_1411 : i32 to vector<16xi32>
    %min3A_1413 = arith.minsi %convert_element_type3A_1407, %min3A_1412 : vector<16xi32>
    %select_n3A_1414 = arith.select %lt3A_1410, %broadcast_in_dim3A_10, %broadcast_in_dim3A_3 : vector<16xi1>, vector<16xf32>
    tpu.vector_store_idx %arg6[%add3A_1396, %min3A_1413], %select_n3A_1414 : memref<128x256xf32, #tpu.memory_space<vmem>>[vector<16xi32>, vector<16xi32>], vector<16xf32>,
    %swap3A_1415 = arith.constant 48 : index
    %swap3A_1416 = tpu.vector_load %arg8[%swap3A_1415] {strides = array<i32>} : memref<128xi32, #tpu.memory_space<vmem>>, vector<16xi32>,
    tpu.vector_store %arg8[%swap3A_1415], %min3A_1413 {strides = array<i32>} : memref<128xi32, #tpu.memory_space<vmem>>, vector<16xi32>,
    %add3A_1417 = arith.constant 64 : i32
    %add3A_1418 = vector.broadcast %add3A_1417 : i32 to vector<16xi32>
    %add3A_1419 = arith.addi %add3A_1418, %iota3A : vector<16xi32>
    %get3A_1420 = arith.constant 64 : index
    %get3A_1421 = tpu.vector_load %arg8[%get3A_1420] {strides = array<i32>} : memref<128xi32, #tpu.memory_space<vmem>>, vector<16xi32>,
    tpu.vector_store_idx %arg6[%add3A_1419, %get3A_1421], %broadcast_in_dim3A_3 : memref<128x256xf32, #tpu.memory_space<vmem>>[vector<16xi32>, vector<16xi32>], vector<16xf32>,
    %get3A_1422 = arith.constant 960 : index
    %get3A_1423 = tpu.vector_load %arg4[%get3A_1422] {strides = array<i32>} : memref<2048xf32, #tpu.memory_space<vmem>>, vector<16xf32>,
    %add3A_1424 = arith.constant 1.000000e+00 : f32
    %add3A_1425 = vector.broadcast %add3A_1424 : f32 to vector<16xf32>
    %add3A_1426 = arith.addf %get3A_1423, %add3A_1425 : vector<16xf32>
    %mul3A_1427 = arith.constant 1.280000e+02 : f32
    %mul3A_1428 = vector.broadcast %mul3A_1427 : f32 to vector<16xf32>
    %mul3A_1429 = arith.mulf %add3A_1426, %mul3A_1428 : vector<16xf32>
    %convert_element_type3A_1430 = arith.fptosi %mul3A_1429 : vector<16xf32> to vector<16xi32>
    %lt3A_1431 = arith.constant 256 : i32
    %lt3A_1432 = vector.broadcast %lt3A_1431 : i32 to vector<16xi32>
    %lt3A_1433 = arith.cmpi slt, %convert_element_type3A_1430, %lt3A_1432 : vector<16xi32>
    %min3A_1434 = arith.constant 255 : i32
    %min3A_1435 = vector.broadcast %min3A_1434 : i32 to vector<16xi32>
    %min3A_1436 = arith.minsi %convert_element_type3A_1430, %min3A_1435 : vector<16xi32>
    %select_n3A_1437 = arith.select %lt3A_1433, %broadcast_in_dim3A_10, %broadcast_in_dim3A_3 : vector<16xi1>, vector<16xf32>
    tpu.vector_store_idx %arg6[%add3A_1419, %min3A_1436], %select_n3A_1437 : memref<128x256xf32, #tpu.memory_space<vmem>>[vector<16xi32>, vector<16xi32>], vector<16xf32>,
    %swap3A_1438 = arith.constant 64 : index
    %swap3A_1439 = tpu.vector_load %arg8[%swap3A_1438] {strides = array<i32>} : memref<128xi32, #tpu.memory_space<vmem>>, vector<16xi32>,
    tpu.vector_store %arg8[%swap3A_1438], %min3A_1436 {strides = array<i32>} : memref<128xi32, #tpu.memory_space<vmem>>, vector<16xi32>,
    %add3A_1440 = arith.constant 80 : i32
    %add3A_1441 = vector.broadcast %add3A_1440 : i32 to vector<16xi32>
    %add3A_1442 = arith.addi %add3A_1441, %iota3A : vector<16xi32>
    %get3A_1443 = arith.constant 80 : index
    %get3A_1444 = tpu.vector_load %arg8[%get3A_1443] {strides = array<i32>} : memref<128xi32, #tpu.memory_space<vmem>>, vector<16xi32>,
    tpu.vector_store_idx %arg6[%add3A_1442, %get3A_1444], %broadcast_in_dim3A_3 : memref<128x256xf32, #tpu.memory_space<vmem>>[vector<16xi32>, vector<16xi32>], vector<16xf32>,
    %get3A_1445 = arith.constant 976 : index
    %get3A_1446 = tpu.vector_load %arg4[%get3A_1445] {strides = array<i32>} : memref<2048xf32, #tpu.memory_space<vmem>>, vector<16xf32>,
    %add3A_1447 = arith.constant 1.000000e+00 : f32
    %add3A_1448 = vector.broadcast %add3A_1447 : f32 to vector<16xf32>
    %add3A_1449 = arith.addf %get3A_1446, %add3A_1448 : vector<16xf32>
    %mul3A_1450 = arith.constant 1.280000e+02 : f32
    %mul3A_1451 = vector.broadcast %mul3A_1450 : f32 to vector<16xf32>
    %mul3A_1452 = arith.mulf %add3A_1449, %mul3A_1451 : vector<16xf32>
    %convert_element_type3A_1453 = arith.fptosi %mul3A_1452 : vector<16xf32> to vector<16xi32>
    %lt3A_1454 = arith.constant 256 : i32
    %lt3A_1455 = vector.broadcast %lt3A_1454 : i32 to vector<16xi32>
    %lt3A_1456 = arith.cmpi slt, %convert_element_type3A_1453, %lt3A_1455 : vector<16xi32>
    %min3A_1457 = arith.constant 255 : i32
    %min3A_1458 = vector.broadcast %min3A_1457 : i32 to vector<16xi32>
    %min3A_1459 = arith.minsi %convert_element_type3A_1453, %min3A_1458 : vector<16xi32>
    %select_n3A_1460 = arith.select %lt3A_1456, %broadcast_in_dim3A_10, %broadcast_in_dim3A_3 : vector<16xi1>, vector<16xf32>
    tpu.vector_store_idx %arg6[%add3A_1442, %min3A_1459], %select_n3A_1460 : memref<128x256xf32, #tpu.memory_space<vmem>>[vector<16xi32>, vector<16xi32>], vector<16xf32>,
    %swap3A_1461 = arith.constant 80 : index
    %swap3A_1462 = tpu.vector_load %arg8[%swap3A_1461] {strides = array<i32>} : memref<128xi32, #tpu.memory_space<vmem>>, vector<16xi32>,
    tpu.vector_store %arg8[%swap3A_1461], %min3A_1459 {strides = array<i32>} : memref<128xi32, #tpu.memory_space<vmem>>, vector<16xi32>,
    %add3A_1463 = arith.constant 96 : i32
    %add3A_1464 = vector.broadcast %add3A_1463 : i32 to vector<16xi32>
    %add3A_1465 = arith.addi %add3A_1464, %iota3A : vector<16xi32>
    %get3A_1466 = arith.constant 96 : index
    %get3A_1467 = tpu.vector_load %arg8[%get3A_1466] {strides = array<i32>} : memref<128xi32, #tpu.memory_space<vmem>>, vector<16xi32>,
    tpu.vector_store_idx %arg6[%add3A_1465, %get3A_1467], %broadcast_in_dim3A_3 : memref<128x256xf32, #tpu.memory_space<vmem>>[vector<16xi32>, vector<16xi32>], vector<16xf32>,
    %get3A_1468 = arith.constant 992 : index
    %get3A_1469 = tpu.vector_load %arg4[%get3A_1468] {strides = array<i32>} : memref<2048xf32, #tpu.memory_space<vmem>>, vector<16xf32>,
    %add3A_1470 = arith.constant 1.000000e+00 : f32
    %add3A_1471 = vector.broadcast %add3A_1470 : f32 to vector<16xf32>
    %add3A_1472 = arith.addf %get3A_1469, %add3A_1471 : vector<16xf32>
    %mul3A_1473 = arith.constant 1.280000e+02 : f32
    %mul3A_1474 = vector.broadcast %mul3A_1473 : f32 to vector<16xf32>
    %mul3A_1475 = arith.mulf %add3A_1472, %mul3A_1474 : vector<16xf32>
    %convert_element_type3A_1476 = arith.fptosi %mul3A_1475 : vector<16xf32> to vector<16xi32>
    %lt3A_1477 = arith.constant 256 : i32
    %lt3A_1478 = vector.broadcast %lt3A_1477 : i32 to vector<16xi32>
    %lt3A_1479 = arith.cmpi slt, %convert_element_type3A_1476, %lt3A_1478 : vector<16xi32>
    %min3A_1480 = arith.constant 255 : i32
    %min3A_1481 = vector.broadcast %min3A_1480 : i32 to vector<16xi32>
    %min3A_1482 = arith.minsi %convert_element_type3A_1476, %min3A_1481 : vector<16xi32>
    %select_n3A_1483 = arith.select %lt3A_1479, %broadcast_in_dim3A_10, %broadcast_in_dim3A_3 : vector<16xi1>, vector<16xf32>
    tpu.vector_store_idx %arg6[%add3A_1465, %min3A_1482], %select_n3A_1483 : memref<128x256xf32, #tpu.memory_space<vmem>>[vector<16xi32>, vector<16xi32>], vector<16xf32>,
    %swap3A_1484 = arith.constant 96 : index
    %swap3A_1485 = tpu.vector_load %arg8[%swap3A_1484] {strides = array<i32>} : memref<128xi32, #tpu.memory_space<vmem>>, vector<16xi32>,
    tpu.vector_store %arg8[%swap3A_1484], %min3A_1482 {strides = array<i32>} : memref<128xi32, #tpu.memory_space<vmem>>, vector<16xi32>,
    %add3A_1486 = arith.constant 112 : i32
    %add3A_1487 = vector.broadcast %add3A_1486 : i32 to vector<16xi32>
    %add3A_1488 = arith.addi %add3A_1487, %iota3A : vector<16xi32>
    %get3A_1489 = arith.constant 112 : index
    %get3A_1490 = tpu.vector_load %arg8[%get3A_1489] {strides = array<i32>} : memref<128xi32, #tpu.memory_space<vmem>>, vector<16xi32>,
    tpu.vector_store_idx %arg6[%add3A_1488, %get3A_1490], %broadcast_in_dim3A_3 : memref<128x256xf32, #tpu.memory_space<vmem>>[vector<16xi32>, vector<16xi32>], vector<16xf32>,
    %get3A_1491 = arith.constant 1008 : index
    %get3A_1492 = tpu.vector_load %arg4[%get3A_1491] {strides = array<i32>} : memref<2048xf32, #tpu.memory_space<vmem>>, vector<16xf32>,
    %add3A_1493 = arith.constant 1.000000e+00 : f32
    %add3A_1494 = vector.broadcast %add3A_1493 : f32 to vector<16xf32>
    %add3A_1495 = arith.addf %get3A_1492, %add3A_1494 : vector<16xf32>
    %mul3A_1496 = arith.constant 1.280000e+02 : f32
    %mul3A_1497 = vector.broadcast %mul3A_1496 : f32 to vector<16xf32>
    %mul3A_1498 = arith.mulf %add3A_1495, %mul3A_1497 : vector<16xf32>
    %convert_element_type3A_1499 = arith.fptosi %mul3A_1498 : vector<16xf32> to vector<16xi32>
    %lt3A_1500 = arith.constant 256 : i32
    %lt3A_1501 = vector.broadcast %lt3A_1500 : i32 to vector<16xi32>
    %lt3A_1502 = arith.cmpi slt, %convert_element_type3A_1499, %lt3A_1501 : vector<16xi32>
    %min3A_1503 = arith.constant 255 : i32
    %min3A_1504 = vector.broadcast %min3A_1503 : i32 to vector<16xi32>
    %min3A_1505 = arith.minsi %convert_element_type3A_1499, %min3A_1504 : vector<16xi32>
    %select_n3A_1506 = arith.select %lt3A_1502, %broadcast_in_dim3A_10, %broadcast_in_dim3A_3 : vector<16xi1>, vector<16xf32>
    tpu.vector_store_idx %arg6[%add3A_1488, %min3A_1505], %select_n3A_1506 : memref<128x256xf32, #tpu.memory_space<vmem>>[vector<16xi32>, vector<16xi32>], vector<16xf32>,
    %swap3A_1507 = arith.constant 112 : index
    %swap3A_1508 = tpu.vector_load %arg8[%swap3A_1507] {strides = array<i32>} : memref<128xi32, #tpu.memory_space<vmem>>, vector<16xi32>,
    tpu.vector_store %arg8[%swap3A_1507], %min3A_1505 {strides = array<i32>} : memref<128xi32, #tpu.memory_space<vmem>>, vector<16xi32>,
    %add3A_1509 = arith.constant 896 : i32
    %add3A_1510 = arith.addi %mul3A_2, %add3A_1509 : i32
    %dma_start3A_1511 = arith.constant 0 : i32
    %dma_start3A_1512 = tpu.memref_slice %arg3[%add3A_1510, %dma_start3A_1511] : memref<65536x256xf32, #tpu.memory_space<hbm>> -> memref<128x256xf32, #tpu.memory_space<hbm>>
    %dma_start3A_1513 = arith.constant 0 : i32
    %dma_start3A_1514 = tpu.memref_slice %arg3[%add3A_1510, %dma_start3A_1513] : memref<65536x256xf32, #tpu.memory_space<hbm>> -> memref<128x256xf32, #tpu.memory_space<hbm>>
    tpu.enqueue_dma source(%arg6 : memref<128x256xf32, #tpu.memory_space<vmem>>) target(%dma_start3A_1514 : memref<128x256xf32, #tpu.memory_space<hbm>>) target_semaphore(%arg10 : memref<!tpu.dma_semaphore, #tpu.memory_space<semaphore_mem>>)
    %dma_wait3A_1515 = arith.constant 0 : i32
    %dma_wait3A_1516 = tpu.memref_slice %arg3[%add3A_1316, %dma_wait3A_1515] : memref<65536x256xf32, #tpu.memory_space<hbm>> -> memref<128x256xf32, #tpu.memory_space<hbm>>
    %dma_wait3A_1517 = arith.constant 0 : i32
    %dma_wait3A_1518 = tpu.memref_slice %arg3[%add3A_1316, %dma_wait3A_1517] : memref<65536x256xf32, #tpu.memory_space<hbm>> -> memref<128x256xf32, #tpu.memory_space<hbm>>
    tpu.wait_dma2 semaphore(%arg9 : memref<!tpu.dma_semaphore, #tpu.memory_space<semaphore_mem>>) src(%arg5 : memref<128x256xf32, #tpu.memory_space<vmem>>) dst(%dma_wait3A_1518 : memref<128x256xf32, #tpu.memory_space<hbm>>)
    %add3A_1519 = arith.constant 0 : i32
    %add3A_1520 = vector.broadcast %add3A_1519 : i32 to vector<16xi32>
    %add3A_1521 = arith.addi %add3A_1520, %iota3A : vector<16xi32>
    %get3A_1522 = arith.constant 0 : index
    %get3A_1523 = tpu.vector_load %arg7[%get3A_1522] {strides = array<i32>} : memref<128xi32, #tpu.memory_space<vmem>>, vector<16xi32>,
    tpu.vector_store_idx %arg5[%add3A_1521, %get3A_1523], %broadcast_in_dim3A_3 : memref<128x256xf32, #tpu.memory_space<vmem>>[vector<16xi32>, vector<16xi32>], vector<16xf32>,
    %get3A_1524 = arith.constant 1024 : index
    %get3A_1525 = tpu.vector_load %arg4[%get3A_1524] {strides = array<i32>} : memref<2048xf32, #tpu.memory_space<vmem>>, vector<16xf32>,
    %add3A_1526 = arith.constant 1.000000e+00 : f32
    %add3A_1527 = vector.broadcast %add3A_1526 : f32 to vector<16xf32>
    %add3A_1528 = arith.addf %get3A_1525, %add3A_1527 : vector<16xf32>
    %mul3A_1529 = arith.constant 1.280000e+02 : f32
    %mul3A_1530 = vector.broadcast %mul3A_1529 : f32 to vector<16xf32>
    %mul3A_1531 = arith.mulf %add3A_1528, %mul3A_1530 : vector<16xf32>
    %convert_element_type3A_1532 = arith.fptosi %mul3A_1531 : vector<16xf32> to vector<16xi32>
    %lt3A_1533 = arith.constant 256 : i32
    %lt3A_1534 = vector.broadcast %lt3A_1533 : i32 to vector<16xi32>
    %lt3A_1535 = arith.cmpi slt, %convert_element_type3A_1532, %lt3A_1534 : vector<16xi32>
    %min3A_1536 = arith.constant 255 : i32
    %min3A_1537 = vector.broadcast %min3A_1536 : i32 to vector<16xi32>
    %min3A_1538 = arith.minsi %convert_element_type3A_1532, %min3A_1537 : vector<16xi32>
    %select_n3A_1539 = arith.select %lt3A_1535, %broadcast_in_dim3A_10, %broadcast_in_dim3A_3 : vector<16xi1>, vector<16xf32>
    tpu.vector_store_idx %arg5[%add3A_1521, %min3A_1538], %select_n3A_1539 : memref<128x256xf32, #tpu.memory_space<vmem>>[vector<16xi32>, vector<16xi32>], vector<16xf32>,
    %swap3A_1540 = arith.constant 0 : index
    %swap3A_1541 = tpu.vector_load %arg7[%swap3A_1540] {strides = array<i32>} : memref<128xi32, #tpu.memory_space<vmem>>, vector<16xi32>,
    tpu.vector_store %arg7[%swap3A_1540], %min3A_1538 {strides = array<i32>} : memref<128xi32, #tpu.memory_space<vmem>>, vector<16xi32>,
    %add3A_1542 = arith.constant 16 : i32
    %add3A_1543 = vector.broadcast %add3A_1542 : i32 to vector<16xi32>
    %add3A_1544 = arith.addi %add3A_1543, %iota3A : vector<16xi32>
    %get3A_1545 = arith.constant 16 : index
    %get3A_1546 = tpu.vector_load %arg7[%get3A_1545] {strides = array<i32>} : memref<128xi32, #tpu.memory_space<vmem>>, vector<16xi32>,
    tpu.vector_store_idx %arg5[%add3A_1544, %get3A_1546], %broadcast_in_dim3A_3 : memref<128x256xf32, #tpu.memory_space<vmem>>[vector<16xi32>, vector<16xi32>], vector<16xf32>,
    %get3A_1547 = arith.constant 1040 : index
    %get3A_1548 = tpu.vector_load %arg4[%get3A_1547] {strides = array<i32>} : memref<2048xf32, #tpu.memory_space<vmem>>, vector<16xf32>,
    %add3A_1549 = arith.constant 1.000000e+00 : f32
    %add3A_1550 = vector.broadcast %add3A_1549 : f32 to vector<16xf32>
    %add3A_1551 = arith.addf %get3A_1548, %add3A_1550 : vector<16xf32>
    %mul3A_1552 = arith.constant 1.280000e+02 : f32
    %mul3A_1553 = vector.broadcast %mul3A_1552 : f32 to vector<16xf32>
    %mul3A_1554 = arith.mulf %add3A_1551, %mul3A_1553 : vector<16xf32>
    %convert_element_type3A_1555 = arith.fptosi %mul3A_1554 : vector<16xf32> to vector<16xi32>
    %lt3A_1556 = arith.constant 256 : i32
    %lt3A_1557 = vector.broadcast %lt3A_1556 : i32 to vector<16xi32>
    %lt3A_1558 = arith.cmpi slt, %convert_element_type3A_1555, %lt3A_1557 : vector<16xi32>
    %min3A_1559 = arith.constant 255 : i32
    %min3A_1560 = vector.broadcast %min3A_1559 : i32 to vector<16xi32>
    %min3A_1561 = arith.minsi %convert_element_type3A_1555, %min3A_1560 : vector<16xi32>
    %select_n3A_1562 = arith.select %lt3A_1558, %broadcast_in_dim3A_10, %broadcast_in_dim3A_3 : vector<16xi1>, vector<16xf32>
    tpu.vector_store_idx %arg5[%add3A_1544, %min3A_1561], %select_n3A_1562 : memref<128x256xf32, #tpu.memory_space<vmem>>[vector<16xi32>, vector<16xi32>], vector<16xf32>,
    %swap3A_1563 = arith.constant 16 : index
    %swap3A_1564 = tpu.vector_load %arg7[%swap3A_1563] {strides = array<i32>} : memref<128xi32, #tpu.memory_space<vmem>>, vector<16xi32>,
    tpu.vector_store %arg7[%swap3A_1563], %min3A_1561 {strides = array<i32>} : memref<128xi32, #tpu.memory_space<vmem>>, vector<16xi32>,
    %add3A_1565 = arith.constant 32 : i32
    %add3A_1566 = vector.broadcast %add3A_1565 : i32 to vector<16xi32>
    %add3A_1567 = arith.addi %add3A_1566, %iota3A : vector<16xi32>
    %get3A_1568 = arith.constant 32 : index
    %get3A_1569 = tpu.vector_load %arg7[%get3A_1568] {strides = array<i32>} : memref<128xi32, #tpu.memory_space<vmem>>, vector<16xi32>,
    tpu.vector_store_idx %arg5[%add3A_1567, %get3A_1569], %broadcast_in_dim3A_3 : memref<128x256xf32, #tpu.memory_space<vmem>>[vector<16xi32>, vector<16xi32>], vector<16xf32>,
    %get3A_1570 = arith.constant 1056 : index
    %get3A_1571 = tpu.vector_load %arg4[%get3A_1570] {strides = array<i32>} : memref<2048xf32, #tpu.memory_space<vmem>>, vector<16xf32>,
    %add3A_1572 = arith.constant 1.000000e+00 : f32
    %add3A_1573 = vector.broadcast %add3A_1572 : f32 to vector<16xf32>
    %add3A_1574 = arith.addf %get3A_1571, %add3A_1573 : vector<16xf32>
    %mul3A_1575 = arith.constant 1.280000e+02 : f32
    %mul3A_1576 = vector.broadcast %mul3A_1575 : f32 to vector<16xf32>
    %mul3A_1577 = arith.mulf %add3A_1574, %mul3A_1576 : vector<16xf32>
    %convert_element_type3A_1578 = arith.fptosi %mul3A_1577 : vector<16xf32> to vector<16xi32>
    %lt3A_1579 = arith.constant 256 : i32
    %lt3A_1580 = vector.broadcast %lt3A_1579 : i32 to vector<16xi32>
    %lt3A_1581 = arith.cmpi slt, %convert_element_type3A_1578, %lt3A_1580 : vector<16xi32>
    %min3A_1582 = arith.constant 255 : i32
    %min3A_1583 = vector.broadcast %min3A_1582 : i32 to vector<16xi32>
    %min3A_1584 = arith.minsi %convert_element_type3A_1578, %min3A_1583 : vector<16xi32>
    %select_n3A_1585 = arith.select %lt3A_1581, %broadcast_in_dim3A_10, %broadcast_in_dim3A_3 : vector<16xi1>, vector<16xf32>
    tpu.vector_store_idx %arg5[%add3A_1567, %min3A_1584], %select_n3A_1585 : memref<128x256xf32, #tpu.memory_space<vmem>>[vector<16xi32>, vector<16xi32>], vector<16xf32>,
    %swap3A_1586 = arith.constant 32 : index
    %swap3A_1587 = tpu.vector_load %arg7[%swap3A_1586] {strides = array<i32>} : memref<128xi32, #tpu.memory_space<vmem>>, vector<16xi32>,
    tpu.vector_store %arg7[%swap3A_1586], %min3A_1584 {strides = array<i32>} : memref<128xi32, #tpu.memory_space<vmem>>, vector<16xi32>,
    %add3A_1588 = arith.constant 48 : i32
    %add3A_1589 = vector.broadcast %add3A_1588 : i32 to vector<16xi32>
    %add3A_1590 = arith.addi %add3A_1589, %iota3A : vector<16xi32>
    %get3A_1591 = arith.constant 48 : index
    %get3A_1592 = tpu.vector_load %arg7[%get3A_1591] {strides = array<i32>} : memref<128xi32, #tpu.memory_space<vmem>>, vector<16xi32>,
    tpu.vector_store_idx %arg5[%add3A_1590, %get3A_1592], %broadcast_in_dim3A_3 : memref<128x256xf32, #tpu.memory_space<vmem>>[vector<16xi32>, vector<16xi32>], vector<16xf32>,
    %get3A_1593 = arith.constant 1072 : index
    %get3A_1594 = tpu.vector_load %arg4[%get3A_1593] {strides = array<i32>} : memref<2048xf32, #tpu.memory_space<vmem>>, vector<16xf32>,
    %add3A_1595 = arith.constant 1.000000e+00 : f32
    %add3A_1596 = vector.broadcast %add3A_1595 : f32 to vector<16xf32>
    %add3A_1597 = arith.addf %get3A_1594, %add3A_1596 : vector<16xf32>
    %mul3A_1598 = arith.constant 1.280000e+02 : f32
    %mul3A_1599 = vector.broadcast %mul3A_1598 : f32 to vector<16xf32>
    %mul3A_1600 = arith.mulf %add3A_1597, %mul3A_1599 : vector<16xf32>
    %convert_element_type3A_1601 = arith.fptosi %mul3A_1600 : vector<16xf32> to vector<16xi32>
    %lt3A_1602 = arith.constant 256 : i32
    %lt3A_1603 = vector.broadcast %lt3A_1602 : i32 to vector<16xi32>
    %lt3A_1604 = arith.cmpi slt, %convert_element_type3A_1601, %lt3A_1603 : vector<16xi32>
    %min3A_1605 = arith.constant 255 : i32
    %min3A_1606 = vector.broadcast %min3A_1605 : i32 to vector<16xi32>
    %min3A_1607 = arith.minsi %convert_element_type3A_1601, %min3A_1606 : vector<16xi32>
    %select_n3A_1608 = arith.select %lt3A_1604, %broadcast_in_dim3A_10, %broadcast_in_dim3A_3 : vector<16xi1>, vector<16xf32>
    tpu.vector_store_idx %arg5[%add3A_1590, %min3A_1607], %select_n3A_1608 : memref<128x256xf32, #tpu.memory_space<vmem>>[vector<16xi32>, vector<16xi32>], vector<16xf32>,
    %swap3A_1609 = arith.constant 48 : index
    %swap3A_1610 = tpu.vector_load %arg7[%swap3A_1609] {strides = array<i32>} : memref<128xi32, #tpu.memory_space<vmem>>, vector<16xi32>,
    tpu.vector_store %arg7[%swap3A_1609], %min3A_1607 {strides = array<i32>} : memref<128xi32, #tpu.memory_space<vmem>>, vector<16xi32>,
    %add3A_1611 = arith.constant 64 : i32
    %add3A_1612 = vector.broadcast %add3A_1611 : i32 to vector<16xi32>
    %add3A_1613 = arith.addi %add3A_1612, %iota3A : vector<16xi32>
    %get3A_1614 = arith.constant 64 : index
    %get3A_1615 = tpu.vector_load %arg7[%get3A_1614] {strides = array<i32>} : memref<128xi32, #tpu.memory_space<vmem>>, vector<16xi32>,
    tpu.vector_store_idx %arg5[%add3A_1613, %get3A_1615], %broadcast_in_dim3A_3 : memref<128x256xf32, #tpu.memory_space<vmem>>[vector<16xi32>, vector<16xi32>], vector<16xf32>,
    %get3A_1616 = arith.constant 1088 : index
    %get3A_1617 = tpu.vector_load %arg4[%get3A_1616] {strides = array<i32>} : memref<2048xf32, #tpu.memory_space<vmem>>, vector<16xf32>,
    %add3A_1618 = arith.constant 1.000000e+00 : f32
    %add3A_1619 = vector.broadcast %add3A_1618 : f32 to vector<16xf32>
    %add3A_1620 = arith.addf %get3A_1617, %add3A_1619 : vector<16xf32>
    %mul3A_1621 = arith.constant 1.280000e+02 : f32
    %mul3A_1622 = vector.broadcast %mul3A_1621 : f32 to vector<16xf32>
    %mul3A_1623 = arith.mulf %add3A_1620, %mul3A_1622 : vector<16xf32>
    %convert_element_type3A_1624 = arith.fptosi %mul3A_1623 : vector<16xf32> to vector<16xi32>
    %lt3A_1625 = arith.constant 256 : i32
    %lt3A_1626 = vector.broadcast %lt3A_1625 : i32 to vector<16xi32>
    %lt3A_1627 = arith.cmpi slt, %convert_element_type3A_1624, %lt3A_1626 : vector<16xi32>
    %min3A_1628 = arith.constant 255 : i32
    %min3A_1629 = vector.broadcast %min3A_1628 : i32 to vector<16xi32>
    %min3A_1630 = arith.minsi %convert_element_type3A_1624, %min3A_1629 : vector<16xi32>
    %select_n3A_1631 = arith.select %lt3A_1627, %broadcast_in_dim3A_10, %broadcast_in_dim3A_3 : vector<16xi1>, vector<16xf32>
    tpu.vector_store_idx %arg5[%add3A_1613, %min3A_1630], %select_n3A_1631 : memref<128x256xf32, #tpu.memory_space<vmem>>[vector<16xi32>, vector<16xi32>], vector<16xf32>,
    %swap3A_1632 = arith.constant 64 : index
    %swap3A_1633 = tpu.vector_load %arg7[%swap3A_1632] {strides = array<i32>} : memref<128xi32, #tpu.memory_space<vmem>>, vector<16xi32>,
    tpu.vector_store %arg7[%swap3A_1632], %min3A_1630 {strides = array<i32>} : memref<128xi32, #tpu.memory_space<vmem>>, vector<16xi32>,
    %add3A_1634 = arith.constant 80 : i32
    %add3A_1635 = vector.broadcast %add3A_1634 : i32 to vector<16xi32>
    %add3A_1636 = arith.addi %add3A_1635, %iota3A : vector<16xi32>
    %get3A_1637 = arith.constant 80 : index
    %get3A_1638 = tpu.vector_load %arg7[%get3A_1637] {strides = array<i32>} : memref<128xi32, #tpu.memory_space<vmem>>, vector<16xi32>,
    tpu.vector_store_idx %arg5[%add3A_1636, %get3A_1638], %broadcast_in_dim3A_3 : memref<128x256xf32, #tpu.memory_space<vmem>>[vector<16xi32>, vector<16xi32>], vector<16xf32>,
    %get3A_1639 = arith.constant 1104 : index
    %get3A_1640 = tpu.vector_load %arg4[%get3A_1639] {strides = array<i32>} : memref<2048xf32, #tpu.memory_space<vmem>>, vector<16xf32>,
    %add3A_1641 = arith.constant 1.000000e+00 : f32
    %add3A_1642 = vector.broadcast %add3A_1641 : f32 to vector<16xf32>
    %add3A_1643 = arith.addf %get3A_1640, %add3A_1642 : vector<16xf32>
    %mul3A_1644 = arith.constant 1.280000e+02 : f32
    %mul3A_1645 = vector.broadcast %mul3A_1644 : f32 to vector<16xf32>
    %mul3A_1646 = arith.mulf %add3A_1643, %mul3A_1645 : vector<16xf32>
    %convert_element_type3A_1647 = arith.fptosi %mul3A_1646 : vector<16xf32> to vector<16xi32>
    %lt3A_1648 = arith.constant 256 : i32
    %lt3A_1649 = vector.broadcast %lt3A_1648 : i32 to vector<16xi32>
    %lt3A_1650 = arith.cmpi slt, %convert_element_type3A_1647, %lt3A_1649 : vector<16xi32>
    %min3A_1651 = arith.constant 255 : i32
    %min3A_1652 = vector.broadcast %min3A_1651 : i32 to vector<16xi32>
    %min3A_1653 = arith.minsi %convert_element_type3A_1647, %min3A_1652 : vector<16xi32>
    %select_n3A_1654 = arith.select %lt3A_1650, %broadcast_in_dim3A_10, %broadcast_in_dim3A_3 : vector<16xi1>, vector<16xf32>
    tpu.vector_store_idx %arg5[%add3A_1636, %min3A_1653], %select_n3A_1654 : memref<128x256xf32, #tpu.memory_space<vmem>>[vector<16xi32>, vector<16xi32>], vector<16xf32>,
    %swap3A_1655 = arith.constant 80 : index
    %swap3A_1656 = tpu.vector_load %arg7[%swap3A_1655] {strides = array<i32>} : memref<128xi32, #tpu.memory_space<vmem>>, vector<16xi32>,
    tpu.vector_store %arg7[%swap3A_1655], %min3A_1653 {strides = array<i32>} : memref<128xi32, #tpu.memory_space<vmem>>, vector<16xi32>,
    %add3A_1657 = arith.constant 96 : i32
    %add3A_1658 = vector.broadcast %add3A_1657 : i32 to vector<16xi32>
    %add3A_1659 = arith.addi %add3A_1658, %iota3A : vector<16xi32>
    %get3A_1660 = arith.constant 96 : index
    %get3A_1661 = tpu.vector_load %arg7[%get3A_1660] {strides = array<i32>} : memref<128xi32, #tpu.memory_space<vmem>>, vector<16xi32>,
    tpu.vector_store_idx %arg5[%add3A_1659, %get3A_1661], %broadcast_in_dim3A_3 : memref<128x256xf32, #tpu.memory_space<vmem>>[vector<16xi32>, vector<16xi32>], vector<16xf32>,
    %get3A_1662 = arith.constant 1120 : index
    %get3A_1663 = tpu.vector_load %arg4[%get3A_1662] {strides = array<i32>} : memref<2048xf32, #tpu.memory_space<vmem>>, vector<16xf32>,
    %add3A_1664 = arith.constant 1.000000e+00 : f32
    %add3A_1665 = vector.broadcast %add3A_1664 : f32 to vector<16xf32>
    %add3A_1666 = arith.addf %get3A_1663, %add3A_1665 : vector<16xf32>
    %mul3A_1667 = arith.constant 1.280000e+02 : f32
    %mul3A_1668 = vector.broadcast %mul3A_1667 : f32 to vector<16xf32>
    %mul3A_1669 = arith.mulf %add3A_1666, %mul3A_1668 : vector<16xf32>
    %convert_element_type3A_1670 = arith.fptosi %mul3A_1669 : vector<16xf32> to vector<16xi32>
    %lt3A_1671 = arith.constant 256 : i32
    %lt3A_1672 = vector.broadcast %lt3A_1671 : i32 to vector<16xi32>
    %lt3A_1673 = arith.cmpi slt, %convert_element_type3A_1670, %lt3A_1672 : vector<16xi32>
    %min3A_1674 = arith.constant 255 : i32
    %min3A_1675 = vector.broadcast %min3A_1674 : i32 to vector<16xi32>
    %min3A_1676 = arith.minsi %convert_element_type3A_1670, %min3A_1675 : vector<16xi32>
    %select_n3A_1677 = arith.select %lt3A_1673, %broadcast_in_dim3A_10, %broadcast_in_dim3A_3 : vector<16xi1>, vector<16xf32>
    tpu.vector_store_idx %arg5[%add3A_1659, %min3A_1676], %select_n3A_1677 : memref<128x256xf32, #tpu.memory_space<vmem>>[vector<16xi32>, vector<16xi32>], vector<16xf32>,
    %swap3A_1678 = arith.constant 96 : index
    %swap3A_1679 = tpu.vector_load %arg7[%swap3A_1678] {strides = array<i32>} : memref<128xi32, #tpu.memory_space<vmem>>, vector<16xi32>,
    tpu.vector_store %arg7[%swap3A_1678], %min3A_1676 {strides = array<i32>} : memref<128xi32, #tpu.memory_space<vmem>>, vector<16xi32>,
    %add3A_1680 = arith.constant 112 : i32
    %add3A_1681 = vector.broadcast %add3A_1680 : i32 to vector<16xi32>
    %add3A_1682 = arith.addi %add3A_1681, %iota3A : vector<16xi32>
    %get3A_1683 = arith.constant 112 : index
    %get3A_1684 = tpu.vector_load %arg7[%get3A_1683] {strides = array<i32>} : memref<128xi32, #tpu.memory_space<vmem>>, vector<16xi32>,
    tpu.vector_store_idx %arg5[%add3A_1682, %get3A_1684], %broadcast_in_dim3A_3 : memref<128x256xf32, #tpu.memory_space<vmem>>[vector<16xi32>, vector<16xi32>], vector<16xf32>,
    %get3A_1685 = arith.constant 1136 : index
    %get3A_1686 = tpu.vector_load %arg4[%get3A_1685] {strides = array<i32>} : memref<2048xf32, #tpu.memory_space<vmem>>, vector<16xf32>,
    %add3A_1687 = arith.constant 1.000000e+00 : f32
    %add3A_1688 = vector.broadcast %add3A_1687 : f32 to vector<16xf32>
    %add3A_1689 = arith.addf %get3A_1686, %add3A_1688 : vector<16xf32>
    %mul3A_1690 = arith.constant 1.280000e+02 : f32
    %mul3A_1691 = vector.broadcast %mul3A_1690 : f32 to vector<16xf32>
    %mul3A_1692 = arith.mulf %add3A_1689, %mul3A_1691 : vector<16xf32>
    %convert_element_type3A_1693 = arith.fptosi %mul3A_1692 : vector<16xf32> to vector<16xi32>
    %lt3A_1694 = arith.constant 256 : i32
    %lt3A_1695 = vector.broadcast %lt3A_1694 : i32 to vector<16xi32>
    %lt3A_1696 = arith.cmpi slt, %convert_element_type3A_1693, %lt3A_1695 : vector<16xi32>
    %min3A_1697 = arith.constant 255 : i32
    %min3A_1698 = vector.broadcast %min3A_1697 : i32 to vector<16xi32>
    %min3A_1699 = arith.minsi %convert_element_type3A_1693, %min3A_1698 : vector<16xi32>
    %select_n3A_1700 = arith.select %lt3A_1696, %broadcast_in_dim3A_10, %broadcast_in_dim3A_3 : vector<16xi1>, vector<16xf32>
    tpu.vector_store_idx %arg5[%add3A_1682, %min3A_1699], %select_n3A_1700 : memref<128x256xf32, #tpu.memory_space<vmem>>[vector<16xi32>, vector<16xi32>], vector<16xf32>,
    %swap3A_1701 = arith.constant 112 : index
    %swap3A_1702 = tpu.vector_load %arg7[%swap3A_1701] {strides = array<i32>} : memref<128xi32, #tpu.memory_space<vmem>>, vector<16xi32>,
    tpu.vector_store %arg7[%swap3A_1701], %min3A_1699 {strides = array<i32>} : memref<128xi32, #tpu.memory_space<vmem>>, vector<16xi32>,
    %add3A_1703 = arith.constant 1024 : i32
    %add3A_1704 = arith.addi %mul3A_2, %add3A_1703 : i32
    %dma_start3A_1705 = arith.constant 0 : i32
    %dma_start3A_1706 = tpu.memref_slice %arg3[%add3A_1704, %dma_start3A_1705] : memref<65536x256xf32, #tpu.memory_space<hbm>> -> memref<128x256xf32, #tpu.memory_space<hbm>>
    %dma_start3A_1707 = arith.constant 0 : i32
    %dma_start3A_1708 = tpu.memref_slice %arg3[%add3A_1704, %dma_start3A_1707] : memref<65536x256xf32, #tpu.memory_space<hbm>> -> memref<128x256xf32, #tpu.memory_space<hbm>>
    tpu.enqueue_dma source(%arg5 : memref<128x256xf32, #tpu.memory_space<vmem>>) target(%dma_start3A_1708 : memref<128x256xf32, #tpu.memory_space<hbm>>) target_semaphore(%arg9 : memref<!tpu.dma_semaphore, #tpu.memory_space<semaphore_mem>>)
    %dma_wait3A_1709 = arith.constant 0 : i32
    %dma_wait3A_1710 = tpu.memref_slice %arg3[%add3A_1510, %dma_wait3A_1709] : memref<65536x256xf32, #tpu.memory_space<hbm>> -> memref<128x256xf32, #tpu.memory_space<hbm>>
    %dma_wait3A_1711 = arith.constant 0 : i32
    %dma_wait3A_1712 = tpu.memref_slice %arg3[%add3A_1510, %dma_wait3A_1711] : memref<65536x256xf32, #tpu.memory_space<hbm>> -> memref<128x256xf32, #tpu.memory_space<hbm>>
    tpu.wait_dma2 semaphore(%arg10 : memref<!tpu.dma_semaphore, #tpu.memory_space<semaphore_mem>>) src(%arg6 : memref<128x256xf32, #tpu.memory_space<vmem>>) dst(%dma_wait3A_1712 : memref<128x256xf32, #tpu.memory_space<hbm>>)
    %add3A_1713 = arith.constant 0 : i32
    %add3A_1714 = vector.broadcast %add3A_1713 : i32 to vector<16xi32>
    %add3A_1715 = arith.addi %add3A_1714, %iota3A : vector<16xi32>
    %get3A_1716 = arith.constant 0 : index
    %get3A_1717 = tpu.vector_load %arg8[%get3A_1716] {strides = array<i32>} : memref<128xi32, #tpu.memory_space<vmem>>, vector<16xi32>,
    tpu.vector_store_idx %arg6[%add3A_1715, %get3A_1717], %broadcast_in_dim3A_3 : memref<128x256xf32, #tpu.memory_space<vmem>>[vector<16xi32>, vector<16xi32>], vector<16xf32>,
    %get3A_1718 = arith.constant 1152 : index
    %get3A_1719 = tpu.vector_load %arg4[%get3A_1718] {strides = array<i32>} : memref<2048xf32, #tpu.memory_space<vmem>>, vector<16xf32>,
    %add3A_1720 = arith.constant 1.000000e+00 : f32
    %add3A_1721 = vector.broadcast %add3A_1720 : f32 to vector<16xf32>
    %add3A_1722 = arith.addf %get3A_1719, %add3A_1721 : vector<16xf32>
    %mul3A_1723 = arith.constant 1.280000e+02 : f32
    %mul3A_1724 = vector.broadcast %mul3A_1723 : f32 to vector<16xf32>
    %mul3A_1725 = arith.mulf %add3A_1722, %mul3A_1724 : vector<16xf32>
    %convert_element_type3A_1726 = arith.fptosi %mul3A_1725 : vector<16xf32> to vector<16xi32>
    %lt3A_1727 = arith.constant 256 : i32
    %lt3A_1728 = vector.broadcast %lt3A_1727 : i32 to vector<16xi32>
    %lt3A_1729 = arith.cmpi slt, %convert_element_type3A_1726, %lt3A_1728 : vector<16xi32>
    %min3A_1730 = arith.constant 255 : i32
    %min3A_1731 = vector.broadcast %min3A_1730 : i32 to vector<16xi32>
    %min3A_1732 = arith.minsi %convert_element_type3A_1726, %min3A_1731 : vector<16xi32>
    %select_n3A_1733 = arith.select %lt3A_1729, %broadcast_in_dim3A_10, %broadcast_in_dim3A_3 : vector<16xi1>, vector<16xf32>
    tpu.vector_store_idx %arg6[%add3A_1715, %min3A_1732], %select_n3A_1733 : memref<128x256xf32, #tpu.memory_space<vmem>>[vector<16xi32>, vector<16xi32>], vector<16xf32>,
    %swap3A_1734 = arith.constant 0 : index
    %swap3A_1735 = tpu.vector_load %arg8[%swap3A_1734] {strides = array<i32>} : memref<128xi32, #tpu.memory_space<vmem>>, vector<16xi32>,
    tpu.vector_store %arg8[%swap3A_1734], %min3A_1732 {strides = array<i32>} : memref<128xi32, #tpu.memory_space<vmem>>, vector<16xi32>,
    %add3A_1736 = arith.constant 16 : i32
    %add3A_1737 = vector.broadcast %add3A_1736 : i32 to vector<16xi32>
    %add3A_1738 = arith.addi %add3A_1737, %iota3A : vector<16xi32>
    %get3A_1739 = arith.constant 16 : index
    %get3A_1740 = tpu.vector_load %arg8[%get3A_1739] {strides = array<i32>} : memref<128xi32, #tpu.memory_space<vmem>>, vector<16xi32>,
    tpu.vector_store_idx %arg6[%add3A_1738, %get3A_1740], %broadcast_in_dim3A_3 : memref<128x256xf32, #tpu.memory_space<vmem>>[vector<16xi32>, vector<16xi32>], vector<16xf32>,
    %get3A_1741 = arith.constant 1168 : index
    %get3A_1742 = tpu.vector_load %arg4[%get3A_1741] {strides = array<i32>} : memref<2048xf32, #tpu.memory_space<vmem>>, vector<16xf32>,
    %add3A_1743 = arith.constant 1.000000e+00 : f32
    %add3A_1744 = vector.broadcast %add3A_1743 : f32 to vector<16xf32>
    %add3A_1745 = arith.addf %get3A_1742, %add3A_1744 : vector<16xf32>
    %mul3A_1746 = arith.constant 1.280000e+02 : f32
    %mul3A_1747 = vector.broadcast %mul3A_1746 : f32 to vector<16xf32>
    %mul3A_1748 = arith.mulf %add3A_1745, %mul3A_1747 : vector<16xf32>
    %convert_element_type3A_1749 = arith.fptosi %mul3A_1748 : vector<16xf32> to vector<16xi32>
    %lt3A_1750 = arith.constant 256 : i32
    %lt3A_1751 = vector.broadcast %lt3A_1750 : i32 to vector<16xi32>
    %lt3A_1752 = arith.cmpi slt, %convert_element_type3A_1749, %lt3A_1751 : vector<16xi32>
    %min3A_1753 = arith.constant 255 : i32
    %min3A_1754 = vector.broadcast %min3A_1753 : i32 to vector<16xi32>
    %min3A_1755 = arith.minsi %convert_element_type3A_1749, %min3A_1754 : vector<16xi32>
    %select_n3A_1756 = arith.select %lt3A_1752, %broadcast_in_dim3A_10, %broadcast_in_dim3A_3 : vector<16xi1>, vector<16xf32>
    tpu.vector_store_idx %arg6[%add3A_1738, %min3A_1755], %select_n3A_1756 : memref<128x256xf32, #tpu.memory_space<vmem>>[vector<16xi32>, vector<16xi32>], vector<16xf32>,
    %swap3A_1757 = arith.constant 16 : index
    %swap3A_1758 = tpu.vector_load %arg8[%swap3A_1757] {strides = array<i32>} : memref<128xi32, #tpu.memory_space<vmem>>, vector<16xi32>,
    tpu.vector_store %arg8[%swap3A_1757], %min3A_1755 {strides = array<i32>} : memref<128xi32, #tpu.memory_space<vmem>>, vector<16xi32>,
    %add3A_1759 = arith.constant 32 : i32
    %add3A_1760 = vector.broadcast %add3A_1759 : i32 to vector<16xi32>
    %add3A_1761 = arith.addi %add3A_1760, %iota3A : vector<16xi32>
    %get3A_1762 = arith.constant 32 : index
    %get3A_1763 = tpu.vector_load %arg8[%get3A_1762] {strides = array<i32>} : memref<128xi32, #tpu.memory_space<vmem>>, vector<16xi32>,
    tpu.vector_store_idx %arg6[%add3A_1761, %get3A_1763], %broadcast_in_dim3A_3 : memref<128x256xf32, #tpu.memory_space<vmem>>[vector<16xi32>, vector<16xi32>], vector<16xf32>,
    %get3A_1764 = arith.constant 1184 : index
    %get3A_1765 = tpu.vector_load %arg4[%get3A_1764] {strides = array<i32>} : memref<2048xf32, #tpu.memory_space<vmem>>, vector<16xf32>,
    %add3A_1766 = arith.constant 1.000000e+00 : f32
    %add3A_1767 = vector.broadcast %add3A_1766 : f32 to vector<16xf32>
    %add3A_1768 = arith.addf %get3A_1765, %add3A_1767 : vector<16xf32>
    %mul3A_1769 = arith.constant 1.280000e+02 : f32
    %mul3A_1770 = vector.broadcast %mul3A_1769 : f32 to vector<16xf32>
    %mul3A_1771 = arith.mulf %add3A_1768, %mul3A_1770 : vector<16xf32>
    %convert_element_type3A_1772 = arith.fptosi %mul3A_1771 : vector<16xf32> to vector<16xi32>
    %lt3A_1773 = arith.constant 256 : i32
    %lt3A_1774 = vector.broadcast %lt3A_1773 : i32 to vector<16xi32>
    %lt3A_1775 = arith.cmpi slt, %convert_element_type3A_1772, %lt3A_1774 : vector<16xi32>
    %min3A_1776 = arith.constant 255 : i32
    %min3A_1777 = vector.broadcast %min3A_1776 : i32 to vector<16xi32>
    %min3A_1778 = arith.minsi %convert_element_type3A_1772, %min3A_1777 : vector<16xi32>
    %select_n3A_1779 = arith.select %lt3A_1775, %broadcast_in_dim3A_10, %broadcast_in_dim3A_3 : vector<16xi1>, vector<16xf32>
    tpu.vector_store_idx %arg6[%add3A_1761, %min3A_1778], %select_n3A_1779 : memref<128x256xf32, #tpu.memory_space<vmem>>[vector<16xi32>, vector<16xi32>], vector<16xf32>,
    %swap3A_1780 = arith.constant 32 : index
    %swap3A_1781 = tpu.vector_load %arg8[%swap3A_1780] {strides = array<i32>} : memref<128xi32, #tpu.memory_space<vmem>>, vector<16xi32>,
    tpu.vector_store %arg8[%swap3A_1780], %min3A_1778 {strides = array<i32>} : memref<128xi32, #tpu.memory_space<vmem>>, vector<16xi32>,
    %add3A_1782 = arith.constant 48 : i32
    %add3A_1783 = vector.broadcast %add3A_1782 : i32 to vector<16xi32>
    %add3A_1784 = arith.addi %add3A_1783, %iota3A : vector<16xi32>
    %get3A_1785 = arith.constant 48 : index
    %get3A_1786 = tpu.vector_load %arg8[%get3A_1785] {strides = array<i32>} : memref<128xi32, #tpu.memory_space<vmem>>, vector<16xi32>,
    tpu.vector_store_idx %arg6[%add3A_1784, %get3A_1786], %broadcast_in_dim3A_3 : memref<128x256xf32, #tpu.memory_space<vmem>>[vector<16xi32>, vector<16xi32>], vector<16xf32>,
    %get3A_1787 = arith.constant 1200 : index
    %get3A_1788 = tpu.vector_load %arg4[%get3A_1787] {strides = array<i32>} : memref<2048xf32, #tpu.memory_space<vmem>>, vector<16xf32>,
    %add3A_1789 = arith.constant 1.000000e+00 : f32
    %add3A_1790 = vector.broadcast %add3A_1789 : f32 to vector<16xf32>
    %add3A_1791 = arith.addf %get3A_1788, %add3A_1790 : vector<16xf32>
    %mul3A_1792 = arith.constant 1.280000e+02 : f32
    %mul3A_1793 = vector.broadcast %mul3A_1792 : f32 to vector<16xf32>
    %mul3A_1794 = arith.mulf %add3A_1791, %mul3A_1793 : vector<16xf32>
    %convert_element_type3A_1795 = arith.fptosi %mul3A_1794 : vector<16xf32> to vector<16xi32>
    %lt3A_1796 = arith.constant 256 : i32
    %lt3A_1797 = vector.broadcast %lt3A_1796 : i32 to vector<16xi32>
    %lt3A_1798 = arith.cmpi slt, %convert_element_type3A_1795, %lt3A_1797 : vector<16xi32>
    %min3A_1799 = arith.constant 255 : i32
    %min3A_1800 = vector.broadcast %min3A_1799 : i32 to vector<16xi32>
    %min3A_1801 = arith.minsi %convert_element_type3A_1795, %min3A_1800 : vector<16xi32>
    %select_n3A_1802 = arith.select %lt3A_1798, %broadcast_in_dim3A_10, %broadcast_in_dim3A_3 : vector<16xi1>, vector<16xf32>
    tpu.vector_store_idx %arg6[%add3A_1784, %min3A_1801], %select_n3A_1802 : memref<128x256xf32, #tpu.memory_space<vmem>>[vector<16xi32>, vector<16xi32>], vector<16xf32>,
    %swap3A_1803 = arith.constant 48 : index
    %swap3A_1804 = tpu.vector_load %arg8[%swap3A_1803] {strides = array<i32>} : memref<128xi32, #tpu.memory_space<vmem>>, vector<16xi32>,
    tpu.vector_store %arg8[%swap3A_1803], %min3A_1801 {strides = array<i32>} : memref<128xi32, #tpu.memory_space<vmem>>, vector<16xi32>,
    %add3A_1805 = arith.constant 64 : i32
    %add3A_1806 = vector.broadcast %add3A_1805 : i32 to vector<16xi32>
    %add3A_1807 = arith.addi %add3A_1806, %iota3A : vector<16xi32>
    %get3A_1808 = arith.constant 64 : index
    %get3A_1809 = tpu.vector_load %arg8[%get3A_1808] {strides = array<i32>} : memref<128xi32, #tpu.memory_space<vmem>>, vector<16xi32>,
    tpu.vector_store_idx %arg6[%add3A_1807, %get3A_1809], %broadcast_in_dim3A_3 : memref<128x256xf32, #tpu.memory_space<vmem>>[vector<16xi32>, vector<16xi32>], vector<16xf32>,
    %get3A_1810 = arith.constant 1216 : index
    %get3A_1811 = tpu.vector_load %arg4[%get3A_1810] {strides = array<i32>} : memref<2048xf32, #tpu.memory_space<vmem>>, vector<16xf32>,
    %add3A_1812 = arith.constant 1.000000e+00 : f32
    %add3A_1813 = vector.broadcast %add3A_1812 : f32 to vector<16xf32>
    %add3A_1814 = arith.addf %get3A_1811, %add3A_1813 : vector<16xf32>
    %mul3A_1815 = arith.constant 1.280000e+02 : f32
    %mul3A_1816 = vector.broadcast %mul3A_1815 : f32 to vector<16xf32>
    %mul3A_1817 = arith.mulf %add3A_1814, %mul3A_1816 : vector<16xf32>
    %convert_element_type3A_1818 = arith.fptosi %mul3A_1817 : vector<16xf32> to vector<16xi32>
    %lt3A_1819 = arith.constant 256 : i32
    %lt3A_1820 = vector.broadcast %lt3A_1819 : i32 to vector<16xi32>
    %lt3A_1821 = arith.cmpi slt, %convert_element_type3A_1818, %lt3A_1820 : vector<16xi32>
    %min3A_1822 = arith.constant 255 : i32
    %min3A_1823 = vector.broadcast %min3A_1822 : i32 to vector<16xi32>
    %min3A_1824 = arith.minsi %convert_element_type3A_1818, %min3A_1823 : vector<16xi32>
    %select_n3A_1825 = arith.select %lt3A_1821, %broadcast_in_dim3A_10, %broadcast_in_dim3A_3 : vector<16xi1>, vector<16xf32>
    tpu.vector_store_idx %arg6[%add3A_1807, %min3A_1824], %select_n3A_1825 : memref<128x256xf32, #tpu.memory_space<vmem>>[vector<16xi32>, vector<16xi32>], vector<16xf32>,
    %swap3A_1826 = arith.constant 64 : index
    %swap3A_1827 = tpu.vector_load %arg8[%swap3A_1826] {strides = array<i32>} : memref<128xi32, #tpu.memory_space<vmem>>, vector<16xi32>,
    tpu.vector_store %arg8[%swap3A_1826], %min3A_1824 {strides = array<i32>} : memref<128xi32, #tpu.memory_space<vmem>>, vector<16xi32>,
    %add3A_1828 = arith.constant 80 : i32
    %add3A_1829 = vector.broadcast %add3A_1828 : i32 to vector<16xi32>
    %add3A_1830 = arith.addi %add3A_1829, %iota3A : vector<16xi32>
    %get3A_1831 = arith.constant 80 : index
    %get3A_1832 = tpu.vector_load %arg8[%get3A_1831] {strides = array<i32>} : memref<128xi32, #tpu.memory_space<vmem>>, vector<16xi32>,
    tpu.vector_store_idx %arg6[%add3A_1830, %get3A_1832], %broadcast_in_dim3A_3 : memref<128x256xf32, #tpu.memory_space<vmem>>[vector<16xi32>, vector<16xi32>], vector<16xf32>,
    %get3A_1833 = arith.constant 1232 : index
    %get3A_1834 = tpu.vector_load %arg4[%get3A_1833] {strides = array<i32>} : memref<2048xf32, #tpu.memory_space<vmem>>, vector<16xf32>,
    %add3A_1835 = arith.constant 1.000000e+00 : f32
    %add3A_1836 = vector.broadcast %add3A_1835 : f32 to vector<16xf32>
    %add3A_1837 = arith.addf %get3A_1834, %add3A_1836 : vector<16xf32>
    %mul3A_1838 = arith.constant 1.280000e+02 : f32
    %mul3A_1839 = vector.broadcast %mul3A_1838 : f32 to vector<16xf32>
    %mul3A_1840 = arith.mulf %add3A_1837, %mul3A_1839 : vector<16xf32>
    %convert_element_type3A_1841 = arith.fptosi %mul3A_1840 : vector<16xf32> to vector<16xi32>
    %lt3A_1842 = arith.constant 256 : i32
    %lt3A_1843 = vector.broadcast %lt3A_1842 : i32 to vector<16xi32>
    %lt3A_1844 = arith.cmpi slt, %convert_element_type3A_1841, %lt3A_1843 : vector<16xi32>
    %min3A_1845 = arith.constant 255 : i32
    %min3A_1846 = vector.broadcast %min3A_1845 : i32 to vector<16xi32>
    %min3A_1847 = arith.minsi %convert_element_type3A_1841, %min3A_1846 : vector<16xi32>
    %select_n3A_1848 = arith.select %lt3A_1844, %broadcast_in_dim3A_10, %broadcast_in_dim3A_3 : vector<16xi1>, vector<16xf32>
    tpu.vector_store_idx %arg6[%add3A_1830, %min3A_1847], %select_n3A_1848 : memref<128x256xf32, #tpu.memory_space<vmem>>[vector<16xi32>, vector<16xi32>], vector<16xf32>,
    %swap3A_1849 = arith.constant 80 : index
    %swap3A_1850 = tpu.vector_load %arg8[%swap3A_1849] {strides = array<i32>} : memref<128xi32, #tpu.memory_space<vmem>>, vector<16xi32>,
    tpu.vector_store %arg8[%swap3A_1849], %min3A_1847 {strides = array<i32>} : memref<128xi32, #tpu.memory_space<vmem>>, vector<16xi32>,
    %add3A_1851 = arith.constant 96 : i32
    %add3A_1852 = vector.broadcast %add3A_1851 : i32 to vector<16xi32>
    %add3A_1853 = arith.addi %add3A_1852, %iota3A : vector<16xi32>
    %get3A_1854 = arith.constant 96 : index
    %get3A_1855 = tpu.vector_load %arg8[%get3A_1854] {strides = array<i32>} : memref<128xi32, #tpu.memory_space<vmem>>, vector<16xi32>,
    tpu.vector_store_idx %arg6[%add3A_1853, %get3A_1855], %broadcast_in_dim3A_3 : memref<128x256xf32, #tpu.memory_space<vmem>>[vector<16xi32>, vector<16xi32>], vector<16xf32>,
    %get3A_1856 = arith.constant 1248 : index
    %get3A_1857 = tpu.vector_load %arg4[%get3A_1856] {strides = array<i32>} : memref<2048xf32, #tpu.memory_space<vmem>>, vector<16xf32>,
    %add3A_1858 = arith.constant 1.000000e+00 : f32
    %add3A_1859 = vector.broadcast %add3A_1858 : f32 to vector<16xf32>
    %add3A_1860 = arith.addf %get3A_1857, %add3A_1859 : vector<16xf32>
    %mul3A_1861 = arith.constant 1.280000e+02 : f32
    %mul3A_1862 = vector.broadcast %mul3A_1861 : f32 to vector<16xf32>
    %mul3A_1863 = arith.mulf %add3A_1860, %mul3A_1862 : vector<16xf32>
    %convert_element_type3A_1864 = arith.fptosi %mul3A_1863 : vector<16xf32> to vector<16xi32>
    %lt3A_1865 = arith.constant 256 : i32
    %lt3A_1866 = vector.broadcast %lt3A_1865 : i32 to vector<16xi32>
    %lt3A_1867 = arith.cmpi slt, %convert_element_type3A_1864, %lt3A_1866 : vector<16xi32>
    %min3A_1868 = arith.constant 255 : i32
    %min3A_1869 = vector.broadcast %min3A_1868 : i32 to vector<16xi32>
    %min3A_1870 = arith.minsi %convert_element_type3A_1864, %min3A_1869 : vector<16xi32>
    %select_n3A_1871 = arith.select %lt3A_1867, %broadcast_in_dim3A_10, %broadcast_in_dim3A_3 : vector<16xi1>, vector<16xf32>
    tpu.vector_store_idx %arg6[%add3A_1853, %min3A_1870], %select_n3A_1871 : memref<128x256xf32, #tpu.memory_space<vmem>>[vector<16xi32>, vector<16xi32>], vector<16xf32>,
    %swap3A_1872 = arith.constant 96 : index
    %swap3A_1873 = tpu.vector_load %arg8[%swap3A_1872] {strides = array<i32>} : memref<128xi32, #tpu.memory_space<vmem>>, vector<16xi32>,
    tpu.vector_store %arg8[%swap3A_1872], %min3A_1870 {strides = array<i32>} : memref<128xi32, #tpu.memory_space<vmem>>, vector<16xi32>,
    %add3A_1874 = arith.constant 112 : i32
    %add3A_1875 = vector.broadcast %add3A_1874 : i32 to vector<16xi32>
    %add3A_1876 = arith.addi %add3A_1875, %iota3A : vector<16xi32>
    %get3A_1877 = arith.constant 112 : index
    %get3A_1878 = tpu.vector_load %arg8[%get3A_1877] {strides = array<i32>} : memref<128xi32, #tpu.memory_space<vmem>>, vector<16xi32>,
    tpu.vector_store_idx %arg6[%add3A_1876, %get3A_1878], %broadcast_in_dim3A_3 : memref<128x256xf32, #tpu.memory_space<vmem>>[vector<16xi32>, vector<16xi32>], vector<16xf32>,
    %get3A_1879 = arith.constant 1264 : index
    %get3A_1880 = tpu.vector_load %arg4[%get3A_1879] {strides = array<i32>} : memref<2048xf32, #tpu.memory_space<vmem>>, vector<16xf32>,
    %add3A_1881 = arith.constant 1.000000e+00 : f32
    %add3A_1882 = vector.broadcast %add3A_1881 : f32 to vector<16xf32>
    %add3A_1883 = arith.addf %get3A_1880, %add3A_1882 : vector<16xf32>
    %mul3A_1884 = arith.constant 1.280000e+02 : f32
    %mul3A_1885 = vector.broadcast %mul3A_1884 : f32 to vector<16xf32>
    %mul3A_1886 = arith.mulf %add3A_1883, %mul3A_1885 : vector<16xf32>
    %convert_element_type3A_1887 = arith.fptosi %mul3A_1886 : vector<16xf32> to vector<16xi32>
    %lt3A_1888 = arith.constant 256 : i32
    %lt3A_1889 = vector.broadcast %lt3A_1888 : i32 to vector<16xi32>
    %lt3A_1890 = arith.cmpi slt, %convert_element_type3A_1887, %lt3A_1889 : vector<16xi32>
    %min3A_1891 = arith.constant 255 : i32
    %min3A_1892 = vector.broadcast %min3A_1891 : i32 to vector<16xi32>
    %min3A_1893 = arith.minsi %convert_element_type3A_1887, %min3A_1892 : vector<16xi32>
    %select_n3A_1894 = arith.select %lt3A_1890, %broadcast_in_dim3A_10, %broadcast_in_dim3A_3 : vector<16xi1>, vector<16xf32>
    tpu.vector_store_idx %arg6[%add3A_1876, %min3A_1893], %select_n3A_1894 : memref<128x256xf32, #tpu.memory_space<vmem>>[vector<16xi32>, vector<16xi32>], vector<16xf32>,
    %swap3A_1895 = arith.constant 112 : index
    %swap3A_1896 = tpu.vector_load %arg8[%swap3A_1895] {strides = array<i32>} : memref<128xi32, #tpu.memory_space<vmem>>, vector<16xi32>,
    tpu.vector_store %arg8[%swap3A_1895], %min3A_1893 {strides = array<i32>} : memref<128xi32, #tpu.memory_space<vmem>>, vector<16xi32>,
    %add3A_1897 = arith.constant 1152 : i32
    %add3A_1898 = arith.addi %mul3A_2, %add3A_1897 : i32
    %dma_start3A_1899 = arith.constant 0 : i32
    %dma_start3A_1900 = tpu.memref_slice %arg3[%add3A_1898, %dma_start3A_1899] : memref<65536x256xf32, #tpu.memory_space<hbm>> -> memref<128x256xf32, #tpu.memory_space<hbm>>
    %dma_start3A_1901 = arith.constant 0 : i32
    %dma_start3A_1902 = tpu.memref_slice %arg3[%add3A_1898, %dma_start3A_1901] : memref<65536x256xf32, #tpu.memory_space<hbm>> -> memref<128x256xf32, #tpu.memory_space<hbm>>
    tpu.enqueue_dma source(%arg6 : memref<128x256xf32, #tpu.memory_space<vmem>>) target(%dma_start3A_1902 : memref<128x256xf32, #tpu.memory_space<hbm>>) target_semaphore(%arg10 : memref<!tpu.dma_semaphore, #tpu.memory_space<semaphore_mem>>)
    %dma_wait3A_1903 = arith.constant 0 : i32
    %dma_wait3A_1904 = tpu.memref_slice %arg3[%add3A_1704, %dma_wait3A_1903] : memref<65536x256xf32, #tpu.memory_space<hbm>> -> memref<128x256xf32, #tpu.memory_space<hbm>>
    %dma_wait3A_1905 = arith.constant 0 : i32
    %dma_wait3A_1906 = tpu.memref_slice %arg3[%add3A_1704, %dma_wait3A_1905] : memref<65536x256xf32, #tpu.memory_space<hbm>> -> memref<128x256xf32, #tpu.memory_space<hbm>>
    tpu.wait_dma2 semaphore(%arg9 : memref<!tpu.dma_semaphore, #tpu.memory_space<semaphore_mem>>) src(%arg5 : memref<128x256xf32, #tpu.memory_space<vmem>>) dst(%dma_wait3A_1906 : memref<128x256xf32, #tpu.memory_space<hbm>>)
    %add3A_1907 = arith.constant 0 : i32
    %add3A_1908 = vector.broadcast %add3A_1907 : i32 to vector<16xi32>
    %add3A_1909 = arith.addi %add3A_1908, %iota3A : vector<16xi32>
    %get3A_1910 = arith.constant 0 : index
    %get3A_1911 = tpu.vector_load %arg7[%get3A_1910] {strides = array<i32>} : memref<128xi32, #tpu.memory_space<vmem>>, vector<16xi32>,
    tpu.vector_store_idx %arg5[%add3A_1909, %get3A_1911], %broadcast_in_dim3A_3 : memref<128x256xf32, #tpu.memory_space<vmem>>[vector<16xi32>, vector<16xi32>], vector<16xf32>,
    %get3A_1912 = arith.constant 1280 : index
    %get3A_1913 = tpu.vector_load %arg4[%get3A_1912] {strides = array<i32>} : memref<2048xf32, #tpu.memory_space<vmem>>, vector<16xf32>,
    %add3A_1914 = arith.constant 1.000000e+00 : f32
    %add3A_1915 = vector.broadcast %add3A_1914 : f32 to vector<16xf32>
    %add3A_1916 = arith.addf %get3A_1913, %add3A_1915 : vector<16xf32>
    %mul3A_1917 = arith.constant 1.280000e+02 : f32
    %mul3A_1918 = vector.broadcast %mul3A_1917 : f32 to vector<16xf32>
    %mul3A_1919 = arith.mulf %add3A_1916, %mul3A_1918 : vector<16xf32>
    %convert_element_type3A_1920 = arith.fptosi %mul3A_1919 : vector<16xf32> to vector<16xi32>
    %lt3A_1921 = arith.constant 256 : i32
    %lt3A_1922 = vector.broadcast %lt3A_1921 : i32 to vector<16xi32>
    %lt3A_1923 = arith.cmpi slt, %convert_element_type3A_1920, %lt3A_1922 : vector<16xi32>
    %min3A_1924 = arith.constant 255 : i32
    %min3A_1925 = vector.broadcast %min3A_1924 : i32 to vector<16xi32>
    %min3A_1926 = arith.minsi %convert_element_type3A_1920, %min3A_1925 : vector<16xi32>
    %select_n3A_1927 = arith.select %lt3A_1923, %broadcast_in_dim3A_10, %broadcast_in_dim3A_3 : vector<16xi1>, vector<16xf32>
    tpu.vector_store_idx %arg5[%add3A_1909, %min3A_1926], %select_n3A_1927 : memref<128x256xf32, #tpu.memory_space<vmem>>[vector<16xi32>, vector<16xi32>], vector<16xf32>,
    %swap3A_1928 = arith.constant 0 : index
    %swap3A_1929 = tpu.vector_load %arg7[%swap3A_1928] {strides = array<i32>} : memref<128xi32, #tpu.memory_space<vmem>>, vector<16xi32>,
    tpu.vector_store %arg7[%swap3A_1928], %min3A_1926 {strides = array<i32>} : memref<128xi32, #tpu.memory_space<vmem>>, vector<16xi32>,
    %add3A_1930 = arith.constant 16 : i32
    %add3A_1931 = vector.broadcast %add3A_1930 : i32 to vector<16xi32>
    %add3A_1932 = arith.addi %add3A_1931, %iota3A : vector<16xi32>
    %get3A_1933 = arith.constant 16 : index
    %get3A_1934 = tpu.vector_load %arg7[%get3A_1933] {strides = array<i32>} : memref<128xi32, #tpu.memory_space<vmem>>, vector<16xi32>,
    tpu.vector_store_idx %arg5[%add3A_1932, %get3A_1934], %broadcast_in_dim3A_3 : memref<128x256xf32, #tpu.memory_space<vmem>>[vector<16xi32>, vector<16xi32>], vector<16xf32>,
    %get3A_1935 = arith.constant 1296 : index
    %get3A_1936 = tpu.vector_load %arg4[%get3A_1935] {strides = array<i32>} : memref<2048xf32, #tpu.memory_space<vmem>>, vector<16xf32>,
    %add3A_1937 = arith.constant 1.000000e+00 : f32
    %add3A_1938 = vector.broadcast %add3A_1937 : f32 to vector<16xf32>
    %add3A_1939 = arith.addf %get3A_1936, %add3A_1938 : vector<16xf32>
    %mul3A_1940 = arith.constant 1.280000e+02 : f32
    %mul3A_1941 = vector.broadcast %mul3A_1940 : f32 to vector<16xf32>
    %mul3A_1942 = arith.mulf %add3A_1939, %mul3A_1941 : vector<16xf32>
    %convert_element_type3A_1943 = arith.fptosi %mul3A_1942 : vector<16xf32> to vector<16xi32>
    %lt3A_1944 = arith.constant 256 : i32
    %lt3A_1945 = vector.broadcast %lt3A_1944 : i32 to vector<16xi32>
    %lt3A_1946 = arith.cmpi slt, %convert_element_type3A_1943, %lt3A_1945 : vector<16xi32>
    %min3A_1947 = arith.constant 255 : i32
    %min3A_1948 = vector.broadcast %min3A_1947 : i32 to vector<16xi32>
    %min3A_1949 = arith.minsi %convert_element_type3A_1943, %min3A_1948 : vector<16xi32>
    %select_n3A_1950 = arith.select %lt3A_1946, %broadcast_in_dim3A_10, %broadcast_in_dim3A_3 : vector<16xi1>, vector<16xf32>
    tpu.vector_store_idx %arg5[%add3A_1932, %min3A_1949], %select_n3A_1950 : memref<128x256xf32, #tpu.memory_space<vmem>>[vector<16xi32>, vector<16xi32>], vector<16xf32>,
    %swap3A_1951 = arith.constant 16 : index
    %swap3A_1952 = tpu.vector_load %arg7[%swap3A_1951] {strides = array<i32>} : memref<128xi32, #tpu.memory_space<vmem>>, vector<16xi32>,
    tpu.vector_store %arg7[%swap3A_1951], %min3A_1949 {strides = array<i32>} : memref<128xi32, #tpu.memory_space<vmem>>, vector<16xi32>,
    %add3A_1953 = arith.constant 32 : i32
    %add3A_1954 = vector.broadcast %add3A_1953 : i32 to vector<16xi32>
    %add3A_1955 = arith.addi %add3A_1954, %iota3A : vector<16xi32>
    %get3A_1956 = arith.constant 32 : index
    %get3A_1957 = tpu.vector_load %arg7[%get3A_1956] {strides = array<i32>} : memref<128xi32, #tpu.memory_space<vmem>>, vector<16xi32>,
    tpu.vector_store_idx %arg5[%add3A_1955, %get3A_1957], %broadcast_in_dim3A_3 : memref<128x256xf32, #tpu.memory_space<vmem>>[vector<16xi32>, vector<16xi32>], vector<16xf32>,
    %get3A_1958 = arith.constant 1312 : index
    %get3A_1959 = tpu.vector_load %arg4[%get3A_1958] {strides = array<i32>} : memref<2048xf32, #tpu.memory_space<vmem>>, vector<16xf32>,
    %add3A_1960 = arith.constant 1.000000e+00 : f32
    %add3A_1961 = vector.broadcast %add3A_1960 : f32 to vector<16xf32>
    %add3A_1962 = arith.addf %get3A_1959, %add3A_1961 : vector<16xf32>
    %mul3A_1963 = arith.constant 1.280000e+02 : f32
    %mul3A_1964 = vector.broadcast %mul3A_1963 : f32 to vector<16xf32>
    %mul3A_1965 = arith.mulf %add3A_1962, %mul3A_1964 : vector<16xf32>
    %convert_element_type3A_1966 = arith.fptosi %mul3A_1965 : vector<16xf32> to vector<16xi32>
    %lt3A_1967 = arith.constant 256 : i32
    %lt3A_1968 = vector.broadcast %lt3A_1967 : i32 to vector<16xi32>
    %lt3A_1969 = arith.cmpi slt, %convert_element_type3A_1966, %lt3A_1968 : vector<16xi32>
    %min3A_1970 = arith.constant 255 : i32
    %min3A_1971 = vector.broadcast %min3A_1970 : i32 to vector<16xi32>
    %min3A_1972 = arith.minsi %convert_element_type3A_1966, %min3A_1971 : vector<16xi32>
    %select_n3A_1973 = arith.select %lt3A_1969, %broadcast_in_dim3A_10, %broadcast_in_dim3A_3 : vector<16xi1>, vector<16xf32>
    tpu.vector_store_idx %arg5[%add3A_1955, %min3A_1972], %select_n3A_1973 : memref<128x256xf32, #tpu.memory_space<vmem>>[vector<16xi32>, vector<16xi32>], vector<16xf32>,
    %swap3A_1974 = arith.constant 32 : index
    %swap3A_1975 = tpu.vector_load %arg7[%swap3A_1974] {strides = array<i32>} : memref<128xi32, #tpu.memory_space<vmem>>, vector<16xi32>,
    tpu.vector_store %arg7[%swap3A_1974], %min3A_1972 {strides = array<i32>} : memref<128xi32, #tpu.memory_space<vmem>>, vector<16xi32>,
    %add3A_1976 = arith.constant 48 : i32
    %add3A_1977 = vector.broadcast %add3A_1976 : i32 to vector<16xi32>
    %add3A_1978 = arith.addi %add3A_1977, %iota3A : vector<16xi32>
    %get3A_1979 = arith.constant 48 : index
    %get3A_1980 = tpu.vector_load %arg7[%get3A_1979] {strides = array<i32>} : memref<128xi32, #tpu.memory_space<vmem>>, vector<16xi32>,
    tpu.vector_store_idx %arg5[%add3A_1978, %get3A_1980], %broadcast_in_dim3A_3 : memref<128x256xf32, #tpu.memory_space<vmem>>[vector<16xi32>, vector<16xi32>], vector<16xf32>,
    %get3A_1981 = arith.constant 1328 : index
    %get3A_1982 = tpu.vector_load %arg4[%get3A_1981] {strides = array<i32>} : memref<2048xf32, #tpu.memory_space<vmem>>, vector<16xf32>,
    %add3A_1983 = arith.constant 1.000000e+00 : f32
    %add3A_1984 = vector.broadcast %add3A_1983 : f32 to vector<16xf32>
    %add3A_1985 = arith.addf %get3A_1982, %add3A_1984 : vector<16xf32>
    %mul3A_1986 = arith.constant 1.280000e+02 : f32
    %mul3A_1987 = vector.broadcast %mul3A_1986 : f32 to vector<16xf32>
    %mul3A_1988 = arith.mulf %add3A_1985, %mul3A_1987 : vector<16xf32>
    %convert_element_type3A_1989 = arith.fptosi %mul3A_1988 : vector<16xf32> to vector<16xi32>
    %lt3A_1990 = arith.constant 256 : i32
    %lt3A_1991 = vector.broadcast %lt3A_1990 : i32 to vector<16xi32>
    %lt3A_1992 = arith.cmpi slt, %convert_element_type3A_1989, %lt3A_1991 : vector<16xi32>
    %min3A_1993 = arith.constant 255 : i32
    %min3A_1994 = vector.broadcast %min3A_1993 : i32 to vector<16xi32>
    %min3A_1995 = arith.minsi %convert_element_type3A_1989, %min3A_1994 : vector<16xi32>
    %select_n3A_1996 = arith.select %lt3A_1992, %broadcast_in_dim3A_10, %broadcast_in_dim3A_3 : vector<16xi1>, vector<16xf32>
    tpu.vector_store_idx %arg5[%add3A_1978, %min3A_1995], %select_n3A_1996 : memref<128x256xf32, #tpu.memory_space<vmem>>[vector<16xi32>, vector<16xi32>], vector<16xf32>,
    %swap3A_1997 = arith.constant 48 : index
    %swap3A_1998 = tpu.vector_load %arg7[%swap3A_1997] {strides = array<i32>} : memref<128xi32, #tpu.memory_space<vmem>>, vector<16xi32>,
    tpu.vector_store %arg7[%swap3A_1997], %min3A_1995 {strides = array<i32>} : memref<128xi32, #tpu.memory_space<vmem>>, vector<16xi32>,
    %add3A_1999 = arith.constant 64 : i32
    %add3A_2000 = vector.broadcast %add3A_1999 : i32 to vector<16xi32>
    %add3A_2001 = arith.addi %add3A_2000, %iota3A : vector<16xi32>
    %get3A_2002 = arith.constant 64 : index
    %get3A_2003 = tpu.vector_load %arg7[%get3A_2002] {strides = array<i32>} : memref<128xi32, #tpu.memory_space<vmem>>, vector<16xi32>,
    tpu.vector_store_idx %arg5[%add3A_2001, %get3A_2003], %broadcast_in_dim3A_3 : memref<128x256xf32, #tpu.memory_space<vmem>>[vector<16xi32>, vector<16xi32>], vector<16xf32>,
    %get3A_2004 = arith.constant 1344 : index
    %get3A_2005 = tpu.vector_load %arg4[%get3A_2004] {strides = array<i32>} : memref<2048xf32, #tpu.memory_space<vmem>>, vector<16xf32>,
    %add3A_2006 = arith.constant 1.000000e+00 : f32
    %add3A_2007 = vector.broadcast %add3A_2006 : f32 to vector<16xf32>
    %add3A_2008 = arith.addf %get3A_2005, %add3A_2007 : vector<16xf32>
    %mul3A_2009 = arith.constant 1.280000e+02 : f32
    %mul3A_2010 = vector.broadcast %mul3A_2009 : f32 to vector<16xf32>
    %mul3A_2011 = arith.mulf %add3A_2008, %mul3A_2010 : vector<16xf32>
    %convert_element_type3A_2012 = arith.fptosi %mul3A_2011 : vector<16xf32> to vector<16xi32>
    %lt3A_2013 = arith.constant 256 : i32
    %lt3A_2014 = vector.broadcast %lt3A_2013 : i32 to vector<16xi32>
    %lt3A_2015 = arith.cmpi slt, %convert_element_type3A_2012, %lt3A_2014 : vector<16xi32>
    %min3A_2016 = arith.constant 255 : i32
    %min3A_2017 = vector.broadcast %min3A_2016 : i32 to vector<16xi32>
    %min3A_2018 = arith.minsi %convert_element_type3A_2012, %min3A_2017 : vector<16xi32>
    %select_n3A_2019 = arith.select %lt3A_2015, %broadcast_in_dim3A_10, %broadcast_in_dim3A_3 : vector<16xi1>, vector<16xf32>
    tpu.vector_store_idx %arg5[%add3A_2001, %min3A_2018], %select_n3A_2019 : memref<128x256xf32, #tpu.memory_space<vmem>>[vector<16xi32>, vector<16xi32>], vector<16xf32>,
    %swap3A_2020 = arith.constant 64 : index
    %swap3A_2021 = tpu.vector_load %arg7[%swap3A_2020] {strides = array<i32>} : memref<128xi32, #tpu.memory_space<vmem>>, vector<16xi32>,
    tpu.vector_store %arg7[%swap3A_2020], %min3A_2018 {strides = array<i32>} : memref<128xi32, #tpu.memory_space<vmem>>, vector<16xi32>,
    %add3A_2022 = arith.constant 80 : i32
    %add3A_2023 = vector.broadcast %add3A_2022 : i32 to vector<16xi32>
    %add3A_2024 = arith.addi %add3A_2023, %iota3A : vector<16xi32>
    %get3A_2025 = arith.constant 80 : index
    %get3A_2026 = tpu.vector_load %arg7[%get3A_2025] {strides = array<i32>} : memref<128xi32, #tpu.memory_space<vmem>>, vector<16xi32>,
    tpu.vector_store_idx %arg5[%add3A_2024, %get3A_2026], %broadcast_in_dim3A_3 : memref<128x256xf32, #tpu.memory_space<vmem>>[vector<16xi32>, vector<16xi32>], vector<16xf32>,
    %get3A_2027 = arith.constant 1360 : index
    %get3A_2028 = tpu.vector_load %arg4[%get3A_2027] {strides = array<i32>} : memref<2048xf32, #tpu.memory_space<vmem>>, vector<16xf32>,
    %add3A_2029 = arith.constant 1.000000e+00 : f32
    %add3A_2030 = vector.broadcast %add3A_2029 : f32 to vector<16xf32>
    %add3A_2031 = arith.addf %get3A_2028, %add3A_2030 : vector<16xf32>
    %mul3A_2032 = arith.constant 1.280000e+02 : f32
    %mul3A_2033 = vector.broadcast %mul3A_2032 : f32 to vector<16xf32>
    %mul3A_2034 = arith.mulf %add3A_2031, %mul3A_2033 : vector<16xf32>
    %convert_element_type3A_2035 = arith.fptosi %mul3A_2034 : vector<16xf32> to vector<16xi32>
    %lt3A_2036 = arith.constant 256 : i32
    %lt3A_2037 = vector.broadcast %lt3A_2036 : i32 to vector<16xi32>
    %lt3A_2038 = arith.cmpi slt, %convert_element_type3A_2035, %lt3A_2037 : vector<16xi32>
    %min3A_2039 = arith.constant 255 : i32
    %min3A_2040 = vector.broadcast %min3A_2039 : i32 to vector<16xi32>
    %min3A_2041 = arith.minsi %convert_element_type3A_2035, %min3A_2040 : vector<16xi32>
    %select_n3A_2042 = arith.select %lt3A_2038, %broadcast_in_dim3A_10, %broadcast_in_dim3A_3 : vector<16xi1>, vector<16xf32>
    tpu.vector_store_idx %arg5[%add3A_2024, %min3A_2041], %select_n3A_2042 : memref<128x256xf32, #tpu.memory_space<vmem>>[vector<16xi32>, vector<16xi32>], vector<16xf32>,
    %swap3A_2043 = arith.constant 80 : index
    %swap3A_2044 = tpu.vector_load %arg7[%swap3A_2043] {strides = array<i32>} : memref<128xi32, #tpu.memory_space<vmem>>, vector<16xi32>,
    tpu.vector_store %arg7[%swap3A_2043], %min3A_2041 {strides = array<i32>} : memref<128xi32, #tpu.memory_space<vmem>>, vector<16xi32>,
    %add3A_2045 = arith.constant 96 : i32
    %add3A_2046 = vector.broadcast %add3A_2045 : i32 to vector<16xi32>
    %add3A_2047 = arith.addi %add3A_2046, %iota3A : vector<16xi32>
    %get3A_2048 = arith.constant 96 : index
    %get3A_2049 = tpu.vector_load %arg7[%get3A_2048] {strides = array<i32>} : memref<128xi32, #tpu.memory_space<vmem>>, vector<16xi32>,
    tpu.vector_store_idx %arg5[%add3A_2047, %get3A_2049], %broadcast_in_dim3A_3 : memref<128x256xf32, #tpu.memory_space<vmem>>[vector<16xi32>, vector<16xi32>], vector<16xf32>,
    %get3A_2050 = arith.constant 1376 : index
    %get3A_2051 = tpu.vector_load %arg4[%get3A_2050] {strides = array<i32>} : memref<2048xf32, #tpu.memory_space<vmem>>, vector<16xf32>,
    %add3A_2052 = arith.constant 1.000000e+00 : f32
    %add3A_2053 = vector.broadcast %add3A_2052 : f32 to vector<16xf32>
    %add3A_2054 = arith.addf %get3A_2051, %add3A_2053 : vector<16xf32>
    %mul3A_2055 = arith.constant 1.280000e+02 : f32
    %mul3A_2056 = vector.broadcast %mul3A_2055 : f32 to vector<16xf32>
    %mul3A_2057 = arith.mulf %add3A_2054, %mul3A_2056 : vector<16xf32>
    %convert_element_type3A_2058 = arith.fptosi %mul3A_2057 : vector<16xf32> to vector<16xi32>
    %lt3A_2059 = arith.constant 256 : i32
    %lt3A_2060 = vector.broadcast %lt3A_2059 : i32 to vector<16xi32>
    %lt3A_2061 = arith.cmpi slt, %convert_element_type3A_2058, %lt3A_2060 : vector<16xi32>
    %min3A_2062 = arith.constant 255 : i32
    %min3A_2063 = vector.broadcast %min3A_2062 : i32 to vector<16xi32>
    %min3A_2064 = arith.minsi %convert_element_type3A_2058, %min3A_2063 : vector<16xi32>
    %select_n3A_2065 = arith.select %lt3A_2061, %broadcast_in_dim3A_10, %broadcast_in_dim3A_3 : vector<16xi1>, vector<16xf32>
    tpu.vector_store_idx %arg5[%add3A_2047, %min3A_2064], %select_n3A_2065 : memref<128x256xf32, #tpu.memory_space<vmem>>[vector<16xi32>, vector<16xi32>], vector<16xf32>,
    %swap3A_2066 = arith.constant 96 : index
    %swap3A_2067 = tpu.vector_load %arg7[%swap3A_2066] {strides = array<i32>} : memref<128xi32, #tpu.memory_space<vmem>>, vector<16xi32>,
    tpu.vector_store %arg7[%swap3A_2066], %min3A_2064 {strides = array<i32>} : memref<128xi32, #tpu.memory_space<vmem>>, vector<16xi32>,
    %add3A_2068 = arith.constant 112 : i32
    %add3A_2069 = vector.broadcast %add3A_2068 : i32 to vector<16xi32>
    %add3A_2070 = arith.addi %add3A_2069, %iota3A : vector<16xi32>
    %get3A_2071 = arith.constant 112 : index
    %get3A_2072 = tpu.vector_load %arg7[%get3A_2071] {strides = array<i32>} : memref<128xi32, #tpu.memory_space<vmem>>, vector<16xi32>,
    tpu.vector_store_idx %arg5[%add3A_2070, %get3A_2072], %broadcast_in_dim3A_3 : memref<128x256xf32, #tpu.memory_space<vmem>>[vector<16xi32>, vector<16xi32>], vector<16xf32>,
    %get3A_2073 = arith.constant 1392 : index
    %get3A_2074 = tpu.vector_load %arg4[%get3A_2073] {strides = array<i32>} : memref<2048xf32, #tpu.memory_space<vmem>>, vector<16xf32>,
    %add3A_2075 = arith.constant 1.000000e+00 : f32
    %add3A_2076 = vector.broadcast %add3A_2075 : f32 to vector<16xf32>
    %add3A_2077 = arith.addf %get3A_2074, %add3A_2076 : vector<16xf32>
    %mul3A_2078 = arith.constant 1.280000e+02 : f32
    %mul3A_2079 = vector.broadcast %mul3A_2078 : f32 to vector<16xf32>
    %mul3A_2080 = arith.mulf %add3A_2077, %mul3A_2079 : vector<16xf32>
    %convert_element_type3A_2081 = arith.fptosi %mul3A_2080 : vector<16xf32> to vector<16xi32>
    %lt3A_2082 = arith.constant 256 : i32
    %lt3A_2083 = vector.broadcast %lt3A_2082 : i32 to vector<16xi32>
    %lt3A_2084 = arith.cmpi slt, %convert_element_type3A_2081, %lt3A_2083 : vector<16xi32>
    %min3A_2085 = arith.constant 255 : i32
    %min3A_2086 = vector.broadcast %min3A_2085 : i32 to vector<16xi32>
    %min3A_2087 = arith.minsi %convert_element_type3A_2081, %min3A_2086 : vector<16xi32>
    %select_n3A_2088 = arith.select %lt3A_2084, %broadcast_in_dim3A_10, %broadcast_in_dim3A_3 : vector<16xi1>, vector<16xf32>
    tpu.vector_store_idx %arg5[%add3A_2070, %min3A_2087], %select_n3A_2088 : memref<128x256xf32, #tpu.memory_space<vmem>>[vector<16xi32>, vector<16xi32>], vector<16xf32>,
    %swap3A_2089 = arith.constant 112 : index
    %swap3A_2090 = tpu.vector_load %arg7[%swap3A_2089] {strides = array<i32>} : memref<128xi32, #tpu.memory_space<vmem>>, vector<16xi32>,
    tpu.vector_store %arg7[%swap3A_2089], %min3A_2087 {strides = array<i32>} : memref<128xi32, #tpu.memory_space<vmem>>, vector<16xi32>,
    %add3A_2091 = arith.constant 1280 : i32
    %add3A_2092 = arith.addi %mul3A_2, %add3A_2091 : i32
    %dma_start3A_2093 = arith.constant 0 : i32
    %dma_start3A_2094 = tpu.memref_slice %arg3[%add3A_2092, %dma_start3A_2093] : memref<65536x256xf32, #tpu.memory_space<hbm>> -> memref<128x256xf32, #tpu.memory_space<hbm>>
    %dma_start3A_2095 = arith.constant 0 : i32
    %dma_start3A_2096 = tpu.memref_slice %arg3[%add3A_2092, %dma_start3A_2095] : memref<65536x256xf32, #tpu.memory_space<hbm>> -> memref<128x256xf32, #tpu.memory_space<hbm>>
    tpu.enqueue_dma source(%arg5 : memref<128x256xf32, #tpu.memory_space<vmem>>) target(%dma_start3A_2096 : memref<128x256xf32, #tpu.memory_space<hbm>>) target_semaphore(%arg9 : memref<!tpu.dma_semaphore, #tpu.memory_space<semaphore_mem>>)
    %dma_wait3A_2097 = arith.constant 0 : i32
    %dma_wait3A_2098 = tpu.memref_slice %arg3[%add3A_1898, %dma_wait3A_2097] : memref<65536x256xf32, #tpu.memory_space<hbm>> -> memref<128x256xf32, #tpu.memory_space<hbm>>
    %dma_wait3A_2099 = arith.constant 0 : i32
    %dma_wait3A_2100 = tpu.memref_slice %arg3[%add3A_1898, %dma_wait3A_2099] : memref<65536x256xf32, #tpu.memory_space<hbm>> -> memref<128x256xf32, #tpu.memory_space<hbm>>
    tpu.wait_dma2 semaphore(%arg10 : memref<!tpu.dma_semaphore, #tpu.memory_space<semaphore_mem>>) src(%arg6 : memref<128x256xf32, #tpu.memory_space<vmem>>) dst(%dma_wait3A_2100 : memref<128x256xf32, #tpu.memory_space<hbm>>)
    %add3A_2101 = arith.constant 0 : i32
    %add3A_2102 = vector.broadcast %add3A_2101 : i32 to vector<16xi32>
    %add3A_2103 = arith.addi %add3A_2102, %iota3A : vector<16xi32>
    %get3A_2104 = arith.constant 0 : index
    %get3A_2105 = tpu.vector_load %arg8[%get3A_2104] {strides = array<i32>} : memref<128xi32, #tpu.memory_space<vmem>>, vector<16xi32>,
    tpu.vector_store_idx %arg6[%add3A_2103, %get3A_2105], %broadcast_in_dim3A_3 : memref<128x256xf32, #tpu.memory_space<vmem>>[vector<16xi32>, vector<16xi32>], vector<16xf32>,
    %get3A_2106 = arith.constant 1408 : index
    %get3A_2107 = tpu.vector_load %arg4[%get3A_2106] {strides = array<i32>} : memref<2048xf32, #tpu.memory_space<vmem>>, vector<16xf32>,
    %add3A_2108 = arith.constant 1.000000e+00 : f32
    %add3A_2109 = vector.broadcast %add3A_2108 : f32 to vector<16xf32>
    %add3A_2110 = arith.addf %get3A_2107, %add3A_2109 : vector<16xf32>
    %mul3A_2111 = arith.constant 1.280000e+02 : f32
    %mul3A_2112 = vector.broadcast %mul3A_2111 : f32 to vector<16xf32>
    %mul3A_2113 = arith.mulf %add3A_2110, %mul3A_2112 : vector<16xf32>
    %convert_element_type3A_2114 = arith.fptosi %mul3A_2113 : vector<16xf32> to vector<16xi32>
    %lt3A_2115 = arith.constant 256 : i32
    %lt3A_2116 = vector.broadcast %lt3A_2115 : i32 to vector<16xi32>
    %lt3A_2117 = arith.cmpi slt, %convert_element_type3A_2114, %lt3A_2116 : vector<16xi32>
    %min3A_2118 = arith.constant 255 : i32
    %min3A_2119 = vector.broadcast %min3A_2118 : i32 to vector<16xi32>
    %min3A_2120 = arith.minsi %convert_element_type3A_2114, %min3A_2119 : vector<16xi32>
    %select_n3A_2121 = arith.select %lt3A_2117, %broadcast_in_dim3A_10, %broadcast_in_dim3A_3 : vector<16xi1>, vector<16xf32>
    tpu.vector_store_idx %arg6[%add3A_2103, %min3A_2120], %select_n3A_2121 : memref<128x256xf32, #tpu.memory_space<vmem>>[vector<16xi32>, vector<16xi32>], vector<16xf32>,
    %swap3A_2122 = arith.constant 0 : index
    %swap3A_2123 = tpu.vector_load %arg8[%swap3A_2122] {strides = array<i32>} : memref<128xi32, #tpu.memory_space<vmem>>, vector<16xi32>,
    tpu.vector_store %arg8[%swap3A_2122], %min3A_2120 {strides = array<i32>} : memref<128xi32, #tpu.memory_space<vmem>>, vector<16xi32>,
    %add3A_2124 = arith.constant 16 : i32
    %add3A_2125 = vector.broadcast %add3A_2124 : i32 to vector<16xi32>
    %add3A_2126 = arith.addi %add3A_2125, %iota3A : vector<16xi32>
    %get3A_2127 = arith.constant 16 : index
    %get3A_2128 = tpu.vector_load %arg8[%get3A_2127] {strides = array<i32>} : memref<128xi32, #tpu.memory_space<vmem>>, vector<16xi32>,
    tpu.vector_store_idx %arg6[%add3A_2126, %get3A_2128], %broadcast_in_dim3A_3 : memref<128x256xf32, #tpu.memory_space<vmem>>[vector<16xi32>, vector<16xi32>], vector<16xf32>,
    %get3A_2129 = arith.constant 1424 : index
    %get3A_2130 = tpu.vector_load %arg4[%get3A_2129] {strides = array<i32>} : memref<2048xf32, #tpu.memory_space<vmem>>, vector<16xf32>,
    %add3A_2131 = arith.constant 1.000000e+00 : f32
    %add3A_2132 = vector.broadcast %add3A_2131 : f32 to vector<16xf32>
    %add3A_2133 = arith.addf %get3A_2130, %add3A_2132 : vector<16xf32>
    %mul3A_2134 = arith.constant 1.280000e+02 : f32
    %mul3A_2135 = vector.broadcast %mul3A_2134 : f32 to vector<16xf32>
    %mul3A_2136 = arith.mulf %add3A_2133, %mul3A_2135 : vector<16xf32>
    %convert_element_type3A_2137 = arith.fptosi %mul3A_2136 : vector<16xf32> to vector<16xi32>
    %lt3A_2138 = arith.constant 256 : i32
    %lt3A_2139 = vector.broadcast %lt3A_2138 : i32 to vector<16xi32>
    %lt3A_2140 = arith.cmpi slt, %convert_element_type3A_2137, %lt3A_2139 : vector<16xi32>
    %min3A_2141 = arith.constant 255 : i32
    %min3A_2142 = vector.broadcast %min3A_2141 : i32 to vector<16xi32>
    %min3A_2143 = arith.minsi %convert_element_type3A_2137, %min3A_2142 : vector<16xi32>
    %select_n3A_2144 = arith.select %lt3A_2140, %broadcast_in_dim3A_10, %broadcast_in_dim3A_3 : vector<16xi1>, vector<16xf32>
    tpu.vector_store_idx %arg6[%add3A_2126, %min3A_2143], %select_n3A_2144 : memref<128x256xf32, #tpu.memory_space<vmem>>[vector<16xi32>, vector<16xi32>], vector<16xf32>,
    %swap3A_2145 = arith.constant 16 : index
    %swap3A_2146 = tpu.vector_load %arg8[%swap3A_2145] {strides = array<i32>} : memref<128xi32, #tpu.memory_space<vmem>>, vector<16xi32>,
    tpu.vector_store %arg8[%swap3A_2145], %min3A_2143 {strides = array<i32>} : memref<128xi32, #tpu.memory_space<vmem>>, vector<16xi32>,
    %add3A_2147 = arith.constant 32 : i32
    %add3A_2148 = vector.broadcast %add3A_2147 : i32 to vector<16xi32>
    %add3A_2149 = arith.addi %add3A_2148, %iota3A : vector<16xi32>
    %get3A_2150 = arith.constant 32 : index
    %get3A_2151 = tpu.vector_load %arg8[%get3A_2150] {strides = array<i32>} : memref<128xi32, #tpu.memory_space<vmem>>, vector<16xi32>,
    tpu.vector_store_idx %arg6[%add3A_2149, %get3A_2151], %broadcast_in_dim3A_3 : memref<128x256xf32, #tpu.memory_space<vmem>>[vector<16xi32>, vector<16xi32>], vector<16xf32>,
    %get3A_2152 = arith.constant 1440 : index
    %get3A_2153 = tpu.vector_load %arg4[%get3A_2152] {strides = array<i32>} : memref<2048xf32, #tpu.memory_space<vmem>>, vector<16xf32>,
    %add3A_2154 = arith.constant 1.000000e+00 : f32
    %add3A_2155 = vector.broadcast %add3A_2154 : f32 to vector<16xf32>
    %add3A_2156 = arith.addf %get3A_2153, %add3A_2155 : vector<16xf32>
    %mul3A_2157 = arith.constant 1.280000e+02 : f32
    %mul3A_2158 = vector.broadcast %mul3A_2157 : f32 to vector<16xf32>
    %mul3A_2159 = arith.mulf %add3A_2156, %mul3A_2158 : vector<16xf32>
    %convert_element_type3A_2160 = arith.fptosi %mul3A_2159 : vector<16xf32> to vector<16xi32>
    %lt3A_2161 = arith.constant 256 : i32
    %lt3A_2162 = vector.broadcast %lt3A_2161 : i32 to vector<16xi32>
    %lt3A_2163 = arith.cmpi slt, %convert_element_type3A_2160, %lt3A_2162 : vector<16xi32>
    %min3A_2164 = arith.constant 255 : i32
    %min3A_2165 = vector.broadcast %min3A_2164 : i32 to vector<16xi32>
    %min3A_2166 = arith.minsi %convert_element_type3A_2160, %min3A_2165 : vector<16xi32>
    %select_n3A_2167 = arith.select %lt3A_2163, %broadcast_in_dim3A_10, %broadcast_in_dim3A_3 : vector<16xi1>, vector<16xf32>
    tpu.vector_store_idx %arg6[%add3A_2149, %min3A_2166], %select_n3A_2167 : memref<128x256xf32, #tpu.memory_space<vmem>>[vector<16xi32>, vector<16xi32>], vector<16xf32>,
    %swap3A_2168 = arith.constant 32 : index
    %swap3A_2169 = tpu.vector_load %arg8[%swap3A_2168] {strides = array<i32>} : memref<128xi32, #tpu.memory_space<vmem>>, vector<16xi32>,
    tpu.vector_store %arg8[%swap3A_2168], %min3A_2166 {strides = array<i32>} : memref<128xi32, #tpu.memory_space<vmem>>, vector<16xi32>,
    %add3A_2170 = arith.constant 48 : i32
    %add3A_2171 = vector.broadcast %add3A_2170 : i32 to vector<16xi32>
    %add3A_2172 = arith.addi %add3A_2171, %iota3A : vector<16xi32>
    %get3A_2173 = arith.constant 48 : index
    %get3A_2174 = tpu.vector_load %arg8[%get3A_2173] {strides = array<i32>} : memref<128xi32, #tpu.memory_space<vmem>>, vector<16xi32>,
    tpu.vector_store_idx %arg6[%add3A_2172, %get3A_2174], %broadcast_in_dim3A_3 : memref<128x256xf32, #tpu.memory_space<vmem>>[vector<16xi32>, vector<16xi32>], vector<16xf32>,
    %get3A_2175 = arith.constant 1456 : index
    %get3A_2176 = tpu.vector_load %arg4[%get3A_2175] {strides = array<i32>} : memref<2048xf32, #tpu.memory_space<vmem>>, vector<16xf32>,
    %add3A_2177 = arith.constant 1.000000e+00 : f32
    %add3A_2178 = vector.broadcast %add3A_2177 : f32 to vector<16xf32>
    %add3A_2179 = arith.addf %get3A_2176, %add3A_2178 : vector<16xf32>
    %mul3A_2180 = arith.constant 1.280000e+02 : f32
    %mul3A_2181 = vector.broadcast %mul3A_2180 : f32 to vector<16xf32>
    %mul3A_2182 = arith.mulf %add3A_2179, %mul3A_2181 : vector<16xf32>
    %convert_element_type3A_2183 = arith.fptosi %mul3A_2182 : vector<16xf32> to vector<16xi32>
    %lt3A_2184 = arith.constant 256 : i32
    %lt3A_2185 = vector.broadcast %lt3A_2184 : i32 to vector<16xi32>
    %lt3A_2186 = arith.cmpi slt, %convert_element_type3A_2183, %lt3A_2185 : vector<16xi32>
    %min3A_2187 = arith.constant 255 : i32
    %min3A_2188 = vector.broadcast %min3A_2187 : i32 to vector<16xi32>
    %min3A_2189 = arith.minsi %convert_element_type3A_2183, %min3A_2188 : vector<16xi32>
    %select_n3A_2190 = arith.select %lt3A_2186, %broadcast_in_dim3A_10, %broadcast_in_dim3A_3 : vector<16xi1>, vector<16xf32>
    tpu.vector_store_idx %arg6[%add3A_2172, %min3A_2189], %select_n3A_2190 : memref<128x256xf32, #tpu.memory_space<vmem>>[vector<16xi32>, vector<16xi32>], vector<16xf32>,
    %swap3A_2191 = arith.constant 48 : index
    %swap3A_2192 = tpu.vector_load %arg8[%swap3A_2191] {strides = array<i32>} : memref<128xi32, #tpu.memory_space<vmem>>, vector<16xi32>,
    tpu.vector_store %arg8[%swap3A_2191], %min3A_2189 {strides = array<i32>} : memref<128xi32, #tpu.memory_space<vmem>>, vector<16xi32>,
    %add3A_2193 = arith.constant 64 : i32
    %add3A_2194 = vector.broadcast %add3A_2193 : i32 to vector<16xi32>
    %add3A_2195 = arith.addi %add3A_2194, %iota3A : vector<16xi32>
    %get3A_2196 = arith.constant 64 : index
    %get3A_2197 = tpu.vector_load %arg8[%get3A_2196] {strides = array<i32>} : memref<128xi32, #tpu.memory_space<vmem>>, vector<16xi32>,
    tpu.vector_store_idx %arg6[%add3A_2195, %get3A_2197], %broadcast_in_dim3A_3 : memref<128x256xf32, #tpu.memory_space<vmem>>[vector<16xi32>, vector<16xi32>], vector<16xf32>,
    %get3A_2198 = arith.constant 1472 : index
    %get3A_2199 = tpu.vector_load %arg4[%get3A_2198] {strides = array<i32>} : memref<2048xf32, #tpu.memory_space<vmem>>, vector<16xf32>,
    %add3A_2200 = arith.constant 1.000000e+00 : f32
    %add3A_2201 = vector.broadcast %add3A_2200 : f32 to vector<16xf32>
    %add3A_2202 = arith.addf %get3A_2199, %add3A_2201 : vector<16xf32>
    %mul3A_2203 = arith.constant 1.280000e+02 : f32
    %mul3A_2204 = vector.broadcast %mul3A_2203 : f32 to vector<16xf32>
    %mul3A_2205 = arith.mulf %add3A_2202, %mul3A_2204 : vector<16xf32>
    %convert_element_type3A_2206 = arith.fptosi %mul3A_2205 : vector<16xf32> to vector<16xi32>
    %lt3A_2207 = arith.constant 256 : i32
    %lt3A_2208 = vector.broadcast %lt3A_2207 : i32 to vector<16xi32>
    %lt3A_2209 = arith.cmpi slt, %convert_element_type3A_2206, %lt3A_2208 : vector<16xi32>
    %min3A_2210 = arith.constant 255 : i32
    %min3A_2211 = vector.broadcast %min3A_2210 : i32 to vector<16xi32>
    %min3A_2212 = arith.minsi %convert_element_type3A_2206, %min3A_2211 : vector<16xi32>
    %select_n3A_2213 = arith.select %lt3A_2209, %broadcast_in_dim3A_10, %broadcast_in_dim3A_3 : vector<16xi1>, vector<16xf32>
    tpu.vector_store_idx %arg6[%add3A_2195, %min3A_2212], %select_n3A_2213 : memref<128x256xf32, #tpu.memory_space<vmem>>[vector<16xi32>, vector<16xi32>], vector<16xf32>,
    %swap3A_2214 = arith.constant 64 : index
    %swap3A_2215 = tpu.vector_load %arg8[%swap3A_2214] {strides = array<i32>} : memref<128xi32, #tpu.memory_space<vmem>>, vector<16xi32>,
    tpu.vector_store %arg8[%swap3A_2214], %min3A_2212 {strides = array<i32>} : memref<128xi32, #tpu.memory_space<vmem>>, vector<16xi32>,
    %add3A_2216 = arith.constant 80 : i32
    %add3A_2217 = vector.broadcast %add3A_2216 : i32 to vector<16xi32>
    %add3A_2218 = arith.addi %add3A_2217, %iota3A : vector<16xi32>
    %get3A_2219 = arith.constant 80 : index
    %get3A_2220 = tpu.vector_load %arg8[%get3A_2219] {strides = array<i32>} : memref<128xi32, #tpu.memory_space<vmem>>, vector<16xi32>,
    tpu.vector_store_idx %arg6[%add3A_2218, %get3A_2220], %broadcast_in_dim3A_3 : memref<128x256xf32, #tpu.memory_space<vmem>>[vector<16xi32>, vector<16xi32>], vector<16xf32>,
    %get3A_2221 = arith.constant 1488 : index
    %get3A_2222 = tpu.vector_load %arg4[%get3A_2221] {strides = array<i32>} : memref<2048xf32, #tpu.memory_space<vmem>>, vector<16xf32>,
    %add3A_2223 = arith.constant 1.000000e+00 : f32
    %add3A_2224 = vector.broadcast %add3A_2223 : f32 to vector<16xf32>
    %add3A_2225 = arith.addf %get3A_2222, %add3A_2224 : vector<16xf32>
    %mul3A_2226 = arith.constant 1.280000e+02 : f32
    %mul3A_2227 = vector.broadcast %mul3A_2226 : f32 to vector<16xf32>
    %mul3A_2228 = arith.mulf %add3A_2225, %mul3A_2227 : vector<16xf32>
    %convert_element_type3A_2229 = arith.fptosi %mul3A_2228 : vector<16xf32> to vector<16xi32>
    %lt3A_2230 = arith.constant 256 : i32
    %lt3A_2231 = vector.broadcast %lt3A_2230 : i32 to vector<16xi32>
    %lt3A_2232 = arith.cmpi slt, %convert_element_type3A_2229, %lt3A_2231 : vector<16xi32>
    %min3A_2233 = arith.constant 255 : i32
    %min3A_2234 = vector.broadcast %min3A_2233 : i32 to vector<16xi32>
    %min3A_2235 = arith.minsi %convert_element_type3A_2229, %min3A_2234 : vector<16xi32>
    %select_n3A_2236 = arith.select %lt3A_2232, %broadcast_in_dim3A_10, %broadcast_in_dim3A_3 : vector<16xi1>, vector<16xf32>
    tpu.vector_store_idx %arg6[%add3A_2218, %min3A_2235], %select_n3A_2236 : memref<128x256xf32, #tpu.memory_space<vmem>>[vector<16xi32>, vector<16xi32>], vector<16xf32>,
    %swap3A_2237 = arith.constant 80 : index
    %swap3A_2238 = tpu.vector_load %arg8[%swap3A_2237] {strides = array<i32>} : memref<128xi32, #tpu.memory_space<vmem>>, vector<16xi32>,
    tpu.vector_store %arg8[%swap3A_2237], %min3A_2235 {strides = array<i32>} : memref<128xi32, #tpu.memory_space<vmem>>, vector<16xi32>,
    %add3A_2239 = arith.constant 96 : i32
    %add3A_2240 = vector.broadcast %add3A_2239 : i32 to vector<16xi32>
    %add3A_2241 = arith.addi %add3A_2240, %iota3A : vector<16xi32>
    %get3A_2242 = arith.constant 96 : index
    %get3A_2243 = tpu.vector_load %arg8[%get3A_2242] {strides = array<i32>} : memref<128xi32, #tpu.memory_space<vmem>>, vector<16xi32>,
    tpu.vector_store_idx %arg6[%add3A_2241, %get3A_2243], %broadcast_in_dim3A_3 : memref<128x256xf32, #tpu.memory_space<vmem>>[vector<16xi32>, vector<16xi32>], vector<16xf32>,
    %get3A_2244 = arith.constant 1504 : index
    %get3A_2245 = tpu.vector_load %arg4[%get3A_2244] {strides = array<i32>} : memref<2048xf32, #tpu.memory_space<vmem>>, vector<16xf32>,
    %add3A_2246 = arith.constant 1.000000e+00 : f32
    %add3A_2247 = vector.broadcast %add3A_2246 : f32 to vector<16xf32>
    %add3A_2248 = arith.addf %get3A_2245, %add3A_2247 : vector<16xf32>
    %mul3A_2249 = arith.constant 1.280000e+02 : f32
    %mul3A_2250 = vector.broadcast %mul3A_2249 : f32 to vector<16xf32>
    %mul3A_2251 = arith.mulf %add3A_2248, %mul3A_2250 : vector<16xf32>
    %convert_element_type3A_2252 = arith.fptosi %mul3A_2251 : vector<16xf32> to vector<16xi32>
    %lt3A_2253 = arith.constant 256 : i32
    %lt3A_2254 = vector.broadcast %lt3A_2253 : i32 to vector<16xi32>
    %lt3A_2255 = arith.cmpi slt, %convert_element_type3A_2252, %lt3A_2254 : vector<16xi32>
    %min3A_2256 = arith.constant 255 : i32
    %min3A_2257 = vector.broadcast %min3A_2256 : i32 to vector<16xi32>
    %min3A_2258 = arith.minsi %convert_element_type3A_2252, %min3A_2257 : vector<16xi32>
    %select_n3A_2259 = arith.select %lt3A_2255, %broadcast_in_dim3A_10, %broadcast_in_dim3A_3 : vector<16xi1>, vector<16xf32>
    tpu.vector_store_idx %arg6[%add3A_2241, %min3A_2258], %select_n3A_2259 : memref<128x256xf32, #tpu.memory_space<vmem>>[vector<16xi32>, vector<16xi32>], vector<16xf32>,
    %swap3A_2260 = arith.constant 96 : index
    %swap3A_2261 = tpu.vector_load %arg8[%swap3A_2260] {strides = array<i32>} : memref<128xi32, #tpu.memory_space<vmem>>, vector<16xi32>,
    tpu.vector_store %arg8[%swap3A_2260], %min3A_2258 {strides = array<i32>} : memref<128xi32, #tpu.memory_space<vmem>>, vector<16xi32>,
    %add3A_2262 = arith.constant 112 : i32
    %add3A_2263 = vector.broadcast %add3A_2262 : i32 to vector<16xi32>
    %add3A_2264 = arith.addi %add3A_2263, %iota3A : vector<16xi32>
    %get3A_2265 = arith.constant 112 : index
    %get3A_2266 = tpu.vector_load %arg8[%get3A_2265] {strides = array<i32>} : memref<128xi32, #tpu.memory_space<vmem>>, vector<16xi32>,
    tpu.vector_store_idx %arg6[%add3A_2264, %get3A_2266], %broadcast_in_dim3A_3 : memref<128x256xf32, #tpu.memory_space<vmem>>[vector<16xi32>, vector<16xi32>], vector<16xf32>,
    %get3A_2267 = arith.constant 1520 : index
    %get3A_2268 = tpu.vector_load %arg4[%get3A_2267] {strides = array<i32>} : memref<2048xf32, #tpu.memory_space<vmem>>, vector<16xf32>,
    %add3A_2269 = arith.constant 1.000000e+00 : f32
    %add3A_2270 = vector.broadcast %add3A_2269 : f32 to vector<16xf32>
    %add3A_2271 = arith.addf %get3A_2268, %add3A_2270 : vector<16xf32>
    %mul3A_2272 = arith.constant 1.280000e+02 : f32
    %mul3A_2273 = vector.broadcast %mul3A_2272 : f32 to vector<16xf32>
    %mul3A_2274 = arith.mulf %add3A_2271, %mul3A_2273 : vector<16xf32>
    %convert_element_type3A_2275 = arith.fptosi %mul3A_2274 : vector<16xf32> to vector<16xi32>
    %lt3A_2276 = arith.constant 256 : i32
    %lt3A_2277 = vector.broadcast %lt3A_2276 : i32 to vector<16xi32>
    %lt3A_2278 = arith.cmpi slt, %convert_element_type3A_2275, %lt3A_2277 : vector<16xi32>
    %min3A_2279 = arith.constant 255 : i32
    %min3A_2280 = vector.broadcast %min3A_2279 : i32 to vector<16xi32>
    %min3A_2281 = arith.minsi %convert_element_type3A_2275, %min3A_2280 : vector<16xi32>
    %select_n3A_2282 = arith.select %lt3A_2278, %broadcast_in_dim3A_10, %broadcast_in_dim3A_3 : vector<16xi1>, vector<16xf32>
    tpu.vector_store_idx %arg6[%add3A_2264, %min3A_2281], %select_n3A_2282 : memref<128x256xf32, #tpu.memory_space<vmem>>[vector<16xi32>, vector<16xi32>], vector<16xf32>,
    %swap3A_2283 = arith.constant 112 : index
    %swap3A_2284 = tpu.vector_load %arg8[%swap3A_2283] {strides = array<i32>} : memref<128xi32, #tpu.memory_space<vmem>>, vector<16xi32>,
    tpu.vector_store %arg8[%swap3A_2283], %min3A_2281 {strides = array<i32>} : memref<128xi32, #tpu.memory_space<vmem>>, vector<16xi32>,
    %add3A_2285 = arith.constant 1408 : i32
    %add3A_2286 = arith.addi %mul3A_2, %add3A_2285 : i32
    %dma_start3A_2287 = arith.constant 0 : i32
    %dma_start3A_2288 = tpu.memref_slice %arg3[%add3A_2286, %dma_start3A_2287] : memref<65536x256xf32, #tpu.memory_space<hbm>> -> memref<128x256xf32, #tpu.memory_space<hbm>>
    %dma_start3A_2289 = arith.constant 0 : i32
    %dma_start3A_2290 = tpu.memref_slice %arg3[%add3A_2286, %dma_start3A_2289] : memref<65536x256xf32, #tpu.memory_space<hbm>> -> memref<128x256xf32, #tpu.memory_space<hbm>>
    tpu.enqueue_dma source(%arg6 : memref<128x256xf32, #tpu.memory_space<vmem>>) target(%dma_start3A_2290 : memref<128x256xf32, #tpu.memory_space<hbm>>) target_semaphore(%arg10 : memref<!tpu.dma_semaphore, #tpu.memory_space<semaphore_mem>>)
    %dma_wait3A_2291 = arith.constant 0 : i32
    %dma_wait3A_2292 = tpu.memref_slice %arg3[%add3A_2092, %dma_wait3A_2291] : memref<65536x256xf32, #tpu.memory_space<hbm>> -> memref<128x256xf32, #tpu.memory_space<hbm>>
    %dma_wait3A_2293 = arith.constant 0 : i32
    %dma_wait3A_2294 = tpu.memref_slice %arg3[%add3A_2092, %dma_wait3A_2293] : memref<65536x256xf32, #tpu.memory_space<hbm>> -> memref<128x256xf32, #tpu.memory_space<hbm>>
    tpu.wait_dma2 semaphore(%arg9 : memref<!tpu.dma_semaphore, #tpu.memory_space<semaphore_mem>>) src(%arg5 : memref<128x256xf32, #tpu.memory_space<vmem>>) dst(%dma_wait3A_2294 : memref<128x256xf32, #tpu.memory_space<hbm>>)
    %add3A_2295 = arith.constant 0 : i32
    %add3A_2296 = vector.broadcast %add3A_2295 : i32 to vector<16xi32>
    %add3A_2297 = arith.addi %add3A_2296, %iota3A : vector<16xi32>
    %get3A_2298 = arith.constant 0 : index
    %get3A_2299 = tpu.vector_load %arg7[%get3A_2298] {strides = array<i32>} : memref<128xi32, #tpu.memory_space<vmem>>, vector<16xi32>,
    tpu.vector_store_idx %arg5[%add3A_2297, %get3A_2299], %broadcast_in_dim3A_3 : memref<128x256xf32, #tpu.memory_space<vmem>>[vector<16xi32>, vector<16xi32>], vector<16xf32>,
    %get3A_2300 = arith.constant 1536 : index
    %get3A_2301 = tpu.vector_load %arg4[%get3A_2300] {strides = array<i32>} : memref<2048xf32, #tpu.memory_space<vmem>>, vector<16xf32>,
    %add3A_2302 = arith.constant 1.000000e+00 : f32
    %add3A_2303 = vector.broadcast %add3A_2302 : f32 to vector<16xf32>
    %add3A_2304 = arith.addf %get3A_2301, %add3A_2303 : vector<16xf32>
    %mul3A_2305 = arith.constant 1.280000e+02 : f32
    %mul3A_2306 = vector.broadcast %mul3A_2305 : f32 to vector<16xf32>
    %mul3A_2307 = arith.mulf %add3A_2304, %mul3A_2306 : vector<16xf32>
    %convert_element_type3A_2308 = arith.fptosi %mul3A_2307 : vector<16xf32> to vector<16xi32>
    %lt3A_2309 = arith.constant 256 : i32
    %lt3A_2310 = vector.broadcast %lt3A_2309 : i32 to vector<16xi32>
    %lt3A_2311 = arith.cmpi slt, %convert_element_type3A_2308, %lt3A_2310 : vector<16xi32>
    %min3A_2312 = arith.constant 255 : i32
    %min3A_2313 = vector.broadcast %min3A_2312 : i32 to vector<16xi32>
    %min3A_2314 = arith.minsi %convert_element_type3A_2308, %min3A_2313 : vector<16xi32>
    %select_n3A_2315 = arith.select %lt3A_2311, %broadcast_in_dim3A_10, %broadcast_in_dim3A_3 : vector<16xi1>, vector<16xf32>
    tpu.vector_store_idx %arg5[%add3A_2297, %min3A_2314], %select_n3A_2315 : memref<128x256xf32, #tpu.memory_space<vmem>>[vector<16xi32>, vector<16xi32>], vector<16xf32>,
    %swap3A_2316 = arith.constant 0 : index
    %swap3A_2317 = tpu.vector_load %arg7[%swap3A_2316] {strides = array<i32>} : memref<128xi32, #tpu.memory_space<vmem>>, vector<16xi32>,
    tpu.vector_store %arg7[%swap3A_2316], %min3A_2314 {strides = array<i32>} : memref<128xi32, #tpu.memory_space<vmem>>, vector<16xi32>,
    %add3A_2318 = arith.constant 16 : i32
    %add3A_2319 = vector.broadcast %add3A_2318 : i32 to vector<16xi32>
    %add3A_2320 = arith.addi %add3A_2319, %iota3A : vector<16xi32>
    %get3A_2321 = arith.constant 16 : index
    %get3A_2322 = tpu.vector_load %arg7[%get3A_2321] {strides = array<i32>} : memref<128xi32, #tpu.memory_space<vmem>>, vector<16xi32>,
    tpu.vector_store_idx %arg5[%add3A_2320, %get3A_2322], %broadcast_in_dim3A_3 : memref<128x256xf32, #tpu.memory_space<vmem>>[vector<16xi32>, vector<16xi32>], vector<16xf32>,
    %get3A_2323 = arith.constant 1552 : index
    %get3A_2324 = tpu.vector_load %arg4[%get3A_2323] {strides = array<i32>} : memref<2048xf32, #tpu.memory_space<vmem>>, vector<16xf32>,
    %add3A_2325 = arith.constant 1.000000e+00 : f32
    %add3A_2326 = vector.broadcast %add3A_2325 : f32 to vector<16xf32>
    %add3A_2327 = arith.addf %get3A_2324, %add3A_2326 : vector<16xf32>
    %mul3A_2328 = arith.constant 1.280000e+02 : f32
    %mul3A_2329 = vector.broadcast %mul3A_2328 : f32 to vector<16xf32>
    %mul3A_2330 = arith.mulf %add3A_2327, %mul3A_2329 : vector<16xf32>
    %convert_element_type3A_2331 = arith.fptosi %mul3A_2330 : vector<16xf32> to vector<16xi32>
    %lt3A_2332 = arith.constant 256 : i32
    %lt3A_2333 = vector.broadcast %lt3A_2332 : i32 to vector<16xi32>
    %lt3A_2334 = arith.cmpi slt, %convert_element_type3A_2331, %lt3A_2333 : vector<16xi32>
    %min3A_2335 = arith.constant 255 : i32
    %min3A_2336 = vector.broadcast %min3A_2335 : i32 to vector<16xi32>
    %min3A_2337 = arith.minsi %convert_element_type3A_2331, %min3A_2336 : vector<16xi32>
    %select_n3A_2338 = arith.select %lt3A_2334, %broadcast_in_dim3A_10, %broadcast_in_dim3A_3 : vector<16xi1>, vector<16xf32>
    tpu.vector_store_idx %arg5[%add3A_2320, %min3A_2337], %select_n3A_2338 : memref<128x256xf32, #tpu.memory_space<vmem>>[vector<16xi32>, vector<16xi32>], vector<16xf32>,
    %swap3A_2339 = arith.constant 16 : index
    %swap3A_2340 = tpu.vector_load %arg7[%swap3A_2339] {strides = array<i32>} : memref<128xi32, #tpu.memory_space<vmem>>, vector<16xi32>,
    tpu.vector_store %arg7[%swap3A_2339], %min3A_2337 {strides = array<i32>} : memref<128xi32, #tpu.memory_space<vmem>>, vector<16xi32>,
    %add3A_2341 = arith.constant 32 : i32
    %add3A_2342 = vector.broadcast %add3A_2341 : i32 to vector<16xi32>
    %add3A_2343 = arith.addi %add3A_2342, %iota3A : vector<16xi32>
    %get3A_2344 = arith.constant 32 : index
    %get3A_2345 = tpu.vector_load %arg7[%get3A_2344] {strides = array<i32>} : memref<128xi32, #tpu.memory_space<vmem>>, vector<16xi32>,
    tpu.vector_store_idx %arg5[%add3A_2343, %get3A_2345], %broadcast_in_dim3A_3 : memref<128x256xf32, #tpu.memory_space<vmem>>[vector<16xi32>, vector<16xi32>], vector<16xf32>,
    %get3A_2346 = arith.constant 1568 : index
    %get3A_2347 = tpu.vector_load %arg4[%get3A_2346] {strides = array<i32>} : memref<2048xf32, #tpu.memory_space<vmem>>, vector<16xf32>,
    %add3A_2348 = arith.constant 1.000000e+00 : f32
    %add3A_2349 = vector.broadcast %add3A_2348 : f32 to vector<16xf32>
    %add3A_2350 = arith.addf %get3A_2347, %add3A_2349 : vector<16xf32>
    %mul3A_2351 = arith.constant 1.280000e+02 : f32
    %mul3A_2352 = vector.broadcast %mul3A_2351 : f32 to vector<16xf32>
    %mul3A_2353 = arith.mulf %add3A_2350, %mul3A_2352 : vector<16xf32>
    %convert_element_type3A_2354 = arith.fptosi %mul3A_2353 : vector<16xf32> to vector<16xi32>
    %lt3A_2355 = arith.constant 256 : i32
    %lt3A_2356 = vector.broadcast %lt3A_2355 : i32 to vector<16xi32>
    %lt3A_2357 = arith.cmpi slt, %convert_element_type3A_2354, %lt3A_2356 : vector<16xi32>
    %min3A_2358 = arith.constant 255 : i32
    %min3A_2359 = vector.broadcast %min3A_2358 : i32 to vector<16xi32>
    %min3A_2360 = arith.minsi %convert_element_type3A_2354, %min3A_2359 : vector<16xi32>
    %select_n3A_2361 = arith.select %lt3A_2357, %broadcast_in_dim3A_10, %broadcast_in_dim3A_3 : vector<16xi1>, vector<16xf32>
    tpu.vector_store_idx %arg5[%add3A_2343, %min3A_2360], %select_n3A_2361 : memref<128x256xf32, #tpu.memory_space<vmem>>[vector<16xi32>, vector<16xi32>], vector<16xf32>,
    %swap3A_2362 = arith.constant 32 : index
    %swap3A_2363 = tpu.vector_load %arg7[%swap3A_2362] {strides = array<i32>} : memref<128xi32, #tpu.memory_space<vmem>>, vector<16xi32>,
    tpu.vector_store %arg7[%swap3A_2362], %min3A_2360 {strides = array<i32>} : memref<128xi32, #tpu.memory_space<vmem>>, vector<16xi32>,
    %add3A_2364 = arith.constant 48 : i32
    %add3A_2365 = vector.broadcast %add3A_2364 : i32 to vector<16xi32>
    %add3A_2366 = arith.addi %add3A_2365, %iota3A : vector<16xi32>
    %get3A_2367 = arith.constant 48 : index
    %get3A_2368 = tpu.vector_load %arg7[%get3A_2367] {strides = array<i32>} : memref<128xi32, #tpu.memory_space<vmem>>, vector<16xi32>,
    tpu.vector_store_idx %arg5[%add3A_2366, %get3A_2368], %broadcast_in_dim3A_3 : memref<128x256xf32, #tpu.memory_space<vmem>>[vector<16xi32>, vector<16xi32>], vector<16xf32>,
    %get3A_2369 = arith.constant 1584 : index
    %get3A_2370 = tpu.vector_load %arg4[%get3A_2369] {strides = array<i32>} : memref<2048xf32, #tpu.memory_space<vmem>>, vector<16xf32>,
    %add3A_2371 = arith.constant 1.000000e+00 : f32
    %add3A_2372 = vector.broadcast %add3A_2371 : f32 to vector<16xf32>
    %add3A_2373 = arith.addf %get3A_2370, %add3A_2372 : vector<16xf32>
    %mul3A_2374 = arith.constant 1.280000e+02 : f32
    %mul3A_2375 = vector.broadcast %mul3A_2374 : f32 to vector<16xf32>
    %mul3A_2376 = arith.mulf %add3A_2373, %mul3A_2375 : vector<16xf32>
    %convert_element_type3A_2377 = arith.fptosi %mul3A_2376 : vector<16xf32> to vector<16xi32>
    %lt3A_2378 = arith.constant 256 : i32
    %lt3A_2379 = vector.broadcast %lt3A_2378 : i32 to vector<16xi32>
    %lt3A_2380 = arith.cmpi slt, %convert_element_type3A_2377, %lt3A_2379 : vector<16xi32>
    %min3A_2381 = arith.constant 255 : i32
    %min3A_2382 = vector.broadcast %min3A_2381 : i32 to vector<16xi32>
    %min3A_2383 = arith.minsi %convert_element_type3A_2377, %min3A_2382 : vector<16xi32>
    %select_n3A_2384 = arith.select %lt3A_2380, %broadcast_in_dim3A_10, %broadcast_in_dim3A_3 : vector<16xi1>, vector<16xf32>
    tpu.vector_store_idx %arg5[%add3A_2366, %min3A_2383], %select_n3A_2384 : memref<128x256xf32, #tpu.memory_space<vmem>>[vector<16xi32>, vector<16xi32>], vector<16xf32>,
    %swap3A_2385 = arith.constant 48 : index
    %swap3A_2386 = tpu.vector_load %arg7[%swap3A_2385] {strides = array<i32>} : memref<128xi32, #tpu.memory_space<vmem>>, vector<16xi32>,
    tpu.vector_store %arg7[%swap3A_2385], %min3A_2383 {strides = array<i32>} : memref<128xi32, #tpu.memory_space<vmem>>, vector<16xi32>,
    %add3A_2387 = arith.constant 64 : i32
    %add3A_2388 = vector.broadcast %add3A_2387 : i32 to vector<16xi32>
    %add3A_2389 = arith.addi %add3A_2388, %iota3A : vector<16xi32>
    %get3A_2390 = arith.constant 64 : index
    %get3A_2391 = tpu.vector_load %arg7[%get3A_2390] {strides = array<i32>} : memref<128xi32, #tpu.memory_space<vmem>>, vector<16xi32>,
    tpu.vector_store_idx %arg5[%add3A_2389, %get3A_2391], %broadcast_in_dim3A_3 : memref<128x256xf32, #tpu.memory_space<vmem>>[vector<16xi32>, vector<16xi32>], vector<16xf32>,
    %get3A_2392 = arith.constant 1600 : index
    %get3A_2393 = tpu.vector_load %arg4[%get3A_2392] {strides = array<i32>} : memref<2048xf32, #tpu.memory_space<vmem>>, vector<16xf32>,
    %add3A_2394 = arith.constant 1.000000e+00 : f32
    %add3A_2395 = vector.broadcast %add3A_2394 : f32 to vector<16xf32>
    %add3A_2396 = arith.addf %get3A_2393, %add3A_2395 : vector<16xf32>
    %mul3A_2397 = arith.constant 1.280000e+02 : f32
    %mul3A_2398 = vector.broadcast %mul3A_2397 : f32 to vector<16xf32>
    %mul3A_2399 = arith.mulf %add3A_2396, %mul3A_2398 : vector<16xf32>
    %convert_element_type3A_2400 = arith.fptosi %mul3A_2399 : vector<16xf32> to vector<16xi32>
    %lt3A_2401 = arith.constant 256 : i32
    %lt3A_2402 = vector.broadcast %lt3A_2401 : i32 to vector<16xi32>
    %lt3A_2403 = arith.cmpi slt, %convert_element_type3A_2400, %lt3A_2402 : vector<16xi32>
    %min3A_2404 = arith.constant 255 : i32
    %min3A_2405 = vector.broadcast %min3A_2404 : i32 to vector<16xi32>
    %min3A_2406 = arith.minsi %convert_element_type3A_2400, %min3A_2405 : vector<16xi32>
    %select_n3A_2407 = arith.select %lt3A_2403, %broadcast_in_dim3A_10, %broadcast_in_dim3A_3 : vector<16xi1>, vector<16xf32>
    tpu.vector_store_idx %arg5[%add3A_2389, %min3A_2406], %select_n3A_2407 : memref<128x256xf32, #tpu.memory_space<vmem>>[vector<16xi32>, vector<16xi32>], vector<16xf32>,
    %swap3A_2408 = arith.constant 64 : index
    %swap3A_2409 = tpu.vector_load %arg7[%swap3A_2408] {strides = array<i32>} : memref<128xi32, #tpu.memory_space<vmem>>, vector<16xi32>,
    tpu.vector_store %arg7[%swap3A_2408], %min3A_2406 {strides = array<i32>} : memref<128xi32, #tpu.memory_space<vmem>>, vector<16xi32>,
    %add3A_2410 = arith.constant 80 : i32
    %add3A_2411 = vector.broadcast %add3A_2410 : i32 to vector<16xi32>
    %add3A_2412 = arith.addi %add3A_2411, %iota3A : vector<16xi32>
    %get3A_2413 = arith.constant 80 : index
    %get3A_2414 = tpu.vector_load %arg7[%get3A_2413] {strides = array<i32>} : memref<128xi32, #tpu.memory_space<vmem>>, vector<16xi32>,
    tpu.vector_store_idx %arg5[%add3A_2412, %get3A_2414], %broadcast_in_dim3A_3 : memref<128x256xf32, #tpu.memory_space<vmem>>[vector<16xi32>, vector<16xi32>], vector<16xf32>,
    %get3A_2415 = arith.constant 1616 : index
    %get3A_2416 = tpu.vector_load %arg4[%get3A_2415] {strides = array<i32>} : memref<2048xf32, #tpu.memory_space<vmem>>, vector<16xf32>,
    %add3A_2417 = arith.constant 1.000000e+00 : f32
    %add3A_2418 = vector.broadcast %add3A_2417 : f32 to vector<16xf32>
    %add3A_2419 = arith.addf %get3A_2416, %add3A_2418 : vector<16xf32>
    %mul3A_2420 = arith.constant 1.280000e+02 : f32
    %mul3A_2421 = vector.broadcast %mul3A_2420 : f32 to vector<16xf32>
    %mul3A_2422 = arith.mulf %add3A_2419, %mul3A_2421 : vector<16xf32>
    %convert_element_type3A_2423 = arith.fptosi %mul3A_2422 : vector<16xf32> to vector<16xi32>
    %lt3A_2424 = arith.constant 256 : i32
    %lt3A_2425 = vector.broadcast %lt3A_2424 : i32 to vector<16xi32>
    %lt3A_2426 = arith.cmpi slt, %convert_element_type3A_2423, %lt3A_2425 : vector<16xi32>
    %min3A_2427 = arith.constant 255 : i32
    %min3A_2428 = vector.broadcast %min3A_2427 : i32 to vector<16xi32>
    %min3A_2429 = arith.minsi %convert_element_type3A_2423, %min3A_2428 : vector<16xi32>
    %select_n3A_2430 = arith.select %lt3A_2426, %broadcast_in_dim3A_10, %broadcast_in_dim3A_3 : vector<16xi1>, vector<16xf32>
    tpu.vector_store_idx %arg5[%add3A_2412, %min3A_2429], %select_n3A_2430 : memref<128x256xf32, #tpu.memory_space<vmem>>[vector<16xi32>, vector<16xi32>], vector<16xf32>,
    %swap3A_2431 = arith.constant 80 : index
    %swap3A_2432 = tpu.vector_load %arg7[%swap3A_2431] {strides = array<i32>} : memref<128xi32, #tpu.memory_space<vmem>>, vector<16xi32>,
    tpu.vector_store %arg7[%swap3A_2431], %min3A_2429 {strides = array<i32>} : memref<128xi32, #tpu.memory_space<vmem>>, vector<16xi32>,
    %add3A_2433 = arith.constant 96 : i32
    %add3A_2434 = vector.broadcast %add3A_2433 : i32 to vector<16xi32>
    %add3A_2435 = arith.addi %add3A_2434, %iota3A : vector<16xi32>
    %get3A_2436 = arith.constant 96 : index
    %get3A_2437 = tpu.vector_load %arg7[%get3A_2436] {strides = array<i32>} : memref<128xi32, #tpu.memory_space<vmem>>, vector<16xi32>,
    tpu.vector_store_idx %arg5[%add3A_2435, %get3A_2437], %broadcast_in_dim3A_3 : memref<128x256xf32, #tpu.memory_space<vmem>>[vector<16xi32>, vector<16xi32>], vector<16xf32>,
    %get3A_2438 = arith.constant 1632 : index
    %get3A_2439 = tpu.vector_load %arg4[%get3A_2438] {strides = array<i32>} : memref<2048xf32, #tpu.memory_space<vmem>>, vector<16xf32>,
    %add3A_2440 = arith.constant 1.000000e+00 : f32
    %add3A_2441 = vector.broadcast %add3A_2440 : f32 to vector<16xf32>
    %add3A_2442 = arith.addf %get3A_2439, %add3A_2441 : vector<16xf32>
    %mul3A_2443 = arith.constant 1.280000e+02 : f32
    %mul3A_2444 = vector.broadcast %mul3A_2443 : f32 to vector<16xf32>
    %mul3A_2445 = arith.mulf %add3A_2442, %mul3A_2444 : vector<16xf32>
    %convert_element_type3A_2446 = arith.fptosi %mul3A_2445 : vector<16xf32> to vector<16xi32>
    %lt3A_2447 = arith.constant 256 : i32
    %lt3A_2448 = vector.broadcast %lt3A_2447 : i32 to vector<16xi32>
    %lt3A_2449 = arith.cmpi slt, %convert_element_type3A_2446, %lt3A_2448 : vector<16xi32>
    %min3A_2450 = arith.constant 255 : i32
    %min3A_2451 = vector.broadcast %min3A_2450 : i32 to vector<16xi32>
    %min3A_2452 = arith.minsi %convert_element_type3A_2446, %min3A_2451 : vector<16xi32>
    %select_n3A_2453 = arith.select %lt3A_2449, %broadcast_in_dim3A_10, %broadcast_in_dim3A_3 : vector<16xi1>, vector<16xf32>
    tpu.vector_store_idx %arg5[%add3A_2435, %min3A_2452], %select_n3A_2453 : memref<128x256xf32, #tpu.memory_space<vmem>>[vector<16xi32>, vector<16xi32>], vector<16xf32>,
    %swap3A_2454 = arith.constant 96 : index
    %swap3A_2455 = tpu.vector_load %arg7[%swap3A_2454] {strides = array<i32>} : memref<128xi32, #tpu.memory_space<vmem>>, vector<16xi32>,
    tpu.vector_store %arg7[%swap3A_2454], %min3A_2452 {strides = array<i32>} : memref<128xi32, #tpu.memory_space<vmem>>, vector<16xi32>,
    %add3A_2456 = arith.constant 112 : i32
    %add3A_2457 = vector.broadcast %add3A_2456 : i32 to vector<16xi32>
    %add3A_2458 = arith.addi %add3A_2457, %iota3A : vector<16xi32>
    %get3A_2459 = arith.constant 112 : index
    %get3A_2460 = tpu.vector_load %arg7[%get3A_2459] {strides = array<i32>} : memref<128xi32, #tpu.memory_space<vmem>>, vector<16xi32>,
    tpu.vector_store_idx %arg5[%add3A_2458, %get3A_2460], %broadcast_in_dim3A_3 : memref<128x256xf32, #tpu.memory_space<vmem>>[vector<16xi32>, vector<16xi32>], vector<16xf32>,
    %get3A_2461 = arith.constant 1648 : index
    %get3A_2462 = tpu.vector_load %arg4[%get3A_2461] {strides = array<i32>} : memref<2048xf32, #tpu.memory_space<vmem>>, vector<16xf32>,
    %add3A_2463 = arith.constant 1.000000e+00 : f32
    %add3A_2464 = vector.broadcast %add3A_2463 : f32 to vector<16xf32>
    %add3A_2465 = arith.addf %get3A_2462, %add3A_2464 : vector<16xf32>
    %mul3A_2466 = arith.constant 1.280000e+02 : f32
    %mul3A_2467 = vector.broadcast %mul3A_2466 : f32 to vector<16xf32>
    %mul3A_2468 = arith.mulf %add3A_2465, %mul3A_2467 : vector<16xf32>
    %convert_element_type3A_2469 = arith.fptosi %mul3A_2468 : vector<16xf32> to vector<16xi32>
    %lt3A_2470 = arith.constant 256 : i32
    %lt3A_2471 = vector.broadcast %lt3A_2470 : i32 to vector<16xi32>
    %lt3A_2472 = arith.cmpi slt, %convert_element_type3A_2469, %lt3A_2471 : vector<16xi32>
    %min3A_2473 = arith.constant 255 : i32
    %min3A_2474 = vector.broadcast %min3A_2473 : i32 to vector<16xi32>
    %min3A_2475 = arith.minsi %convert_element_type3A_2469, %min3A_2474 : vector<16xi32>
    %select_n3A_2476 = arith.select %lt3A_2472, %broadcast_in_dim3A_10, %broadcast_in_dim3A_3 : vector<16xi1>, vector<16xf32>
    tpu.vector_store_idx %arg5[%add3A_2458, %min3A_2475], %select_n3A_2476 : memref<128x256xf32, #tpu.memory_space<vmem>>[vector<16xi32>, vector<16xi32>], vector<16xf32>,
    %swap3A_2477 = arith.constant 112 : index
    %swap3A_2478 = tpu.vector_load %arg7[%swap3A_2477] {strides = array<i32>} : memref<128xi32, #tpu.memory_space<vmem>>, vector<16xi32>,
    tpu.vector_store %arg7[%swap3A_2477], %min3A_2475 {strides = array<i32>} : memref<128xi32, #tpu.memory_space<vmem>>, vector<16xi32>,
    %add3A_2479 = arith.constant 1536 : i32
    %add3A_2480 = arith.addi %mul3A_2, %add3A_2479 : i32
    %dma_start3A_2481 = arith.constant 0 : i32
    %dma_start3A_2482 = tpu.memref_slice %arg3[%add3A_2480, %dma_start3A_2481] : memref<65536x256xf32, #tpu.memory_space<hbm>> -> memref<128x256xf32, #tpu.memory_space<hbm>>
    %dma_start3A_2483 = arith.constant 0 : i32
    %dma_start3A_2484 = tpu.memref_slice %arg3[%add3A_2480, %dma_start3A_2483] : memref<65536x256xf32, #tpu.memory_space<hbm>> -> memref<128x256xf32, #tpu.memory_space<hbm>>
    tpu.enqueue_dma source(%arg5 : memref<128x256xf32, #tpu.memory_space<vmem>>) target(%dma_start3A_2484 : memref<128x256xf32, #tpu.memory_space<hbm>>) target_semaphore(%arg9 : memref<!tpu.dma_semaphore, #tpu.memory_space<semaphore_mem>>)
    %dma_wait3A_2485 = arith.constant 0 : i32
    %dma_wait3A_2486 = tpu.memref_slice %arg3[%add3A_2286, %dma_wait3A_2485] : memref<65536x256xf32, #tpu.memory_space<hbm>> -> memref<128x256xf32, #tpu.memory_space<hbm>>
    %dma_wait3A_2487 = arith.constant 0 : i32
    %dma_wait3A_2488 = tpu.memref_slice %arg3[%add3A_2286, %dma_wait3A_2487] : memref<65536x256xf32, #tpu.memory_space<hbm>> -> memref<128x256xf32, #tpu.memory_space<hbm>>
    tpu.wait_dma2 semaphore(%arg10 : memref<!tpu.dma_semaphore, #tpu.memory_space<semaphore_mem>>) src(%arg6 : memref<128x256xf32, #tpu.memory_space<vmem>>) dst(%dma_wait3A_2488 : memref<128x256xf32, #tpu.memory_space<hbm>>)
    %add3A_2489 = arith.constant 0 : i32
    %add3A_2490 = vector.broadcast %add3A_2489 : i32 to vector<16xi32>
    %add3A_2491 = arith.addi %add3A_2490, %iota3A : vector<16xi32>
    %get3A_2492 = arith.constant 0 : index
    %get3A_2493 = tpu.vector_load %arg8[%get3A_2492] {strides = array<i32>} : memref<128xi32, #tpu.memory_space<vmem>>, vector<16xi32>,
    tpu.vector_store_idx %arg6[%add3A_2491, %get3A_2493], %broadcast_in_dim3A_3 : memref<128x256xf32, #tpu.memory_space<vmem>>[vector<16xi32>, vector<16xi32>], vector<16xf32>,
    %get3A_2494 = arith.constant 1664 : index
    %get3A_2495 = tpu.vector_load %arg4[%get3A_2494] {strides = array<i32>} : memref<2048xf32, #tpu.memory_space<vmem>>, vector<16xf32>,
    %add3A_2496 = arith.constant 1.000000e+00 : f32
    %add3A_2497 = vector.broadcast %add3A_2496 : f32 to vector<16xf32>
    %add3A_2498 = arith.addf %get3A_2495, %add3A_2497 : vector<16xf32>
    %mul3A_2499 = arith.constant 1.280000e+02 : f32
    %mul3A_2500 = vector.broadcast %mul3A_2499 : f32 to vector<16xf32>
    %mul3A_2501 = arith.mulf %add3A_2498, %mul3A_2500 : vector<16xf32>
    %convert_element_type3A_2502 = arith.fptosi %mul3A_2501 : vector<16xf32> to vector<16xi32>
    %lt3A_2503 = arith.constant 256 : i32
    %lt3A_2504 = vector.broadcast %lt3A_2503 : i32 to vector<16xi32>
    %lt3A_2505 = arith.cmpi slt, %convert_element_type3A_2502, %lt3A_2504 : vector<16xi32>
    %min3A_2506 = arith.constant 255 : i32
    %min3A_2507 = vector.broadcast %min3A_2506 : i32 to vector<16xi32>
    %min3A_2508 = arith.minsi %convert_element_type3A_2502, %min3A_2507 : vector<16xi32>
    %select_n3A_2509 = arith.select %lt3A_2505, %broadcast_in_dim3A_10, %broadcast_in_dim3A_3 : vector<16xi1>, vector<16xf32>
    tpu.vector_store_idx %arg6[%add3A_2491, %min3A_2508], %select_n3A_2509 : memref<128x256xf32, #tpu.memory_space<vmem>>[vector<16xi32>, vector<16xi32>], vector<16xf32>,
    %swap3A_2510 = arith.constant 0 : index
    %swap3A_2511 = tpu.vector_load %arg8[%swap3A_2510] {strides = array<i32>} : memref<128xi32, #tpu.memory_space<vmem>>, vector<16xi32>,
    tpu.vector_store %arg8[%swap3A_2510], %min3A_2508 {strides = array<i32>} : memref<128xi32, #tpu.memory_space<vmem>>, vector<16xi32>,
    %add3A_2512 = arith.constant 16 : i32
    %add3A_2513 = vector.broadcast %add3A_2512 : i32 to vector<16xi32>
    %add3A_2514 = arith.addi %add3A_2513, %iota3A : vector<16xi32>
    %get3A_2515 = arith.constant 16 : index
    %get3A_2516 = tpu.vector_load %arg8[%get3A_2515] {strides = array<i32>} : memref<128xi32, #tpu.memory_space<vmem>>, vector<16xi32>,
    tpu.vector_store_idx %arg6[%add3A_2514, %get3A_2516], %broadcast_in_dim3A_3 : memref<128x256xf32, #tpu.memory_space<vmem>>[vector<16xi32>, vector<16xi32>], vector<16xf32>,
    %get3A_2517 = arith.constant 1680 : index
    %get3A_2518 = tpu.vector_load %arg4[%get3A_2517] {strides = array<i32>} : memref<2048xf32, #tpu.memory_space<vmem>>, vector<16xf32>,
    %add3A_2519 = arith.constant 1.000000e+00 : f32
    %add3A_2520 = vector.broadcast %add3A_2519 : f32 to vector<16xf32>
    %add3A_2521 = arith.addf %get3A_2518, %add3A_2520 : vector<16xf32>
    %mul3A_2522 = arith.constant 1.280000e+02 : f32
    %mul3A_2523 = vector.broadcast %mul3A_2522 : f32 to vector<16xf32>
    %mul3A_2524 = arith.mulf %add3A_2521, %mul3A_2523 : vector<16xf32>
    %convert_element_type3A_2525 = arith.fptosi %mul3A_2524 : vector<16xf32> to vector<16xi32>
    %lt3A_2526 = arith.constant 256 : i32
    %lt3A_2527 = vector.broadcast %lt3A_2526 : i32 to vector<16xi32>
    %lt3A_2528 = arith.cmpi slt, %convert_element_type3A_2525, %lt3A_2527 : vector<16xi32>
    %min3A_2529 = arith.constant 255 : i32
    %min3A_2530 = vector.broadcast %min3A_2529 : i32 to vector<16xi32>
    %min3A_2531 = arith.minsi %convert_element_type3A_2525, %min3A_2530 : vector<16xi32>
    %select_n3A_2532 = arith.select %lt3A_2528, %broadcast_in_dim3A_10, %broadcast_in_dim3A_3 : vector<16xi1>, vector<16xf32>
    tpu.vector_store_idx %arg6[%add3A_2514, %min3A_2531], %select_n3A_2532 : memref<128x256xf32, #tpu.memory_space<vmem>>[vector<16xi32>, vector<16xi32>], vector<16xf32>,
    %swap3A_2533 = arith.constant 16 : index
    %swap3A_2534 = tpu.vector_load %arg8[%swap3A_2533] {strides = array<i32>} : memref<128xi32, #tpu.memory_space<vmem>>, vector<16xi32>,
    tpu.vector_store %arg8[%swap3A_2533], %min3A_2531 {strides = array<i32>} : memref<128xi32, #tpu.memory_space<vmem>>, vector<16xi32>,
    %add3A_2535 = arith.constant 32 : i32
    %add3A_2536 = vector.broadcast %add3A_2535 : i32 to vector<16xi32>
    %add3A_2537 = arith.addi %add3A_2536, %iota3A : vector<16xi32>
    %get3A_2538 = arith.constant 32 : index
    %get3A_2539 = tpu.vector_load %arg8[%get3A_2538] {strides = array<i32>} : memref<128xi32, #tpu.memory_space<vmem>>, vector<16xi32>,
    tpu.vector_store_idx %arg6[%add3A_2537, %get3A_2539], %broadcast_in_dim3A_3 : memref<128x256xf32, #tpu.memory_space<vmem>>[vector<16xi32>, vector<16xi32>], vector<16xf32>,
    %get3A_2540 = arith.constant 1696 : index
    %get3A_2541 = tpu.vector_load %arg4[%get3A_2540] {strides = array<i32>} : memref<2048xf32, #tpu.memory_space<vmem>>, vector<16xf32>,
    %add3A_2542 = arith.constant 1.000000e+00 : f32
    %add3A_2543 = vector.broadcast %add3A_2542 : f32 to vector<16xf32>
    %add3A_2544 = arith.addf %get3A_2541, %add3A_2543 : vector<16xf32>
    %mul3A_2545 = arith.constant 1.280000e+02 : f32
    %mul3A_2546 = vector.broadcast %mul3A_2545 : f32 to vector<16xf32>
    %mul3A_2547 = arith.mulf %add3A_2544, %mul3A_2546 : vector<16xf32>
    %convert_element_type3A_2548 = arith.fptosi %mul3A_2547 : vector<16xf32> to vector<16xi32>
    %lt3A_2549 = arith.constant 256 : i32
    %lt3A_2550 = vector.broadcast %lt3A_2549 : i32 to vector<16xi32>
    %lt3A_2551 = arith.cmpi slt, %convert_element_type3A_2548, %lt3A_2550 : vector<16xi32>
    %min3A_2552 = arith.constant 255 : i32
    %min3A_2553 = vector.broadcast %min3A_2552 : i32 to vector<16xi32>
    %min3A_2554 = arith.minsi %convert_element_type3A_2548, %min3A_2553 : vector<16xi32>
    %select_n3A_2555 = arith.select %lt3A_2551, %broadcast_in_dim3A_10, %broadcast_in_dim3A_3 : vector<16xi1>, vector<16xf32>
    tpu.vector_store_idx %arg6[%add3A_2537, %min3A_2554], %select_n3A_2555 : memref<128x256xf32, #tpu.memory_space<vmem>>[vector<16xi32>, vector<16xi32>], vector<16xf32>,
    %swap3A_2556 = arith.constant 32 : index
    %swap3A_2557 = tpu.vector_load %arg8[%swap3A_2556] {strides = array<i32>} : memref<128xi32, #tpu.memory_space<vmem>>, vector<16xi32>,
    tpu.vector_store %arg8[%swap3A_2556], %min3A_2554 {strides = array<i32>} : memref<128xi32, #tpu.memory_space<vmem>>, vector<16xi32>,
    %add3A_2558 = arith.constant 48 : i32
    %add3A_2559 = vector.broadcast %add3A_2558 : i32 to vector<16xi32>
    %add3A_2560 = arith.addi %add3A_2559, %iota3A : vector<16xi32>
    %get3A_2561 = arith.constant 48 : index
    %get3A_2562 = tpu.vector_load %arg8[%get3A_2561] {strides = array<i32>} : memref<128xi32, #tpu.memory_space<vmem>>, vector<16xi32>,
    tpu.vector_store_idx %arg6[%add3A_2560, %get3A_2562], %broadcast_in_dim3A_3 : memref<128x256xf32, #tpu.memory_space<vmem>>[vector<16xi32>, vector<16xi32>], vector<16xf32>,
    %get3A_2563 = arith.constant 1712 : index
    %get3A_2564 = tpu.vector_load %arg4[%get3A_2563] {strides = array<i32>} : memref<2048xf32, #tpu.memory_space<vmem>>, vector<16xf32>,
    %add3A_2565 = arith.constant 1.000000e+00 : f32
    %add3A_2566 = vector.broadcast %add3A_2565 : f32 to vector<16xf32>
    %add3A_2567 = arith.addf %get3A_2564, %add3A_2566 : vector<16xf32>
    %mul3A_2568 = arith.constant 1.280000e+02 : f32
    %mul3A_2569 = vector.broadcast %mul3A_2568 : f32 to vector<16xf32>
    %mul3A_2570 = arith.mulf %add3A_2567, %mul3A_2569 : vector<16xf32>
    %convert_element_type3A_2571 = arith.fptosi %mul3A_2570 : vector<16xf32> to vector<16xi32>
    %lt3A_2572 = arith.constant 256 : i32
    %lt3A_2573 = vector.broadcast %lt3A_2572 : i32 to vector<16xi32>
    %lt3A_2574 = arith.cmpi slt, %convert_element_type3A_2571, %lt3A_2573 : vector<16xi32>
    %min3A_2575 = arith.constant 255 : i32
    %min3A_2576 = vector.broadcast %min3A_2575 : i32 to vector<16xi32>
    %min3A_2577 = arith.minsi %convert_element_type3A_2571, %min3A_2576 : vector<16xi32>
    %select_n3A_2578 = arith.select %lt3A_2574, %broadcast_in_dim3A_10, %broadcast_in_dim3A_3 : vector<16xi1>, vector<16xf32>
    tpu.vector_store_idx %arg6[%add3A_2560, %min3A_2577], %select_n3A_2578 : memref<128x256xf32, #tpu.memory_space<vmem>>[vector<16xi32>, vector<16xi32>], vector<16xf32>,
    %swap3A_2579 = arith.constant 48 : index
    %swap3A_2580 = tpu.vector_load %arg8[%swap3A_2579] {strides = array<i32>} : memref<128xi32, #tpu.memory_space<vmem>>, vector<16xi32>,
    tpu.vector_store %arg8[%swap3A_2579], %min3A_2577 {strides = array<i32>} : memref<128xi32, #tpu.memory_space<vmem>>, vector<16xi32>,
    %add3A_2581 = arith.constant 64 : i32
    %add3A_2582 = vector.broadcast %add3A_2581 : i32 to vector<16xi32>
    %add3A_2583 = arith.addi %add3A_2582, %iota3A : vector<16xi32>
    %get3A_2584 = arith.constant 64 : index
    %get3A_2585 = tpu.vector_load %arg8[%get3A_2584] {strides = array<i32>} : memref<128xi32, #tpu.memory_space<vmem>>, vector<16xi32>,
    tpu.vector_store_idx %arg6[%add3A_2583, %get3A_2585], %broadcast_in_dim3A_3 : memref<128x256xf32, #tpu.memory_space<vmem>>[vector<16xi32>, vector<16xi32>], vector<16xf32>,
    %get3A_2586 = arith.constant 1728 : index
    %get3A_2587 = tpu.vector_load %arg4[%get3A_2586] {strides = array<i32>} : memref<2048xf32, #tpu.memory_space<vmem>>, vector<16xf32>,
    %add3A_2588 = arith.constant 1.000000e+00 : f32
    %add3A_2589 = vector.broadcast %add3A_2588 : f32 to vector<16xf32>
    %add3A_2590 = arith.addf %get3A_2587, %add3A_2589 : vector<16xf32>
    %mul3A_2591 = arith.constant 1.280000e+02 : f32
    %mul3A_2592 = vector.broadcast %mul3A_2591 : f32 to vector<16xf32>
    %mul3A_2593 = arith.mulf %add3A_2590, %mul3A_2592 : vector<16xf32>
    %convert_element_type3A_2594 = arith.fptosi %mul3A_2593 : vector<16xf32> to vector<16xi32>
    %lt3A_2595 = arith.constant 256 : i32
    %lt3A_2596 = vector.broadcast %lt3A_2595 : i32 to vector<16xi32>
    %lt3A_2597 = arith.cmpi slt, %convert_element_type3A_2594, %lt3A_2596 : vector<16xi32>
    %min3A_2598 = arith.constant 255 : i32
    %min3A_2599 = vector.broadcast %min3A_2598 : i32 to vector<16xi32>
    %min3A_2600 = arith.minsi %convert_element_type3A_2594, %min3A_2599 : vector<16xi32>
    %select_n3A_2601 = arith.select %lt3A_2597, %broadcast_in_dim3A_10, %broadcast_in_dim3A_3 : vector<16xi1>, vector<16xf32>
    tpu.vector_store_idx %arg6[%add3A_2583, %min3A_2600], %select_n3A_2601 : memref<128x256xf32, #tpu.memory_space<vmem>>[vector<16xi32>, vector<16xi32>], vector<16xf32>,
    %swap3A_2602 = arith.constant 64 : index
    %swap3A_2603 = tpu.vector_load %arg8[%swap3A_2602] {strides = array<i32>} : memref<128xi32, #tpu.memory_space<vmem>>, vector<16xi32>,
    tpu.vector_store %arg8[%swap3A_2602], %min3A_2600 {strides = array<i32>} : memref<128xi32, #tpu.memory_space<vmem>>, vector<16xi32>,
    %add3A_2604 = arith.constant 80 : i32
    %add3A_2605 = vector.broadcast %add3A_2604 : i32 to vector<16xi32>
    %add3A_2606 = arith.addi %add3A_2605, %iota3A : vector<16xi32>
    %get3A_2607 = arith.constant 80 : index
    %get3A_2608 = tpu.vector_load %arg8[%get3A_2607] {strides = array<i32>} : memref<128xi32, #tpu.memory_space<vmem>>, vector<16xi32>,
    tpu.vector_store_idx %arg6[%add3A_2606, %get3A_2608], %broadcast_in_dim3A_3 : memref<128x256xf32, #tpu.memory_space<vmem>>[vector<16xi32>, vector<16xi32>], vector<16xf32>,
    %get3A_2609 = arith.constant 1744 : index
    %get3A_2610 = tpu.vector_load %arg4[%get3A_2609] {strides = array<i32>} : memref<2048xf32, #tpu.memory_space<vmem>>, vector<16xf32>,
    %add3A_2611 = arith.constant 1.000000e+00 : f32
    %add3A_2612 = vector.broadcast %add3A_2611 : f32 to vector<16xf32>
    %add3A_2613 = arith.addf %get3A_2610, %add3A_2612 : vector<16xf32>
    %mul3A_2614 = arith.constant 1.280000e+02 : f32
    %mul3A_2615 = vector.broadcast %mul3A_2614 : f32 to vector<16xf32>
    %mul3A_2616 = arith.mulf %add3A_2613, %mul3A_2615 : vector<16xf32>
    %convert_element_type3A_2617 = arith.fptosi %mul3A_2616 : vector<16xf32> to vector<16xi32>
    %lt3A_2618 = arith.constant 256 : i32
    %lt3A_2619 = vector.broadcast %lt3A_2618 : i32 to vector<16xi32>
    %lt3A_2620 = arith.cmpi slt, %convert_element_type3A_2617, %lt3A_2619 : vector<16xi32>
    %min3A_2621 = arith.constant 255 : i32
    %min3A_2622 = vector.broadcast %min3A_2621 : i32 to vector<16xi32>
    %min3A_2623 = arith.minsi %convert_element_type3A_2617, %min3A_2622 : vector<16xi32>
    %select_n3A_2624 = arith.select %lt3A_2620, %broadcast_in_dim3A_10, %broadcast_in_dim3A_3 : vector<16xi1>, vector<16xf32>
    tpu.vector_store_idx %arg6[%add3A_2606, %min3A_2623], %select_n3A_2624 : memref<128x256xf32, #tpu.memory_space<vmem>>[vector<16xi32>, vector<16xi32>], vector<16xf32>,
    %swap3A_2625 = arith.constant 80 : index
    %swap3A_2626 = tpu.vector_load %arg8[%swap3A_2625] {strides = array<i32>} : memref<128xi32, #tpu.memory_space<vmem>>, vector<16xi32>,
    tpu.vector_store %arg8[%swap3A_2625], %min3A_2623 {strides = array<i32>} : memref<128xi32, #tpu.memory_space<vmem>>, vector<16xi32>,
    %add3A_2627 = arith.constant 96 : i32
    %add3A_2628 = vector.broadcast %add3A_2627 : i32 to vector<16xi32>
    %add3A_2629 = arith.addi %add3A_2628, %iota3A : vector<16xi32>
    %get3A_2630 = arith.constant 96 : index
    %get3A_2631 = tpu.vector_load %arg8[%get3A_2630] {strides = array<i32>} : memref<128xi32, #tpu.memory_space<vmem>>, vector<16xi32>,
    tpu.vector_store_idx %arg6[%add3A_2629, %get3A_2631], %broadcast_in_dim3A_3 : memref<128x256xf32, #tpu.memory_space<vmem>>[vector<16xi32>, vector<16xi32>], vector<16xf32>,
    %get3A_2632 = arith.constant 1760 : index
    %get3A_2633 = tpu.vector_load %arg4[%get3A_2632] {strides = array<i32>} : memref<2048xf32, #tpu.memory_space<vmem>>, vector<16xf32>,
    %add3A_2634 = arith.constant 1.000000e+00 : f32
    %add3A_2635 = vector.broadcast %add3A_2634 : f32 to vector<16xf32>
    %add3A_2636 = arith.addf %get3A_2633, %add3A_2635 : vector<16xf32>
    %mul3A_2637 = arith.constant 1.280000e+02 : f32
    %mul3A_2638 = vector.broadcast %mul3A_2637 : f32 to vector<16xf32>
    %mul3A_2639 = arith.mulf %add3A_2636, %mul3A_2638 : vector<16xf32>
    %convert_element_type3A_2640 = arith.fptosi %mul3A_2639 : vector<16xf32> to vector<16xi32>
    %lt3A_2641 = arith.constant 256 : i32
    %lt3A_2642 = vector.broadcast %lt3A_2641 : i32 to vector<16xi32>
    %lt3A_2643 = arith.cmpi slt, %convert_element_type3A_2640, %lt3A_2642 : vector<16xi32>
    %min3A_2644 = arith.constant 255 : i32
    %min3A_2645 = vector.broadcast %min3A_2644 : i32 to vector<16xi32>
    %min3A_2646 = arith.minsi %convert_element_type3A_2640, %min3A_2645 : vector<16xi32>
    %select_n3A_2647 = arith.select %lt3A_2643, %broadcast_in_dim3A_10, %broadcast_in_dim3A_3 : vector<16xi1>, vector<16xf32>
    tpu.vector_store_idx %arg6[%add3A_2629, %min3A_2646], %select_n3A_2647 : memref<128x256xf32, #tpu.memory_space<vmem>>[vector<16xi32>, vector<16xi32>], vector<16xf32>,
    %swap3A_2648 = arith.constant 96 : index
    %swap3A_2649 = tpu.vector_load %arg8[%swap3A_2648] {strides = array<i32>} : memref<128xi32, #tpu.memory_space<vmem>>, vector<16xi32>,
    tpu.vector_store %arg8[%swap3A_2648], %min3A_2646 {strides = array<i32>} : memref<128xi32, #tpu.memory_space<vmem>>, vector<16xi32>,
    %add3A_2650 = arith.constant 112 : i32
    %add3A_2651 = vector.broadcast %add3A_2650 : i32 to vector<16xi32>
    %add3A_2652 = arith.addi %add3A_2651, %iota3A : vector<16xi32>
    %get3A_2653 = arith.constant 112 : index
    %get3A_2654 = tpu.vector_load %arg8[%get3A_2653] {strides = array<i32>} : memref<128xi32, #tpu.memory_space<vmem>>, vector<16xi32>,
    tpu.vector_store_idx %arg6[%add3A_2652, %get3A_2654], %broadcast_in_dim3A_3 : memref<128x256xf32, #tpu.memory_space<vmem>>[vector<16xi32>, vector<16xi32>], vector<16xf32>,
    %get3A_2655 = arith.constant 1776 : index
    %get3A_2656 = tpu.vector_load %arg4[%get3A_2655] {strides = array<i32>} : memref<2048xf32, #tpu.memory_space<vmem>>, vector<16xf32>,
    %add3A_2657 = arith.constant 1.000000e+00 : f32
    %add3A_2658 = vector.broadcast %add3A_2657 : f32 to vector<16xf32>
    %add3A_2659 = arith.addf %get3A_2656, %add3A_2658 : vector<16xf32>
    %mul3A_2660 = arith.constant 1.280000e+02 : f32
    %mul3A_2661 = vector.broadcast %mul3A_2660 : f32 to vector<16xf32>
    %mul3A_2662 = arith.mulf %add3A_2659, %mul3A_2661 : vector<16xf32>
    %convert_element_type3A_2663 = arith.fptosi %mul3A_2662 : vector<16xf32> to vector<16xi32>
    %lt3A_2664 = arith.constant 256 : i32
    %lt3A_2665 = vector.broadcast %lt3A_2664 : i32 to vector<16xi32>
    %lt3A_2666 = arith.cmpi slt, %convert_element_type3A_2663, %lt3A_2665 : vector<16xi32>
    %min3A_2667 = arith.constant 255 : i32
    %min3A_2668 = vector.broadcast %min3A_2667 : i32 to vector<16xi32>
    %min3A_2669 = arith.minsi %convert_element_type3A_2663, %min3A_2668 : vector<16xi32>
    %select_n3A_2670 = arith.select %lt3A_2666, %broadcast_in_dim3A_10, %broadcast_in_dim3A_3 : vector<16xi1>, vector<16xf32>
    tpu.vector_store_idx %arg6[%add3A_2652, %min3A_2669], %select_n3A_2670 : memref<128x256xf32, #tpu.memory_space<vmem>>[vector<16xi32>, vector<16xi32>], vector<16xf32>,
    %swap3A_2671 = arith.constant 112 : index
    %swap3A_2672 = tpu.vector_load %arg8[%swap3A_2671] {strides = array<i32>} : memref<128xi32, #tpu.memory_space<vmem>>, vector<16xi32>,
    tpu.vector_store %arg8[%swap3A_2671], %min3A_2669 {strides = array<i32>} : memref<128xi32, #tpu.memory_space<vmem>>, vector<16xi32>,
    %add3A_2673 = arith.constant 1664 : i32
    %add3A_2674 = arith.addi %mul3A_2, %add3A_2673 : i32
    %dma_start3A_2675 = arith.constant 0 : i32
    %dma_start3A_2676 = tpu.memref_slice %arg3[%add3A_2674, %dma_start3A_2675] : memref<65536x256xf32, #tpu.memory_space<hbm>> -> memref<128x256xf32, #tpu.memory_space<hbm>>
    %dma_start3A_2677 = arith.constant 0 : i32
    %dma_start3A_2678 = tpu.memref_slice %arg3[%add3A_2674, %dma_start3A_2677] : memref<65536x256xf32, #tpu.memory_space<hbm>> -> memref<128x256xf32, #tpu.memory_space<hbm>>
    tpu.enqueue_dma source(%arg6 : memref<128x256xf32, #tpu.memory_space<vmem>>) target(%dma_start3A_2678 : memref<128x256xf32, #tpu.memory_space<hbm>>) target_semaphore(%arg10 : memref<!tpu.dma_semaphore, #tpu.memory_space<semaphore_mem>>)
    %dma_wait3A_2679 = arith.constant 0 : i32
    %dma_wait3A_2680 = tpu.memref_slice %arg3[%add3A_2480, %dma_wait3A_2679] : memref<65536x256xf32, #tpu.memory_space<hbm>> -> memref<128x256xf32, #tpu.memory_space<hbm>>
    %dma_wait3A_2681 = arith.constant 0 : i32
    %dma_wait3A_2682 = tpu.memref_slice %arg3[%add3A_2480, %dma_wait3A_2681] : memref<65536x256xf32, #tpu.memory_space<hbm>> -> memref<128x256xf32, #tpu.memory_space<hbm>>
    tpu.wait_dma2 semaphore(%arg9 : memref<!tpu.dma_semaphore, #tpu.memory_space<semaphore_mem>>) src(%arg5 : memref<128x256xf32, #tpu.memory_space<vmem>>) dst(%dma_wait3A_2682 : memref<128x256xf32, #tpu.memory_space<hbm>>)
    %add3A_2683 = arith.constant 0 : i32
    %add3A_2684 = vector.broadcast %add3A_2683 : i32 to vector<16xi32>
    %add3A_2685 = arith.addi %add3A_2684, %iota3A : vector<16xi32>
    %get3A_2686 = arith.constant 0 : index
    %get3A_2687 = tpu.vector_load %arg7[%get3A_2686] {strides = array<i32>} : memref<128xi32, #tpu.memory_space<vmem>>, vector<16xi32>,
    tpu.vector_store_idx %arg5[%add3A_2685, %get3A_2687], %broadcast_in_dim3A_3 : memref<128x256xf32, #tpu.memory_space<vmem>>[vector<16xi32>, vector<16xi32>], vector<16xf32>,
    %get3A_2688 = arith.constant 1792 : index
    %get3A_2689 = tpu.vector_load %arg4[%get3A_2688] {strides = array<i32>} : memref<2048xf32, #tpu.memory_space<vmem>>, vector<16xf32>,
    %add3A_2690 = arith.constant 1.000000e+00 : f32
    %add3A_2691 = vector.broadcast %add3A_2690 : f32 to vector<16xf32>
    %add3A_2692 = arith.addf %get3A_2689, %add3A_2691 : vector<16xf32>
    %mul3A_2693 = arith.constant 1.280000e+02 : f32
    %mul3A_2694 = vector.broadcast %mul3A_2693 : f32 to vector<16xf32>
    %mul3A_2695 = arith.mulf %add3A_2692, %mul3A_2694 : vector<16xf32>
    %convert_element_type3A_2696 = arith.fptosi %mul3A_2695 : vector<16xf32> to vector<16xi32>
    %lt3A_2697 = arith.constant 256 : i32
    %lt3A_2698 = vector.broadcast %lt3A_2697 : i32 to vector<16xi32>
    %lt3A_2699 = arith.cmpi slt, %convert_element_type3A_2696, %lt3A_2698 : vector<16xi32>
    %min3A_2700 = arith.constant 255 : i32
    %min3A_2701 = vector.broadcast %min3A_2700 : i32 to vector<16xi32>
    %min3A_2702 = arith.minsi %convert_element_type3A_2696, %min3A_2701 : vector<16xi32>
    %select_n3A_2703 = arith.select %lt3A_2699, %broadcast_in_dim3A_10, %broadcast_in_dim3A_3 : vector<16xi1>, vector<16xf32>
    tpu.vector_store_idx %arg5[%add3A_2685, %min3A_2702], %select_n3A_2703 : memref<128x256xf32, #tpu.memory_space<vmem>>[vector<16xi32>, vector<16xi32>], vector<16xf32>,
    %swap3A_2704 = arith.constant 0 : index
    %swap3A_2705 = tpu.vector_load %arg7[%swap3A_2704] {strides = array<i32>} : memref<128xi32, #tpu.memory_space<vmem>>, vector<16xi32>,
    tpu.vector_store %arg7[%swap3A_2704], %min3A_2702 {strides = array<i32>} : memref<128xi32, #tpu.memory_space<vmem>>, vector<16xi32>,
    %add3A_2706 = arith.constant 16 : i32
    %add3A_2707 = vector.broadcast %add3A_2706 : i32 to vector<16xi32>
    %add3A_2708 = arith.addi %add3A_2707, %iota3A : vector<16xi32>
    %get3A_2709 = arith.constant 16 : index
    %get3A_2710 = tpu.vector_load %arg7[%get3A_2709] {strides = array<i32>} : memref<128xi32, #tpu.memory_space<vmem>>, vector<16xi32>,
    tpu.vector_store_idx %arg5[%add3A_2708, %get3A_2710], %broadcast_in_dim3A_3 : memref<128x256xf32, #tpu.memory_space<vmem>>[vector<16xi32>, vector<16xi32>], vector<16xf32>,
    %get3A_2711 = arith.constant 1808 : index
    %get3A_2712 = tpu.vector_load %arg4[%get3A_2711] {strides = array<i32>} : memref<2048xf32, #tpu.memory_space<vmem>>, vector<16xf32>,
    %add3A_2713 = arith.constant 1.000000e+00 : f32
    %add3A_2714 = vector.broadcast %add3A_2713 : f32 to vector<16xf32>
    %add3A_2715 = arith.addf %get3A_2712, %add3A_2714 : vector<16xf32>
    %mul3A_2716 = arith.constant 1.280000e+02 : f32
    %mul3A_2717 = vector.broadcast %mul3A_2716 : f32 to vector<16xf32>
    %mul3A_2718 = arith.mulf %add3A_2715, %mul3A_2717 : vector<16xf32>
    %convert_element_type3A_2719 = arith.fptosi %mul3A_2718 : vector<16xf32> to vector<16xi32>
    %lt3A_2720 = arith.constant 256 : i32
    %lt3A_2721 = vector.broadcast %lt3A_2720 : i32 to vector<16xi32>
    %lt3A_2722 = arith.cmpi slt, %convert_element_type3A_2719, %lt3A_2721 : vector<16xi32>
    %min3A_2723 = arith.constant 255 : i32
    %min3A_2724 = vector.broadcast %min3A_2723 : i32 to vector<16xi32>
    %min3A_2725 = arith.minsi %convert_element_type3A_2719, %min3A_2724 : vector<16xi32>
    %select_n3A_2726 = arith.select %lt3A_2722, %broadcast_in_dim3A_10, %broadcast_in_dim3A_3 : vector<16xi1>, vector<16xf32>
    tpu.vector_store_idx %arg5[%add3A_2708, %min3A_2725], %select_n3A_2726 : memref<128x256xf32, #tpu.memory_space<vmem>>[vector<16xi32>, vector<16xi32>], vector<16xf32>,
    %swap3A_2727 = arith.constant 16 : index
    %swap3A_2728 = tpu.vector_load %arg7[%swap3A_2727] {strides = array<i32>} : memref<128xi32, #tpu.memory_space<vmem>>, vector<16xi32>,
    tpu.vector_store %arg7[%swap3A_2727], %min3A_2725 {strides = array<i32>} : memref<128xi32, #tpu.memory_space<vmem>>, vector<16xi32>,
    %add3A_2729 = arith.constant 32 : i32
    %add3A_2730 = vector.broadcast %add3A_2729 : i32 to vector<16xi32>
    %add3A_2731 = arith.addi %add3A_2730, %iota3A : vector<16xi32>
    %get3A_2732 = arith.constant 32 : index
    %get3A_2733 = tpu.vector_load %arg7[%get3A_2732] {strides = array<i32>} : memref<128xi32, #tpu.memory_space<vmem>>, vector<16xi32>,
    tpu.vector_store_idx %arg5[%add3A_2731, %get3A_2733], %broadcast_in_dim3A_3 : memref<128x256xf32, #tpu.memory_space<vmem>>[vector<16xi32>, vector<16xi32>], vector<16xf32>,
    %get3A_2734 = arith.constant 1824 : index
    %get3A_2735 = tpu.vector_load %arg4[%get3A_2734] {strides = array<i32>} : memref<2048xf32, #tpu.memory_space<vmem>>, vector<16xf32>,
    %add3A_2736 = arith.constant 1.000000e+00 : f32
    %add3A_2737 = vector.broadcast %add3A_2736 : f32 to vector<16xf32>
    %add3A_2738 = arith.addf %get3A_2735, %add3A_2737 : vector<16xf32>
    %mul3A_2739 = arith.constant 1.280000e+02 : f32
    %mul3A_2740 = vector.broadcast %mul3A_2739 : f32 to vector<16xf32>
    %mul3A_2741 = arith.mulf %add3A_2738, %mul3A_2740 : vector<16xf32>
    %convert_element_type3A_2742 = arith.fptosi %mul3A_2741 : vector<16xf32> to vector<16xi32>
    %lt3A_2743 = arith.constant 256 : i32
    %lt3A_2744 = vector.broadcast %lt3A_2743 : i32 to vector<16xi32>
    %lt3A_2745 = arith.cmpi slt, %convert_element_type3A_2742, %lt3A_2744 : vector<16xi32>
    %min3A_2746 = arith.constant 255 : i32
    %min3A_2747 = vector.broadcast %min3A_2746 : i32 to vector<16xi32>
    %min3A_2748 = arith.minsi %convert_element_type3A_2742, %min3A_2747 : vector<16xi32>
    %select_n3A_2749 = arith.select %lt3A_2745, %broadcast_in_dim3A_10, %broadcast_in_dim3A_3 : vector<16xi1>, vector<16xf32>
    tpu.vector_store_idx %arg5[%add3A_2731, %min3A_2748], %select_n3A_2749 : memref<128x256xf32, #tpu.memory_space<vmem>>[vector<16xi32>, vector<16xi32>], vector<16xf32>,
    %swap3A_2750 = arith.constant 32 : index
    %swap3A_2751 = tpu.vector_load %arg7[%swap3A_2750] {strides = array<i32>} : memref<128xi32, #tpu.memory_space<vmem>>, vector<16xi32>,
    tpu.vector_store %arg7[%swap3A_2750], %min3A_2748 {strides = array<i32>} : memref<128xi32, #tpu.memory_space<vmem>>, vector<16xi32>,
    %add3A_2752 = arith.constant 48 : i32
    %add3A_2753 = vector.broadcast %add3A_2752 : i32 to vector<16xi32>
    %add3A_2754 = arith.addi %add3A_2753, %iota3A : vector<16xi32>
    %get3A_2755 = arith.constant 48 : index
    %get3A_2756 = tpu.vector_load %arg7[%get3A_2755] {strides = array<i32>} : memref<128xi32, #tpu.memory_space<vmem>>, vector<16xi32>,
    tpu.vector_store_idx %arg5[%add3A_2754, %get3A_2756], %broadcast_in_dim3A_3 : memref<128x256xf32, #tpu.memory_space<vmem>>[vector<16xi32>, vector<16xi32>], vector<16xf32>,
    %get3A_2757 = arith.constant 1840 : index
    %get3A_2758 = tpu.vector_load %arg4[%get3A_2757] {strides = array<i32>} : memref<2048xf32, #tpu.memory_space<vmem>>, vector<16xf32>,
    %add3A_2759 = arith.constant 1.000000e+00 : f32
    %add3A_2760 = vector.broadcast %add3A_2759 : f32 to vector<16xf32>
    %add3A_2761 = arith.addf %get3A_2758, %add3A_2760 : vector<16xf32>
    %mul3A_2762 = arith.constant 1.280000e+02 : f32
    %mul3A_2763 = vector.broadcast %mul3A_2762 : f32 to vector<16xf32>
    %mul3A_2764 = arith.mulf %add3A_2761, %mul3A_2763 : vector<16xf32>
    %convert_element_type3A_2765 = arith.fptosi %mul3A_2764 : vector<16xf32> to vector<16xi32>
    %lt3A_2766 = arith.constant 256 : i32
    %lt3A_2767 = vector.broadcast %lt3A_2766 : i32 to vector<16xi32>
    %lt3A_2768 = arith.cmpi slt, %convert_element_type3A_2765, %lt3A_2767 : vector<16xi32>
    %min3A_2769 = arith.constant 255 : i32
    %min3A_2770 = vector.broadcast %min3A_2769 : i32 to vector<16xi32>
    %min3A_2771 = arith.minsi %convert_element_type3A_2765, %min3A_2770 : vector<16xi32>
    %select_n3A_2772 = arith.select %lt3A_2768, %broadcast_in_dim3A_10, %broadcast_in_dim3A_3 : vector<16xi1>, vector<16xf32>
    tpu.vector_store_idx %arg5[%add3A_2754, %min3A_2771], %select_n3A_2772 : memref<128x256xf32, #tpu.memory_space<vmem>>[vector<16xi32>, vector<16xi32>], vector<16xf32>,
    %swap3A_2773 = arith.constant 48 : index
    %swap3A_2774 = tpu.vector_load %arg7[%swap3A_2773] {strides = array<i32>} : memref<128xi32, #tpu.memory_space<vmem>>, vector<16xi32>,
    tpu.vector_store %arg7[%swap3A_2773], %min3A_2771 {strides = array<i32>} : memref<128xi32, #tpu.memory_space<vmem>>, vector<16xi32>,
    %add3A_2775 = arith.constant 64 : i32
    %add3A_2776 = vector.broadcast %add3A_2775 : i32 to vector<16xi32>
    %add3A_2777 = arith.addi %add3A_2776, %iota3A : vector<16xi32>
    %get3A_2778 = arith.constant 64 : index
    %get3A_2779 = tpu.vector_load %arg7[%get3A_2778] {strides = array<i32>} : memref<128xi32, #tpu.memory_space<vmem>>, vector<16xi32>,
    tpu.vector_store_idx %arg5[%add3A_2777, %get3A_2779], %broadcast_in_dim3A_3 : memref<128x256xf32, #tpu.memory_space<vmem>>[vector<16xi32>, vector<16xi32>], vector<16xf32>,
    %get3A_2780 = arith.constant 1856 : index
    %get3A_2781 = tpu.vector_load %arg4[%get3A_2780] {strides = array<i32>} : memref<2048xf32, #tpu.memory_space<vmem>>, vector<16xf32>,
    %add3A_2782 = arith.constant 1.000000e+00 : f32
    %add3A_2783 = vector.broadcast %add3A_2782 : f32 to vector<16xf32>
    %add3A_2784 = arith.addf %get3A_2781, %add3A_2783 : vector<16xf32>
    %mul3A_2785 = arith.constant 1.280000e+02 : f32
    %mul3A_2786 = vector.broadcast %mul3A_2785 : f32 to vector<16xf32>
    %mul3A_2787 = arith.mulf %add3A_2784, %mul3A_2786 : vector<16xf32>
    %convert_element_type3A_2788 = arith.fptosi %mul3A_2787 : vector<16xf32> to vector<16xi32>
    %lt3A_2789 = arith.constant 256 : i32
    %lt3A_2790 = vector.broadcast %lt3A_2789 : i32 to vector<16xi32>
    %lt3A_2791 = arith.cmpi slt, %convert_element_type3A_2788, %lt3A_2790 : vector<16xi32>
    %min3A_2792 = arith.constant 255 : i32
    %min3A_2793 = vector.broadcast %min3A_2792 : i32 to vector<16xi32>
    %min3A_2794 = arith.minsi %convert_element_type3A_2788, %min3A_2793 : vector<16xi32>
    %select_n3A_2795 = arith.select %lt3A_2791, %broadcast_in_dim3A_10, %broadcast_in_dim3A_3 : vector<16xi1>, vector<16xf32>
    tpu.vector_store_idx %arg5[%add3A_2777, %min3A_2794], %select_n3A_2795 : memref<128x256xf32, #tpu.memory_space<vmem>>[vector<16xi32>, vector<16xi32>], vector<16xf32>,
    %swap3A_2796 = arith.constant 64 : index
    %swap3A_2797 = tpu.vector_load %arg7[%swap3A_2796] {strides = array<i32>} : memref<128xi32, #tpu.memory_space<vmem>>, vector<16xi32>,
    tpu.vector_store %arg7[%swap3A_2796], %min3A_2794 {strides = array<i32>} : memref<128xi32, #tpu.memory_space<vmem>>, vector<16xi32>,
    %add3A_2798 = arith.constant 80 : i32
    %add3A_2799 = vector.broadcast %add3A_2798 : i32 to vector<16xi32>
    %add3A_2800 = arith.addi %add3A_2799, %iota3A : vector<16xi32>
    %get3A_2801 = arith.constant 80 : index
    %get3A_2802 = tpu.vector_load %arg7[%get3A_2801] {strides = array<i32>} : memref<128xi32, #tpu.memory_space<vmem>>, vector<16xi32>,
    tpu.vector_store_idx %arg5[%add3A_2800, %get3A_2802], %broadcast_in_dim3A_3 : memref<128x256xf32, #tpu.memory_space<vmem>>[vector<16xi32>, vector<16xi32>], vector<16xf32>,
    %get3A_2803 = arith.constant 1872 : index
    %get3A_2804 = tpu.vector_load %arg4[%get3A_2803] {strides = array<i32>} : memref<2048xf32, #tpu.memory_space<vmem>>, vector<16xf32>,
    %add3A_2805 = arith.constant 1.000000e+00 : f32
    %add3A_2806 = vector.broadcast %add3A_2805 : f32 to vector<16xf32>
    %add3A_2807 = arith.addf %get3A_2804, %add3A_2806 : vector<16xf32>
    %mul3A_2808 = arith.constant 1.280000e+02 : f32
    %mul3A_2809 = vector.broadcast %mul3A_2808 : f32 to vector<16xf32>
    %mul3A_2810 = arith.mulf %add3A_2807, %mul3A_2809 : vector<16xf32>
    %convert_element_type3A_2811 = arith.fptosi %mul3A_2810 : vector<16xf32> to vector<16xi32>
    %lt3A_2812 = arith.constant 256 : i32
    %lt3A_2813 = vector.broadcast %lt3A_2812 : i32 to vector<16xi32>
    %lt3A_2814 = arith.cmpi slt, %convert_element_type3A_2811, %lt3A_2813 : vector<16xi32>
    %min3A_2815 = arith.constant 255 : i32
    %min3A_2816 = vector.broadcast %min3A_2815 : i32 to vector<16xi32>
    %min3A_2817 = arith.minsi %convert_element_type3A_2811, %min3A_2816 : vector<16xi32>
    %select_n3A_2818 = arith.select %lt3A_2814, %broadcast_in_dim3A_10, %broadcast_in_dim3A_3 : vector<16xi1>, vector<16xf32>
    tpu.vector_store_idx %arg5[%add3A_2800, %min3A_2817], %select_n3A_2818 : memref<128x256xf32, #tpu.memory_space<vmem>>[vector<16xi32>, vector<16xi32>], vector<16xf32>,
    %swap3A_2819 = arith.constant 80 : index
    %swap3A_2820 = tpu.vector_load %arg7[%swap3A_2819] {strides = array<i32>} : memref<128xi32, #tpu.memory_space<vmem>>, vector<16xi32>,
    tpu.vector_store %arg7[%swap3A_2819], %min3A_2817 {strides = array<i32>} : memref<128xi32, #tpu.memory_space<vmem>>, vector<16xi32>,
    %add3A_2821 = arith.constant 96 : i32
    %add3A_2822 = vector.broadcast %add3A_2821 : i32 to vector<16xi32>
    %add3A_2823 = arith.addi %add3A_2822, %iota3A : vector<16xi32>
    %get3A_2824 = arith.constant 96 : index
    %get3A_2825 = tpu.vector_load %arg7[%get3A_2824] {strides = array<i32>} : memref<128xi32, #tpu.memory_space<vmem>>, vector<16xi32>,
    tpu.vector_store_idx %arg5[%add3A_2823, %get3A_2825], %broadcast_in_dim3A_3 : memref<128x256xf32, #tpu.memory_space<vmem>>[vector<16xi32>, vector<16xi32>], vector<16xf32>,
    %get3A_2826 = arith.constant 1888 : index
    %get3A_2827 = tpu.vector_load %arg4[%get3A_2826] {strides = array<i32>} : memref<2048xf32, #tpu.memory_space<vmem>>, vector<16xf32>,
    %add3A_2828 = arith.constant 1.000000e+00 : f32
    %add3A_2829 = vector.broadcast %add3A_2828 : f32 to vector<16xf32>
    %add3A_2830 = arith.addf %get3A_2827, %add3A_2829 : vector<16xf32>
    %mul3A_2831 = arith.constant 1.280000e+02 : f32
    %mul3A_2832 = vector.broadcast %mul3A_2831 : f32 to vector<16xf32>
    %mul3A_2833 = arith.mulf %add3A_2830, %mul3A_2832 : vector<16xf32>
    %convert_element_type3A_2834 = arith.fptosi %mul3A_2833 : vector<16xf32> to vector<16xi32>
    %lt3A_2835 = arith.constant 256 : i32
    %lt3A_2836 = vector.broadcast %lt3A_2835 : i32 to vector<16xi32>
    %lt3A_2837 = arith.cmpi slt, %convert_element_type3A_2834, %lt3A_2836 : vector<16xi32>
    %min3A_2838 = arith.constant 255 : i32
    %min3A_2839 = vector.broadcast %min3A_2838 : i32 to vector<16xi32>
    %min3A_2840 = arith.minsi %convert_element_type3A_2834, %min3A_2839 : vector<16xi32>
    %select_n3A_2841 = arith.select %lt3A_2837, %broadcast_in_dim3A_10, %broadcast_in_dim3A_3 : vector<16xi1>, vector<16xf32>
    tpu.vector_store_idx %arg5[%add3A_2823, %min3A_2840], %select_n3A_2841 : memref<128x256xf32, #tpu.memory_space<vmem>>[vector<16xi32>, vector<16xi32>], vector<16xf32>,
    %swap3A_2842 = arith.constant 96 : index
    %swap3A_2843 = tpu.vector_load %arg7[%swap3A_2842] {strides = array<i32>} : memref<128xi32, #tpu.memory_space<vmem>>, vector<16xi32>,
    tpu.vector_store %arg7[%swap3A_2842], %min3A_2840 {strides = array<i32>} : memref<128xi32, #tpu.memory_space<vmem>>, vector<16xi32>,
    %add3A_2844 = arith.constant 112 : i32
    %add3A_2845 = vector.broadcast %add3A_2844 : i32 to vector<16xi32>
    %add3A_2846 = arith.addi %add3A_2845, %iota3A : vector<16xi32>
    %get3A_2847 = arith.constant 112 : index
    %get3A_2848 = tpu.vector_load %arg7[%get3A_2847] {strides = array<i32>} : memref<128xi32, #tpu.memory_space<vmem>>, vector<16xi32>,
    tpu.vector_store_idx %arg5[%add3A_2846, %get3A_2848], %broadcast_in_dim3A_3 : memref<128x256xf32, #tpu.memory_space<vmem>>[vector<16xi32>, vector<16xi32>], vector<16xf32>,
    %get3A_2849 = arith.constant 1904 : index
    %get3A_2850 = tpu.vector_load %arg4[%get3A_2849] {strides = array<i32>} : memref<2048xf32, #tpu.memory_space<vmem>>, vector<16xf32>,
    %add3A_2851 = arith.constant 1.000000e+00 : f32
    %add3A_2852 = vector.broadcast %add3A_2851 : f32 to vector<16xf32>
    %add3A_2853 = arith.addf %get3A_2850, %add3A_2852 : vector<16xf32>
    %mul3A_2854 = arith.constant 1.280000e+02 : f32
    %mul3A_2855 = vector.broadcast %mul3A_2854 : f32 to vector<16xf32>
    %mul3A_2856 = arith.mulf %add3A_2853, %mul3A_2855 : vector<16xf32>
    %convert_element_type3A_2857 = arith.fptosi %mul3A_2856 : vector<16xf32> to vector<16xi32>
    %lt3A_2858 = arith.constant 256 : i32
    %lt3A_2859 = vector.broadcast %lt3A_2858 : i32 to vector<16xi32>
    %lt3A_2860 = arith.cmpi slt, %convert_element_type3A_2857, %lt3A_2859 : vector<16xi32>
    %min3A_2861 = arith.constant 255 : i32
    %min3A_2862 = vector.broadcast %min3A_2861 : i32 to vector<16xi32>
    %min3A_2863 = arith.minsi %convert_element_type3A_2857, %min3A_2862 : vector<16xi32>
    %select_n3A_2864 = arith.select %lt3A_2860, %broadcast_in_dim3A_10, %broadcast_in_dim3A_3 : vector<16xi1>, vector<16xf32>
    tpu.vector_store_idx %arg5[%add3A_2846, %min3A_2863], %select_n3A_2864 : memref<128x256xf32, #tpu.memory_space<vmem>>[vector<16xi32>, vector<16xi32>], vector<16xf32>,
    %swap3A_2865 = arith.constant 112 : index
    %swap3A_2866 = tpu.vector_load %arg7[%swap3A_2865] {strides = array<i32>} : memref<128xi32, #tpu.memory_space<vmem>>, vector<16xi32>,
    tpu.vector_store %arg7[%swap3A_2865], %min3A_2863 {strides = array<i32>} : memref<128xi32, #tpu.memory_space<vmem>>, vector<16xi32>,
    %add3A_2867 = arith.constant 1792 : i32
    %add3A_2868 = arith.addi %mul3A_2, %add3A_2867 : i32
    %dma_start3A_2869 = arith.constant 0 : i32
    %dma_start3A_2870 = tpu.memref_slice %arg3[%add3A_2868, %dma_start3A_2869] : memref<65536x256xf32, #tpu.memory_space<hbm>> -> memref<128x256xf32, #tpu.memory_space<hbm>>
    %dma_start3A_2871 = arith.constant 0 : i32
    %dma_start3A_2872 = tpu.memref_slice %arg3[%add3A_2868, %dma_start3A_2871] : memref<65536x256xf32, #tpu.memory_space<hbm>> -> memref<128x256xf32, #tpu.memory_space<hbm>>
    tpu.enqueue_dma source(%arg5 : memref<128x256xf32, #tpu.memory_space<vmem>>) target(%dma_start3A_2872 : memref<128x256xf32, #tpu.memory_space<hbm>>) target_semaphore(%arg9 : memref<!tpu.dma_semaphore, #tpu.memory_space<semaphore_mem>>)
    %dma_wait3A_2873 = arith.constant 0 : i32
    %dma_wait3A_2874 = tpu.memref_slice %arg3[%add3A_2674, %dma_wait3A_2873] : memref<65536x256xf32, #tpu.memory_space<hbm>> -> memref<128x256xf32, #tpu.memory_space<hbm>>
    %dma_wait3A_2875 = arith.constant 0 : i32
    %dma_wait3A_2876 = tpu.memref_slice %arg3[%add3A_2674, %dma_wait3A_2875] : memref<65536x256xf32, #tpu.memory_space<hbm>> -> memref<128x256xf32, #tpu.memory_space<hbm>>
    tpu.wait_dma2 semaphore(%arg10 : memref<!tpu.dma_semaphore, #tpu.memory_space<semaphore_mem>>) src(%arg6 : memref<128x256xf32, #tpu.memory_space<vmem>>) dst(%dma_wait3A_2876 : memref<128x256xf32, #tpu.memory_space<hbm>>)
    %add3A_2877 = arith.constant 0 : i32
    %add3A_2878 = vector.broadcast %add3A_2877 : i32 to vector<16xi32>
    %add3A_2879 = arith.addi %add3A_2878, %iota3A : vector<16xi32>
    %get3A_2880 = arith.constant 0 : index
    %get3A_2881 = tpu.vector_load %arg8[%get3A_2880] {strides = array<i32>} : memref<128xi32, #tpu.memory_space<vmem>>, vector<16xi32>,
    tpu.vector_store_idx %arg6[%add3A_2879, %get3A_2881], %broadcast_in_dim3A_3 : memref<128x256xf32, #tpu.memory_space<vmem>>[vector<16xi32>, vector<16xi32>], vector<16xf32>,
    %get3A_2882 = arith.constant 1920 : index
    %get3A_2883 = tpu.vector_load %arg4[%get3A_2882] {strides = array<i32>} : memref<2048xf32, #tpu.memory_space<vmem>>, vector<16xf32>,
    %add3A_2884 = arith.constant 1.000000e+00 : f32
    %add3A_2885 = vector.broadcast %add3A_2884 : f32 to vector<16xf32>
    %add3A_2886 = arith.addf %get3A_2883, %add3A_2885 : vector<16xf32>
    %mul3A_2887 = arith.constant 1.280000e+02 : f32
    %mul3A_2888 = vector.broadcast %mul3A_2887 : f32 to vector<16xf32>
    %mul3A_2889 = arith.mulf %add3A_2886, %mul3A_2888 : vector<16xf32>
    %convert_element_type3A_2890 = arith.fptosi %mul3A_2889 : vector<16xf32> to vector<16xi32>
    %lt3A_2891 = arith.constant 256 : i32
    %lt3A_2892 = vector.broadcast %lt3A_2891 : i32 to vector<16xi32>
    %lt3A_2893 = arith.cmpi slt, %convert_element_type3A_2890, %lt3A_2892 : vector<16xi32>
    %min3A_2894 = arith.constant 255 : i32
    %min3A_2895 = vector.broadcast %min3A_2894 : i32 to vector<16xi32>
    %min3A_2896 = arith.minsi %convert_element_type3A_2890, %min3A_2895 : vector<16xi32>
    %select_n3A_2897 = arith.select %lt3A_2893, %broadcast_in_dim3A_10, %broadcast_in_dim3A_3 : vector<16xi1>, vector<16xf32>
    tpu.vector_store_idx %arg6[%add3A_2879, %min3A_2896], %select_n3A_2897 : memref<128x256xf32, #tpu.memory_space<vmem>>[vector<16xi32>, vector<16xi32>], vector<16xf32>,
    %swap3A_2898 = arith.constant 0 : index
    %swap3A_2899 = tpu.vector_load %arg8[%swap3A_2898] {strides = array<i32>} : memref<128xi32, #tpu.memory_space<vmem>>, vector<16xi32>,
    tpu.vector_store %arg8[%swap3A_2898], %min3A_2896 {strides = array<i32>} : memref<128xi32, #tpu.memory_space<vmem>>, vector<16xi32>,
    %add3A_2900 = arith.constant 16 : i32
    %add3A_2901 = vector.broadcast %add3A_2900 : i32 to vector<16xi32>
    %add3A_2902 = arith.addi %add3A_2901, %iota3A : vector<16xi32>
    %get3A_2903 = arith.constant 16 : index
    %get3A_2904 = tpu.vector_load %arg8[%get3A_2903] {strides = array<i32>} : memref<128xi32, #tpu.memory_space<vmem>>, vector<16xi32>,
    tpu.vector_store_idx %arg6[%add3A_2902, %get3A_2904], %broadcast_in_dim3A_3 : memref<128x256xf32, #tpu.memory_space<vmem>>[vector<16xi32>, vector<16xi32>], vector<16xf32>,
    %get3A_2905 = arith.constant 1936 : index
    %get3A_2906 = tpu.vector_load %arg4[%get3A_2905] {strides = array<i32>} : memref<2048xf32, #tpu.memory_space<vmem>>, vector<16xf32>,
    %add3A_2907 = arith.constant 1.000000e+00 : f32
    %add3A_2908 = vector.broadcast %add3A_2907 : f32 to vector<16xf32>
    %add3A_2909 = arith.addf %get3A_2906, %add3A_2908 : vector<16xf32>
    %mul3A_2910 = arith.constant 1.280000e+02 : f32
    %mul3A_2911 = vector.broadcast %mul3A_2910 : f32 to vector<16xf32>
    %mul3A_2912 = arith.mulf %add3A_2909, %mul3A_2911 : vector<16xf32>
    %convert_element_type3A_2913 = arith.fptosi %mul3A_2912 : vector<16xf32> to vector<16xi32>
    %lt3A_2914 = arith.constant 256 : i32
    %lt3A_2915 = vector.broadcast %lt3A_2914 : i32 to vector<16xi32>
    %lt3A_2916 = arith.cmpi slt, %convert_element_type3A_2913, %lt3A_2915 : vector<16xi32>
    %min3A_2917 = arith.constant 255 : i32
    %min3A_2918 = vector.broadcast %min3A_2917 : i32 to vector<16xi32>
    %min3A_2919 = arith.minsi %convert_element_type3A_2913, %min3A_2918 : vector<16xi32>
    %select_n3A_2920 = arith.select %lt3A_2916, %broadcast_in_dim3A_10, %broadcast_in_dim3A_3 : vector<16xi1>, vector<16xf32>
    tpu.vector_store_idx %arg6[%add3A_2902, %min3A_2919], %select_n3A_2920 : memref<128x256xf32, #tpu.memory_space<vmem>>[vector<16xi32>, vector<16xi32>], vector<16xf32>,
    %swap3A_2921 = arith.constant 16 : index
    %swap3A_2922 = tpu.vector_load %arg8[%swap3A_2921] {strides = array<i32>} : memref<128xi32, #tpu.memory_space<vmem>>, vector<16xi32>,
    tpu.vector_store %arg8[%swap3A_2921], %min3A_2919 {strides = array<i32>} : memref<128xi32, #tpu.memory_space<vmem>>, vector<16xi32>,
    %add3A_2923 = arith.constant 32 : i32
    %add3A_2924 = vector.broadcast %add3A_2923 : i32 to vector<16xi32>
    %add3A_2925 = arith.addi %add3A_2924, %iota3A : vector<16xi32>
    %get3A_2926 = arith.constant 32 : index
    %get3A_2927 = tpu.vector_load %arg8[%get3A_2926] {strides = array<i32>} : memref<128xi32, #tpu.memory_space<vmem>>, vector<16xi32>,
    tpu.vector_store_idx %arg6[%add3A_2925, %get3A_2927], %broadcast_in_dim3A_3 : memref<128x256xf32, #tpu.memory_space<vmem>>[vector<16xi32>, vector<16xi32>], vector<16xf32>,
    %get3A_2928 = arith.constant 1952 : index
    %get3A_2929 = tpu.vector_load %arg4[%get3A_2928] {strides = array<i32>} : memref<2048xf32, #tpu.memory_space<vmem>>, vector<16xf32>,
    %add3A_2930 = arith.constant 1.000000e+00 : f32
    %add3A_2931 = vector.broadcast %add3A_2930 : f32 to vector<16xf32>
    %add3A_2932 = arith.addf %get3A_2929, %add3A_2931 : vector<16xf32>
    %mul3A_2933 = arith.constant 1.280000e+02 : f32
    %mul3A_2934 = vector.broadcast %mul3A_2933 : f32 to vector<16xf32>
    %mul3A_2935 = arith.mulf %add3A_2932, %mul3A_2934 : vector<16xf32>
    %convert_element_type3A_2936 = arith.fptosi %mul3A_2935 : vector<16xf32> to vector<16xi32>
    %lt3A_2937 = arith.constant 256 : i32
    %lt3A_2938 = vector.broadcast %lt3A_2937 : i32 to vector<16xi32>
    %lt3A_2939 = arith.cmpi slt, %convert_element_type3A_2936, %lt3A_2938 : vector<16xi32>
    %min3A_2940 = arith.constant 255 : i32
    %min3A_2941 = vector.broadcast %min3A_2940 : i32 to vector<16xi32>
    %min3A_2942 = arith.minsi %convert_element_type3A_2936, %min3A_2941 : vector<16xi32>
    %select_n3A_2943 = arith.select %lt3A_2939, %broadcast_in_dim3A_10, %broadcast_in_dim3A_3 : vector<16xi1>, vector<16xf32>
    tpu.vector_store_idx %arg6[%add3A_2925, %min3A_2942], %select_n3A_2943 : memref<128x256xf32, #tpu.memory_space<vmem>>[vector<16xi32>, vector<16xi32>], vector<16xf32>,
    %swap3A_2944 = arith.constant 32 : index
    %swap3A_2945 = tpu.vector_load %arg8[%swap3A_2944] {strides = array<i32>} : memref<128xi32, #tpu.memory_space<vmem>>, vector<16xi32>,
    tpu.vector_store %arg8[%swap3A_2944], %min3A_2942 {strides = array<i32>} : memref<128xi32, #tpu.memory_space<vmem>>, vector<16xi32>,
    %add3A_2946 = arith.constant 48 : i32
    %add3A_2947 = vector.broadcast %add3A_2946 : i32 to vector<16xi32>
    %add3A_2948 = arith.addi %add3A_2947, %iota3A : vector<16xi32>
    %get3A_2949 = arith.constant 48 : index
    %get3A_2950 = tpu.vector_load %arg8[%get3A_2949] {strides = array<i32>} : memref<128xi32, #tpu.memory_space<vmem>>, vector<16xi32>,
    tpu.vector_store_idx %arg6[%add3A_2948, %get3A_2950], %broadcast_in_dim3A_3 : memref<128x256xf32, #tpu.memory_space<vmem>>[vector<16xi32>, vector<16xi32>], vector<16xf32>,
    %get3A_2951 = arith.constant 1968 : index
    %get3A_2952 = tpu.vector_load %arg4[%get3A_2951] {strides = array<i32>} : memref<2048xf32, #tpu.memory_space<vmem>>, vector<16xf32>,
    %add3A_2953 = arith.constant 1.000000e+00 : f32
    %add3A_2954 = vector.broadcast %add3A_2953 : f32 to vector<16xf32>
    %add3A_2955 = arith.addf %get3A_2952, %add3A_2954 : vector<16xf32>
    %mul3A_2956 = arith.constant 1.280000e+02 : f32
    %mul3A_2957 = vector.broadcast %mul3A_2956 : f32 to vector<16xf32>
    %mul3A_2958 = arith.mulf %add3A_2955, %mul3A_2957 : vector<16xf32>
    %convert_element_type3A_2959 = arith.fptosi %mul3A_2958 : vector<16xf32> to vector<16xi32>
    %lt3A_2960 = arith.constant 256 : i32
    %lt3A_2961 = vector.broadcast %lt3A_2960 : i32 to vector<16xi32>
    %lt3A_2962 = arith.cmpi slt, %convert_element_type3A_2959, %lt3A_2961 : vector<16xi32>
    %min3A_2963 = arith.constant 255 : i32
    %min3A_2964 = vector.broadcast %min3A_2963 : i32 to vector<16xi32>
    %min3A_2965 = arith.minsi %convert_element_type3A_2959, %min3A_2964 : vector<16xi32>
    %select_n3A_2966 = arith.select %lt3A_2962, %broadcast_in_dim3A_10, %broadcast_in_dim3A_3 : vector<16xi1>, vector<16xf32>
    tpu.vector_store_idx %arg6[%add3A_2948, %min3A_2965], %select_n3A_2966 : memref<128x256xf32, #tpu.memory_space<vmem>>[vector<16xi32>, vector<16xi32>], vector<16xf32>,
    %swap3A_2967 = arith.constant 48 : index
    %swap3A_2968 = tpu.vector_load %arg8[%swap3A_2967] {strides = array<i32>} : memref<128xi32, #tpu.memory_space<vmem>>, vector<16xi32>,
    tpu.vector_store %arg8[%swap3A_2967], %min3A_2965 {strides = array<i32>} : memref<128xi32, #tpu.memory_space<vmem>>, vector<16xi32>,
    %add3A_2969 = arith.constant 64 : i32
    %add3A_2970 = vector.broadcast %add3A_2969 : i32 to vector<16xi32>
    %add3A_2971 = arith.addi %add3A_2970, %iota3A : vector<16xi32>
    %get3A_2972 = arith.constant 64 : index
    %get3A_2973 = tpu.vector_load %arg8[%get3A_2972] {strides = array<i32>} : memref<128xi32, #tpu.memory_space<vmem>>, vector<16xi32>,
    tpu.vector_store_idx %arg6[%add3A_2971, %get3A_2973], %broadcast_in_dim3A_3 : memref<128x256xf32, #tpu.memory_space<vmem>>[vector<16xi32>, vector<16xi32>], vector<16xf32>,
    %get3A_2974 = arith.constant 1984 : index
    %get3A_2975 = tpu.vector_load %arg4[%get3A_2974] {strides = array<i32>} : memref<2048xf32, #tpu.memory_space<vmem>>, vector<16xf32>,
    %add3A_2976 = arith.constant 1.000000e+00 : f32
    %add3A_2977 = vector.broadcast %add3A_2976 : f32 to vector<16xf32>
    %add3A_2978 = arith.addf %get3A_2975, %add3A_2977 : vector<16xf32>
    %mul3A_2979 = arith.constant 1.280000e+02 : f32
    %mul3A_2980 = vector.broadcast %mul3A_2979 : f32 to vector<16xf32>
    %mul3A_2981 = arith.mulf %add3A_2978, %mul3A_2980 : vector<16xf32>
    %convert_element_type3A_2982 = arith.fptosi %mul3A_2981 : vector<16xf32> to vector<16xi32>
    %lt3A_2983 = arith.constant 256 : i32
    %lt3A_2984 = vector.broadcast %lt3A_2983 : i32 to vector<16xi32>
    %lt3A_2985 = arith.cmpi slt, %convert_element_type3A_2982, %lt3A_2984 : vector<16xi32>
    %min3A_2986 = arith.constant 255 : i32
    %min3A_2987 = vector.broadcast %min3A_2986 : i32 to vector<16xi32>
    %min3A_2988 = arith.minsi %convert_element_type3A_2982, %min3A_2987 : vector<16xi32>
    %select_n3A_2989 = arith.select %lt3A_2985, %broadcast_in_dim3A_10, %broadcast_in_dim3A_3 : vector<16xi1>, vector<16xf32>
    tpu.vector_store_idx %arg6[%add3A_2971, %min3A_2988], %select_n3A_2989 : memref<128x256xf32, #tpu.memory_space<vmem>>[vector<16xi32>, vector<16xi32>], vector<16xf32>,
    %swap3A_2990 = arith.constant 64 : index
    %swap3A_2991 = tpu.vector_load %arg8[%swap3A_2990] {strides = array<i32>} : memref<128xi32, #tpu.memory_space<vmem>>, vector<16xi32>,
    tpu.vector_store %arg8[%swap3A_2990], %min3A_2988 {strides = array<i32>} : memref<128xi32, #tpu.memory_space<vmem>>, vector<16xi32>,
    %add3A_2992 = arith.constant 80 : i32
    %add3A_2993 = vector.broadcast %add3A_2992 : i32 to vector<16xi32>
    %add3A_2994 = arith.addi %add3A_2993, %iota3A : vector<16xi32>
    %get3A_2995 = arith.constant 80 : index
    %get3A_2996 = tpu.vector_load %arg8[%get3A_2995] {strides = array<i32>} : memref<128xi32, #tpu.memory_space<vmem>>, vector<16xi32>,
    tpu.vector_store_idx %arg6[%add3A_2994, %get3A_2996], %broadcast_in_dim3A_3 : memref<128x256xf32, #tpu.memory_space<vmem>>[vector<16xi32>, vector<16xi32>], vector<16xf32>,
    %get3A_2997 = arith.constant 2000 : index
    %get3A_2998 = tpu.vector_load %arg4[%get3A_2997] {strides = array<i32>} : memref<2048xf32, #tpu.memory_space<vmem>>, vector<16xf32>,
    %add3A_2999 = arith.constant 1.000000e+00 : f32
    %add3A_3000 = vector.broadcast %add3A_2999 : f32 to vector<16xf32>
    %add3A_3001 = arith.addf %get3A_2998, %add3A_3000 : vector<16xf32>
    %mul3A_3002 = arith.constant 1.280000e+02 : f32
    %mul3A_3003 = vector.broadcast %mul3A_3002 : f32 to vector<16xf32>
    %mul3A_3004 = arith.mulf %add3A_3001, %mul3A_3003 : vector<16xf32>
    %convert_element_type3A_3005 = arith.fptosi %mul3A_3004 : vector<16xf32> to vector<16xi32>
    %lt3A_3006 = arith.constant 256 : i32
    %lt3A_3007 = vector.broadcast %lt3A_3006 : i32 to vector<16xi32>
    %lt3A_3008 = arith.cmpi slt, %convert_element_type3A_3005, %lt3A_3007 : vector<16xi32>
    %min3A_3009 = arith.constant 255 : i32
    %min3A_3010 = vector.broadcast %min3A_3009 : i32 to vector<16xi32>
    %min3A_3011 = arith.minsi %convert_element_type3A_3005, %min3A_3010 : vector<16xi32>
    %select_n3A_3012 = arith.select %lt3A_3008, %broadcast_in_dim3A_10, %broadcast_in_dim3A_3 : vector<16xi1>, vector<16xf32>
    tpu.vector_store_idx %arg6[%add3A_2994, %min3A_3011], %select_n3A_3012 : memref<128x256xf32, #tpu.memory_space<vmem>>[vector<16xi32>, vector<16xi32>], vector<16xf32>,
    %swap3A_3013 = arith.constant 80 : index
    %swap3A_3014 = tpu.vector_load %arg8[%swap3A_3013] {strides = array<i32>} : memref<128xi32, #tpu.memory_space<vmem>>, vector<16xi32>,
    tpu.vector_store %arg8[%swap3A_3013], %min3A_3011 {strides = array<i32>} : memref<128xi32, #tpu.memory_space<vmem>>, vector<16xi32>,
    %add3A_3015 = arith.constant 96 : i32
    %add3A_3016 = vector.broadcast %add3A_3015 : i32 to vector<16xi32>
    %add3A_3017 = arith.addi %add3A_3016, %iota3A : vector<16xi32>
    %get3A_3018 = arith.constant 96 : index
    %get3A_3019 = tpu.vector_load %arg8[%get3A_3018] {strides = array<i32>} : memref<128xi32, #tpu.memory_space<vmem>>, vector<16xi32>,
    tpu.vector_store_idx %arg6[%add3A_3017, %get3A_3019], %broadcast_in_dim3A_3 : memref<128x256xf32, #tpu.memory_space<vmem>>[vector<16xi32>, vector<16xi32>], vector<16xf32>,
    %get3A_3020 = arith.constant 2016 : index
    %get3A_3021 = tpu.vector_load %arg4[%get3A_3020] {strides = array<i32>} : memref<2048xf32, #tpu.memory_space<vmem>>, vector<16xf32>,
    %add3A_3022 = arith.constant 1.000000e+00 : f32
    %add3A_3023 = vector.broadcast %add3A_3022 : f32 to vector<16xf32>
    %add3A_3024 = arith.addf %get3A_3021, %add3A_3023 : vector<16xf32>
    %mul3A_3025 = arith.constant 1.280000e+02 : f32
    %mul3A_3026 = vector.broadcast %mul3A_3025 : f32 to vector<16xf32>
    %mul3A_3027 = arith.mulf %add3A_3024, %mul3A_3026 : vector<16xf32>
    %convert_element_type3A_3028 = arith.fptosi %mul3A_3027 : vector<16xf32> to vector<16xi32>
    %lt3A_3029 = arith.constant 256 : i32
    %lt3A_3030 = vector.broadcast %lt3A_3029 : i32 to vector<16xi32>
    %lt3A_3031 = arith.cmpi slt, %convert_element_type3A_3028, %lt3A_3030 : vector<16xi32>
    %min3A_3032 = arith.constant 255 : i32
    %min3A_3033 = vector.broadcast %min3A_3032 : i32 to vector<16xi32>
    %min3A_3034 = arith.minsi %convert_element_type3A_3028, %min3A_3033 : vector<16xi32>
    %select_n3A_3035 = arith.select %lt3A_3031, %broadcast_in_dim3A_10, %broadcast_in_dim3A_3 : vector<16xi1>, vector<16xf32>
    tpu.vector_store_idx %arg6[%add3A_3017, %min3A_3034], %select_n3A_3035 : memref<128x256xf32, #tpu.memory_space<vmem>>[vector<16xi32>, vector<16xi32>], vector<16xf32>,
    %swap3A_3036 = arith.constant 96 : index
    %swap3A_3037 = tpu.vector_load %arg8[%swap3A_3036] {strides = array<i32>} : memref<128xi32, #tpu.memory_space<vmem>>, vector<16xi32>,
    tpu.vector_store %arg8[%swap3A_3036], %min3A_3034 {strides = array<i32>} : memref<128xi32, #tpu.memory_space<vmem>>, vector<16xi32>,
    %add3A_3038 = arith.constant 112 : i32
    %add3A_3039 = vector.broadcast %add3A_3038 : i32 to vector<16xi32>
    %add3A_3040 = arith.addi %add3A_3039, %iota3A : vector<16xi32>
    %get3A_3041 = arith.constant 112 : index
    %get3A_3042 = tpu.vector_load %arg8[%get3A_3041] {strides = array<i32>} : memref<128xi32, #tpu.memory_space<vmem>>, vector<16xi32>,
    tpu.vector_store_idx %arg6[%add3A_3040, %get3A_3042], %broadcast_in_dim3A_3 : memref<128x256xf32, #tpu.memory_space<vmem>>[vector<16xi32>, vector<16xi32>], vector<16xf32>,
    %get3A_3043 = arith.constant 2032 : index
    %get3A_3044 = tpu.vector_load %arg4[%get3A_3043] {strides = array<i32>} : memref<2048xf32, #tpu.memory_space<vmem>>, vector<16xf32>,
    %add3A_3045 = arith.constant 1.000000e+00 : f32
    %add3A_3046 = vector.broadcast %add3A_3045 : f32 to vector<16xf32>
    %add3A_3047 = arith.addf %get3A_3044, %add3A_3046 : vector<16xf32>
    %mul3A_3048 = arith.constant 1.280000e+02 : f32
    %mul3A_3049 = vector.broadcast %mul3A_3048 : f32 to vector<16xf32>
    %mul3A_3050 = arith.mulf %add3A_3047, %mul3A_3049 : vector<16xf32>
    %convert_element_type3A_3051 = arith.fptosi %mul3A_3050 : vector<16xf32> to vector<16xi32>
    %lt3A_3052 = arith.constant 256 : i32
    %lt3A_3053 = vector.broadcast %lt3A_3052 : i32 to vector<16xi32>
    %lt3A_3054 = arith.cmpi slt, %convert_element_type3A_3051, %lt3A_3053 : vector<16xi32>
    %min3A_3055 = arith.constant 255 : i32
    %min3A_3056 = vector.broadcast %min3A_3055 : i32 to vector<16xi32>
    %min3A_3057 = arith.minsi %convert_element_type3A_3051, %min3A_3056 : vector<16xi32>
    %select_n3A_3058 = arith.select %lt3A_3054, %broadcast_in_dim3A_10, %broadcast_in_dim3A_3 : vector<16xi1>, vector<16xf32>
    tpu.vector_store_idx %arg6[%add3A_3040, %min3A_3057], %select_n3A_3058 : memref<128x256xf32, #tpu.memory_space<vmem>>[vector<16xi32>, vector<16xi32>], vector<16xf32>,
    %swap3A_3059 = arith.constant 112 : index
    %swap3A_3060 = tpu.vector_load %arg8[%swap3A_3059] {strides = array<i32>} : memref<128xi32, #tpu.memory_space<vmem>>, vector<16xi32>,
    tpu.vector_store %arg8[%swap3A_3059], %min3A_3057 {strides = array<i32>} : memref<128xi32, #tpu.memory_space<vmem>>, vector<16xi32>,
    %add3A_3061 = arith.constant 1920 : i32
    %add3A_3062 = arith.addi %mul3A_2, %add3A_3061 : i32
    %dma_start3A_3063 = arith.constant 0 : i32
    %dma_start3A_3064 = tpu.memref_slice %arg3[%add3A_3062, %dma_start3A_3063] : memref<65536x256xf32, #tpu.memory_space<hbm>> -> memref<128x256xf32, #tpu.memory_space<hbm>>
    %dma_start3A_3065 = arith.constant 0 : i32
    %dma_start3A_3066 = tpu.memref_slice %arg3[%add3A_3062, %dma_start3A_3065] : memref<65536x256xf32, #tpu.memory_space<hbm>> -> memref<128x256xf32, #tpu.memory_space<hbm>>
    tpu.enqueue_dma source(%arg6 : memref<128x256xf32, #tpu.memory_space<vmem>>) target(%dma_start3A_3066 : memref<128x256xf32, #tpu.memory_space<hbm>>) target_semaphore(%arg10 : memref<!tpu.dma_semaphore, #tpu.memory_space<semaphore_mem>>)
    %dma_wait3A_3067 = arith.constant 0 : i32
    %dma_wait3A_3068 = tpu.memref_slice %arg3[%add3A_2868, %dma_wait3A_3067] : memref<65536x256xf32, #tpu.memory_space<hbm>> -> memref<128x256xf32, #tpu.memory_space<hbm>>
    %dma_wait3A_3069 = arith.constant 0 : i32
    %dma_wait3A_3070 = tpu.memref_slice %arg3[%add3A_2868, %dma_wait3A_3069] : memref<65536x256xf32, #tpu.memory_space<hbm>> -> memref<128x256xf32, #tpu.memory_space<hbm>>
    tpu.wait_dma2 semaphore(%arg9 : memref<!tpu.dma_semaphore, #tpu.memory_space<semaphore_mem>>) src(%arg5 : memref<128x256xf32, #tpu.memory_space<vmem>>) dst(%dma_wait3A_3070 : memref<128x256xf32, #tpu.memory_space<hbm>>)
    %dma_wait3A_3071 = arith.constant 0 : i32
    %dma_wait3A_3072 = tpu.memref_slice %arg3[%add3A_3062, %dma_wait3A_3071] : memref<65536x256xf32, #tpu.memory_space<hbm>> -> memref<128x256xf32, #tpu.memory_space<hbm>>
    %dma_wait3A_3073 = arith.constant 0 : i32
    %dma_wait3A_3074 = tpu.memref_slice %arg3[%add3A_3062, %dma_wait3A_3073] : memref<65536x256xf32, #tpu.memory_space<hbm>> -> memref<128x256xf32, #tpu.memory_space<hbm>>
    tpu.wait_dma2 semaphore(%arg10 : memref<!tpu.dma_semaphore, #tpu.memory_space<semaphore_mem>>) src(%arg6 : memref<128x256xf32, #tpu.memory_space<vmem>>) dst(%dma_wait3A_3074 : memref<128x256xf32, #tpu.memory_space<hbm>>)
    return
  }
}

module attributes {stable_mosaic.version = 14 : i64} {
  func.func @_tc_body(%arg0: i32, %arg1: memref<8x256xf32, #tpu.memory_space<vmem>>, %arg2: memref<8x256x256xf32, #tpu.memory_space<vmem>>) attributes {dimension_semantics = [#tpu.dimension_semantics<arbitrary>], iteration_bounds = array<i64: 32>, scalar_prefetch = 0 : i64, scratch_operands = 0 : i64, tpu.core_type = #tpu.core_type<tc>, window_params = [{transform_indices = @transform_0, window_bounds = array<i64: 8, 256>}, {transform_indices = @transform_1, window_bounds = array<i64: 8, 256, 256>}]} {
    %get3A = arith.constant 0 : index
    %get3A_0 = arith.constant 0 : index
    %get3A_1 = vector.load %arg1[%get3A, %get3A_0] : memref<8x256xf32, #tpu.memory_space<vmem>>, vector<8x256xf32>
    %add3A = arith.constant 1.000000e+00 : f32
    %add3A_2 = vector.broadcast %add3A : f32 to vector<8x256xf32>
    %add3A_3 = arith.addf %get3A_1, %add3A_2 : vector<8x256xf32>
    %mul3A = arith.constant 1.280000e+02 : f32
    %mul3A_4 = vector.broadcast %mul3A : f32 to vector<8x256xf32>
    %mul3A_5 = arith.mulf %add3A_3, %mul3A_4 : vector<8x256xf32>
    %convert_element_type3A = arith.fptosi %mul3A_5 : vector<8x256xf32> to vector<8x256xi32>
    %iota3A = tpu.iota {dimensions = array<i32: 2>} : vector<8x256x256xi32>
    %broadcast_in_dim3A = vector.shape_cast %convert_element_type3A : vector<8x256xi32> to vector<8x256x1xi32>
    %eq3A = vector.broadcast %broadcast_in_dim3A : vector<8x256x1xi32> to vector<8x256x256xi32>
    %eq3A_6 = arith.cmpi eq, %eq3A, %iota3A : vector<8x256x256xi32>
    %convert_element_type3A_7 = arith.extui %eq3A_6 : vector<8x256x256xi1> to vector<8x256x256xi32>
    %convert_element_type3A_8 = arith.sitofp %convert_element_type3A_7 : vector<8x256x256xi32> to vector<8x256x256xf32>
    %swap3A = arith.constant 0 : index
    %swap3A_9 = arith.constant 0 : index
    %swap3A_10 = arith.constant 0 : index
    %swap3A_11 = vector.load %arg2[%swap3A, %swap3A_9, %swap3A_10] : memref<8x256x256xf32, #tpu.memory_space<vmem>>, vector<8x256x256xf32>
    tpu.vector_store %arg2[%swap3A, %swap3A_9, %swap3A_10], %convert_element_type3A_8 {strides = array<i32>} : memref<8x256x256xf32, #tpu.memory_space<vmem>>, vector<8x256x256xf32>,
    return
  }
  func.func @transform_0(%arg0: i32) -> (i32, i32) {
    %c0_i32 = arith.constant 0 : i32
    %c0_i32_0 = arith.constant 0 : i32
    return %arg0, %c0_i32 : i32, i32
  }
  func.func @transform_1(%arg0: i32) -> (i32, i32, i32) {
    %c0_i32 = arith.constant 0 : i32
    %c0_i32_0 = arith.constant 0 : i32
    %c0_i32_1 = arith.constant 0 : i32
    return %arg0, %c0_i32, %c0_i32_0 : i32, i32, i32
  }
}

</mosaic_0001>

<sc_bundles>
// kernel: kernel.4.cloned.1.call-start
scs
__scs_entry_jumppad:
0x0: {  	(pc) =	sbr.rel $0x88, $3  }
0x1: {  	(tag) =	ssettag $0x0;
	lr =	simm.s32 $0x1  }
0x2: {  	[smem:$0x3FA0] =	sst lr;
	_ =	strace $0xD0000000  }
0x3: {  	_ = 	snop  }
0x4: {  	_ = 	snop  }
0x5: {  	_ = 	snop  }
0x6: {  	_ = 	snop  }
0x7: {  	_ = 	snop  }
__scs_overlays_trampoline_lowered:
0x8: {  	[smem:$0x3FAF] =	sst s0  }
0x9: {  	[smem:$0x3FB0] =	sst s1  }
0xa: {  	[smem:$0x3FB1] =	sst s2  }
0xb: {  	[smem:$0x3FB2] =	sst s3  }
0xc: {  	[smem:$0x3FB3] =	sst s4  }
0xd: {  	[smem:$0x3FB4] =	sst s5  }
0xe: {  	[smem:$0x3FB5] =	sst s6  }
0xf: {  	[smem:$0x3FB6] =	sst s7  }
0x10: {  	[smem:$0x3FB7] =	sst s8  }
0x11: {  	[smem:$0x3FB8] =	sst s9;
	s0 =	simm.s32 @!p0 $0x0  }
0x12: {  	s1 =	sld [smem:$0x3F9E];
	s0 =	simm.s32 @p0 $0x1  }
0x13: {  	[smem:$0x3FB9] =	sst s0;
	s0 =	simm.s32 @!p1 $0x0  }
0x14: {  	s2 =	sld [smem:$0x3F9D];
	s0 =	simm.s32 @p1 $0x1  }
0x15: {  	[smem:$0x3FBA] =	sst s0;
	s0 =	simm.s32 @!p2 $0x0  }
0x16: {  	s3 =	sld [smem:$0x3FDB];
	s0 =	simm.s32 @p2 $0x1  }
0x17: {  	s4 =	simm.s32 $0x1BF5;
	[smem:$0x3FBC] =	sst s0  }
0x18: {  	s0 =	sld [smem:$0x3F9F];
	_ =	swait.ge [sflag:s4], $0x0  }
0x19: {  	s7 =	sld [smem:$0x3FA0]  }
0x1a: {  	s8 =	sadd.s32 $0xFFFFE003, lr  }
0x1b: {  	s9 =	sadd.s32 $0xFFFFFEF7, lr;
	s5 =	simm.s32 $0xFFFFFFFF;
	p2 =	slt.u32 s8, $0xFFFFF086  }
0x1c: {  	p1 =	slt.u32 s9, $0xF7A;
	s5 =	simm.s32 @!p2 $0x0  }
0x1d: {  	s5 =	simm.s32 @p1 $0x1;
	p0 =	seq.s32 s7, s2  }
0x1e: {  	s7 =	smul.u32 @!p0 $0xF7A, s2;
	p2 =	seq.s32 @!p0 s5, $0x0  }
0x1f: {  	s9 =	smul.u32 $0xF7A, s1;
	s8 =	simm.s32 @!p0 $0x1BF5;
	p2 =	por !p2, p0  }
0x20: {  	[sflag:s8] =	ssyncset.s32 @!p0 $0xFFFFF086;
	s6 =	sadd.s32 @!p0 s3, s7;
	s7 =	simm.s32 @!p0 $0x108  }
0x21: {  	s3 =	sadd.s32 s3, s9;
	s6 =	sadd.s32 @!p0 $0x88, s6;
	s7 =	simm.s32 @p2 $0x1082  }
0x22: {  	[simem:s7], [sflag:s8] =	dma.local @!p0 [hbm:s6], $0xF7A  }
0x23: {  	s9 =	sor.u32 $0xD0000000, s2;
	s6 =	simm.s32 $0x108;
	_ =	swait.ge @!p0 [sflag:s8], $0x0  }
0x24: {  	s3 =	sadd.s32 $0x88, s3;
	s6 =	simm.s32 @!p1 $0x1082;
	[sflag:s4] =	ssyncset.s32 $0xFFFFF086  }
0x25: {  	[simem:s6], [sflag:s4] =	dma.local [hbm:s3], $0xF7A  }
0x26: {  	[smem:$0x3FA0] =	sst s1;
	(tag) =	ssettag s2;
	_ =	strace s9  }
0x27: {  	s1 =	sld [smem:$0x3FB0]  }
0x28: {  	s2 =	sld [smem:$0x3FB1]  }
0x29: {  	s4 =	sld [smem:$0x3FB3]  }
0x2a: {  	p0 =	seq.s32 s5, $0x0;
	s5 =	sld [smem:$0x3FB4]  }
0x2b: {  	s6 =	sld [smem:$0x3FB5]  }
0x2c: {  	s7 =	sld [smem:$0x3FB6]  }
0x2d: {  	s3 =	simm.s32 $0x108;
	s8 =	sld [smem:$0x3FB7]  }
0x2e: {  	s3 =	simm.s32 @!p0 $0x1082;
	s9 =	sld [smem:$0x3FB8]  }
0x2f: {  	lr =	sadd.s32 s0, s3;
	s0 =	sld [smem:$0x3FAF]  }
0x30: {  	s3 =	sld [smem:$0x3FB2]  }
0x31: {  	[smem:$0x3FBB] =	sst s10  }
0x32: {  	s10 =	sld [smem:$0x3FB9];
	_ =	sdelay $0x3  }
0x33: {  	p0 =	seq.s32 s10, $0x1;
	s10 =	sld [smem:$0x3FBB];
	_ =	sdelay $0x3  }
0x34: {  	[smem:$0x3FBB] =	sst s10  }
0x35: {  	s10 =	sld [smem:$0x3FBA];
	_ =	sdelay $0x3  }
0x36: {  	p1 =	seq.s32 s10, $0x1;
	s10 =	sld [smem:$0x3FBB];
	_ =	sdelay $0x3  }
0x37: {  	[smem:$0x3FBB] =	sst s10  }
0x38: {  	s10 =	sld [smem:$0x3FBC]  }
0x39: {  	_ = 	snop;
	(pc) =	sbr.ind lr, $3  }
0x3a: {  	_ = 	snop  }
0x3b: {  	_ = 	snop  }
0x3c: {  	p2 =	seq.s32 s10, $0x1;
	s10 =	sld [smem:$0x3FBB]  }
0x3d: {  	_ =	shalt  }
0x3e: {  	_ =	shalt  }
0x3f: {  	_ =	shalt  }
0x40: {  	_ =	shalt  }
0x41: {  	_ =	shalt  }
0x42: {  	_ =	shalt  }
0x43: {  	_ =	shalt  }
0x44: {  	_ =	shalt  }
0x45: {  	_ =	shalt  }
0x46: {  	_ =	shalt  }
0x47: {  	_ =	shalt  }
0x48: {  	_ =	shalt  }
0x49: {  	_ =	shalt  }
0x4a: {  	_ =	shalt  }
0x4b: {  	_ =	shalt  }
0x4c: {  	_ =	shalt  }
0x4d: {  	_ =	shalt  }
0x4e: {  	_ =	shalt  }
0x4f: {  	_ =	shalt  }
0x50: {  	_ =	shalt  }
0x51: {  	_ =	shalt  }
0x52: {  	_ =	shalt  }
0x53: {  	_ =	shalt  }
0x54: {  	_ =	shalt  }
0x55: {  	_ =	shalt  }
0x56: {  	_ =	shalt  }
0x57: {  	_ =	shalt  }
0x58: {  	_ =	shalt  }
0x59: {  	_ =	shalt  }
0x5a: {  	_ =	shalt  }
0x5b: {  	_ =	shalt  }
0x5c: {  	_ =	shalt  }
0x5d: {  	_ =	shalt  }
0x5e: {  	_ =	shalt  }
0x5f: {  	_ =	shalt  }
0x60: {  	_ =	shalt  }
0x61: {  	_ =	shalt  }
0x62: {  	_ =	shalt  }
0x63: {  	_ =	shalt  }
0x64: {  	_ =	shalt  }
0x65: {  	_ =	shalt  }
0x66: {  	_ =	shalt  }
0x67: {  	_ =	shalt  }
0x68: {  	_ =	shalt  }
0x69: {  	_ =	shalt  }
0x6a: {  	_ =	shalt  }
0x6b: {  	_ =	shalt  }
0x6c: {  	_ =	shalt  }
0x6d: {  	_ =	shalt  }
0x6e: {  	_ =	shalt  }
0x6f: {  	_ =	shalt  }
0x70: {  	_ =	shalt  }
0x71: {  	_ =	shalt  }
0x72: {  	_ =	shalt  }
0x73: {  	_ =	shalt  }
0x74: {  	_ =	shalt  }
0x75: {  	_ =	shalt  }
0x76: {  	_ =	shalt  }
0x77: {  	_ =	shalt  }
0x78: {  	_ =	shalt  }
0x79: {  	_ =	shalt  }
0x7a: {  	_ =	shalt  }
0x7b: {  	_ =	shalt  }
0x7c: {  	_ =	shalt  }
0x7d: {  	_ =	shalt  }
0x7e: {  	_ =	shalt  }
0x7f: {  	_ =	shalt  }
0x80: {  	_ =	shalt  }
0x81: {  	_ =	shalt  }
0x82: {  	_ =	shalt  }
0x83: {  	_ =	shalt  }
0x84: {  	_ =	shalt  }
0x85: {  	_ =	shalt  }
0x86: {  	_ =	shalt  }
0x87: {  	_ =	shalt  }
.Lfunc_end0:
.L_simem_size_0:
called_computation_lowered:
.L_overlay_start_0:
0x88: {  	s2 =	sld [smem:$0x3FD9]  }
0x89: {  	s3 =	sld [smem:$0x3FFE];
	_ =	sdelay $0x1  }
0x8a: {  	s1 =	srdreg.scid  }
0x8b: {  	s0 =	sand.u32 $0x1, s1  }
0x8c: {  	s14 =	sshll.u32 s0, $0xA;
	s2 =	sadd.s32 s3, s2  }
0x8d: {  	s2 =	sadd.s32 s2, s14  }
0x8e: {  	[smem:$0x3FC7] =	sst s2  }
0x8f: {  	_ = 	snop  }
0x90: {  	s2 =	sld [smem:$0x3FD0];
	_ =	sdelay $0x2  }
0x91: {  	s15 =	simm.s32 $0xA;
	s4 =	simm.s32 $0x10  }
0x92: {  	[smem:s4], [sflag:s15] =	dma.local [hbm:s2], $0x1  }
0x93: {  	_ =	swait.eq [sflag:s15], $0x1  }
0x94: {  	[sflag:s15] =	ssyncset.done $0x0  }
0x95: {  	[sflag:s15] =	ssyncadd.s32 $0xFFFFFFFF  }
0x96: {  	s16 =	sld [smem:$0x10];
	(tm) =	ssettm $0x1  }
0x97: {  	s17 =	sld [smem:$0x3FFB];
	_ =	sdelay $0x3  }
0x98: {  	_ =	strace s17  }
0x99: {  	s3 =	sld [smem:$0x3FFC];
	_ =	sdelay $0x3  }
0x9a: {  	_ =	strace s3  }
0x9b: {  	s3 =	sld [smem:$0x3FFD];
	_ =	sdelay $0x3  }
0x9c: {  	_ =	strace s3  }
0x9d: {  	_ =	strace $0x8FFFFFFF  }
0x9e: {  	s18 =	sld [smem:$0x3FDB];
	_ =	sdelay $0x1  }
0x9f: {  	s19 =	simm.s32 $_scs_section_size  }
0xa0: {  	s5 =	simm.s32 $_size__tile_overlayer_lowered;
	s6 =	simm.s32 $_tile_overlayer_lowered  }
0xa1: {  	s22 =	simm.s32 $0x1BFF;
	s21 =	sshll.u32 s6, $0x1;
	s3 =	sadd.s32 s19, s18  }
0xa2: {  	s7 =	simm.s32 $0x0;
	s20 =	sshll.u32 s5, $0x1;
	s5 =	sadd.s32 s21, s3  }
0xa3: {  	[timem:s7], [sflag:s22] =	dma.local [hbm:s5], s20  }
0xa4: {  	_ =	swait.ge [sflag:s22], s20  }
0xa5: {  	s4 =	ssub.s32 $0x0, s20;
	[sflag:s22] =	ssyncset.done $0x0  }
0xa6: {  	[sflag:s22] =	ssyncadd.s32 s4;
	_ =	sdelay $0x1  }
0xa7: {  	s23 =	simm.s32 $0x1B8B  }
0xa8: {  	_ =	swait.ge [sflag:s23], $0x1  }
0xa9: {  	[sflag:s23] =	ssyncset.done $0x0  }
0xaa: {  	s25 =	simm.s32 $0x1B8E;
	s24 =	sld [smem:$0x3FFE];
	[sflag:s23] =	ssyncadd.s32 $0xFFFFFFFF  }
0xab: {  	s26 =	simm.s32 $execute0_lowered;
	[smem:$0x3FD2] =	sst s25  }
0xac: {  	s5 =	sshll.u32 s26, $0x1;
	_ =	strace $0x80000046;
	[dreg:$0x1] =	wrdreg $0xFFFFFFFF  }
0xad: {  	s28 =	simm.s32 $_size_execute0_lowered;
	s3 =	sadd.s32 s3, s5;
	[dreg:$0x0] =	wrdreg $0x0  }
0xae: {  	s5 =	sshll.u32 s28, $0x1;
	[dreg:$0x2] =	wrdreg s3  }
0xaf: {  	[dreg:$0x3] =	wrdreg s5  }
0xb0: {  	[dreg:$0x4] =	wrdreg $0xC0  }
0xb1: {  	_ =	task [dreg:s7], $0x5FFFF  }
0xb2: {  	[dreg:$0x1] =	wrdreg $0xFFFFFFFF  }
0xb3: {  	[dreg:$0x0] =	wrdreg $0x60  }
0xb4: {  	[dreg:$0x2] =	wrdreg s24  }
0xb5: {  	[dreg:$0x3] =	wrdreg s16  }
0xb6: {  	[dreg:$0x4] =	wrdreg $0x9  }
0xb7: {  	_ =	task.clear_ibuf [dreg:s7], $0x5FFFF;
	_ =	strace $0x90000046  }
0xb8: {  	s29 =	simm.s32 $0x9;
	_ =	strace $0x80000048  }
0xb9: {  	_ =	swait.ge [sflag:s29], $0x1  }
0xba: {  	[sflag:s29] =	ssyncadd.s32 $0xFFFFFFFF  }
0xbb: {  	_ =	strace $0x90000048  }
0xbc: {  	_ =	sfence  }
0xbd: {  	s30 =	sld [smem:$0x0];
	_ =	sdelay $0x2  }
0xbe: {  	s31 =	sshll.u32 s1, $0xD;
	s1 =	sshrl.u32 s1, $0x2  }
0xbf: {  	s3 =	sand.u32 $0x4000, s31;
	s1 =	sadd.s32 s1, s30  }
0xc0: {  	s0 =	sor.u32 s3, s0;
	s1 =	sshll.u32 s1, $0x11  }
0xc1: {  	s0 =	sor.u32 s1, s0  }
0xc2: {  	s0 =	sadd.s32 $0x8F2B, s0  }
0xc3: {  	[sflag:s0] =	ssyncadd.remote.s32 $0x1  }
0xc4: {  	_ =	sfence.sel $0xFFFF  }
0xc5: {  	[dreg:$0x0] =	wrdreg $0xFFFFFFFF;
	(pc) =	sbr.abs _section_cstart, $3  }
0xc6: {  	[dreg:$0x1] =	wrdreg $0xFFFFFFFF  }
0xc7: {  	_ =	task.clear_ibuf [dreg:s7], $0x2FFFF;
	_ =	strace $0x9FFFFFFF  }
0xc8: {  	(tm) =	ssettm $0x7FFFFFFF  }
0xc9: {  	_ =	shalt  }
tec
execute0_lowered:
.L_overlay_start_1:
0x0: {  	(tag) =	ssettag $0x1  }
0x1: {  	v0 =	vimm.s32 $0xB80;
	vm14 =	vcmask $0x300;
	v1 =	vimm.s32 $0x1B80  }
0x2: {  	vm13 =	vcmask $0x704;
	vm12 =	vcmask $0xB08;
	vm11 =	vcmask $0xF0C  }
0x3: {  	vm10 =	vcmask $0x1310;
	vm9 =	vcmask $0x1714;
	vm8 =	vcmask $0x1B18  }
0x4: {  	vm7 =	vcmask $0x1F1C;
	vm6 =	vcmask $0x2320;
	vm5 =	vcmask $0x2724  }
0x5: {  	vm4 =	vcmask $0x2B28;
	vm3 =	vcmask $0x2F2C;
	vm2 =	vcmask $0x3330  }
0x6: {  	vm1 =	vcmask $0x3734;
	vm0 =	vcmask $0x3B38;
	v4 =	vimm.s32 $0x3B80  }
0x7: {  	v5 =	vimm.s32 $0x4B80;
	v6 =	vimm.s32 $0x5B80;
	v7 =	vimm.s32 $0x6B80  }
0x8: {  	v8 =	vimm.s32 $0x7B80;
	v0 =	vsel vm14, $0x0, v0;
	v1 =	vsel vm14, $0x1000, v1  }
0x9: {  	v4 =	vsel vm14, $0x3000, v4;
	v5 =	vsel vm14, $0x4000, v5;
	v6 =	vsel vm14, $0x5000, v6  }
0xa: {  	v7 =	vsel vm14, $0x6000, v7;
	v8 =	vsel vm14, $0x7000, v8;
	v0 =	vsel vm13, $0x80, v0  }
0xb: {  	v1 =	vsel vm13, $0x1080, v1;
	v4 =	vsel vm13, $0x3080, v4;
	v5 =	vsel vm13, $0x4080, v5  }
0xc: {  	v6 =	vsel vm13, $0x5080, v6;
	v7 =	vsel vm13, $0x6080, v7;
	v8 =	vsel vm13, $0x7080, v8  }
0xd: {  	v0 =	vsel vm12, $0x100, v0;
	v1 =	vsel vm12, $0x1100, v1;
	v4 =	vsel vm12, $0x3100, v4  }
0xe: {  	v5 =	vsel vm12, $0x4100, v5;
	v6 =	vsel vm12, $0x5100, v6;
	v7 =	vsel vm12, $0x6100, v7  }
0xf: {  	v8 =	vsel vm12, $0x7100, v8;
	v0 =	vsel vm11, $0x180, v0;
	v1 =	vsel vm11, $0x1180, v1  }
0x10: {  	v4 =	vsel vm11, $0x3180, v4;
	v5 =	vsel vm11, $0x4180, v5;
	v6 =	vsel vm11, $0x5180, v6  }
0x11: {  	v7 =	vsel vm11, $0x6180, v7;
	v8 =	vsel vm11, $0x7180, v8;
	v0 =	vsel vm10, $0x200, v0  }
0x12: {  	v1 =	vsel vm10, $0x1200, v1;
	v4 =	vsel vm10, $0x3200, v4;
	v5 =	vsel vm10, $0x4200, v5  }
0x13: {  	v6 =	vsel vm10, $0x5200, v6;
	v7 =	vsel vm10, $0x6200, v7;
	v8 =	vsel vm10, $0x7200, v8  }
0x14: {  	v0 =	vsel vm9, $0x280, v0;
	v1 =	vsel vm9, $0x1280, v1;
	v4 =	vsel vm9, $0x3280, v4  }
0x15: {  	v5 =	vsel vm9, $0x4280, v5;
	v6 =	vsel vm9, $0x5280, v6;
	v7 =	vsel vm9, $0x6280, v7  }
0x16: {  	v8 =	vsel vm9, $0x7280, v8;
	v0 =	vsel vm8, $0x300, v0;
	v1 =	vsel vm8, $0x1300, v1  }
0x17: {  	v4 =	vsel vm8, $0x3300, v4;
	v5 =	vsel vm8, $0x4300, v5;
	v6 =	vsel vm8, $0x5300, v6  }
0x18: {  	v7 =	vsel vm8, $0x6300, v7;
	v8 =	vsel vm8, $0x7300, v8;
	v0 =	vsel vm7, $0x380, v0  }
0x19: {  	v1 =	vsel vm7, $0x1380, v1;
	v4 =	vsel vm7, $0x3380, v4;
	v5 =	vsel vm7, $0x4380, v5  }
0x1a: {  	v6 =	vsel vm7, $0x5380, v6;
	v7 =	vsel vm7, $0x6380, v7;
	v8 =	vsel vm7, $0x7380, v8  }
0x1b: {  	v0 =	vsel vm6, $0x800, v0;
	v1 =	vsel vm6, $0x1800, v1;
	v4 =	vsel vm6, $0x3800, v4  }
0x1c: {  	v5 =	vsel vm6, $0x4800, v5;
	v0 =	vsel vm5, $0x880, v0;
	v1 =	vsel vm5, $0x1880, v1  }
0x1d: {  	v6 =	vsel vm6, $0x5800, v6;
	v0 =	vsel vm4, $0x900, v0;
	v1 =	vsel vm4, $0x1900, v1  }
0x1e: {  	v7 =	vsel vm6, $0x6800, v7;
	v0 =	vsel vm3, $0x980, v0;
	v1 =	vsel vm3, $0x1980, v1  }
0x1f: {  	v8 =	vsel vm6, $0x7800, v8;
	v0 =	vsel vm2, $0xA00, v0;
	v1 =	vsel vm2, $0x1A00, v1  }
0x20: {  	v4 =	vsel vm5, $0x3880, v4;
	v2 =	vsel vm1, $0xA80, v0;
	v3 =	vsel vm1, $0x1A80, v1  }
0x21: {  	v1 =	vsel vm0, $0xB00, v2;
	v2 =	vsel vm0, $0x1B00, v3;
	v3 =	vimm.s32 $0x2B80  }
0x22: {  	s0 =	rddreg [dreg:$0x0];
	v5 =	vsel vm5, $0x4880, v5;
	v6 =	vsel vm5, $0x5880, v6;
	v3 =	vsel vm14, $0x2000, v3  }
0x23: {  	s3 =	rddreg [dreg:$0x1];
	v7 =	vsel vm5, $0x6880, v7;
	v8 =	vsel vm5, $0x7880, v8;
	v3 =	vsel vm13, $0x2080, v3  }
0x24: {  	s4 =	srdreg.scid;
	s2 =	simm.s32 $0x0;
	s1 =	stileid.u32;
	v4 =	vsel vm4, $0x3900, v4;
	v5 =	vsel vm4, $0x4900, v5;
	v3 =	vsel vm12, $0x2100, v3  }
0x25: {  	s21 =	simm.s32 $0x3;
	s22 =	simm.s32 $0x800;
	s23 =	simm.s32 $0x8800;
	v6 =	vsel vm4, $0x5900, v6;
	v7 =	vsel vm4, $0x6900, v7;
	v3 =	vsel vm11, $0x2180, v3  }
0x26: {  	s24 =	simm.s32 $0x1;
	s25 =	simm.s32 $0x2;
	s4 =	sand.u32 $0x1, s4;
	v8 =	vsel vm4, $0x7900, v8;
	v4 =	vsel vm3, $0x3980, v4;
	v3 =	vsel vm10, $0x2200, v3  }
0x27: {  	s26 =	simm.s32 $0x0;
	s5 =	sshll.u32 s1, $0xC;
	s6 =	sshll.u32 s4, $0xB;
	v5 =	vsel vm3, $0x4980, v5;
	v6 =	vsel vm3, $0x5980, v6;
	v3 =	vsel vm9, $0x2280, v3  }
0x28: {  	[smem:$0x7FF] =	sst s2;
	s4 =	ssub.s32 $0x2, s4;
	s5 =	sor.u32 s6, s5;
	v7 =	vsel vm3, $0x6980, v7;
	v8 =	vsel vm3, $0x7980, v8;
	v3 =	vsel vm8, $0x2300, v3  }
0x29: {  	_ =	strace $0x80000047;
	s31 =	sshrl.u32 s4, $0x1;
	s6 =	sshrl.u32 s5, $0x3;
	v4 =	vsel vm2, $0x3A00, v4;
	v5 =	vsel vm2, $0x4A00, v5;
	v3 =	vsel vm7, $0x2380, v3  }
0x2a: {  	s5 =	sshll.u32 s5, $0x5;
	s20 =	ssub.s32 s4, s31;
	s0 =	sadd.s32 s6, s0;
	v6 =	vsel vm2, $0x5A00, v6;
	v7 =	vsel vm2, $0x6A00, v7;
	v3 =	vsel vm6, $0x2800, v3  }
0x2b: {  	s3 =	sadd.s32 s3, s5;
	s20 =	smax.u32 s20, $0x1;
	s4 =	sadd.s32 $0x200, s0;
	v8 =	vsel vm2, $0x7A00, v8;
	v0 =	vimm.f32 $0.0e+00;
	v3 =	vsel vm5, $0x2880, v3  }
0x2c: {  	s5 =	sadd.s32 $0x1000, s3;
	s6 =	sadd.s32 $0x2000, s3;
	s7 =	sadd.s32 $0x3000, s3;
	v4 =	vsel vm1, $0x3A80, v4;
	v5 =	vsel vm1, $0x4A80, v5;
	v3 =	vsel vm4, $0x2900, v3  }
0x2d: {  	s8 =	sadd.s32 $0x4000, s3;
	s9 =	sadd.s32 $0x5000, s3;
	s10 =	sadd.s32 $0x6000, s3;
	v6 =	vsel vm1, $0x5A80, v6;
	v7 =	vsel vm1, $0x6A80, v7;
	v3 =	vsel vm3, $0x2980, v3  }
0x2e: {  	s11 =	sadd.s32 $0x7000, s3;
	s12 =	sadd.s32 $0x8000, s3;
	s13 =	sadd.s32 $0x9000, s3;
	v8 =	vsel vm1, $0x7A80, v8;
	v4 =	vsel vm0, $0x3B00, v4;
	v3 =	vsel vm2, $0x2A00, v3  }
0x2f: {  	s14 =	sadd.s32 $0xA000, s3;
	s15 =	sadd.s32 $0xB000, s3;
	s16 =	sadd.s32 $0xC000, s3;
	v5 =	vsel vm0, $0x4B00, v5;
	v6 =	vsel vm0, $0x5B00, v6;
	v3 =	vsel vm1, $0x2A80, v3  }
0x30: {  	s17 =	sadd.s32 $0xD000, s3;
	s18 =	sadd.s32 $0xE000, s3;
	s19 =	sadd.s32 $0xF000, s3;
	v7 =	vsel vm0, $0x6B00, v7;
	v8 =	vsel vm0, $0x7B00, v8;
	v3 =	vsel vm0, $0x2B00, v3  }
.LBB2_1:
0x31: {  	[tilespmem:s2], [sflag:$0x3] =	stream.linear.gather [hbm4b:s4+s2], $0x800, $0x38;
	[tilespmem:$0x10900] =	vst v63  }
0x32: {  	_ =	swait.ge [sflag:s21], $0x800  }
0x33: {  	s0 =	sand.u32 $0x7800, s2;
	s28 =	sand.u32 $0x380, s2;
	[sflag:s21] =	ssyncset.done $0x0  }
0x34: {  	s28 =	sor.u32 s28, s0;
	[sflag:s21] =	ssyncadd.s32 $0xFFFFF800  }
0x35: {  	[tilespmem:s28+$0x8C70] =	vst v0  }
0x36: {  	[tilespmem:s28+$0x800] =	vst v0  }
0x37: {  	[tilespmem:s28+$0x8800] =	vst v0  }
0x38: {  	[tilespmem:s28+$0x810] =	vst v0  }
0x39: {  	[tilespmem:s28+$0x8810] =	vst v0  }
0x3a: {  	[tilespmem:s28+$0x820] =	vst v0  }
0x3b: {  	[tilespmem:s28+$0x8820] =	vst v0  }
0x3c: {  	[tilespmem:s28+$0x830] =	vst v0  }
0x3d: {  	[tilespmem:s28+$0x8830] =	vst v0  }
0x3e: {  	[tilespmem:s28+$0x840] =	vst v0  }
0x3f: {  	[tilespmem:s28+$0x8840] =	vst v0  }
0x40: {  	[tilespmem:s28+$0x850] =	vst v0  }
0x41: {  	[tilespmem:s28+$0x8850] =	vst v0  }
0x42: {  	[tilespmem:s28+$0x860] =	vst v0  }
0x43: {  	[tilespmem:s28+$0x8860] =	vst v0  }
0x44: {  	[tilespmem:s28+$0x870] =	vst v0  }
0x45: {  	[tilespmem:s28+$0x8870] =	vst v0  }
0x46: {  	[tilespmem:s28+$0xC00] =	vst v0  }
0x47: {  	[tilespmem:s28+$0x8C00] =	vst v0  }
0x48: {  	[tilespmem:s28+$0xC10] =	vst v0  }
0x49: {  	[tilespmem:s28+$0x8C10] =	vst v0  }
0x4a: {  	[tilespmem:s28+$0xC20] =	vst v0  }
0x4b: {  	[tilespmem:s28+$0x8C20] =	vst v0  }
0x4c: {  	[tilespmem:s28+$0xC30] =	vst v0  }
0x4d: {  	[tilespmem:s28+$0x8C30] =	vst v0  }
0x4e: {  	[tilespmem:s28+$0xC40] =	vst v0  }
0x4f: {  	[tilespmem:s28+$0x8C40] =	vst v0  }
0x50: {  	[tilespmem:s28+$0xC50] =	vst v0  }
0x51: {  	[tilespmem:s28+$0x8C50] =	vst v0  }
0x52: {  	s29 =	simm.s32 $0x80;
	s0 =	simm.s32 $0x100;
	[tilespmem:s28+$0xC60] =	vst v0  }
0x53: {  	s30 =	simm.s32 $0x200;
	s31 =	sand.u32 $0x7800, s0;
	s0 =	sand.u32 $0x380, s29;
	[tilespmem:s28+$0x8C60] =	vst v0  }
.LBB2_2:
0x54: {  	p0 =	sne.s32 s30, $0x7F00;
	[tilespmem:s28+$0xC70] =	vst v0;
	s28 =	sor.u32 s0, s31  }
0x55: {  	[tilespmem:s28+$0x8C70] =	vst v0  }
0x56: {  	[tilespmem:s28+$0x800] =	vst v0  }
0x57: {  	[tilespmem:s28+$0x8800] =	vst v0  }
0x58: {  	[tilespmem:s28+$0x810] =	vst v0  }
0x59: {  	[tilespmem:s28+$0x8810] =	vst v0  }
0x5a: {  	[tilespmem:s28+$0x820] =	vst v0  }
0x5b: {  	[tilespmem:s28+$0x8820] =	vst v0  }
0x5c: {  	[tilespmem:s28+$0x830] =	vst v0  }
0x5d: {  	[tilespmem:s28+$0x8830] =	vst v0  }
0x5e: {  	[tilespmem:s28+$0x840] =	vst v0  }
0x5f: {  	[tilespmem:s28+$0x8840] =	vst v0  }
0x60: {  	[tilespmem:s28+$0x850] =	vst v0  }
0x61: {  	[tilespmem:s28+$0x8850] =	vst v0  }
0x62: {  	[tilespmem:s28+$0x860] =	vst v0  }
0x63: {  	[tilespmem:s28+$0x8860] =	vst v0  }
0x64: {  	[tilespmem:s28+$0x870] =	vst v0  }
0x65: {  	[tilespmem:s28+$0x8870] =	vst v0  }
0x66: {  	[tilespmem:s28+$0xC00] =	vst v0  }
0x67: {  	[tilespmem:s28+$0x8C00] =	vst v0  }
0x68: {  	[tilespmem:s28+$0xC10] =	vst v0  }
0x69: {  	[tilespmem:s28+$0x8C10] =	vst v0  }
0x6a: {  	[tilespmem:s28+$0xC20] =	vst v0  }
0x6b: {  	[tilespmem:s28+$0x8C20] =	vst v0  }
0x6c: {  	[tilespmem:s28+$0xC30] =	vst v0  }
0x6d: {  	[tilespmem:s28+$0x8C30] =	vst v0  }
0x6e: {  	[tilespmem:s28+$0xC40] =	vst v0  }
.Ltmp0:
0x6f: {  	[tilespmem:s28+$0x8C40] =	vst v0;
	(pc) =	sbr.rel @p0 .LBB2_2-.Ltmp0, $4  }
0x70: {  	[tilespmem:s28+$0xC50] =	vst v0  }
0x71: {  	[tilespmem:s28+$0x8C50] =	vst v0  }
0x72: {  	s29 =	sadd.s32 $0x80, s29;
	[tilespmem:s28+$0xC60] =	vst v0  }
0x73: {  	s31 =	sand.u32 $0x7800, s30;
	s30 =	sadd.s32 $0x100, s30;
	s0 =	sand.u32 $0x380, s29;
	[tilespmem:s28+$0x8C60] =	vst v0  }
0x74: {  	s0 =	sor.u32 s0, s31;
	[tilespmem:s28+$0xC70] =	vst v0  }
0x75: {  	[tilespmem:s0+$0x8C70] =	vst v0  }
0x76: {  	[tilespmem:s0+$0x800] =	vst v0  }
0x77: {  	[tilespmem:s0+$0x8800] =	vst v0  }
0x78: {  	[tilespmem:s0+$0x810] =	vst v0  }
0x79: {  	[tilespmem:s0+$0x8810] =	vst v0  }
0x7a: {  	[tilespmem:s0+$0x820] =	vst v0  }
0x7b: {  	[tilespmem:s0+$0x8820] =	vst v0  }
0x7c: {  	[tilespmem:s0+$0x830] =	vst v0  }
0x7d: {  	[tilespmem:s0+$0x8830] =	vst v0  }
0x7e: {  	[tilespmem:s0+$0x840] =	vst v0  }
0x7f: {  	[tilespmem:s0+$0x8840] =	vst v0  }
0x80: {  	[tilespmem:s0+$0x850] =	vst v0  }
0x81: {  	[tilespmem:s0+$0x8850] =	vst v0  }
0x82: {  	[tilespmem:s0+$0x860] =	vst v0  }
0x83: {  	[tilespmem:s0+$0x8860] =	vst v0  }
0x84: {  	[tilespmem:s0+$0x870] =	vst v0  }
0x85: {  	[tilespmem:s0+$0x8870] =	vst v0  }
0x86: {  	[tilespmem:s0+$0xC00] =	vst v0  }
0x87: {  	[tilespmem:s0+$0x8C00] =	vst v0  }
0x88: {  	[tilespmem:s0+$0xC10] =	vst v0  }
0x89: {  	[tilespmem:s0+$0x8C10] =	vst v0  }
0x8a: {  	[tilespmem:s0+$0xC20] =	vst v0  }
0x8b: {  	[tilespmem:s0+$0x8C20] =	vst v0  }
0x8c: {  	[tilespmem:s0+$0xC30] =	vst v0  }
0x8d: {  	[tilespmem:s0+$0x8C30] =	vst v0  }
0x8e: {  	[tilespmem:s0+$0xC40] =	vst v0  }
0x8f: {  	[tilespmem:s0+$0x8C40] =	vst v0  }
0x90: {  	[tilespmem:s0+$0xC50] =	vst v0  }
0x91: {  	[tilespmem:s0+$0x8C50] =	vst v0  }
0x92: {  	[tilespmem:s0+$0xC60] =	vst v0  }
0x93: {  	[tilespmem:s0+$0x8C60] =	vst v0  }
0x94: {  	[tilespmem:s0+$0xC70] =	vst v0  }
0x95: {  	v9 =	vld [tilespmem:$0x0];
	_ =	sdelay $0x4  }
0x96: {  	v9 =	vadd.f32 $1.000000000e+00, v9;
	_ =	sdelay $0x1  }
0x97: {  	v9 =	vmul.f32 $1.280000000e+02, v9;
	_ =	sdelay $0x1  }
0x98: {  	v9 =	vtrunc.f32 v9  }
0x99: {  	v9 =	vcvt.f32.s32 v9;
	_ =	sdelay $0x1  }
0x9a: {  	vm0 =	vlt.s32 v9, $0xFF  }
0x9b: {  	v10 =	vnsel vm0, $0xFF, v9  }
0x9c: {  	v11 =	vshll.u32 v10, $0x3  }
0x9d: {  	v12 =	vand.u32 $0x7F, v10;
	v11 =	vand.u32 $0xFFFFFC00, v11  }
0x9e: {  	v11 =	vor.u32 v12, v11  }
0x9f: {  	v11 =	vadd.s32 v1, v11;
	_ =	sdelay $0x2  }
0xa0: {  	vm13 =	vlt.s32 v9, $0x100  }
0xa1: {  	v9 =	vsel vm13, $0x3F800000, v0  }
0xa2: {  	[tilespmem:v11+s22+$0x0] =	vst.idx.msk $0xffff, v9  }
0xa3: {  	v9 =	vld [tilespmem:$0x10];
	_ =	sdelay $0x4  }
0xa4: {  	v9 =	vadd.f32 $1.000000000e+00, v9;
	_ =	sdelay $0x1  }
0xa5: {  	v9 =	vmul.f32 $1.280000000e+02, v9;
	_ =	sdelay $0x1  }
0xa6: {  	v9 =	vtrunc.f32 v9  }
0xa7: {  	v9 =	vcvt.f32.s32 v9;
	_ =	sdelay $0x1  }
0xa8: {  	vm14 =	vlt.s32 v9, $0xFF  }
0xa9: {  	v11 =	vnsel vm14, $0xFF, v9  }
0xaa: {  	v20 =	vshll.u32 v11, $0x3  }
0xab: {  	v13 =	vand.u32 $0x7F, v11;
	v12 =	vand.u32 $0xFFFFFC00, v20  }
0xac: {  	v12 =	vor.u32 v13, v12  }
0xad: {  	v12 =	vadd.s32 v2, v12;
	_ =	sdelay $0x2  }
0xae: {  	vm15 =	vlt.s32 v9, $0x100  }
0xaf: {  	[tilespmem:$0x10800] =	vst v10;
	v9 =	vsel vm15, $0x3F800000, v0  }
0xb0: {  	[tilespmem:v12+s22+$0x0] =	vst.idx.msk $0xffff, v9  }
0xb1: {  	v9 =	vld [tilespmem:$0x20];
	_ =	sdelay $0x4  }
0xb2: {  	v9 =	vadd.f32 $1.000000000e+00, v9;
	_ =	sdelay $0x1  }
0xb3: {  	v9 =	vmul.f32 $1.280000000e+02, v9;
	_ =	sdelay $0x1  }
0xb4: {  	v9 =	vtrunc.f32 v9  }
0xb5: {  	v9 =	vcvt.f32.s32 v9;
	_ =	sdelay $0x1  }
0xb6: {  	vm4 =	vlt.s32 v9, $0xFF  }
0xb7: {  	v10 =	vnsel vm4, $0xFF, v9  }
0xb8: {  	v21 =	vshll.u32 v10, $0x3  }
0xb9: {  	v22 =	vand.u32 $0x7F, v10;
	v12 =	vand.u32 $0xFFFFFC00, v21  }
0xba: {  	v12 =	vor.u32 v22, v12  }
0xbb: {  	v12 =	vadd.s32 v3, v12;
	_ =	sdelay $0x2  }
0xbc: {  	vm5 =	vlt.s32 v9, $0x100  }
0xbd: {  	[tilespmem:$0x10810] =	vst v11;
	v9 =	vsel vm5, $0x3F800000, v0  }
0xbe: {  	[tilespmem:v12+s22+$0x0] =	vst.idx.msk $0xffff, v9  }
0xbf: {  	v9 =	vld [tilespmem:$0x30];
	_ =	sdelay $0x4  }
0xc0: {  	v9 =	vadd.f32 $1.000000000e+00, v9;
	_ =	sdelay $0x1  }
0xc1: {  	v9 =	vmul.f32 $1.280000000e+02, v9;
	_ =	sdelay $0x1  }
0xc2: {  	v9 =	vtrunc.f32 v9  }
0xc3: {  	v9 =	vcvt.f32.s32 v9;
	_ =	sdelay $0x1  }
0xc4: {  	vm6 =	vlt.s32 v9, $0xFF  }
0xc5: {  	v11 =	vnsel vm6, $0xFF, v9  }
0xc6: {  	v23 =	vshll.u32 v11, $0x3  }
0xc7: {  	v24 =	vand.u32 $0x7F, v11;
	v12 =	vand.u32 $0xFFFFFC00, v23  }
0xc8: {  	v12 =	vor.u32 v24, v12  }
0xc9: {  	v12 =	vadd.s32 v4, v12;
	_ =	sdelay $0x2  }
0xca: {  	vm7 =	vlt.s32 v9, $0x100  }
0xcb: {  	[tilespmem:$0x10820] =	vst v10;
	v9 =	vsel vm7, $0x3F800000, v0  }
0xcc: {  	[tilespmem:v12+s22+$0x0] =	vst.idx.msk $0xffff, v9  }
0xcd: {  	v9 =	vld [tilespmem:$0x40];
	_ =	sdelay $0x4  }
0xce: {  	v9 =	vadd.f32 $1.000000000e+00, v9;
	_ =	sdelay $0x1  }
0xcf: {  	v9 =	vmul.f32 $1.280000000e+02, v9;
	_ =	sdelay $0x1  }
0xd0: {  	v9 =	vtrunc.f32 v9  }
0xd1: {  	v9 =	vcvt.f32.s32 v9;
	_ =	sdelay $0x1  }
0xd2: {  	vm8 =	vlt.s32 v9, $0xFF  }
0xd3: {  	v10 =	vnsel vm8, $0xFF, v9  }
0xd4: {  	v25 =	vshll.u32 v10, $0x3  }
0xd5: {  	v26 =	vand.u32 $0x7F, v10;
	v12 =	vand.u32 $0xFFFFFC00, v25  }
0xd6: {  	v12 =	vor.u32 v26, v12  }
0xd7: {  	v12 =	vadd.s32 v5, v12;
	_ =	sdelay $0x2  }
0xd8: {  	vm9 =	vlt.s32 v9, $0x100  }
0xd9: {  	[tilespmem:$0x10830] =	vst v11;
	v9 =	vsel vm9, $0x3F800000, v0  }
0xda: {  	[tilespmem:v12+s22+$0x0] =	vst.idx.msk $0xffff, v9  }
0xdb: {  	v9 =	vld [tilespmem:$0x50];
	_ =	sdelay $0x4  }
0xdc: {  	v9 =	vadd.f32 $1.000000000e+00, v9;
	_ =	sdelay $0x1  }
0xdd: {  	v9 =	vmul.f32 $1.280000000e+02, v9;
	_ =	sdelay $0x1  }
0xde: {  	v9 =	vtrunc.f32 v9  }
0xdf: {  	v9 =	vcvt.f32.s32 v9;
	_ =	sdelay $0x1  }
0xe0: {  	vm10 =	vlt.s32 v9, $0xFF  }
0xe1: {  	v11 =	vnsel vm10, $0xFF, v9  }
0xe2: {  	v27 =	vshll.u32 v11, $0x3  }
0xe3: {  	v28 =	vand.u32 $0x7F, v11;
	v12 =	vand.u32 $0xFFFFFC00, v27  }
0xe4: {  	v12 =	vor.u32 v28, v12  }
0xe5: {  	v12 =	vadd.s32 v6, v12;
	_ =	sdelay $0x2  }
0xe6: {  	vm11 =	vlt.s32 v9, $0x100  }
0xe7: {  	[tilespmem:$0x10840] =	vst v10;
	v9 =	vsel vm11, $0x3F800000, v0  }
0xe8: {  	[tilespmem:v12+s22+$0x0] =	vst.idx.msk $0xffff, v9  }
0xe9: {  	v9 =	vld [tilespmem:$0x60];
	_ =	sdelay $0x4  }
0xea: {  	v9 =	vadd.f32 $1.000000000e+00, v9;
	_ =	sdelay $0x1  }
0xeb: {  	v9 =	vmul.f32 $1.280000000e+02, v9;
	_ =	sdelay $0x1  }
0xec: {  	v9 =	vtrunc.f32 v9  }
0xed: {  	v9 =	vcvt.f32.s32 v9;
	_ =	sdelay $0x1  }
0xee: {  	vm12 =	vlt.s32 v9, $0xFF  }
0xef: {  	v10 =	vnsel vm12, $0xFF, v9  }
0xf0: {  	v29 =	vshll.u32 v10, $0x3  }
0xf1: {  	v30 =	vand.u32 $0x7F, v10;
	v12 =	vand.u32 $0xFFFFFC00, v29  }
0xf2: {  	v12 =	vor.u32 v30, v12  }
0xf3: {  	v12 =	vadd.s32 v7, v12;
	_ =	sdelay $0x2  }
0xf4: {  	vm13 =	vlt.s32 v9, $0x100  }
0xf5: {  	[tilespmem:$0x10850] =	vst v11;
	v9 =	vsel vm13, $0x3F800000, v0  }
0xf6: {  	[tilespmem:v12+s22+$0x0] =	vst.idx.msk $0xffff, v9  }
0xf7: {  	v9 =	vld [tilespmem:$0x70];
	_ =	sdelay $0x4  }
0xf8: {  	v9 =	vadd.f32 $1.000000000e+00, v9;
	_ =	sdelay $0x1  }
0xf9: {  	v9 =	vmul.f32 $1.280000000e+02, v9;
	_ =	sdelay $0x1  }
0xfa: {  	v9 =	vtrunc.f32 v9  }
0xfb: {  	v9 =	vcvt.f32.s32 v9;
	_ =	sdelay $0x1  }
0xfc: {  	vm14 =	vlt.s32 v9, $0xFF  }
0xfd: {  	v11 =	vnsel vm14, $0xFF, v9  }
0xfe: {  	v31 =	vshll.u32 v11, $0x3  }
0xff: {  	v32 =	vand.u32 $0x7F, v11;
	v12 =	vand.u32 $0xFFFFFC00, v31  }
0x100: {  	v12 =	vor.u32 v32, v12  }
0x101: {  	v12 =	vadd.s32 v8, v12;
	_ =	sdelay $0x2  }
0x102: {  	vm15 =	vlt.s32 v9, $0x100  }
0x103: {  	[tilespmem:$0x10860] =	vst v10;
	v9 =	vsel vm15, $0x3F800000, v0  }
0x104: {  	[tilespmem:v12+s22+$0x0] =	vst.idx.msk $0xffff, v9  }
0x105: {  	[tilespmem:$0x10870] =	vst v11  }
0x106: {  	[hbm4b:s3+s2] =	stream.linear.scatter [tilespmem:s22], [sflag:$0x1], $0x8000, $0x38;
	[tilespmem:$0x10900] =	vst v63  }
0x107: {  	v9 =	vld [tilespmem:$0x80];
	_ =	sdelay $0x4  }
0x108: {  	v9 =	vadd.f32 $1.000000000e+00, v9;
	_ =	sdelay $0x1  }
0x109: {  	v9 =	vmul.f32 $1.280000000e+02, v9;
	_ =	sdelay $0x1  }
0x10a: {  	v9 =	vtrunc.f32 v9  }
0x10b: {  	v9 =	vcvt.f32.s32 v9;
	_ =	sdelay $0x1  }
0x10c: {  	vm4 =	vlt.s32 v9, $0xFF  }
0x10d: {  	v10 =	vnsel vm4, $0xFF, v9  }
0x10e: {  	v11 =	vshll.u32 v10, $0x3  }
0x10f: {  	v33 =	vand.u32 $0x7F, v10;
	v11 =	vand.u32 $0xFFFFFC00, v11  }
0x110: {  	v11 =	vor.u32 v33, v11  }
0x111: {  	v11 =	vadd.s32 v1, v11;
	_ =	sdelay $0x2  }
0x112: {  	vm5 =	vlt.s32 v9, $0x100  }
0x113: {  	v9 =	vsel vm5, $0x3F800000, v0  }
0x114: {  	[tilespmem:v11+s23+$0x0] =	vst.idx.msk $0xffff, v9  }
0x115: {  	v9 =	vld [tilespmem:$0x90];
	_ =	sdelay $0x4  }
0x116: {  	v9 =	vadd.f32 $1.000000000e+00, v9;
	_ =	sdelay $0x1  }
0x117: {  	v9 =	vmul.f32 $1.280000000e+02, v9;
	_ =	sdelay $0x1  }
0x118: {  	v9 =	vtrunc.f32 v9  }
0x119: {  	v9 =	vcvt.f32.s32 v9;
	_ =	sdelay $0x1  }
0x11a: {  	vm6 =	vlt.s32 v9, $0xFF  }
0x11b: {  	v11 =	vnsel vm6, $0xFF, v9  }
0x11c: {  	v34 =	vshll.u32 v11, $0x3  }
0x11d: {  	v35 =	vand.u32 $0x7F, v11;
	v12 =	vand.u32 $0xFFFFFC00, v34  }
0x11e: {  	v12 =	vor.u32 v35, v12  }
0x11f: {  	v12 =	vadd.s32 v2, v12;
	_ =	sdelay $0x2  }
0x120: {  	vm7 =	vlt.s32 v9, $0x100  }
0x121: {  	[tilespmem:$0x10880] =	vst v10;
	v9 =	vsel vm7, $0x3F800000, v0  }
0x122: {  	[tilespmem:v12+s23+$0x0] =	vst.idx.msk $0xffff, v9  }
0x123: {  	v9 =	vld [tilespmem:$0xA0];
	_ =	sdelay $0x4  }
0x124: {  	v9 =	vadd.f32 $1.000000000e+00, v9;
	_ =	sdelay $0x1  }
0x125: {  	v9 =	vmul.f32 $1.280000000e+02, v9;
	_ =	sdelay $0x1  }
0x126: {  	v9 =	vtrunc.f32 v9  }
0x127: {  	v9 =	vcvt.f32.s32 v9;
	_ =	sdelay $0x1  }
0x128: {  	vm8 =	vlt.s32 v9, $0xFF  }
0x129: {  	v10 =	vnsel vm8, $0xFF, v9  }
0x12a: {  	v36 =	vshll.u32 v10, $0x3  }
0x12b: {  	v37 =	vand.u32 $0x7F, v10;
	v12 =	vand.u32 $0xFFFFFC00, v36  }
0x12c: {  	v12 =	vor.u32 v37, v12  }
0x12d: {  	v12 =	vadd.s32 v3, v12;
	_ =	sdelay $0x2  }
0x12e: {  	vm9 =	vlt.s32 v9, $0x100  }
0x12f: {  	[tilespmem:$0x10890] =	vst v11;
	v9 =	vsel vm9, $0x3F800000, v0  }
0x130: {  	[tilespmem:v12+s23+$0x0] =	vst.idx.msk $0xffff, v9  }
0x131: {  	v9 =	vld [tilespmem:$0xB0];
	_ =	sdelay $0x4  }
0x132: {  	v9 =	vadd.f32 $1.000000000e+00, v9;
	_ =	sdelay $0x1  }
0x133: {  	v9 =	vmul.f32 $1.280000000e+02, v9;
	_ =	sdelay $0x1  }
0x134: {  	v9 =	vtrunc.f32 v9  }
0x135: {  	v9 =	vcvt.f32.s32 v9;
	_ =	sdelay $0x1  }
0x136: {  	vm10 =	vlt.s32 v9, $0xFF  }
0x137: {  	v11 =	vnsel vm10, $0xFF, v9  }
0x138: {  	v38 =	vshll.u32 v11, $0x3  }
0x139: {  	v39 =	vand.u32 $0x7F, v11;
	v12 =	vand.u32 $0xFFFFFC00, v38  }
0x13a: {  	v12 =	vor.u32 v39, v12  }
0x13b: {  	v12 =	vadd.s32 v4, v12;
	_ =	sdelay $0x2  }
0x13c: {  	vm11 =	vlt.s32 v9, $0x100  }
0x13d: {  	[tilespmem:$0x108A0] =	vst v10;
	v9 =	vsel vm11, $0x3F800000, v0  }
0x13e: {  	[tilespmem:v12+s23+$0x0] =	vst.idx.msk $0xffff, v9  }
0x13f: {  	v9 =	vld [tilespmem:$0xC0];
	_ =	sdelay $0x4  }
0x140: {  	v9 =	vadd.f32 $1.000000000e+00, v9;
	_ =	sdelay $0x1  }
0x141: {  	v9 =	vmul.f32 $1.280000000e+02, v9;
	_ =	sdelay $0x1  }
0x142: {  	v9 =	vtrunc.f32 v9  }
0x143: {  	v9 =	vcvt.f32.s32 v9;
	_ =	sdelay $0x1  }
0x144: {  	vm12 =	vlt.s32 v9, $0xFF  }
0x145: {  	v10 =	vnsel vm12, $0xFF, v9  }
0x146: {  	v40 =	vshll.u32 v10, $0x3  }
0x147: {  	v41 =	vand.u32 $0x7F, v10;
	v12 =	vand.u32 $0xFFFFFC00, v40  }
0x148: {  	v12 =	vor.u32 v41, v12  }
0x149: {  	v12 =	vadd.s32 v5, v12;
	_ =	sdelay $0x2  }
0x14a: {  	vm13 =	vlt.s32 v9, $0x100  }
0x14b: {  	[tilespmem:$0x108B0] =	vst v11;
	v9 =	vsel vm13, $0x3F800000, v0  }
0x14c: {  	[tilespmem:v12+s23+$0x0] =	vst.idx.msk $0xffff, v9  }
0x14d: {  	v9 =	vld [tilespmem:$0xD0];
	_ =	sdelay $0x4  }
0x14e: {  	v9 =	vadd.f32 $1.000000000e+00, v9;
	_ =	sdelay $0x1  }
0x14f: {  	v9 =	vmul.f32 $1.280000000e+02, v9;
	_ =	sdelay $0x1  }
0x150: {  	v9 =	vtrunc.f32 v9  }
0x151: {  	v9 =	vcvt.f32.s32 v9;
	_ =	sdelay $0x1  }
0x152: {  	vm14 =	vlt.s32 v9, $0xFF  }
0x153: {  	v11 =	vnsel vm14, $0xFF, v9  }
0x154: {  	v42 =	vshll.u32 v11, $0x3  }
0x155: {  	v43 =	vand.u32 $0x7F, v11;
	v12 =	vand.u32 $0xFFFFFC00, v42  }
0x156: {  	v12 =	vor.u32 v43, v12  }
0x157: {  	v12 =	vadd.s32 v6, v12;
	_ =	sdelay $0x2  }
0x158: {  	vm15 =	vlt.s32 v9, $0x100  }
0x159: {  	[tilespmem:$0x108C0] =	vst v10;
	v9 =	vsel vm15, $0x3F800000, v0  }
0x15a: {  	[tilespmem:v12+s23+$0x0] =	vst.idx.msk $0xffff, v9  }
0x15b: {  	v9 =	vld [tilespmem:$0xE0];
	_ =	sdelay $0x4  }
0x15c: {  	v9 =	vadd.f32 $1.000000000e+00, v9;
	_ =	sdelay $0x1  }
0x15d: {  	v9 =	vmul.f32 $1.280000000e+02, v9;
	_ =	sdelay $0x1  }
0x15e: {  	v9 =	vtrunc.f32 v9  }
0x15f: {  	v9 =	vcvt.f32.s32 v9;
	_ =	sdelay $0x1  }
0x160: {  	vm4 =	vlt.s32 v9, $0xFF  }
0x161: {  	v10 =	vnsel vm4, $0xFF, v9  }
0x162: {  	v44 =	vshll.u32 v10, $0x3  }
0x163: {  	v45 =	vand.u32 $0x7F, v10;
	v12 =	vand.u32 $0xFFFFFC00, v44  }
0x164: {  	v12 =	vor.u32 v45, v12  }
0x165: {  	v12 =	vadd.s32 v7, v12;
	_ =	sdelay $0x2  }
0x166: {  	vm5 =	vlt.s32 v9, $0x100  }
0x167: {  	[tilespmem:$0x108D0] =	vst v11;
	v9 =	vsel vm5, $0x3F800000, v0  }
0x168: {  	[tilespmem:v12+s23+$0x0] =	vst.idx.msk $0xffff, v9  }
0x169: {  	v9 =	vld [tilespmem:$0xF0];
	_ =	sdelay $0x4  }
0x16a: {  	v9 =	vadd.f32 $1.000000000e+00, v9;
	_ =	sdelay $0x1  }
0x16b: {  	v9 =	vmul.f32 $1.280000000e+02, v9;
	_ =	sdelay $0x1  }
0x16c: {  	v9 =	vtrunc.f32 v9  }
0x16d: {  	v9 =	vcvt.f32.s32 v9;
	_ =	sdelay $0x1  }
0x16e: {  	vm6 =	vlt.s32 v9, $0xFF  }
0x16f: {  	v11 =	vnsel vm6, $0xFF, v9  }
0x170: {  	v46 =	vshll.u32 v11, $0x3  }
0x171: {  	v47 =	vand.u32 $0x7F, v11;
	v12 =	vand.u32 $0xFFFFFC00, v46  }
0x172: {  	v12 =	vor.u32 v47, v12  }
0x173: {  	v12 =	vadd.s32 v8, v12;
	_ =	sdelay $0x2  }
0x174: {  	vm7 =	vlt.s32 v9, $0x100  }
0x175: {  	[tilespmem:$0x108E0] =	vst v10;
	v9 =	vsel vm7, $0x3F800000, v0  }
0x176: {  	[tilespmem:v12+s23+$0x0] =	vst.idx.msk $0xffff, v9  }
0x177: {  	[tilespmem:$0x108F0] =	vst v11  }
0x178: {  	[hbm4b:s5+s2] =	stream.linear.scatter [tilespmem:s23], [sflag:$0x2], $0x8000, $0x38;
	[tilespmem:$0x10900] =	vst v63  }
0x179: {  	_ =	swait.ge [sflag:s24], $0x8000  }
0x17a: {  	[sflag:s24] =	ssyncset.done $0x0  }
0x17b: {  	[sflag:s24] =	ssyncadd.s32 $0xFFFF8000  }
0x17c: {  	v9 =	vld [tilespmem:$0x10800];
	_ =	sdelay $0x4  }
0x17d: {  	v10 =	vshll.u32 v9, $0x3  }
0x17e: {  	v9 =	vand.u32 $0x7F, v9;
	v10 =	vand.u32 $0xFFFFFC00, v10  }
0x17f: {  	v9 =	vor.u32 v9, v10  }
0x180: {  	v9 =	vadd.s32 v1, v9;
	_ =	sdelay $0x4  }
0x181: {  	[tilespmem:v9+s22+$0x0] =	vst.idx.msk $0xffff, v0  }
0x182: {  	v9 =	vld [tilespmem:$0x100];
	_ =	sdelay $0x4  }
0x183: {  	v9 =	vadd.f32 $1.000000000e+00, v9;
	_ =	sdelay $0x1  }
0x184: {  	v9 =	vmul.f32 $1.280000000e+02, v9;
	_ =	sdelay $0x1  }
0x185: {  	v9 =	vtrunc.f32 v9  }
0x186: {  	v9 =	vcvt.f32.s32 v9;
	_ =	sdelay $0x1  }
0x187: {  	vm8 =	vlt.s32 v9, $0xFF  }
0x188: {  	v10 =	vnsel vm8, $0xFF, v9  }
0x189: {  	v11 =	vshll.u32 v10, $0x3  }
0x18a: {  	v48 =	vand.u32 $0x7F, v10;
	v11 =	vand.u32 $0xFFFFFC00, v11  }
0x18b: {  	v11 =	vor.u32 v48, v11  }
0x18c: {  	v11 =	vadd.s32 v1, v11;
	_ =	sdelay $0x2  }
0x18d: {  	vm9 =	vlt.s32 v9, $0x100  }
0x18e: {  	v9 =	vsel vm9, $0x3F800000, v0  }
0x18f: {  	[tilespmem:v11+s22+$0x0] =	vst.idx.msk $0xffff, v9  }
0x190: {  	v9 =	vld [tilespmem:$0x10810];
	_ =	sdelay $0x4  }
0x191: {  	v11 =	vshll.u32 v9, $0x3  }
0x192: {  	v9 =	vand.u32 $0x7F, v9;
	v11 =	vand.u32 $0xFFFFFC00, v11  }
0x193: {  	v9 =	vor.u32 v9, v11  }
0x194: {  	v9 =	vadd.s32 v2, v9;
	_ =	sdelay $0x3  }
0x195: {  	[tilespmem:$0x10800] =	vst v10  }
0x196: {  	[tilespmem:v9+s22+$0x0] =	vst.idx.msk $0xffff, v0  }
0x197: {  	v9 =	vld [tilespmem:$0x110];
	_ =	sdelay $0x4  }
0x198: {  	v9 =	vadd.f32 $1.000000000e+00, v9;
	_ =	sdelay $0x1  }
0x199: {  	v9 =	vmul.f32 $1.280000000e+02, v9;
	_ =	sdelay $0x1  }
0x19a: {  	v9 =	vtrunc.f32 v9  }
0x19b: {  	v9 =	vcvt.f32.s32 v9;
	_ =	sdelay $0x1  }
0x19c: {  	vm10 =	vlt.s32 v9, $0xFF  }
0x19d: {  	v10 =	vnsel vm10, $0xFF, v9  }
0x19e: {  	v11 =	vshll.u32 v10, $0x3  }
0x19f: {  	v49 =	vand.u32 $0x7F, v10;
	v11 =	vand.u32 $0xFFFFFC00, v11  }
0x1a0: {  	v11 =	vor.u32 v49, v11  }
0x1a1: {  	v11 =	vadd.s32 v2, v11;
	_ =	sdelay $0x2  }
0x1a2: {  	vm11 =	vlt.s32 v9, $0x100  }
0x1a3: {  	v9 =	vsel vm11, $0x3F800000, v0  }
0x1a4: {  	[tilespmem:v11+s22+$0x0] =	vst.idx.msk $0xffff, v9  }
0x1a5: {  	v9 =	vld [tilespmem:$0x10820];
	_ =	sdelay $0x4  }
0x1a6: {  	v11 =	vshll.u32 v9, $0x3  }
0x1a7: {  	v9 =	vand.u32 $0x7F, v9;
	v11 =	vand.u32 $0xFFFFFC00, v11  }
0x1a8: {  	v9 =	vor.u32 v9, v11  }
0x1a9: {  	v9 =	vadd.s32 v3, v9;
	_ =	sdelay $0x3  }
0x1aa: {  	[tilespmem:$0x10810] =	vst v10  }
0x1ab: {  	[tilespmem:v9+s22+$0x0] =	vst.idx.msk $0xffff, v0  }
0x1ac: {  	v9 =	vld [tilespmem:$0x120];
	_ =	sdelay $0x4  }
0x1ad: {  	v9 =	vadd.f32 $1.000000000e+00, v9;
	_ =	sdelay $0x1  }
0x1ae: {  	v9 =	vmul.f32 $1.280000000e+02, v9;
	_ =	sdelay $0x1  }
0x1af: {  	v9 =	vtrunc.f32 v9  }
0x1b0: {  	v9 =	vcvt.f32.s32 v9;
	_ =	sdelay $0x1  }
0x1b1: {  	vm12 =	vlt.s32 v9, $0xFF  }
0x1b2: {  	v10 =	vnsel vm12, $0xFF, v9  }
0x1b3: {  	v11 =	vshll.u32 v10, $0x3  }
0x1b4: {  	v50 =	vand.u32 $0x7F, v10;
	v11 =	vand.u32 $0xFFFFFC00, v11  }
0x1b5: {  	v11 =	vor.u32 v50, v11  }
0x1b6: {  	v11 =	vadd.s32 v3, v11;
	_ =	sdelay $0x2  }
0x1b7: {  	vm13 =	vlt.s32 v9, $0x100  }
0x1b8: {  	v9 =	vsel vm13, $0x3F800000, v0  }
0x1b9: {  	[tilespmem:v11+s22+$0x0] =	vst.idx.msk $0xffff, v9  }
0x1ba: {  	v9 =	vld [tilespmem:$0x10830];
	_ =	sdelay $0x4  }
0x1bb: {  	v11 =	vshll.u32 v9, $0x3  }
0x1bc: {  	v9 =	vand.u32 $0x7F, v9;
	v11 =	vand.u32 $0xFFFFFC00, v11  }
0x1bd: {  	v9 =	vor.u32 v9, v11  }
0x1be: {  	v9 =	vadd.s32 v4, v9;
	_ =	sdelay $0x3  }
0x1bf: {  	[tilespmem:$0x10820] =	vst v10  }
0x1c0: {  	[tilespmem:v9+s22+$0x0] =	vst.idx.msk $0xffff, v0  }
0x1c1: {  	v9 =	vld [tilespmem:$0x130];
	_ =	sdelay $0x4  }
0x1c2: {  	v9 =	vadd.f32 $1.000000000e+00, v9;
	_ =	sdelay $0x1  }
0x1c3: {  	v9 =	vmul.f32 $1.280000000e+02, v9;
	_ =	sdelay $0x1  }
0x1c4: {  	v9 =	vtrunc.f32 v9  }
0x1c5: {  	v9 =	vcvt.f32.s32 v9;
	_ =	sdelay $0x1  }
0x1c6: {  	vm14 =	vlt.s32 v9, $0xFF  }
0x1c7: {  	v10 =	vnsel vm14, $0xFF, v9  }
0x1c8: {  	v11 =	vshll.u32 v10, $0x3  }
0x1c9: {  	v51 =	vand.u32 $0x7F, v10;
	v11 =	vand.u32 $0xFFFFFC00, v11  }
0x1ca: {  	v11 =	vor.u32 v51, v11  }
0x1cb: {  	v11 =	vadd.s32 v4, v11;
	_ =	sdelay $0x2  }
0x1cc: {  	vm15 =	vlt.s32 v9, $0x100  }
0x1cd: {  	v9 =	vsel vm15, $0x3F800000, v0  }
0x1ce: {  	[tilespmem:v11+s22+$0x0] =	vst.idx.msk $0xffff, v9  }
0x1cf: {  	v9 =	vld [tilespmem:$0x10840];
	_ =	sdelay $0x4  }
0x1d0: {  	v11 =	vshll.u32 v9, $0x3  }
0x1d1: {  	v9 =	vand.u32 $0x7F, v9;
	v11 =	vand.u32 $0xFFFFFC00, v11  }
0x1d2: {  	v9 =	vor.u32 v9, v11  }
0x1d3: {  	v9 =	vadd.s32 v5, v9;
	_ =	sdelay $0x3  }
0x1d4: {  	[tilespmem:$0x10830] =	vst v10  }
0x1d5: {  	[tilespmem:v9+s22+$0x0] =	vst.idx.msk $0xffff, v0  }
0x1d6: {  	v9 =	vld [tilespmem:$0x140];
	_ =	sdelay $0x4  }
0x1d7: {  	v9 =	vadd.f32 $1.000000000e+00, v9;
	_ =	sdelay $0x1  }
0x1d8: {  	v9 =	vmul.f32 $1.280000000e+02, v9;
	_ =	sdelay $0x1  }
0x1d9: {  	v9 =	vtrunc.f32 v9  }
0x1da: {  	v9 =	vcvt.f32.s32 v9;
	_ =	sdelay $0x1  }
0x1db: {  	vm4 =	vlt.s32 v9, $0xFF  }
0x1dc: {  	v10 =	vnsel vm4, $0xFF, v9  }
0x1dd: {  	v11 =	vshll.u32 v10, $0x3  }
0x1de: {  	v52 =	vand.u32 $0x7F, v10;
	v11 =	vand.u32 $0xFFFFFC00, v11  }
0x1df: {  	v11 =	vor.u32 v52, v11  }
0x1e0: {  	v11 =	vadd.s32 v5, v11;
	_ =	sdelay $0x2  }
0x1e1: {  	vm5 =	vlt.s32 v9, $0x100  }
0x1e2: {  	v9 =	vsel vm5, $0x3F800000, v0  }
0x1e3: {  	[tilespmem:v11+s22+$0x0] =	vst.idx.msk $0xffff, v9  }
0x1e4: {  	v9 =	vld [tilespmem:$0x10850];
	_ =	sdelay $0x4  }
0x1e5: {  	v11 =	vshll.u32 v9, $0x3  }
0x1e6: {  	v9 =	vand.u32 $0x7F, v9;
	v11 =	vand.u32 $0xFFFFFC00, v11  }
0x1e7: {  	v9 =	vor.u32 v9, v11  }
0x1e8: {  	v9 =	vadd.s32 v6, v9;
	_ =	sdelay $0x3  }
0x1e9: {  	[tilespmem:$0x10840] =	vst v10  }
0x1ea: {  	[tilespmem:v9+s22+$0x0] =	vst.idx.msk $0xffff, v0  }
0x1eb: {  	v9 =	vld [tilespmem:$0x150];
	_ =	sdelay $0x4  }
0x1ec: {  	v9 =	vadd.f32 $1.000000000e+00, v9;
	_ =	sdelay $0x1  }
0x1ed: {  	v9 =	vmul.f32 $1.280000000e+02, v9;
	_ =	sdelay $0x1  }
0x1ee: {  	v9 =	vtrunc.f32 v9  }
0x1ef: {  	v9 =	vcvt.f32.s32 v9;
	_ =	sdelay $0x1  }
0x1f0: {  	vm6 =	vlt.s32 v9, $0xFF  }
0x1f1: {  	v10 =	vnsel vm6, $0xFF, v9  }
0x1f2: {  	v11 =	vshll.u32 v10, $0x3  }
0x1f3: {  	v53 =	vand.u32 $0x7F, v10;
	v11 =	vand.u32 $0xFFFFFC00, v11  }
0x1f4: {  	v11 =	vor.u32 v53, v11  }
0x1f5: {  	v11 =	vadd.s32 v6, v11;
	_ =	sdelay $0x2  }
0x1f6: {  	vm7 =	vlt.s32 v9, $0x100  }
0x1f7: {  	v9 =	vsel vm7, $0x3F800000, v0  }
0x1f8: {  	[tilespmem:v11+s22+$0x0] =	vst.idx.msk $0xffff, v9  }
0x1f9: {  	v9 =	vld [tilespmem:$0x10860];
	_ =	sdelay $0x4  }
0x1fa: {  	v11 =	vshll.u32 v9, $0x3  }
0x1fb: {  	v9 =	vand.u32 $0x7F, v9;
	v11 =	vand.u32 $0xFFFFFC00, v11  }
0x1fc: {  	v9 =	vor.u32 v9, v11  }
0x1fd: {  	v9 =	vadd.s32 v7, v9;
	_ =	sdelay $0x3  }
0x1fe: {  	[tilespmem:$0x10850] =	vst v10  }
0x1ff: {  	[tilespmem:v9+s22+$0x0] =	vst.idx.msk $0xffff, v0  }
0x200: {  	v9 =	vld [tilespmem:$0x160];
	_ =	sdelay $0x4  }
0x201: {  	v9 =	vadd.f32 $1.000000000e+00, v9;
	_ =	sdelay $0x1  }
0x202: {  	v9 =	vmul.f32 $1.280000000e+02, v9;
	_ =	sdelay $0x1  }
0x203: {  	v9 =	vtrunc.f32 v9  }
0x204: {  	v9 =	vcvt.f32.s32 v9;
	_ =	sdelay $0x1  }
0x205: {  	vm8 =	vlt.s32 v9, $0xFF  }
0x206: {  	v10 =	vnsel vm8, $0xFF, v9  }
0x207: {  	v11 =	vshll.u32 v10, $0x3  }
0x208: {  	v54 =	vand.u32 $0x7F, v10;
	v11 =	vand.u32 $0xFFFFFC00, v11  }
0x209: {  	v11 =	vor.u32 v54, v11  }
0x20a: {  	v11 =	vadd.s32 v7, v11;
	_ =	sdelay $0x2  }
0x20b: {  	vm9 =	vlt.s32 v9, $0x100  }
0x20c: {  	v9 =	vsel vm9, $0x3F800000, v0  }
0x20d: {  	[tilespmem:v11+s22+$0x0] =	vst.idx.msk $0xffff, v9  }
0x20e: {  	v9 =	vld [tilespmem:$0x10870];
	_ =	sdelay $0x4  }
0x20f: {  	v11 =	vshll.u32 v9, $0x3  }
0x210: {  	v9 =	vand.u32 $0x7F, v9;
	v11 =	vand.u32 $0xFFFFFC00, v11  }
0x211: {  	v9 =	vor.u32 v9, v11  }
0x212: {  	v9 =	vadd.s32 v8, v9;
	_ =	sdelay $0x3  }
0x213: {  	[tilespmem:$0x10860] =	vst v10  }
0x214: {  	[tilespmem:v9+s22+$0x0] =	vst.idx.msk $0xffff, v0  }
0x215: {  	v9 =	vld [tilespmem:$0x170];
	_ =	sdelay $0x4  }
0x216: {  	v9 =	vadd.f32 $1.000000000e+00, v9;
	_ =	sdelay $0x1  }
0x217: {  	v9 =	vmul.f32 $1.280000000e+02, v9;
	_ =	sdelay $0x1  }
0x218: {  	v9 =	vtrunc.f32 v9  }
0x219: {  	v9 =	vcvt.f32.s32 v9;
	_ =	sdelay $0x1  }
0x21a: {  	vm10 =	vlt.s32 v9, $0xFF  }
0x21b: {  	v10 =	vnsel vm10, $0xFF, v9  }
0x21c: {  	v11 =	vshll.u32 v10, $0x3  }
0x21d: {  	v55 =	vand.u32 $0x7F, v10;
	v11 =	vand.u32 $0xFFFFFC00, v11  }
0x21e: {  	v11 =	vor.u32 v55, v11  }
0x21f: {  	v11 =	vadd.s32 v8, v11;
	_ =	sdelay $0x2  }
0x220: {  	vm11 =	vlt.s32 v9, $0x100  }
0x221: {  	v9 =	vsel vm11, $0x3F800000, v0  }
0x222: {  	[tilespmem:v11+s22+$0x0] =	vst.idx.msk $0xffff, v9  }
0x223: {  	[tilespmem:$0x10870] =	vst v10  }
0x224: {  	[hbm4b:s6+s2] =	stream.linear.scatter [tilespmem:s22], [sflag:$0x1], $0x8000, $0x38;
	[tilespmem:$0x10900] =	vst v63  }
0x225: {  	_ =	swait.ge [sflag:s25], $0x8000  }
0x226: {  	[sflag:s25] =	ssyncset.done $0x0  }
0x227: {  	[sflag:s25] =	ssyncadd.s32 $0xFFFF8000  }
0x228: {  	v9 =	vld [tilespmem:$0x10880];
	_ =	sdelay $0x4  }
0x229: {  	v10 =	vshll.u32 v9, $0x3  }
0x22a: {  	v9 =	vand.u32 $0x7F, v9;
	v10 =	vand.u32 $0xFFFFFC00, v10  }
0x22b: {  	v9 =	vor.u32 v9, v10  }
0x22c: {  	v9 =	vadd.s32 v1, v9;
	_ =	sdelay $0x4  }
0x22d: {  	[tilespmem:v9+s23+$0x0] =	vst.idx.msk $0xffff, v0  }
0x22e: {  	v9 =	vld [tilespmem:$0x180];
	_ =	sdelay $0x4  }
0x22f: {  	v9 =	vadd.f32 $1.000000000e+00, v9;
	_ =	sdelay $0x1  }
0x230: {  	v9 =	vmul.f32 $1.280000000e+02, v9;
	_ =	sdelay $0x1  }
0x231: {  	v9 =	vtrunc.f32 v9  }
0x232: {  	v9 =	vcvt.f32.s32 v9;
	_ =	sdelay $0x1  }
0x233: {  	vm12 =	vlt.s32 v9, $0xFF  }
0x234: {  	v10 =	vnsel vm12, $0xFF, v9  }
0x235: {  	v11 =	vshll.u32 v10, $0x3  }
0x236: {  	v56 =	vand.u32 $0x7F, v10;
	v11 =	vand.u32 $0xFFFFFC00, v11  }
0x237: {  	v11 =	vor.u32 v56, v11  }
0x238: {  	v11 =	vadd.s32 v1, v11;
	_ =	sdelay $0x2  }
0x239: {  	vm13 =	vlt.s32 v9, $0x100  }
0x23a: {  	v9 =	vsel vm13, $0x3F800000, v0  }
0x23b: {  	[tilespmem:v11+s23+$0x0] =	vst.idx.msk $0xffff, v9  }
0x23c: {  	v9 =	vld [tilespmem:$0x10890];
	_ =	sdelay $0x4  }
0x23d: {  	v11 =	vshll.u32 v9, $0x3  }
0x23e: {  	v9 =	vand.u32 $0x7F, v9;
	v11 =	vand.u32 $0xFFFFFC00, v11  }
0x23f: {  	v9 =	vor.u32 v9, v11  }
0x240: {  	v9 =	vadd.s32 v2, v9;
	_ =	sdelay $0x3  }
0x241: {  	[tilespmem:$0x10880] =	vst v10  }
0x242: {  	[tilespmem:v9+s23+$0x0] =	vst.idx.msk $0xffff, v0  }
0x243: {  	v9 =	vld [tilespmem:$0x190];
	_ =	sdelay $0x4  }
0x244: {  	v9 =	vadd.f32 $1.000000000e+00, v9;
	_ =	sdelay $0x1  }
0x245: {  	v9 =	vmul.f32 $1.280000000e+02, v9;
	_ =	sdelay $0x1  }
0x246: {  	v9 =	vtrunc.f32 v9  }
0x247: {  	v9 =	vcvt.f32.s32 v9;
	_ =	sdelay $0x1  }
0x248: {  	vm14 =	vlt.s32 v9, $0xFF  }
0x249: {  	v10 =	vnsel vm14, $0xFF, v9  }
0x24a: {  	v11 =	vshll.u32 v10, $0x3  }
0x24b: {  	v57 =	vand.u32 $0x7F, v10;
	v11 =	vand.u32 $0xFFFFFC00, v11  }
0x24c: {  	v11 =	vor.u32 v57, v11  }
0x24d: {  	v11 =	vadd.s32 v2, v11;
	_ =	sdelay $0x2  }
0x24e: {  	vm15 =	vlt.s32 v9, $0x100  }
0x24f: {  	v9 =	vsel vm15, $0x3F800000, v0  }
0x250: {  	[tilespmem:v11+s23+$0x0] =	vst.idx.msk $0xffff, v9  }
0x251: {  	v9 =	vld [tilespmem:$0x108A0];
	_ =	sdelay $0x4  }
0x252: {  	v11 =	vshll.u32 v9, $0x3  }
0x253: {  	v9 =	vand.u32 $0x7F, v9;
	v11 =	vand.u32 $0xFFFFFC00, v11  }
0x254: {  	v9 =	vor.u32 v9, v11  }
0x255: {  	v9 =	vadd.s32 v3, v9;
	_ =	sdelay $0x3  }
0x256: {  	[tilespmem:$0x10890] =	vst v10  }
0x257: {  	[tilespmem:v9+s23+$0x0] =	vst.idx.msk $0xffff, v0  }
0x258: {  	v9 =	vld [tilespmem:$0x1A0];
	_ =	sdelay $0x4  }
0x259: {  	v9 =	vadd.f32 $1.000000000e+00, v9;
	_ =	sdelay $0x1  }
0x25a: {  	v9 =	vmul.f32 $1.280000000e+02, v9;
	_ =	sdelay $0x1  }
0x25b: {  	v9 =	vtrunc.f32 v9  }
0x25c: {  	v9 =	vcvt.f32.s32 v9;
	_ =	sdelay $0x1  }
0x25d: {  	vm4 =	vlt.s32 v9, $0xFF  }
0x25e: {  	v10 =	vnsel vm4, $0xFF, v9  }
0x25f: {  	v11 =	vshll.u32 v10, $0x3  }
0x260: {  	v58 =	vand.u32 $0x7F, v10;
	v11 =	vand.u32 $0xFFFFFC00, v11  }
0x261: {  	v11 =	vor.u32 v58, v11  }
0x262: {  	v11 =	vadd.s32 v3, v11;
	_ =	sdelay $0x2  }
0x263: {  	vm5 =	vlt.s32 v9, $0x100  }
0x264: {  	v9 =	vsel vm5, $0x3F800000, v0  }
0x265: {  	[tilespmem:v11+s23+$0x0] =	vst.idx.msk $0xffff, v9  }
0x266: {  	v9 =	vld [tilespmem:$0x108B0];
	_ =	sdelay $0x4  }
0x267: {  	v11 =	vshll.u32 v9, $0x3  }
0x268: {  	v9 =	vand.u32 $0x7F, v9;
	v11 =	vand.u32 $0xFFFFFC00, v11  }
0x269: {  	v9 =	vor.u32 v9, v11  }
0x26a: {  	v9 =	vadd.s32 v4, v9;
	_ =	sdelay $0x3  }
0x26b: {  	[tilespmem:$0x108A0] =	vst v10  }
0x26c: {  	[tilespmem:v9+s23+$0x0] =	vst.idx.msk $0xffff, v0  }
0x26d: {  	v9 =	vld [tilespmem:$0x1B0];
	_ =	sdelay $0x4  }
0x26e: {  	v9 =	vadd.f32 $1.000000000e+00, v9;
	_ =	sdelay $0x1  }
0x26f: {  	v9 =	vmul.f32 $1.280000000e+02, v9;
	_ =	sdelay $0x1  }
0x270: {  	v9 =	vtrunc.f32 v9  }
0x271: {  	v9 =	vcvt.f32.s32 v9;
	_ =	sdelay $0x1  }
0x272: {  	vm6 =	vlt.s32 v9, $0xFF  }
0x273: {  	v10 =	vnsel vm6, $0xFF, v9  }
0x274: {  	v11 =	vshll.u32 v10, $0x3  }
0x275: {  	v59 =	vand.u32 $0x7F, v10;
	v11 =	vand.u32 $0xFFFFFC00, v11  }
0x276: {  	v11 =	vor.u32 v59, v11  }
0x277: {  	v11 =	vadd.s32 v4, v11;
	_ =	sdelay $0x2  }
0x278: {  	vm7 =	vlt.s32 v9, $0x100  }
0x279: {  	v9 =	vsel vm7, $0x3F800000, v0  }
0x27a: {  	[tilespmem:v11+s23+$0x0] =	vst.idx.msk $0xffff, v9  }
0x27b: {  	v9 =	vld [tilespmem:$0x108C0];
	_ =	sdelay $0x4  }
0x27c: {  	v11 =	vshll.u32 v9, $0x3  }
0x27d: {  	v9 =	vand.u32 $0x7F, v9;
	v11 =	vand.u32 $0xFFFFFC00, v11  }
0x27e: {  	v9 =	vor.u32 v9, v11  }
0x27f: {  	v9 =	vadd.s32 v5, v9;
	_ =	sdelay $0x3  }
0x280: {  	[tilespmem:$0x108B0] =	vst v10  }
0x281: {  	[tilespmem:v9+s23+$0x0] =	vst.idx.msk $0xffff, v0  }
0x282: {  	v9 =	vld [tilespmem:$0x1C0];
	_ =	sdelay $0x4  }
0x283: {  	v9 =	vadd.f32 $1.000000000e+00, v9;
	_ =	sdelay $0x1  }
0x284: {  	v9 =	vmul.f32 $1.280000000e+02, v9;
	_ =	sdelay $0x1  }
0x285: {  	v9 =	vtrunc.f32 v9  }
0x286: {  	v9 =	vcvt.f32.s32 v9;
	_ =	sdelay $0x1  }
0x287: {  	vm8 =	vlt.s32 v9, $0xFF  }
0x288: {  	v10 =	vnsel vm8, $0xFF, v9  }
0x289: {  	v11 =	vshll.u32 v10, $0x3  }
0x28a: {  	v60 =	vand.u32 $0x7F, v10;
	v11 =	vand.u32 $0xFFFFFC00, v11  }
0x28b: {  	v11 =	vor.u32 v60, v11  }
0x28c: {  	v11 =	vadd.s32 v5, v11;
	_ =	sdelay $0x2  }
0x28d: {  	vm9 =	vlt.s32 v9, $0x100  }
0x28e: {  	v9 =	vsel vm9, $0x3F800000, v0  }
0x28f: {  	[tilespmem:v11+s23+$0x0] =	vst.idx.msk $0xffff, v9  }
0x290: {  	v9 =	vld [tilespmem:$0x108D0];
	_ =	sdelay $0x4  }
0x291: {  	v11 =	vshll.u32 v9, $0x3  }
0x292: {  	v9 =	vand.u32 $0x7F, v9;
	v11 =	vand.u32 $0xFFFFFC00, v11  }
0x293: {  	v9 =	vor.u32 v9, v11  }
0x294: {  	v9 =	vadd.s32 v6, v9;
	_ =	sdelay $0x3  }
0x295: {  	[tilespmem:$0x108C0] =	vst v10  }
0x296: {  	[tilespmem:v9+s23+$0x0] =	vst.idx.msk $0xffff, v0  }
0x297: {  	v9 =	vld [tilespmem:$0x1D0];
	_ =	sdelay $0x4  }
0x298: {  	v9 =	vadd.f32 $1.000000000e+00, v9;
	_ =	sdelay $0x1  }
0x299: {  	v9 =	vmul.f32 $1.280000000e+02, v9;
	_ =	sdelay $0x1  }
0x29a: {  	v9 =	vtrunc.f32 v9  }
0x29b: {  	v9 =	vcvt.f32.s32 v9;
	_ =	sdelay $0x1  }
0x29c: {  	vm10 =	vlt.s32 v9, $0xFF  }
0x29d: {  	v10 =	vnsel vm10, $0xFF, v9  }
0x29e: {  	v11 =	vshll.u32 v10, $0x3  }
0x29f: {  	v61 =	vand.u32 $0x7F, v10;
	v11 =	vand.u32 $0xFFFFFC00, v11  }
0x2a0: {  	v11 =	vor.u32 v61, v11  }
0x2a1: {  	v11 =	vadd.s32 v6, v11;
	_ =	sdelay $0x2  }
0x2a2: {  	vm11 =	vlt.s32 v9, $0x100  }
0x2a3: {  	v9 =	vsel vm11, $0x3F800000, v0  }
0x2a4: {  	[tilespmem:v11+s23+$0x0] =	vst.idx.msk $0xffff, v9  }
0x2a5: {  	v9 =	vld [tilespmem:$0x108E0];
	_ =	sdelay $0x4  }
0x2a6: {  	v11 =	vshll.u32 v9, $0x3  }
0x2a7: {  	v9 =	vand.u32 $0x7F, v9;
	v11 =	vand.u32 $0xFFFFFC00, v11  }
0x2a8: {  	v9 =	vor.u32 v9, v11  }
0x2a9: {  	v9 =	vadd.s32 v7, v9;
	_ =	sdelay $0x3  }
0x2aa: {  	[tilespmem:$0x108D0] =	vst v10  }
0x2ab: {  	[tilespmem:v9+s23+$0x0] =	vst.idx.msk $0xffff, v0  }
0x2ac: {  	v9 =	vld [tilespmem:$0x1E0];
	_ =	sdelay $0x4  }
0x2ad: {  	v9 =	vadd.f32 $1.000000000e+00, v9;
	_ =	sdelay $0x1  }
0x2ae: {  	v9 =	vmul.f32 $1.280000000e+02, v9;
	_ =	sdelay $0x1  }
0x2af: {  	v9 =	vtrunc.f32 v9  }
0x2b0: {  	v9 =	vcvt.f32.s32 v9;
	_ =	sdelay $0x1  }
0x2b1: {  	vm12 =	vlt.s32 v9, $0xFF  }
0x2b2: {  	v10 =	vnsel vm12, $0xFF, v9  }
0x2b3: {  	v11 =	vshll.u32 v10, $0x3  }
0x2b4: {  	v62 =	vand.u32 $0x7F, v10;
	v11 =	vand.u32 $0xFFFFFC00, v11  }
0x2b5: {  	v11 =	vor.u32 v62, v11  }
0x2b6: {  	v11 =	vadd.s32 v7, v11;
	_ =	sdelay $0x2  }
0x2b7: {  	vm13 =	vlt.s32 v9, $0x100  }
0x2b8: {  	v9 =	vsel vm13, $0x3F800000, v0  }
0x2b9: {  	[tilespmem:v11+s23+$0x0] =	vst.idx.msk $0xffff, v9  }
0x2ba: {  	v9 =	vld [tilespmem:$0x108F0];
	_ =	sdelay $0x4  }
0x2bb: {  	v11 =	vshll.u32 v9, $0x3  }
0x2bc: {  	v9 =	vand.u32 $0x7F, v9;
	v11 =	vand.u32 $0xFFFFFC00, v11  }
0x2bd: {  	v9 =	vor.u32 v9, v11  }
0x2be: {  	v9 =	vadd.s32 v8, v9;
	_ =	sdelay $0x3  }
0x2bf: {  	[tilespmem:$0x108E0] =	vst v10  }
0x2c0: {  	[tilespmem:v9+s23+$0x0] =	vst.idx.msk $0xffff, v0  }
0x2c1: {  	v9 =	vld [tilespmem:$0x1F0];
	_ =	sdelay $0x4  }
0x2c2: {  	v9 =	vadd.f32 $1.000000000e+00, v9;
	_ =	sdelay $0x1  }
0x2c3: {  	v9 =	vmul.f32 $1.280000000e+02, v9;
	_ =	sdelay $0x1  }
0x2c4: {  	v9 =	vtrunc.f32 v9  }
0x2c5: {  	v9 =	vcvt.f32.s32 v9;
	_ =	sdelay $0x1  }
0x2c6: {  	vm14 =	vlt.s32 v9, $0xFF  }
0x2c7: {  	v10 =	vnsel vm14, $0xFF, v9  }
0x2c8: {  	v11 =	vshll.u32 v10, $0x3  }
0x2c9: {  	v63 =	vand.u32 $0x7F, v10;
	v11 =	vand.u32 $0xFFFFFC00, v11  }
0x2ca: {  	v11 =	vor.u32 v63, v11  }
0x2cb: {  	v11 =	vadd.s32 v8, v11;
	_ =	sdelay $0x2  }
0x2cc: {  	vm15 =	vlt.s32 v9, $0x100  }
0x2cd: {  	v9 =	vsel vm15, $0x3F800000, v0  }
0x2ce: {  	[tilespmem:v11+s23+$0x0] =	vst.idx.msk $0xffff, v9  }
0x2cf: {  	[tilespmem:$0x108F0] =	vst v10  }
0x2d0: {  	[hbm4b:s7+s2] =	stream.linear.scatter [tilespmem:s23], [sflag:$0x2], $0x8000, $0x38;
	[tilespmem:$0x10900] =	vst v63  }
0x2d1: {  	_ =	swait.ge [sflag:s24], $0x8000  }
0x2d2: {  	[sflag:s24] =	ssyncset.done $0x0  }
0x2d3: {  	[sflag:s24] =	ssyncadd.s32 $0xFFFF8000  }
0x2d4: {  	v9 =	vld [tilespmem:$0x10800];
	_ =	sdelay $0x4  }
0x2d5: {  	v10 =	vshll.u32 v9, $0x3  }
0x2d6: {  	v9 =	vand.u32 $0x7F, v9;
	v10 =	vand.u32 $0xFFFFFC00, v10  }
0x2d7: {  	v9 =	vor.u32 v9, v10  }
0x2d8: {  	v9 =	vadd.s32 v1, v9;
	_ =	sdelay $0x4  }
0x2d9: {  	[tilespmem:v9+s22+$0x0] =	vst.idx.msk $0xffff, v0  }
0x2da: {  	v9 =	vld [tilespmem:$0x200];
	_ =	sdelay $0x4  }
0x2db: {  	v9 =	vadd.f32 $1.000000000e+00, v9;
	_ =	sdelay $0x1  }
0x2dc: {  	v9 =	vmul.f32 $1.280000000e+02, v9;
	_ =	sdelay $0x1  }
0x2dd: {  	v9 =	vtrunc.f32 v9  }
0x2de: {  	v9 =	vcvt.f32.s32 v9;
	_ =	sdelay $0x1  }
0x2df: {  	vm4 =	vlt.s32 v9, $0xFF  }
0x2e0: {  	v10 =	vnsel vm4, $0xFF, v9  }
0x2e1: {  	v11 =	vshll.u32 v10, $0x3  }
0x2e2: {  	v16 =	vand.u32 $0x7F, v10;
	v11 =	vand.u32 $0xFFFFFC00, v11  }
0x2e3: {  	v11 =	vor.u32 v16, v11  }
0x2e4: {  	v11 =	vadd.s32 v1, v11;
	_ =	sdelay $0x2  }
0x2e5: {  	vm5 =	vlt.s32 v9, $0x100  }
0x2e6: {  	v9 =	vsel vm5, $0x3F800000, v0  }
0x2e7: {  	[tilespmem:v11+s22+$0x0] =	vst.idx.msk $0xffff, v9  }
0x2e8: {  	v9 =	vld [tilespmem:$0x10810];
	_ =	sdelay $0x4  }
0x2e9: {  	v11 =	vshll.u32 v9, $0x3  }
0x2ea: {  	v9 =	vand.u32 $0x7F, v9;
	v11 =	vand.u32 $0xFFFFFC00, v11  }
0x2eb: {  	v9 =	vor.u32 v9, v11  }
0x2ec: {  	v9 =	vadd.s32 v2, v9;
	_ =	sdelay $0x3  }
0x2ed: {  	[tilespmem:$0x10800] =	vst v10  }
0x2ee: {  	[tilespmem:v9+s22+$0x0] =	vst.idx.msk $0xffff, v0  }
0x2ef: {  	v9 =	vld [tilespmem:$0x210];
	_ =	sdelay $0x4  }
0x2f0: {  	v9 =	vadd.f32 $1.000000000e+00, v9;
	_ =	sdelay $0x1  }
0x2f1: {  	v9 =	vmul.f32 $1.280000000e+02, v9;
	_ =	sdelay $0x1  }
0x2f2: {  	v9 =	vtrunc.f32 v9  }
0x2f3: {  	v9 =	vcvt.f32.s32 v9;
	_ =	sdelay $0x1  }
0x2f4: {  	vm6 =	vlt.s32 v9, $0xFF  }
0x2f5: {  	v10 =	vnsel vm6, $0xFF, v9  }
0x2f6: {  	v11 =	vshll.u32 v10, $0x3  }
0x2f7: {  	v17 =	vand.u32 $0x7F, v10;
	v11 =	vand.u32 $0xFFFFFC00, v11  }
0x2f8: {  	v11 =	vor.u32 v17, v11  }
0x2f9: {  	v11 =	vadd.s32 v2, v11;
	_ =	sdelay $0x2  }
0x2fa: {  	vm7 =	vlt.s32 v9, $0x100  }
0x2fb: {  	v9 =	vsel vm7, $0x3F800000, v0  }
0x2fc: {  	[tilespmem:v11+s22+$0x0] =	vst.idx.msk $0xffff, v9  }
0x2fd: {  	v9 =	vld [tilespmem:$0x10820];
	_ =	sdelay $0x4  }
0x2fe: {  	v11 =	vshll.u32 v9, $0x3  }
0x2ff: {  	v9 =	vand.u32 $0x7F, v9;
	v11 =	vand.u32 $0xFFFFFC00, v11  }
0x300: {  	v9 =	vor.u32 v9, v11  }
0x301: {  	v9 =	vadd.s32 v3, v9;
	_ =	sdelay $0x3  }
0x302: {  	[tilespmem:$0x10810] =	vst v10  }
0x303: {  	[tilespmem:v9+s22+$0x0] =	vst.idx.msk $0xffff, v0  }
0x304: {  	v9 =	vld [tilespmem:$0x220];
	_ =	sdelay $0x4  }
0x305: {  	v9 =	vadd.f32 $1.000000000e+00, v9;
	_ =	sdelay $0x1  }
0x306: {  	v9 =	vmul.f32 $1.280000000e+02, v9;
	_ =	sdelay $0x1  }
0x307: {  	v9 =	vtrunc.f32 v9  }
0x308: {  	v9 =	vcvt.f32.s32 v9;
	_ =	sdelay $0x1  }
0x309: {  	vm8 =	vlt.s32 v9, $0xFF  }
0x30a: {  	v10 =	vnsel vm8, $0xFF, v9  }
0x30b: {  	v11 =	vshll.u32 v10, $0x3  }
0x30c: {  	v18 =	vand.u32 $0x7F, v10;
	v11 =	vand.u32 $0xFFFFFC00, v11  }
0x30d: {  	v11 =	vor.u32 v18, v11  }
0x30e: {  	v11 =	vadd.s32 v3, v11;
	_ =	sdelay $0x2  }
0x30f: {  	vm9 =	vlt.s32 v9, $0x100  }
0x310: {  	v9 =	vsel vm9, $0x3F800000, v0  }
0x311: {  	[tilespmem:v11+s22+$0x0] =	vst.idx.msk $0xffff, v9  }
0x312: {  	v9 =	vld [tilespmem:$0x10830];
	_ =	sdelay $0x4  }
0x313: {  	v11 =	vshll.u32 v9, $0x3  }
0x314: {  	v9 =	vand.u32 $0x7F, v9;
	v11 =	vand.u32 $0xFFFFFC00, v11  }
0x315: {  	v9 =	vor.u32 v9, v11  }
0x316: {  	v9 =	vadd.s32 v4, v9;
	_ =	sdelay $0x3  }
0x317: {  	[tilespmem:$0x10820] =	vst v10  }
0x318: {  	[tilespmem:v9+s22+$0x0] =	vst.idx.msk $0xffff, v0  }
0x319: {  	v9 =	vld [tilespmem:$0x230];
	_ =	sdelay $0x4  }
0x31a: {  	v9 =	vadd.f32 $1.000000000e+00, v9;
	_ =	sdelay $0x1  }
0x31b: {  	v9 =	vmul.f32 $1.280000000e+02, v9;
	_ =	sdelay $0x1  }
0x31c: {  	v9 =	vtrunc.f32 v9  }
0x31d: {  	v9 =	vcvt.f32.s32 v9;
	_ =	sdelay $0x1  }
0x31e: {  	vm10 =	vlt.s32 v9, $0xFF  }
0x31f: {  	v10 =	vnsel vm10, $0xFF, v9  }
0x320: {  	v11 =	vshll.u32 v10, $0x3  }
0x321: {  	v19 =	vand.u32 $0x7F, v10;
	v11 =	vand.u32 $0xFFFFFC00, v11  }
0x322: {  	v11 =	vor.u32 v19, v11  }
0x323: {  	v11 =	vadd.s32 v4, v11;
	_ =	sdelay $0x2  }
0x324: {  	vm11 =	vlt.s32 v9, $0x100  }
0x325: {  	v9 =	vsel vm11, $0x3F800000, v0  }
0x326: {  	[tilespmem:v11+s22+$0x0] =	vst.idx.msk $0xffff, v9  }
0x327: {  	v9 =	vld [tilespmem:$0x10840];
	_ =	sdelay $0x4  }
0x328: {  	v11 =	vshll.u32 v9, $0x3  }
0x329: {  	v9 =	vand.u32 $0x7F, v9;
	v11 =	vand.u32 $0xFFFFFC00, v11  }
0x32a: {  	v9 =	vor.u32 v9, v11  }
0x32b: {  	v9 =	vadd.s32 v5, v9;
	_ =	sdelay $0x3  }
0x32c: {  	[tilespmem:$0x10830] =	vst v10  }
0x32d: {  	[tilespmem:v9+s22+$0x0] =	vst.idx.msk $0xffff, v0  }
0x32e: {  	v9 =	vld [tilespmem:$0x240];
	_ =	sdelay $0x4  }
0x32f: {  	v9 =	vadd.f32 $1.000000000e+00, v9;
	_ =	sdelay $0x1  }
0x330: {  	v9 =	vmul.f32 $1.280000000e+02, v9;
	_ =	sdelay $0x1  }
0x331: {  	v9 =	vtrunc.f32 v9  }
0x332: {  	v9 =	vcvt.f32.s32 v9;
	_ =	sdelay $0x1  }
0x333: {  	vm12 =	vlt.s32 v9, $0xFF  }
0x334: {  	v10 =	vnsel vm12, $0xFF, v9  }
0x335: {  	v11 =	vshll.u32 v10, $0x3  }
0x336: {  	v20 =	vand.u32 $0x7F, v10;
	v11 =	vand.u32 $0xFFFFFC00, v11  }
0x337: {  	v11 =	vor.u32 v20, v11  }
0x338: {  	v11 =	vadd.s32 v5, v11;
	_ =	sdelay $0x2  }
0x339: {  	vm13 =	vlt.s32 v9, $0x100  }
0x33a: {  	v9 =	vsel vm13, $0x3F800000, v0  }
0x33b: {  	[tilespmem:v11+s22+$0x0] =	vst.idx.msk $0xffff, v9  }
0x33c: {  	v9 =	vld [tilespmem:$0x10850];
	_ =	sdelay $0x4  }
0x33d: {  	v11 =	vshll.u32 v9, $0x3  }
0x33e: {  	v9 =	vand.u32 $0x7F, v9;
	v11 =	vand.u32 $0xFFFFFC00, v11  }
0x33f: {  	v9 =	vor.u32 v9, v11  }
0x340: {  	v9 =	vadd.s32 v6, v9;
	_ =	sdelay $0x3  }
0x341: {  	[tilespmem:$0x10840] =	vst v10  }
0x342: {  	[tilespmem:v9+s22+$0x0] =	vst.idx.msk $0xffff, v0  }
0x343: {  	v9 =	vld [tilespmem:$0x250];
	_ =	sdelay $0x4  }
0x344: {  	v9 =	vadd.f32 $1.000000000e+00, v9;
	_ =	sdelay $0x1  }
0x345: {  	v9 =	vmul.f32 $1.280000000e+02, v9;
	_ =	sdelay $0x1  }
0x346: {  	v9 =	vtrunc.f32 v9  }
0x347: {  	v9 =	vcvt.f32.s32 v9;
	_ =	sdelay $0x1  }
0x348: {  	vm14 =	vlt.s32 v9, $0xFF  }
0x349: {  	v10 =	vnsel vm14, $0xFF, v9  }
0x34a: {  	v11 =	vshll.u32 v10, $0x3  }
0x34b: {  	v21 =	vand.u32 $0x7F, v10;
	v11 =	vand.u32 $0xFFFFFC00, v11  }
0x34c: {  	v11 =	vor.u32 v21, v11  }
0x34d: {  	v11 =	vadd.s32 v6, v11;
	_ =	sdelay $0x2  }
0x34e: {  	vm15 =	vlt.s32 v9, $0x100  }
0x34f: {  	v9 =	vsel vm15, $0x3F800000, v0  }
0x350: {  	[tilespmem:v11+s22+$0x0] =	vst.idx.msk $0xffff, v9  }
0x351: {  	v9 =	vld [tilespmem:$0x10860];
	_ =	sdelay $0x4  }
0x352: {  	v11 =	vshll.u32 v9, $0x3  }
0x353: {  	v9 =	vand.u32 $0x7F, v9;
	v11 =	vand.u32 $0xFFFFFC00, v11  }
0x354: {  	v9 =	vor.u32 v9, v11  }
0x355: {  	v9 =	vadd.s32 v7, v9;
	_ =	sdelay $0x3  }
0x356: {  	[tilespmem:$0x10850] =	vst v10  }
0x357: {  	[tilespmem:v9+s22+$0x0] =	vst.idx.msk $0xffff, v0  }
0x358: {  	v9 =	vld [tilespmem:$0x260];
	_ =	sdelay $0x4  }
0x359: {  	v9 =	vadd.f32 $1.000000000e+00, v9;
	_ =	sdelay $0x1  }
0x35a: {  	v9 =	vmul.f32 $1.280000000e+02, v9;
	_ =	sdelay $0x1  }
0x35b: {  	v9 =	vtrunc.f32 v9  }
0x35c: {  	v9 =	vcvt.f32.s32 v9;
	_ =	sdelay $0x1  }
0x35d: {  	vm4 =	vlt.s32 v9, $0xFF  }
0x35e: {  	v10 =	vnsel vm4, $0xFF, v9  }
0x35f: {  	v11 =	vshll.u32 v10, $0x3  }
0x360: {  	v22 =	vand.u32 $0x7F, v10;
	v11 =	vand.u32 $0xFFFFFC00, v11  }
0x361: {  	v11 =	vor.u32 v22, v11  }
0x362: {  	v11 =	vadd.s32 v7, v11;
	_ =	sdelay $0x2  }
0x363: {  	vm5 =	vlt.s32 v9, $0x100  }
0x364: {  	v9 =	vsel vm5, $0x3F800000, v0  }
0x365: {  	[tilespmem:v11+s22+$0x0] =	vst.idx.msk $0xffff, v9  }
0x366: {  	v9 =	vld [tilespmem:$0x10870];
	_ =	sdelay $0x4  }
0x367: {  	v11 =	vshll.u32 v9, $0x3  }
0x368: {  	v9 =	vand.u32 $0x7F, v9;
	v11 =	vand.u32 $0xFFFFFC00, v11  }
0x369: {  	v9 =	vor.u32 v9, v11  }
0x36a: {  	v9 =	vadd.s32 v8, v9;
	_ =	sdelay $0x3  }
0x36b: {  	[tilespmem:$0x10860] =	vst v10  }
0x36c: {  	[tilespmem:v9+s22+$0x0] =	vst.idx.msk $0xffff, v0  }
0x36d: {  	v9 =	vld [tilespmem:$0x270];
	_ =	sdelay $0x4  }
0x36e: {  	v9 =	vadd.f32 $1.000000000e+00, v9;
	_ =	sdelay $0x1  }
0x36f: {  	v9 =	vmul.f32 $1.280000000e+02, v9;
	_ =	sdelay $0x1  }
0x370: {  	v9 =	vtrunc.f32 v9  }
0x371: {  	v9 =	vcvt.f32.s32 v9;
	_ =	sdelay $0x1  }
0x372: {  	vm6 =	vlt.s32 v9, $0xFF  }
0x373: {  	v10 =	vnsel vm6, $0xFF, v9  }
0x374: {  	v11 =	vshll.u32 v10, $0x3  }
0x375: {  	v23 =	vand.u32 $0x7F, v10;
	v11 =	vand.u32 $0xFFFFFC00, v11  }
0x376: {  	v11 =	vor.u32 v23, v11  }
0x377: {  	v11 =	vadd.s32 v8, v11;
	_ =	sdelay $0x2  }
0x378: {  	vm7 =	vlt.s32 v9, $0x100  }
0x379: {  	v9 =	vsel vm7, $0x3F800000, v0  }
0x37a: {  	[tilespmem:v11+s22+$0x0] =	vst.idx.msk $0xffff, v9  }
0x37b: {  	[tilespmem:$0x10870] =	vst v10  }
0x37c: {  	[hbm4b:s8+s2] =	stream.linear.scatter [tilespmem:s22], [sflag:$0x1], $0x8000, $0x38;
	[tilespmem:$0x10900] =	vst v63  }
0x37d: {  	_ =	swait.ge [sflag:s25], $0x8000  }
0x37e: {  	[sflag:s25] =	ssyncset.done $0x0  }
0x37f: {  	[sflag:s25] =	ssyncadd.s32 $0xFFFF8000  }
0x380: {  	v9 =	vld [tilespmem:$0x10880];
	_ =	sdelay $0x4  }
0x381: {  	v10 =	vshll.u32 v9, $0x3  }
0x382: {  	v9 =	vand.u32 $0x7F, v9;
	v10 =	vand.u32 $0xFFFFFC00, v10  }
0x383: {  	v9 =	vor.u32 v9, v10  }
0x384: {  	v9 =	vadd.s32 v1, v9;
	_ =	sdelay $0x4  }
0x385: {  	[tilespmem:v9+s23+$0x0] =	vst.idx.msk $0xffff, v0  }
0x386: {  	v9 =	vld [tilespmem:$0x280];
	_ =	sdelay $0x4  }
0x387: {  	v9 =	vadd.f32 $1.000000000e+00, v9;
	_ =	sdelay $0x1  }
0x388: {  	v9 =	vmul.f32 $1.280000000e+02, v9;
	_ =	sdelay $0x1  }
0x389: {  	v9 =	vtrunc.f32 v9  }
0x38a: {  	v9 =	vcvt.f32.s32 v9;
	_ =	sdelay $0x1  }
0x38b: {  	vm8 =	vlt.s32 v9, $0xFF  }
0x38c: {  	v10 =	vnsel vm8, $0xFF, v9  }
0x38d: {  	v11 =	vshll.u32 v10, $0x3  }
0x38e: {  	v24 =	vand.u32 $0x7F, v10;
	v11 =	vand.u32 $0xFFFFFC00, v11  }
0x38f: {  	v11 =	vor.u32 v24, v11  }
0x390: {  	v11 =	vadd.s32 v1, v11;
	_ =	sdelay $0x2  }
0x391: {  	vm9 =	vlt.s32 v9, $0x100  }
0x392: {  	v9 =	vsel vm9, $0x3F800000, v0  }
0x393: {  	[tilespmem:v11+s23+$0x0] =	vst.idx.msk $0xffff, v9  }
0x394: {  	v9 =	vld [tilespmem:$0x10890];
	_ =	sdelay $0x4  }
0x395: {  	v11 =	vshll.u32 v9, $0x3  }
0x396: {  	v9 =	vand.u32 $0x7F, v9;
	v11 =	vand.u32 $0xFFFFFC00, v11  }
0x397: {  	v9 =	vor.u32 v9, v11  }
0x398: {  	v9 =	vadd.s32 v2, v9;
	_ =	sdelay $0x3  }
0x399: {  	[tilespmem:$0x10880] =	vst v10  }
0x39a: {  	[tilespmem:v9+s23+$0x0] =	vst.idx.msk $0xffff, v0  }
0x39b: {  	v9 =	vld [tilespmem:$0x290];
	_ =	sdelay $0x4  }
0x39c: {  	v9 =	vadd.f32 $1.000000000e+00, v9;
	_ =	sdelay $0x1  }
0x39d: {  	v9 =	vmul.f32 $1.280000000e+02, v9;
	_ =	sdelay $0x1  }
0x39e: {  	v9 =	vtrunc.f32 v9  }
0x39f: {  	v9 =	vcvt.f32.s32 v9;
	_ =	sdelay $0x1  }
0x3a0: {  	vm10 =	vlt.s32 v9, $0xFF  }
0x3a1: {  	v10 =	vnsel vm10, $0xFF, v9  }
0x3a2: {  	v11 =	vshll.u32 v10, $0x3  }
0x3a3: {  	v25 =	vand.u32 $0x7F, v10;
	v11 =	vand.u32 $0xFFFFFC00, v11  }
0x3a4: {  	v11 =	vor.u32 v25, v11  }
0x3a5: {  	v11 =	vadd.s32 v2, v11;
	_ =	sdelay $0x2  }
0x3a6: {  	vm11 =	vlt.s32 v9, $0x100  }
0x3a7: {  	v9 =	vsel vm11, $0x3F800000, v0  }
0x3a8: {  	[tilespmem:v11+s23+$0x0] =	vst.idx.msk $0xffff, v9  }
0x3a9: {  	v9 =	vld [tilespmem:$0x108A0];
	_ =	sdelay $0x4  }
0x3aa: {  	v11 =	vshll.u32 v9, $0x3  }
0x3ab: {  	v9 =	vand.u32 $0x7F, v9;
	v11 =	vand.u32 $0xFFFFFC00, v11  }
0x3ac: {  	v9 =	vor.u32 v9, v11  }
0x3ad: {  	v9 =	vadd.s32 v3, v9;
	_ =	sdelay $0x3  }
0x3ae: {  	[tilespmem:$0x10890] =	vst v10  }
0x3af: {  	[tilespmem:v9+s23+$0x0] =	vst.idx.msk $0xffff, v0  }
0x3b0: {  	v9 =	vld [tilespmem:$0x2A0];
	_ =	sdelay $0x4  }
0x3b1: {  	v9 =	vadd.f32 $1.000000000e+00, v9;
	_ =	sdelay $0x1  }
0x3b2: {  	v9 =	vmul.f32 $1.280000000e+02, v9;
	_ =	sdelay $0x1  }
0x3b3: {  	v9 =	vtrunc.f32 v9  }
0x3b4: {  	v9 =	vcvt.f32.s32 v9;
	_ =	sdelay $0x1  }
0x3b5: {  	vm12 =	vlt.s32 v9, $0xFF  }
0x3b6: {  	v10 =	vnsel vm12, $0xFF, v9  }
0x3b7: {  	v11 =	vshll.u32 v10, $0x3  }
0x3b8: {  	v26 =	vand.u32 $0x7F, v10;
	v11 =	vand.u32 $0xFFFFFC00, v11  }
0x3b9: {  	v11 =	vor.u32 v26, v11  }
0x3ba: {  	v11 =	vadd.s32 v3, v11;
	_ =	sdelay $0x2  }
0x3bb: {  	vm13 =	vlt.s32 v9, $0x100  }
0x3bc: {  	v9 =	vsel vm13, $0x3F800000, v0  }
0x3bd: {  	[tilespmem:v11+s23+$0x0] =	vst.idx.msk $0xffff, v9  }
0x3be: {  	v9 =	vld [tilespmem:$0x108B0];
	_ =	sdelay $0x4  }
0x3bf: {  	v11 =	vshll.u32 v9, $0x3  }
0x3c0: {  	v9 =	vand.u32 $0x7F, v9;
	v11 =	vand.u32 $0xFFFFFC00, v11  }
0x3c1: {  	v9 =	vor.u32 v9, v11  }
0x3c2: {  	v9 =	vadd.s32 v4, v9;
	_ =	sdelay $0x3  }
0x3c3: {  	[tilespmem:$0x108A0] =	vst v10  }
0x3c4: {  	[tilespmem:v9+s23+$0x0] =	vst.idx.msk $0xffff, v0  }
0x3c5: {  	v9 =	vld [tilespmem:$0x2B0];
	_ =	sdelay $0x4  }
0x3c6: {  	v9 =	vadd.f32 $1.000000000e+00, v9;
	_ =	sdelay $0x1  }
0x3c7: {  	v9 =	vmul.f32 $1.280000000e+02, v9;
	_ =	sdelay $0x1  }
0x3c8: {  	v9 =	vtrunc.f32 v9  }
0x3c9: {  	v9 =	vcvt.f32.s32 v9;
	_ =	sdelay $0x1  }
0x3ca: {  	vm14 =	vlt.s32 v9, $0xFF  }
0x3cb: {  	v10 =	vnsel vm14, $0xFF, v9  }
0x3cc: {  	v11 =	vshll.u32 v10, $0x3  }
0x3cd: {  	v27 =	vand.u32 $0x7F, v10;
	v11 =	vand.u32 $0xFFFFFC00, v11  }
0x3ce: {  	v11 =	vor.u32 v27, v11  }
0x3cf: {  	v11 =	vadd.s32 v4, v11;
	_ =	sdelay $0x2  }
0x3d0: {  	vm15 =	vlt.s32 v9, $0x100  }
0x3d1: {  	v9 =	vsel vm15, $0x3F800000, v0  }
0x3d2: {  	[tilespmem:v11+s23+$0x0] =	vst.idx.msk $0xffff, v9  }
0x3d3: {  	v9 =	vld [tilespmem:$0x108C0];
	_ =	sdelay $0x4  }
0x3d4: {  	v11 =	vshll.u32 v9, $0x3  }
0x3d5: {  	v9 =	vand.u32 $0x7F, v9;
	v11 =	vand.u32 $0xFFFFFC00, v11  }
0x3d6: {  	v9 =	vor.u32 v9, v11  }
0x3d7: {  	v9 =	vadd.s32 v5, v9;
	_ =	sdelay $0x3  }
0x3d8: {  	[tilespmem:$0x108B0] =	vst v10  }
0x3d9: {  	[tilespmem:v9+s23+$0x0] =	vst.idx.msk $0xffff, v0  }
0x3da: {  	v9 =	vld [tilespmem:$0x2C0];
	_ =	sdelay $0x4  }
0x3db: {  	v9 =	vadd.f32 $1.000000000e+00, v9;
	_ =	sdelay $0x1  }
0x3dc: {  	v9 =	vmul.f32 $1.280000000e+02, v9;
	_ =	sdelay $0x1  }
0x3dd: {  	v9 =	vtrunc.f32 v9  }
0x3de: {  	v9 =	vcvt.f32.s32 v9;
	_ =	sdelay $0x1  }
0x3df: {  	vm4 =	vlt.s32 v9, $0xFF  }
0x3e0: {  	v10 =	vnsel vm4, $0xFF, v9  }
0x3e1: {  	v11 =	vshll.u32 v10, $0x3  }
0x3e2: {  	v28 =	vand.u32 $0x7F, v10;
	v11 =	vand.u32 $0xFFFFFC00, v11  }
0x3e3: {  	v11 =	vor.u32 v28, v11  }
0x3e4: {  	v11 =	vadd.s32 v5, v11;
	_ =	sdelay $0x2  }
0x3e5: {  	vm5 =	vlt.s32 v9, $0x100  }
0x3e6: {  	v9 =	vsel vm5, $0x3F800000, v0  }
0x3e7: {  	[tilespmem:v11+s23+$0x0] =	vst.idx.msk $0xffff, v9  }
0x3e8: {  	v9 =	vld [tilespmem:$0x108D0];
	_ =	sdelay $0x4  }
0x3e9: {  	v11 =	vshll.u32 v9, $0x3  }
0x3ea: {  	v9 =	vand.u32 $0x7F, v9;
	v11 =	vand.u32 $0xFFFFFC00, v11  }
0x3eb: {  	v9 =	vor.u32 v9, v11  }
0x3ec: {  	v9 =	vadd.s32 v6, v9;
	_ =	sdelay $0x3  }
0x3ed: {  	[tilespmem:$0x108C0] =	vst v10  }
0x3ee: {  	[tilespmem:v9+s23+$0x0] =	vst.idx.msk $0xffff, v0  }
0x3ef: {  	v9 =	vld [tilespmem:$0x2D0];
	_ =	sdelay $0x4  }
0x3f0: {  	v9 =	vadd.f32 $1.000000000e+00, v9;
	_ =	sdelay $0x1  }
0x3f1: {  	v9 =	vmul.f32 $1.280000000e+02, v9;
	_ =	sdelay $0x1  }
0x3f2: {  	v9 =	vtrunc.f32 v9  }
0x3f3: {  	v9 =	vcvt.f32.s32 v9;
	_ =	sdelay $0x1  }
0x3f4: {  	vm6 =	vlt.s32 v9, $0xFF  }
0x3f5: {  	v10 =	vnsel vm6, $0xFF, v9  }
0x3f6: {  	v11 =	vshll.u32 v10, $0x3  }
0x3f7: {  	v29 =	vand.u32 $0x7F, v10;
	v11 =	vand.u32 $0xFFFFFC00, v11  }
0x3f8: {  	v11 =	vor.u32 v29, v11  }
0x3f9: {  	v11 =	vadd.s32 v6, v11;
	_ =	sdelay $0x2  }
0x3fa: {  	vm7 =	vlt.s32 v9, $0x100  }
0x3fb: {  	v9 =	vsel vm7, $0x3F800000, v0  }
0x3fc: {  	[tilespmem:v11+s23+$0x0] =	vst.idx.msk $0xffff, v9  }
0x3fd: {  	v9 =	vld [tilespmem:$0x108E0];
	_ =	sdelay $0x4  }
0x3fe: {  	v11 =	vshll.u32 v9, $0x3  }
0x3ff: {  	v9 =	vand.u32 $0x7F, v9;
	v11 =	vand.u32 $0xFFFFFC00, v11  }
0x400: {  	v9 =	vor.u32 v9, v11  }
0x401: {  	v9 =	vadd.s32 v7, v9;
	_ =	sdelay $0x3  }
0x402: {  	[tilespmem:$0x108D0] =	vst v10  }
0x403: {  	[tilespmem:v9+s23+$0x0] =	vst.idx.msk $0xffff, v0  }
0x404: {  	v9 =	vld [tilespmem:$0x2E0];
	_ =	sdelay $0x4  }
0x405: {  	v9 =	vadd.f32 $1.000000000e+00, v9;
	_ =	sdelay $0x1  }
0x406: {  	v9 =	vmul.f32 $1.280000000e+02, v9;
	_ =	sdelay $0x1  }
0x407: {  	v9 =	vtrunc.f32 v9  }
0x408: {  	v9 =	vcvt.f32.s32 v9;
	_ =	sdelay $0x1  }
0x409: {  	vm8 =	vlt.s32 v9, $0xFF  }
0x40a: {  	v10 =	vnsel vm8, $0xFF, v9  }
0x40b: {  	v11 =	vshll.u32 v10, $0x3  }
0x40c: {  	v30 =	vand.u32 $0x7F, v10;
	v11 =	vand.u32 $0xFFFFFC00, v11  }
0x40d: {  	v11 =	vor.u32 v30, v11  }
0x40e: {  	v11 =	vadd.s32 v7, v11;
	_ =	sdelay $0x2  }
0x40f: {  	vm9 =	vlt.s32 v9, $0x100  }
0x410: {  	v9 =	vsel vm9, $0x3F800000, v0  }
0x411: {  	[tilespmem:v11+s23+$0x0] =	vst.idx.msk $0xffff, v9  }
0x412: {  	v9 =	vld [tilespmem:$0x108F0];
	_ =	sdelay $0x4  }
0x413: {  	v11 =	vshll.u32 v9, $0x3  }
0x414: {  	v9 =	vand.u32 $0x7F, v9;
	v11 =	vand.u32 $0xFFFFFC00, v11  }
0x415: {  	v9 =	vor.u32 v9, v11  }
0x416: {  	v9 =	vadd.s32 v8, v9;
	_ =	sdelay $0x3  }
0x417: {  	[tilespmem:$0x108E0] =	vst v10  }
0x418: {  	[tilespmem:v9+s23+$0x0] =	vst.idx.msk $0xffff, v0  }
0x419: {  	v9 =	vld [tilespmem:$0x2F0];
	_ =	sdelay $0x4  }
0x41a: {  	v9 =	vadd.f32 $1.000000000e+00, v9;
	_ =	sdelay $0x1  }
0x41b: {  	v9 =	vmul.f32 $1.280000000e+02, v9;
	_ =	sdelay $0x1  }
0x41c: {  	v9 =	vtrunc.f32 v9  }
0x41d: {  	v9 =	vcvt.f32.s32 v9;
	_ =	sdelay $0x1  }
0x41e: {  	vm10 =	vlt.s32 v9, $0xFF  }
0x41f: {  	v10 =	vnsel vm10, $0xFF, v9  }
0x420: {  	v11 =	vshll.u32 v10, $0x3  }
0x421: {  	v31 =	vand.u32 $0x7F, v10;
	v11 =	vand.u32 $0xFFFFFC00, v11  }
0x422: {  	v11 =	vor.u32 v31, v11  }
0x423: {  	v11 =	vadd.s32 v8, v11;
	_ =	sdelay $0x2  }
0x424: {  	vm11 =	vlt.s32 v9, $0x100  }
0x425: {  	v9 =	vsel vm11, $0x3F800000, v0  }
0x426: {  	[tilespmem:v11+s23+$0x0] =	vst.idx.msk $0xffff, v9  }
0x427: {  	[tilespmem:$0x108F0] =	vst v10  }
0x428: {  	[hbm4b:s9+s2] =	stream.linear.scatter [tilespmem:s23], [sflag:$0x2], $0x8000, $0x38;
	[tilespmem:$0x10900] =	vst v63  }
0x429: {  	_ =	swait.ge [sflag:s24], $0x8000  }
0x42a: {  	[sflag:s24] =	ssyncset.done $0x0  }
0x42b: {  	[sflag:s24] =	ssyncadd.s32 $0xFFFF8000  }
0x42c: {  	v9 =	vld [tilespmem:$0x10800];
	_ =	sdelay $0x4  }
0x42d: {  	v10 =	vshll.u32 v9, $0x3  }
0x42e: {  	v9 =	vand.u32 $0x7F, v9;
	v10 =	vand.u32 $0xFFFFFC00, v10  }
0x42f: {  	v9 =	vor.u32 v9, v10  }
0x430: {  	v9 =	vadd.s32 v1, v9;
	_ =	sdelay $0x4  }
0x431: {  	[tilespmem:v9+s22+$0x0] =	vst.idx.msk $0xffff, v0  }
0x432: {  	v9 =	vld [tilespmem:$0x300];
	_ =	sdelay $0x4  }
0x433: {  	v9 =	vadd.f32 $1.000000000e+00, v9;
	_ =	sdelay $0x1  }
0x434: {  	v9 =	vmul.f32 $1.280000000e+02, v9;
	_ =	sdelay $0x1  }
0x435: {  	v9 =	vtrunc.f32 v9  }
0x436: {  	v9 =	vcvt.f32.s32 v9;
	_ =	sdelay $0x1  }
0x437: {  	vm12 =	vlt.s32 v9, $0xFF  }
0x438: {  	v10 =	vnsel vm12, $0xFF, v9  }
0x439: {  	v11 =	vshll.u32 v10, $0x3  }
0x43a: {  	v32 =	vand.u32 $0x7F, v10;
	v11 =	vand.u32 $0xFFFFFC00, v11  }
0x43b: {  	v11 =	vor.u32 v32, v11  }
0x43c: {  	v11 =	vadd.s32 v1, v11;
	_ =	sdelay $0x2  }
0x43d: {  	vm13 =	vlt.s32 v9, $0x100  }
0x43e: {  	v9 =	vsel vm13, $0x3F800000, v0  }
0x43f: {  	[tilespmem:v11+s22+$0x0] =	vst.idx.msk $0xffff, v9  }
0x440: {  	v9 =	vld [tilespmem:$0x10810];
	_ =	sdelay $0x4  }
0x441: {  	v11 =	vshll.u32 v9, $0x3  }
0x442: {  	v9 =	vand.u32 $0x7F, v9;
	v11 =	vand.u32 $0xFFFFFC00, v11  }
0x443: {  	v9 =	vor.u32 v9, v11  }
0x444: {  	v9 =	vadd.s32 v2, v9;
	_ =	sdelay $0x3  }
0x445: {  	[tilespmem:$0x10800] =	vst v10  }
0x446: {  	[tilespmem:v9+s22+$0x0] =	vst.idx.msk $0xffff, v0  }
0x447: {  	v9 =	vld [tilespmem:$0x310];
	_ =	sdelay $0x4  }
0x448: {  	v9 =	vadd.f32 $1.000000000e+00, v9;
	_ =	sdelay $0x1  }
0x449: {  	v9 =	vmul.f32 $1.280000000e+02, v9;
	_ =	sdelay $0x1  }
0x44a: {  	v9 =	vtrunc.f32 v9  }
0x44b: {  	v9 =	vcvt.f32.s32 v9;
	_ =	sdelay $0x1  }
0x44c: {  	vm14 =	vlt.s32 v9, $0xFF  }
0x44d: {  	v10 =	vnsel vm14, $0xFF, v9  }
0x44e: {  	v11 =	vshll.u32 v10, $0x3  }
0x44f: {  	v33 =	vand.u32 $0x7F, v10;
	v11 =	vand.u32 $0xFFFFFC00, v11  }
0x450: {  	v11 =	vor.u32 v33, v11  }
0x451: {  	v11 =	vadd.s32 v2, v11;
	_ =	sdelay $0x2  }
0x452: {  	vm15 =	vlt.s32 v9, $0x100  }
0x453: {  	v9 =	vsel vm15, $0x3F800000, v0  }
0x454: {  	[tilespmem:v11+s22+$0x0] =	vst.idx.msk $0xffff, v9  }
0x455: {  	v9 =	vld [tilespmem:$0x10820];
	_ =	sdelay $0x4  }
0x456: {  	v11 =	vshll.u32 v9, $0x3  }
0x457: {  	v9 =	vand.u32 $0x7F, v9;
	v11 =	vand.u32 $0xFFFFFC00, v11  }
0x458: {  	v9 =	vor.u32 v9, v11  }
0x459: {  	v9 =	vadd.s32 v3, v9;
	_ =	sdelay $0x3  }
0x45a: {  	[tilespmem:$0x10810] =	vst v10  }
0x45b: {  	[tilespmem:v9+s22+$0x0] =	vst.idx.msk $0xffff, v0  }
0x45c: {  	v9 =	vld [tilespmem:$0x320];
	_ =	sdelay $0x4  }
0x45d: {  	v9 =	vadd.f32 $1.000000000e+00, v9;
	_ =	sdelay $0x1  }
0x45e: {  	v9 =	vmul.f32 $1.280000000e+02, v9;
	_ =	sdelay $0x1  }
0x45f: {  	v9 =	vtrunc.f32 v9  }
0x460: {  	v9 =	vcvt.f32.s32 v9;
	_ =	sdelay $0x1  }
0x461: {  	vm4 =	vlt.s32 v9, $0xFF  }
0x462: {  	v10 =	vnsel vm4, $0xFF, v9  }
0x463: {  	v11 =	vshll.u32 v10, $0x3  }
0x464: {  	v34 =	vand.u32 $0x7F, v10;
	v11 =	vand.u32 $0xFFFFFC00, v11  }
0x465: {  	v11 =	vor.u32 v34, v11  }
0x466: {  	v11 =	vadd.s32 v3, v11;
	_ =	sdelay $0x2  }
0x467: {  	vm5 =	vlt.s32 v9, $0x100  }
0x468: {  	v9 =	vsel vm5, $0x3F800000, v0  }
0x469: {  	[tilespmem:v11+s22+$0x0] =	vst.idx.msk $0xffff, v9  }
0x46a: {  	v9 =	vld [tilespmem:$0x10830];
	_ =	sdelay $0x4  }
0x46b: {  	v11 =	vshll.u32 v9, $0x3  }
0x46c: {  	v9 =	vand.u32 $0x7F, v9;
	v11 =	vand.u32 $0xFFFFFC00, v11  }
0x46d: {  	v9 =	vor.u32 v9, v11  }
0x46e: {  	v9 =	vadd.s32 v4, v9;
	_ =	sdelay $0x3  }
0x46f: {  	[tilespmem:$0x10820] =	vst v10  }
0x470: {  	[tilespmem:v9+s22+$0x0] =	vst.idx.msk $0xffff, v0  }
0x471: {  	v9 =	vld [tilespmem:$0x330];
	_ =	sdelay $0x4  }
0x472: {  	v9 =	vadd.f32 $1.000000000e+00, v9;
	_ =	sdelay $0x1  }
0x473: {  	v9 =	vmul.f32 $1.280000000e+02, v9;
	_ =	sdelay $0x1  }
0x474: {  	v9 =	vtrunc.f32 v9  }
0x475: {  	v9 =	vcvt.f32.s32 v9;
	_ =	sdelay $0x1  }
0x476: {  	vm6 =	vlt.s32 v9, $0xFF  }
0x477: {  	v10 =	vnsel vm6, $0xFF, v9  }
0x478: {  	v11 =	vshll.u32 v10, $0x3  }
0x479: {  	v35 =	vand.u32 $0x7F, v10;
	v11 =	vand.u32 $0xFFFFFC00, v11  }
0x47a: {  	v11 =	vor.u32 v35, v11  }
0x47b: {  	v11 =	vadd.s32 v4, v11;
	_ =	sdelay $0x2  }
0x47c: {  	vm7 =	vlt.s32 v9, $0x100  }
0x47d: {  	v9 =	vsel vm7, $0x3F800000, v0  }
0x47e: {  	[tilespmem:v11+s22+$0x0] =	vst.idx.msk $0xffff, v9  }
0x47f: {  	v9 =	vld [tilespmem:$0x10840];
	_ =	sdelay $0x4  }
0x480: {  	v11 =	vshll.u32 v9, $0x3  }
0x481: {  	v9 =	vand.u32 $0x7F, v9;
	v11 =	vand.u32 $0xFFFFFC00, v11  }
0x482: {  	v9 =	vor.u32 v9, v11  }
0x483: {  	v9 =	vadd.s32 v5, v9;
	_ =	sdelay $0x3  }
0x484: {  	[tilespmem:$0x10830] =	vst v10  }
0x485: {  	[tilespmem:v9+s22+$0x0] =	vst.idx.msk $0xffff, v0  }
0x486: {  	v9 =	vld [tilespmem:$0x340];
	_ =	sdelay $0x4  }
0x487: {  	v9 =	vadd.f32 $1.000000000e+00, v9;
	_ =	sdelay $0x1  }
0x488: {  	v9 =	vmul.f32 $1.280000000e+02, v9;
	_ =	sdelay $0x1  }
0x489: {  	v9 =	vtrunc.f32 v9  }
0x48a: {  	v9 =	vcvt.f32.s32 v9;
	_ =	sdelay $0x1  }
0x48b: {  	vm8 =	vlt.s32 v9, $0xFF  }
0x48c: {  	v10 =	vnsel vm8, $0xFF, v9  }
0x48d: {  	v11 =	vshll.u32 v10, $0x3  }
0x48e: {  	v36 =	vand.u32 $0x7F, v10;
	v11 =	vand.u32 $0xFFFFFC00, v11  }
0x48f: {  	v11 =	vor.u32 v36, v11  }
0x490: {  	v11 =	vadd.s32 v5, v11;
	_ =	sdelay $0x2  }
0x491: {  	vm9 =	vlt.s32 v9, $0x100  }
0x492: {  	v9 =	vsel vm9, $0x3F800000, v0  }
0x493: {  	[tilespmem:v11+s22+$0x0] =	vst.idx.msk $0xffff, v9  }
0x494: {  	v9 =	vld [tilespmem:$0x10850];
	_ =	sdelay $0x4  }
0x495: {  	v11 =	vshll.u32 v9, $0x3  }
0x496: {  	v9 =	vand.u32 $0x7F, v9;
	v11 =	vand.u32 $0xFFFFFC00, v11  }
0x497: {  	v9 =	vor.u32 v9, v11  }
0x498: {  	v9 =	vadd.s32 v6, v9;
	_ =	sdelay $0x3  }
0x499: {  	[tilespmem:$0x10840] =	vst v10  }
0x49a: {  	[tilespmem:v9+s22+$0x0] =	vst.idx.msk $0xffff, v0  }
0x49b: {  	v9 =	vld [tilespmem:$0x350];
	_ =	sdelay $0x4  }
0x49c: {  	v9 =	vadd.f32 $1.000000000e+00, v9;
	_ =	sdelay $0x1  }
0x49d: {  	v9 =	vmul.f32 $1.280000000e+02, v9;
	_ =	sdelay $0x1  }
0x49e: {  	v9 =	vtrunc.f32 v9  }
0x49f: {  	v9 =	vcvt.f32.s32 v9;
	_ =	sdelay $0x1  }
0x4a0: {  	vm10 =	vlt.s32 v9, $0xFF  }
0x4a1: {  	v10 =	vnsel vm10, $0xFF, v9  }
0x4a2: {  	v11 =	vshll.u32 v10, $0x3  }
0x4a3: {  	v37 =	vand.u32 $0x7F, v10;
	v11 =	vand.u32 $0xFFFFFC00, v11  }
0x4a4: {  	v11 =	vor.u32 v37, v11  }
0x4a5: {  	v11 =	vadd.s32 v6, v11;
	_ =	sdelay $0x2  }
0x4a6: {  	vm11 =	vlt.s32 v9, $0x100  }
0x4a7: {  	v9 =	vsel vm11, $0x3F800000, v0  }
0x4a8: {  	[tilespmem:v11+s22+$0x0] =	vst.idx.msk $0xffff, v9  }
0x4a9: {  	v9 =	vld [tilespmem:$0x10860];
	_ =	sdelay $0x4  }
0x4aa: {  	v11 =	vshll.u32 v9, $0x3  }
0x4ab: {  	v9 =	vand.u32 $0x7F, v9;
	v11 =	vand.u32 $0xFFFFFC00, v11  }
0x4ac: {  	v9 =	vor.u32 v9, v11  }
0x4ad: {  	v9 =	vadd.s32 v7, v9;
	_ =	sdelay $0x3  }
0x4ae: {  	[tilespmem:$0x10850] =	vst v10  }
0x4af: {  	[tilespmem:v9+s22+$0x0] =	vst.idx.msk $0xffff, v0  }
0x4b0: {  	v9 =	vld [tilespmem:$0x360];
	_ =	sdelay $0x4  }
0x4b1: {  	v9 =	vadd.f32 $1.000000000e+00, v9;
	_ =	sdelay $0x1  }
0x4b2: {  	v9 =	vmul.f32 $1.280000000e+02, v9;
	_ =	sdelay $0x1  }
0x4b3: {  	v9 =	vtrunc.f32 v9  }
0x4b4: {  	v9 =	vcvt.f32.s32 v9;
	_ =	sdelay $0x1  }
0x4b5: {  	vm12 =	vlt.s32 v9, $0xFF  }
0x4b6: {  	v10 =	vnsel vm12, $0xFF, v9  }
0x4b7: {  	v11 =	vshll.u32 v10, $0x3  }
0x4b8: {  	v38 =	vand.u32 $0x7F, v10;
	v11 =	vand.u32 $0xFFFFFC00, v11  }
0x4b9: {  	v11 =	vor.u32 v38, v11  }
0x4ba: {  	v11 =	vadd.s32 v7, v11;
	_ =	sdelay $0x2  }
0x4bb: {  	vm13 =	vlt.s32 v9, $0x100  }
0x4bc: {  	v9 =	vsel vm13, $0x3F800000, v0  }
0x4bd: {  	[tilespmem:v11+s22+$0x0] =	vst.idx.msk $0xffff, v9  }
0x4be: {  	v9 =	vld [tilespmem:$0x10870];
	_ =	sdelay $0x4  }
0x4bf: {  	v11 =	vshll.u32 v9, $0x3  }
0x4c0: {  	v9 =	vand.u32 $0x7F, v9;
	v11 =	vand.u32 $0xFFFFFC00, v11  }
0x4c1: {  	v9 =	vor.u32 v9, v11  }
0x4c2: {  	v9 =	vadd.s32 v8, v9;
	_ =	sdelay $0x3  }
0x4c3: {  	[tilespmem:$0x10860] =	vst v10  }
0x4c4: {  	[tilespmem:v9+s22+$0x0] =	vst.idx.msk $0xffff, v0  }
0x4c5: {  	v9 =	vld [tilespmem:$0x370];
	_ =	sdelay $0x4  }
0x4c6: {  	v9 =	vadd.f32 $1.000000000e+00, v9;
	_ =	sdelay $0x1  }
0x4c7: {  	v9 =	vmul.f32 $1.280000000e+02, v9;
	_ =	sdelay $0x1  }
0x4c8: {  	v9 =	vtrunc.f32 v9  }
0x4c9: {  	v9 =	vcvt.f32.s32 v9;
	_ =	sdelay $0x1  }
0x4ca: {  	vm14 =	vlt.s32 v9, $0xFF  }
0x4cb: {  	v10 =	vnsel vm14, $0xFF, v9  }
0x4cc: {  	v11 =	vshll.u32 v10, $0x3  }
0x4cd: {  	v39 =	vand.u32 $0x7F, v10;
	v11 =	vand.u32 $0xFFFFFC00, v11  }
0x4ce: {  	v11 =	vor.u32 v39, v11  }
0x4cf: {  	v11 =	vadd.s32 v8, v11;
	_ =	sdelay $0x2  }
0x4d0: {  	vm15 =	vlt.s32 v9, $0x100  }
0x4d1: {  	v9 =	vsel vm15, $0x3F800000, v0  }
0x4d2: {  	[tilespmem:v11+s22+$0x0] =	vst.idx.msk $0xffff, v9  }
0x4d3: {  	[tilespmem:$0x10870] =	vst v10  }
0x4d4: {  	[hbm4b:s10+s2] =	stream.linear.scatter [tilespmem:s22], [sflag:$0x1], $0x8000, $0x38;
	[tilespmem:$0x10900] =	vst v63  }
0x4d5: {  	_ =	swait.ge [sflag:s25], $0x8000  }
0x4d6: {  	[sflag:s25] =	ssyncset.done $0x0  }
0x4d7: {  	[sflag:s25] =	ssyncadd.s32 $0xFFFF8000  }
0x4d8: {  	v9 =	vld [tilespmem:$0x10880];
	_ =	sdelay $0x4  }
0x4d9: {  	v10 =	vshll.u32 v9, $0x3  }
0x4da: {  	v9 =	vand.u32 $0x7F, v9;
	v10 =	vand.u32 $0xFFFFFC00, v10  }
0x4db: {  	v9 =	vor.u32 v9, v10  }
0x4dc: {  	v9 =	vadd.s32 v1, v9;
	_ =	sdelay $0x4  }
0x4dd: {  	[tilespmem:v9+s23+$0x0] =	vst.idx.msk $0xffff, v0  }
0x4de: {  	v9 =	vld [tilespmem:$0x380];
	_ =	sdelay $0x4  }
0x4df: {  	v9 =	vadd.f32 $1.000000000e+00, v9;
	_ =	sdelay $0x1  }
0x4e0: {  	v9 =	vmul.f32 $1.280000000e+02, v9;
	_ =	sdelay $0x1  }
0x4e1: {  	v9 =	vtrunc.f32 v9  }
0x4e2: {  	v9 =	vcvt.f32.s32 v9;
	_ =	sdelay $0x1  }
0x4e3: {  	vm4 =	vlt.s32 v9, $0xFF  }
0x4e4: {  	v10 =	vnsel vm4, $0xFF, v9  }
0x4e5: {  	v11 =	vshll.u32 v10, $0x3  }
0x4e6: {  	v40 =	vand.u32 $0x7F, v10;
	v11 =	vand.u32 $0xFFFFFC00, v11  }
0x4e7: {  	v11 =	vor.u32 v40, v11  }
0x4e8: {  	v11 =	vadd.s32 v1, v11;
	_ =	sdelay $0x2  }
0x4e9: {  	vm5 =	vlt.s32 v9, $0x100  }
0x4ea: {  	v9 =	vsel vm5, $0x3F800000, v0  }
0x4eb: {  	[tilespmem:v11+s23+$0x0] =	vst.idx.msk $0xffff, v9  }
0x4ec: {  	v9 =	vld [tilespmem:$0x10890];
	_ =	sdelay $0x4  }
0x4ed: {  	v11 =	vshll.u32 v9, $0x3  }
0x4ee: {  	v9 =	vand.u32 $0x7F, v9;
	v11 =	vand.u32 $0xFFFFFC00, v11  }
0x4ef: {  	v9 =	vor.u32 v9, v11  }
0x4f0: {  	v9 =	vadd.s32 v2, v9;
	_ =	sdelay $0x3  }
0x4f1: {  	[tilespmem:$0x10880] =	vst v10  }
0x4f2: {  	[tilespmem:v9+s23+$0x0] =	vst.idx.msk $0xffff, v0  }
0x4f3: {  	v9 =	vld [tilespmem:$0x390];
	_ =	sdelay $0x4  }
0x4f4: {  	v9 =	vadd.f32 $1.000000000e+00, v9;
	_ =	sdelay $0x1  }
0x4f5: {  	v9 =	vmul.f32 $1.280000000e+02, v9;
	_ =	sdelay $0x1  }
0x4f6: {  	v9 =	vtrunc.f32 v9  }
0x4f7: {  	v9 =	vcvt.f32.s32 v9;
	_ =	sdelay $0x1  }
0x4f8: {  	vm6 =	vlt.s32 v9, $0xFF  }
0x4f9: {  	v10 =	vnsel vm6, $0xFF, v9  }
0x4fa: {  	v11 =	vshll.u32 v10, $0x3  }
0x4fb: {  	v41 =	vand.u32 $0x7F, v10;
	v11 =	vand.u32 $0xFFFFFC00, v11  }
0x4fc: {  	v11 =	vor.u32 v41, v11  }
0x4fd: {  	v11 =	vadd.s32 v2, v11;
	_ =	sdelay $0x2  }
0x4fe: {  	vm7 =	vlt.s32 v9, $0x100  }
0x4ff: {  	v9 =	vsel vm7, $0x3F800000, v0  }
0x500: {  	[tilespmem:v11+s23+$0x0] =	vst.idx.msk $0xffff, v9  }
0x501: {  	v9 =	vld [tilespmem:$0x108A0];
	_ =	sdelay $0x4  }
0x502: {  	v11 =	vshll.u32 v9, $0x3  }
0x503: {  	v9 =	vand.u32 $0x7F, v9;
	v11 =	vand.u32 $0xFFFFFC00, v11  }
0x504: {  	v9 =	vor.u32 v9, v11  }
0x505: {  	v9 =	vadd.s32 v3, v9;
	_ =	sdelay $0x3  }
0x506: {  	[tilespmem:$0x10890] =	vst v10  }
0x507: {  	[tilespmem:v9+s23+$0x0] =	vst.idx.msk $0xffff, v0  }
0x508: {  	v9 =	vld [tilespmem:$0x3A0];
	_ =	sdelay $0x4  }
0x509: {  	v9 =	vadd.f32 $1.000000000e+00, v9;
	_ =	sdelay $0x1  }
0x50a: {  	v9 =	vmul.f32 $1.280000000e+02, v9;
	_ =	sdelay $0x1  }
0x50b: {  	v9 =	vtrunc.f32 v9  }
0x50c: {  	v9 =	vcvt.f32.s32 v9;
	_ =	sdelay $0x1  }
0x50d: {  	vm8 =	vlt.s32 v9, $0xFF  }
0x50e: {  	v10 =	vnsel vm8, $0xFF, v9  }
0x50f: {  	v11 =	vshll.u32 v10, $0x3  }
0x510: {  	v42 =	vand.u32 $0x7F, v10;
	v11 =	vand.u32 $0xFFFFFC00, v11  }
0x511: {  	v11 =	vor.u32 v42, v11  }
0x512: {  	v11 =	vadd.s32 v3, v11;
	_ =	sdelay $0x2  }
0x513: {  	vm9 =	vlt.s32 v9, $0x100  }
0x514: {  	v9 =	vsel vm9, $0x3F800000, v0  }
0x515: {  	[tilespmem:v11+s23+$0x0] =	vst.idx.msk $0xffff, v9  }
0x516: {  	v9 =	vld [tilespmem:$0x108B0];
	_ =	sdelay $0x4  }
0x517: {  	v11 =	vshll.u32 v9, $0x3  }
0x518: {  	v9 =	vand.u32 $0x7F, v9;
	v11 =	vand.u32 $0xFFFFFC00, v11  }
0x519: {  	v9 =	vor.u32 v9, v11  }
0x51a: {  	v9 =	vadd.s32 v4, v9;
	_ =	sdelay $0x3  }
0x51b: {  	[tilespmem:$0x108A0] =	vst v10  }
0x51c: {  	[tilespmem:v9+s23+$0x0] =	vst.idx.msk $0xffff, v0  }
0x51d: {  	v9 =	vld [tilespmem:$0x3B0];
	_ =	sdelay $0x4  }
0x51e: {  	v9 =	vadd.f32 $1.000000000e+00, v9;
	_ =	sdelay $0x1  }
0x51f: {  	v9 =	vmul.f32 $1.280000000e+02, v9;
	_ =	sdelay $0x1  }
0x520: {  	v9 =	vtrunc.f32 v9  }
0x521: {  	v9 =	vcvt.f32.s32 v9;
	_ =	sdelay $0x1  }
0x522: {  	vm10 =	vlt.s32 v9, $0xFF  }
0x523: {  	v10 =	vnsel vm10, $0xFF, v9  }
0x524: {  	v11 =	vshll.u32 v10, $0x3  }
0x525: {  	v43 =	vand.u32 $0x7F, v10;
	v11 =	vand.u32 $0xFFFFFC00, v11  }
0x526: {  	v11 =	vor.u32 v43, v11  }
0x527: {  	v11 =	vadd.s32 v4, v11;
	_ =	sdelay $0x2  }
0x528: {  	vm11 =	vlt.s32 v9, $0x100  }
0x529: {  	v9 =	vsel vm11, $0x3F800000, v0  }
0x52a: {  	[tilespmem:v11+s23+$0x0] =	vst.idx.msk $0xffff, v9  }
0x52b: {  	v9 =	vld [tilespmem:$0x108C0];
	_ =	sdelay $0x4  }
0x52c: {  	v11 =	vshll.u32 v9, $0x3  }
0x52d: {  	v9 =	vand.u32 $0x7F, v9;
	v11 =	vand.u32 $0xFFFFFC00, v11  }
0x52e: {  	v9 =	vor.u32 v9, v11  }
0x52f: {  	v9 =	vadd.s32 v5, v9;
	_ =	sdelay $0x3  }
0x530: {  	[tilespmem:$0x108B0] =	vst v10  }
0x531: {  	[tilespmem:v9+s23+$0x0] =	vst.idx.msk $0xffff, v0  }
0x532: {  	v9 =	vld [tilespmem:$0x3C0];
	_ =	sdelay $0x4  }
0x533: {  	v9 =	vadd.f32 $1.000000000e+00, v9;
	_ =	sdelay $0x1  }
0x534: {  	v9 =	vmul.f32 $1.280000000e+02, v9;
	_ =	sdelay $0x1  }
0x535: {  	v9 =	vtrunc.f32 v9  }
0x536: {  	v9 =	vcvt.f32.s32 v9;
	_ =	sdelay $0x1  }
0x537: {  	vm12 =	vlt.s32 v9, $0xFF  }
0x538: {  	v10 =	vnsel vm12, $0xFF, v9  }
0x539: {  	v11 =	vshll.u32 v10, $0x3  }
0x53a: {  	v44 =	vand.u32 $0x7F, v10;
	v11 =	vand.u32 $0xFFFFFC00, v11  }
0x53b: {  	v11 =	vor.u32 v44, v11  }
0x53c: {  	v11 =	vadd.s32 v5, v11;
	_ =	sdelay $0x2  }
0x53d: {  	vm13 =	vlt.s32 v9, $0x100  }
0x53e: {  	v9 =	vsel vm13, $0x3F800000, v0  }
0x53f: {  	[tilespmem:v11+s23+$0x0] =	vst.idx.msk $0xffff, v9  }
0x540: {  	v9 =	vld [tilespmem:$0x108D0];
	_ =	sdelay $0x4  }
0x541: {  	v11 =	vshll.u32 v9, $0x3  }
0x542: {  	v9 =	vand.u32 $0x7F, v9;
	v11 =	vand.u32 $0xFFFFFC00, v11  }
0x543: {  	v9 =	vor.u32 v9, v11  }
0x544: {  	v9 =	vadd.s32 v6, v9;
	_ =	sdelay $0x3  }
0x545: {  	[tilespmem:$0x108C0] =	vst v10  }
0x546: {  	[tilespmem:v9+s23+$0x0] =	vst.idx.msk $0xffff, v0  }
0x547: {  	v9 =	vld [tilespmem:$0x3D0];
	_ =	sdelay $0x4  }
0x548: {  	v9 =	vadd.f32 $1.000000000e+00, v9;
	_ =	sdelay $0x1  }
0x549: {  	v9 =	vmul.f32 $1.280000000e+02, v9;
	_ =	sdelay $0x1  }
0x54a: {  	v9 =	vtrunc.f32 v9  }
0x54b: {  	v9 =	vcvt.f32.s32 v9;
	_ =	sdelay $0x1  }
0x54c: {  	vm14 =	vlt.s32 v9, $0xFF  }
0x54d: {  	v10 =	vnsel vm14, $0xFF, v9  }
0x54e: {  	v11 =	vshll.u32 v10, $0x3  }
0x54f: {  	v45 =	vand.u32 $0x7F, v10;
	v11 =	vand.u32 $0xFFFFFC00, v11  }
0x550: {  	v11 =	vor.u32 v45, v11  }
0x551: {  	v11 =	vadd.s32 v6, v11;
	_ =	sdelay $0x2  }
0x552: {  	vm15 =	vlt.s32 v9, $0x100  }
0x553: {  	v9 =	vsel vm15, $0x3F800000, v0  }
0x554: {  	[tilespmem:v11+s23+$0x0] =	vst.idx.msk $0xffff, v9  }
0x555: {  	v9 =	vld [tilespmem:$0x108E0];
	_ =	sdelay $0x4  }
0x556: {  	v11 =	vshll.u32 v9, $0x3  }
0x557: {  	v9 =	vand.u32 $0x7F, v9;
	v11 =	vand.u32 $0xFFFFFC00, v11  }
0x558: {  	v9 =	vor.u32 v9, v11  }
0x559: {  	v9 =	vadd.s32 v7, v9;
	_ =	sdelay $0x3  }
0x55a: {  	[tilespmem:$0x108D0] =	vst v10  }
0x55b: {  	[tilespmem:v9+s23+$0x0] =	vst.idx.msk $0xffff, v0  }
0x55c: {  	v9 =	vld [tilespmem:$0x3E0];
	_ =	sdelay $0x4  }
0x55d: {  	v9 =	vadd.f32 $1.000000000e+00, v9;
	_ =	sdelay $0x1  }
0x55e: {  	v9 =	vmul.f32 $1.280000000e+02, v9;
	_ =	sdelay $0x1  }
0x55f: {  	v9 =	vtrunc.f32 v9  }
0x560: {  	v9 =	vcvt.f32.s32 v9;
	_ =	sdelay $0x1  }
0x561: {  	vm4 =	vlt.s32 v9, $0xFF  }
0x562: {  	v10 =	vnsel vm4, $0xFF, v9  }
0x563: {  	v11 =	vshll.u32 v10, $0x3  }
0x564: {  	v46 =	vand.u32 $0x7F, v10;
	v11 =	vand.u32 $0xFFFFFC00, v11  }
0x565: {  	v11 =	vor.u32 v46, v11  }
0x566: {  	v11 =	vadd.s32 v7, v11;
	_ =	sdelay $0x2  }
0x567: {  	vm5 =	vlt.s32 v9, $0x100  }
0x568: {  	v9 =	vsel vm5, $0x3F800000, v0  }
0x569: {  	[tilespmem:v11+s23+$0x0] =	vst.idx.msk $0xffff, v9  }
0x56a: {  	v9 =	vld [tilespmem:$0x108F0];
	_ =	sdelay $0x4  }
0x56b: {  	v11 =	vshll.u32 v9, $0x3  }
0x56c: {  	v9 =	vand.u32 $0x7F, v9;
	v11 =	vand.u32 $0xFFFFFC00, v11  }
0x56d: {  	v9 =	vor.u32 v9, v11  }
0x56e: {  	v9 =	vadd.s32 v8, v9;
	_ =	sdelay $0x3  }
0x56f: {  	[tilespmem:$0x108E0] =	vst v10  }
0x570: {  	[tilespmem:v9+s23+$0x0] =	vst.idx.msk $0xffff, v0  }
0x571: {  	v9 =	vld [tilespmem:$0x3F0];
	_ =	sdelay $0x4  }
0x572: {  	v9 =	vadd.f32 $1.000000000e+00, v9;
	_ =	sdelay $0x1  }
0x573: {  	v9 =	vmul.f32 $1.280000000e+02, v9;
	_ =	sdelay $0x1  }
0x574: {  	v9 =	vtrunc.f32 v9  }
0x575: {  	v9 =	vcvt.f32.s32 v9;
	_ =	sdelay $0x1  }
0x576: {  	vm6 =	vlt.s32 v9, $0xFF  }
0x577: {  	v10 =	vnsel vm6, $0xFF, v9  }
0x578: {  	v11 =	vshll.u32 v10, $0x3  }
0x579: {  	v47 =	vand.u32 $0x7F, v10;
	v11 =	vand.u32 $0xFFFFFC00, v11  }
0x57a: {  	v11 =	vor.u32 v47, v11  }
0x57b: {  	v11 =	vadd.s32 v8, v11;
	_ =	sdelay $0x2  }
0x57c: {  	vm7 =	vlt.s32 v9, $0x100  }
0x57d: {  	v9 =	vsel vm7, $0x3F800000, v0  }
0x57e: {  	[tilespmem:v11+s23+$0x0] =	vst.idx.msk $0xffff, v9  }
0x57f: {  	[tilespmem:$0x108F0] =	vst v10  }
0x580: {  	[hbm4b:s11+s2] =	stream.linear.scatter [tilespmem:s23], [sflag:$0x2], $0x8000, $0x38;
	[tilespmem:$0x10900] =	vst v63  }
0x581: {  	_ =	swait.ge [sflag:s24], $0x8000  }
0x582: {  	[sflag:s24] =	ssyncset.done $0x0  }
0x583: {  	[sflag:s24] =	ssyncadd.s32 $0xFFFF8000  }
0x584: {  	v9 =	vld [tilespmem:$0x10800];
	_ =	sdelay $0x4  }
0x585: {  	v10 =	vshll.u32 v9, $0x3  }
0x586: {  	v9 =	vand.u32 $0x7F, v9;
	v10 =	vand.u32 $0xFFFFFC00, v10  }
0x587: {  	v9 =	vor.u32 v9, v10  }
0x588: {  	v9 =	vadd.s32 v1, v9;
	_ =	sdelay $0x4  }
0x589: {  	[tilespmem:v9+s22+$0x0] =	vst.idx.msk $0xffff, v0  }
0x58a: {  	v9 =	vld [tilespmem:$0x400];
	_ =	sdelay $0x4  }
0x58b: {  	v9 =	vadd.f32 $1.000000000e+00, v9;
	_ =	sdelay $0x1  }
0x58c: {  	v9 =	vmul.f32 $1.280000000e+02, v9;
	_ =	sdelay $0x1  }
0x58d: {  	v9 =	vtrunc.f32 v9  }
0x58e: {  	v9 =	vcvt.f32.s32 v9;
	_ =	sdelay $0x1  }
0x58f: {  	vm8 =	vlt.s32 v9, $0xFF  }
0x590: {  	v10 =	vnsel vm8, $0xFF, v9  }
0x591: {  	v11 =	vshll.u32 v10, $0x3  }
0x592: {  	v48 =	vand.u32 $0x7F, v10;
	v11 =	vand.u32 $0xFFFFFC00, v11  }
0x593: {  	v11 =	vor.u32 v48, v11  }
0x594: {  	v11 =	vadd.s32 v1, v11;
	_ =	sdelay $0x2  }
0x595: {  	vm9 =	vlt.s32 v9, $0x100  }
0x596: {  	v9 =	vsel vm9, $0x3F800000, v0  }
0x597: {  	[tilespmem:v11+s22+$0x0] =	vst.idx.msk $0xffff, v9  }
0x598: {  	v9 =	vld [tilespmem:$0x10810];
	_ =	sdelay $0x4  }
0x599: {  	v11 =	vshll.u32 v9, $0x3  }
0x59a: {  	v9 =	vand.u32 $0x7F, v9;
	v11 =	vand.u32 $0xFFFFFC00, v11  }
0x59b: {  	v9 =	vor.u32 v9, v11  }
0x59c: {  	v9 =	vadd.s32 v2, v9;
	_ =	sdelay $0x3  }
0x59d: {  	[tilespmem:$0x10800] =	vst v10  }
0x59e: {  	[tilespmem:v9+s22+$0x0] =	vst.idx.msk $0xffff, v0  }
0x59f: {  	v9 =	vld [tilespmem:$0x410];
	_ =	sdelay $0x4  }
0x5a0: {  	v9 =	vadd.f32 $1.000000000e+00, v9;
	_ =	sdelay $0x1  }
0x5a1: {  	v9 =	vmul.f32 $1.280000000e+02, v9;
	_ =	sdelay $0x1  }
0x5a2: {  	v9 =	vtrunc.f32 v9  }
0x5a3: {  	v9 =	vcvt.f32.s32 v9;
	_ =	sdelay $0x1  }
0x5a4: {  	vm10 =	vlt.s32 v9, $0xFF  }
0x5a5: {  	v10 =	vnsel vm10, $0xFF, v9  }
0x5a6: {  	v11 =	vshll.u32 v10, $0x3  }
0x5a7: {  	v49 =	vand.u32 $0x7F, v10;
	v11 =	vand.u32 $0xFFFFFC00, v11  }
0x5a8: {  	v11 =	vor.u32 v49, v11  }
0x5a9: {  	v11 =	vadd.s32 v2, v11;
	_ =	sdelay $0x2  }
0x5aa: {  	vm11 =	vlt.s32 v9, $0x100  }
0x5ab: {  	v9 =	vsel vm11, $0x3F800000, v0  }
0x5ac: {  	[tilespmem:v11+s22+$0x0] =	vst.idx.msk $0xffff, v9  }
0x5ad: {  	v9 =	vld [tilespmem:$0x10820];
	_ =	sdelay $0x4  }
0x5ae: {  	v11 =	vshll.u32 v9, $0x3  }
0x5af: {  	v9 =	vand.u32 $0x7F, v9;
	v11 =	vand.u32 $0xFFFFFC00, v11  }
0x5b0: {  	v9 =	vor.u32 v9, v11  }
0x5b1: {  	v9 =	vadd.s32 v3, v9;
	_ =	sdelay $0x3  }
0x5b2: {  	[tilespmem:$0x10810] =	vst v10  }
0x5b3: {  	[tilespmem:v9+s22+$0x0] =	vst.idx.msk $0xffff, v0  }
0x5b4: {  	v9 =	vld [tilespmem:$0x420];
	_ =	sdelay $0x4  }
0x5b5: {  	v9 =	vadd.f32 $1.000000000e+00, v9;
	_ =	sdelay $0x1  }
0x5b6: {  	v9 =	vmul.f32 $1.280000000e+02, v9;
	_ =	sdelay $0x1  }
0x5b7: {  	v9 =	vtrunc.f32 v9  }
0x5b8: {  	v9 =	vcvt.f32.s32 v9;
	_ =	sdelay $0x1  }
0x5b9: {  	vm12 =	vlt.s32 v9, $0xFF  }
0x5ba: {  	v10 =	vnsel vm12, $0xFF, v9  }
0x5bb: {  	v11 =	vshll.u32 v10, $0x3  }
0x5bc: {  	v50 =	vand.u32 $0x7F, v10;
	v11 =	vand.u32 $0xFFFFFC00, v11  }
0x5bd: {  	v11 =	vor.u32 v50, v11  }
0x5be: {  	v11 =	vadd.s32 v3, v11;
	_ =	sdelay $0x2  }
0x5bf: {  	vm13 =	vlt.s32 v9, $0x100  }
0x5c0: {  	v9 =	vsel vm13, $0x3F800000, v0  }
0x5c1: {  	[tilespmem:v11+s22+$0x0] =	vst.idx.msk $0xffff, v9  }
0x5c2: {  	v9 =	vld [tilespmem:$0x10830];
	_ =	sdelay $0x4  }
0x5c3: {  	v11 =	vshll.u32 v9, $0x3  }
0x5c4: {  	v9 =	vand.u32 $0x7F, v9;
	v11 =	vand.u32 $0xFFFFFC00, v11  }
0x5c5: {  	v9 =	vor.u32 v9, v11  }
0x5c6: {  	v9 =	vadd.s32 v4, v9;
	_ =	sdelay $0x3  }
0x5c7: {  	[tilespmem:$0x10820] =	vst v10  }
0x5c8: {  	[tilespmem:v9+s22+$0x0] =	vst.idx.msk $0xffff, v0  }
0x5c9: {  	v9 =	vld [tilespmem:$0x430];
	_ =	sdelay $0x4  }
0x5ca: {  	v9 =	vadd.f32 $1.000000000e+00, v9;
	_ =	sdelay $0x1  }
0x5cb: {  	v9 =	vmul.f32 $1.280000000e+02, v9;
	_ =	sdelay $0x1  }
0x5cc: {  	v9 =	vtrunc.f32 v9  }
0x5cd: {  	v9 =	vcvt.f32.s32 v9;
	_ =	sdelay $0x1  }
0x5ce: {  	vm14 =	vlt.s32 v9, $0xFF  }
0x5cf: {  	v10 =	vnsel vm14, $0xFF, v9  }
0x5d0: {  	v11 =	vshll.u32 v10, $0x3  }
0x5d1: {  	v51 =	vand.u32 $0x7F, v10;
	v11 =	vand.u32 $0xFFFFFC00, v11  }
0x5d2: {  	v11 =	vor.u32 v51, v11  }
0x5d3: {  	v11 =	vadd.s32 v4, v11;
	_ =	sdelay $0x2  }
0x5d4: {  	vm15 =	vlt.s32 v9, $0x100  }
0x5d5: {  	v9 =	vsel vm15, $0x3F800000, v0  }
0x5d6: {  	[tilespmem:v11+s22+$0x0] =	vst.idx.msk $0xffff, v9  }
0x5d7: {  	v9 =	vld [tilespmem:$0x10840];
	_ =	sdelay $0x4  }
0x5d8: {  	v11 =	vshll.u32 v9, $0x3  }
0x5d9: {  	v9 =	vand.u32 $0x7F, v9;
	v11 =	vand.u32 $0xFFFFFC00, v11  }
0x5da: {  	v9 =	vor.u32 v9, v11  }
0x5db: {  	v9 =	vadd.s32 v5, v9;
	_ =	sdelay $0x3  }
0x5dc: {  	[tilespmem:$0x10830] =	vst v10  }
0x5dd: {  	[tilespmem:v9+s22+$0x0] =	vst.idx.msk $0xffff, v0  }
0x5de: {  	v9 =	vld [tilespmem:$0x440];
	_ =	sdelay $0x4  }
0x5df: {  	v9 =	vadd.f32 $1.000000000e+00, v9;
	_ =	sdelay $0x1  }
0x5e0: {  	v9 =	vmul.f32 $1.280000000e+02, v9;
	_ =	sdelay $0x1  }
0x5e1: {  	v9 =	vtrunc.f32 v9  }
0x5e2: {  	v9 =	vcvt.f32.s32 v9;
	_ =	sdelay $0x1  }
0x5e3: {  	vm4 =	vlt.s32 v9, $0xFF  }
0x5e4: {  	v10 =	vnsel vm4, $0xFF, v9  }
0x5e5: {  	v11 =	vshll.u32 v10, $0x3  }
0x5e6: {  	v52 =	vand.u32 $0x7F, v10;
	v11 =	vand.u32 $0xFFFFFC00, v11  }
0x5e7: {  	v11 =	vor.u32 v52, v11  }
0x5e8: {  	v11 =	vadd.s32 v5, v11;
	_ =	sdelay $0x2  }
0x5e9: {  	vm5 =	vlt.s32 v9, $0x100  }
0x5ea: {  	v9 =	vsel vm5, $0x3F800000, v0  }
0x5eb: {  	[tilespmem:v11+s22+$0x0] =	vst.idx.msk $0xffff, v9  }
0x5ec: {  	v9 =	vld [tilespmem:$0x10850];
	_ =	sdelay $0x4  }
0x5ed: {  	v11 =	vshll.u32 v9, $0x3  }
0x5ee: {  	v9 =	vand.u32 $0x7F, v9;
	v11 =	vand.u32 $0xFFFFFC00, v11  }
0x5ef: {  	v9 =	vor.u32 v9, v11  }
0x5f0: {  	v9 =	vadd.s32 v6, v9;
	_ =	sdelay $0x3  }
0x5f1: {  	[tilespmem:$0x10840] =	vst v10  }
0x5f2: {  	[tilespmem:v9+s22+$0x0] =	vst.idx.msk $0xffff, v0  }
0x5f3: {  	v9 =	vld [tilespmem:$0x450];
	_ =	sdelay $0x4  }
0x5f4: {  	v9 =	vadd.f32 $1.000000000e+00, v9;
	_ =	sdelay $0x1  }
0x5f5: {  	v9 =	vmul.f32 $1.280000000e+02, v9;
	_ =	sdelay $0x1  }
0x5f6: {  	v9 =	vtrunc.f32 v9  }
0x5f7: {  	v9 =	vcvt.f32.s32 v9;
	_ =	sdelay $0x1  }
0x5f8: {  	vm6 =	vlt.s32 v9, $0xFF  }
0x5f9: {  	v10 =	vnsel vm6, $0xFF, v9  }
0x5fa: {  	v11 =	vshll.u32 v10, $0x3  }
0x5fb: {  	v53 =	vand.u32 $0x7F, v10;
	v11 =	vand.u32 $0xFFFFFC00, v11  }
0x5fc: {  	v11 =	vor.u32 v53, v11  }
0x5fd: {  	v11 =	vadd.s32 v6, v11;
	_ =	sdelay $0x2  }
0x5fe: {  	vm7 =	vlt.s32 v9, $0x100  }
0x5ff: {  	v9 =	vsel vm7, $0x3F800000, v0  }
0x600: {  	[tilespmem:v11+s22+$0x0] =	vst.idx.msk $0xffff, v9  }
0x601: {  	v9 =	vld [tilespmem:$0x10860];
	_ =	sdelay $0x4  }
0x602: {  	v11 =	vshll.u32 v9, $0x3  }
0x603: {  	v9 =	vand.u32 $0x7F, v9;
	v11 =	vand.u32 $0xFFFFFC00, v11  }
0x604: {  	v9 =	vor.u32 v9, v11  }
0x605: {  	v9 =	vadd.s32 v7, v9;
	_ =	sdelay $0x3  }
0x606: {  	[tilespmem:$0x10850] =	vst v10  }
0x607: {  	[tilespmem:v9+s22+$0x0] =	vst.idx.msk $0xffff, v0  }
0x608: {  	v9 =	vld [tilespmem:$0x460];
	_ =	sdelay $0x4  }
0x609: {  	v9 =	vadd.f32 $1.000000000e+00, v9;
	_ =	sdelay $0x1  }
0x60a: {  	v9 =	vmul.f32 $1.280000000e+02, v9;
	_ =	sdelay $0x1  }
0x60b: {  	v9 =	vtrunc.f32 v9  }
0x60c: {  	v9 =	vcvt.f32.s32 v9;
	_ =	sdelay $0x1  }
0x60d: {  	vm8 =	vlt.s32 v9, $0xFF  }
0x60e: {  	v10 =	vnsel vm8, $0xFF, v9  }
0x60f: {  	v11 =	vshll.u32 v10, $0x3  }
0x610: {  	v54 =	vand.u32 $0x7F, v10;
	v11 =	vand.u32 $0xFFFFFC00, v11  }
0x611: {  	v11 =	vor.u32 v54, v11  }
0x612: {  	v11 =	vadd.s32 v7, v11;
	_ =	sdelay $0x2  }
0x613: {  	vm9 =	vlt.s32 v9, $0x100  }
0x614: {  	v9 =	vsel vm9, $0x3F800000, v0  }
0x615: {  	[tilespmem:v11+s22+$0x0] =	vst.idx.msk $0xffff, v9  }
0x616: {  	v9 =	vld [tilespmem:$0x10870];
	_ =	sdelay $0x4  }
0x617: {  	v11 =	vshll.u32 v9, $0x3  }
0x618: {  	v9 =	vand.u32 $0x7F, v9;
	v11 =	vand.u32 $0xFFFFFC00, v11  }
0x619: {  	v9 =	vor.u32 v9, v11  }
0x61a: {  	v9 =	vadd.s32 v8, v9;
	_ =	sdelay $0x3  }
0x61b: {  	[tilespmem:$0x10860] =	vst v10  }
0x61c: {  	[tilespmem:v9+s22+$0x0] =	vst.idx.msk $0xffff, v0  }
0x61d: {  	v9 =	vld [tilespmem:$0x470];
	_ =	sdelay $0x4  }
0x61e: {  	v9 =	vadd.f32 $1.000000000e+00, v9;
	_ =	sdelay $0x1  }
0x61f: {  	v9 =	vmul.f32 $1.280000000e+02, v9;
	_ =	sdelay $0x1  }
0x620: {  	v9 =	vtrunc.f32 v9  }
0x621: {  	v9 =	vcvt.f32.s32 v9;
	_ =	sdelay $0x1  }
0x622: {  	vm10 =	vlt.s32 v9, $0xFF  }
0x623: {  	v10 =	vnsel vm10, $0xFF, v9  }
0x624: {  	v11 =	vshll.u32 v10, $0x3  }
0x625: {  	v55 =	vand.u32 $0x7F, v10;
	v11 =	vand.u32 $0xFFFFFC00, v11  }
0x626: {  	v11 =	vor.u32 v55, v11  }
0x627: {  	v11 =	vadd.s32 v8, v11;
	_ =	sdelay $0x2  }
0x628: {  	vm11 =	vlt.s32 v9, $0x100  }
0x629: {  	v9 =	vsel vm11, $0x3F800000, v0  }
0x62a: {  	[tilespmem:v11+s22+$0x0] =	vst.idx.msk $0xffff, v9  }
0x62b: {  	[tilespmem:$0x10870] =	vst v10  }
0x62c: {  	[hbm4b:s12+s2] =	stream.linear.scatter [tilespmem:s22], [sflag:$0x1], $0x8000, $0x38;
	[tilespmem:$0x10900] =	vst v63  }
0x62d: {  	_ =	swait.ge [sflag:s25], $0x8000  }
0x62e: {  	[sflag:s25] =	ssyncset.done $0x0  }
0x62f: {  	[sflag:s25] =	ssyncadd.s32 $0xFFFF8000  }
0x630: {  	v9 =	vld [tilespmem:$0x10880];
	_ =	sdelay $0x4  }
0x631: {  	v10 =	vshll.u32 v9, $0x3  }
0x632: {  	v9 =	vand.u32 $0x7F, v9;
	v10 =	vand.u32 $0xFFFFFC00, v10  }
0x633: {  	v9 =	vor.u32 v9, v10  }
0x634: {  	v9 =	vadd.s32 v1, v9;
	_ =	sdelay $0x4  }
0x635: {  	[tilespmem:v9+s23+$0x0] =	vst.idx.msk $0xffff, v0  }
0x636: {  	v9 =	vld [tilespmem:$0x480];
	_ =	sdelay $0x4  }
0x637: {  	v9 =	vadd.f32 $1.000000000e+00, v9;
	_ =	sdelay $0x1  }
0x638: {  	v9 =	vmul.f32 $1.280000000e+02, v9;
	_ =	sdelay $0x1  }
0x639: {  	v9 =	vtrunc.f32 v9  }
0x63a: {  	v9 =	vcvt.f32.s32 v9;
	_ =	sdelay $0x1  }
0x63b: {  	vm12 =	vlt.s32 v9, $0xFF  }
0x63c: {  	v10 =	vnsel vm12, $0xFF, v9  }
0x63d: {  	v11 =	vshll.u32 v10, $0x3  }
0x63e: {  	v56 =	vand.u32 $0x7F, v10;
	v11 =	vand.u32 $0xFFFFFC00, v11  }
0x63f: {  	v11 =	vor.u32 v56, v11  }
0x640: {  	v11 =	vadd.s32 v1, v11;
	_ =	sdelay $0x2  }
0x641: {  	vm13 =	vlt.s32 v9, $0x100  }
0x642: {  	v9 =	vsel vm13, $0x3F800000, v0  }
0x643: {  	[tilespmem:v11+s23+$0x0] =	vst.idx.msk $0xffff, v9  }
0x644: {  	v9 =	vld [tilespmem:$0x10890];
	_ =	sdelay $0x4  }
0x645: {  	v11 =	vshll.u32 v9, $0x3  }
0x646: {  	v9 =	vand.u32 $0x7F, v9;
	v11 =	vand.u32 $0xFFFFFC00, v11  }
0x647: {  	v9 =	vor.u32 v9, v11  }
0x648: {  	v9 =	vadd.s32 v2, v9;
	_ =	sdelay $0x3  }
0x649: {  	[tilespmem:$0x10880] =	vst v10  }
0x64a: {  	[tilespmem:v9+s23+$0x0] =	vst.idx.msk $0xffff, v0  }
0x64b: {  	v9 =	vld [tilespmem:$0x490];
	_ =	sdelay $0x4  }
0x64c: {  	v9 =	vadd.f32 $1.000000000e+00, v9;
	_ =	sdelay $0x1  }
0x64d: {  	v9 =	vmul.f32 $1.280000000e+02, v9;
	_ =	sdelay $0x1  }
0x64e: {  	v9 =	vtrunc.f32 v9  }
0x64f: {  	v9 =	vcvt.f32.s32 v9;
	_ =	sdelay $0x1  }
0x650: {  	vm14 =	vlt.s32 v9, $0xFF  }
0x651: {  	v10 =	vnsel vm14, $0xFF, v9  }
0x652: {  	v11 =	vshll.u32 v10, $0x3  }
0x653: {  	v57 =	vand.u32 $0x7F, v10;
	v11 =	vand.u32 $0xFFFFFC00, v11  }
0x654: {  	v11 =	vor.u32 v57, v11  }
0x655: {  	v11 =	vadd.s32 v2, v11;
	_ =	sdelay $0x2  }
0x656: {  	vm15 =	vlt.s32 v9, $0x100  }
0x657: {  	v9 =	vsel vm15, $0x3F800000, v0  }
0x658: {  	[tilespmem:v11+s23+$0x0] =	vst.idx.msk $0xffff, v9  }
0x659: {  	v9 =	vld [tilespmem:$0x108A0];
	_ =	sdelay $0x4  }
0x65a: {  	v11 =	vshll.u32 v9, $0x3  }
0x65b: {  	v9 =	vand.u32 $0x7F, v9;
	v11 =	vand.u32 $0xFFFFFC00, v11  }
0x65c: {  	v9 =	vor.u32 v9, v11  }
0x65d: {  	v9 =	vadd.s32 v3, v9;
	_ =	sdelay $0x3  }
0x65e: {  	[tilespmem:$0x10890] =	vst v10  }
0x65f: {  	[tilespmem:v9+s23+$0x0] =	vst.idx.msk $0xffff, v0  }
0x660: {  	v9 =	vld [tilespmem:$0x4A0];
	_ =	sdelay $0x4  }
0x661: {  	v9 =	vadd.f32 $1.000000000e+00, v9;
	_ =	sdelay $0x1  }
0x662: {  	v9 =	vmul.f32 $1.280000000e+02, v9;
	_ =	sdelay $0x1  }
0x663: {  	v9 =	vtrunc.f32 v9  }
0x664: {  	v9 =	vcvt.f32.s32 v9;
	_ =	sdelay $0x1  }
0x665: {  	vm4 =	vlt.s32 v9, $0xFF  }
0x666: {  	v10 =	vnsel vm4, $0xFF, v9  }
0x667: {  	v11 =	vshll.u32 v10, $0x3  }
0x668: {  	v58 =	vand.u32 $0x7F, v10;
	v11 =	vand.u32 $0xFFFFFC00, v11  }
0x669: {  	v11 =	vor.u32 v58, v11  }
0x66a: {  	v11 =	vadd.s32 v3, v11;
	_ =	sdelay $0x2  }
0x66b: {  	vm5 =	vlt.s32 v9, $0x100  }
0x66c: {  	v9 =	vsel vm5, $0x3F800000, v0  }
0x66d: {  	[tilespmem:v11+s23+$0x0] =	vst.idx.msk $0xffff, v9  }
0x66e: {  	v9 =	vld [tilespmem:$0x108B0];
	_ =	sdelay $0x4  }
0x66f: {  	v11 =	vshll.u32 v9, $0x3  }
0x670: {  	v9 =	vand.u32 $0x7F, v9;
	v11 =	vand.u32 $0xFFFFFC00, v11  }
0x671: {  	v9 =	vor.u32 v9, v11  }
0x672: {  	v9 =	vadd.s32 v4, v9;
	_ =	sdelay $0x3  }
0x673: {  	[tilespmem:$0x108A0] =	vst v10  }
0x674: {  	[tilespmem:v9+s23+$0x0] =	vst.idx.msk $0xffff, v0  }
0x675: {  	v9 =	vld [tilespmem:$0x4B0];
	_ =	sdelay $0x4  }
0x676: {  	v9 =	vadd.f32 $1.000000000e+00, v9;
	_ =	sdelay $0x1  }
0x677: {  	v9 =	vmul.f32 $1.280000000e+02, v9;
	_ =	sdelay $0x1  }
0x678: {  	v9 =	vtrunc.f32 v9  }
0x679: {  	v9 =	vcvt.f32.s32 v9;
	_ =	sdelay $0x1  }
0x67a: {  	vm6 =	vlt.s32 v9, $0xFF  }
0x67b: {  	v10 =	vnsel vm6, $0xFF, v9  }
0x67c: {  	v11 =	vshll.u32 v10, $0x3  }
0x67d: {  	v59 =	vand.u32 $0x7F, v10;
	v11 =	vand.u32 $0xFFFFFC00, v11  }
0x67e: {  	v11 =	vor.u32 v59, v11  }
0x67f: {  	v11 =	vadd.s32 v4, v11;
	_ =	sdelay $0x2  }
0x680: {  	vm7 =	vlt.s32 v9, $0x100  }
0x681: {  	v9 =	vsel vm7, $0x3F800000, v0  }
0x682: {  	[tilespmem:v11+s23+$0x0] =	vst.idx.msk $0xffff, v9  }
0x683: {  	v9 =	vld [tilespmem:$0x108C0];
	_ =	sdelay $0x4  }
0x684: {  	v11 =	vshll.u32 v9, $0x3  }
0x685: {  	v9 =	vand.u32 $0x7F, v9;
	v11 =	vand.u32 $0xFFFFFC00, v11  }
0x686: {  	v9 =	vor.u32 v9, v11  }
0x687: {  	v9 =	vadd.s32 v5, v9;
	_ =	sdelay $0x3  }
0x688: {  	[tilespmem:$0x108B0] =	vst v10  }
0x689: {  	[tilespmem:v9+s23+$0x0] =	vst.idx.msk $0xffff, v0  }
0x68a: {  	v9 =	vld [tilespmem:$0x4C0];
	_ =	sdelay $0x4  }
0x68b: {  	v9 =	vadd.f32 $1.000000000e+00, v9;
	_ =	sdelay $0x1  }
0x68c: {  	v9 =	vmul.f32 $1.280000000e+02, v9;
	_ =	sdelay $0x1  }
0x68d: {  	v9 =	vtrunc.f32 v9  }
0x68e: {  	v9 =	vcvt.f32.s32 v9;
	_ =	sdelay $0x1  }
0x68f: {  	vm8 =	vlt.s32 v9, $0xFF  }
0x690: {  	v10 =	vnsel vm8, $0xFF, v9  }
0x691: {  	v11 =	vshll.u32 v10, $0x3  }
0x692: {  	v60 =	vand.u32 $0x7F, v10;
	v11 =	vand.u32 $0xFFFFFC00, v11  }
0x693: {  	v11 =	vor.u32 v60, v11  }
0x694: {  	v11 =	vadd.s32 v5, v11;
	_ =	sdelay $0x2  }
0x695: {  	vm9 =	vlt.s32 v9, $0x100  }
0x696: {  	v9 =	vsel vm9, $0x3F800000, v0  }
0x697: {  	[tilespmem:v11+s23+$0x0] =	vst.idx.msk $0xffff, v9  }
0x698: {  	v9 =	vld [tilespmem:$0x108D0];
	_ =	sdelay $0x4  }
0x699: {  	v11 =	vshll.u32 v9, $0x3  }
0x69a: {  	v9 =	vand.u32 $0x7F, v9;
	v11 =	vand.u32 $0xFFFFFC00, v11  }
0x69b: {  	v9 =	vor.u32 v9, v11  }
0x69c: {  	v9 =	vadd.s32 v6, v9;
	_ =	sdelay $0x3  }
0x69d: {  	[tilespmem:$0x108C0] =	vst v10  }
0x69e: {  	[tilespmem:v9+s23+$0x0] =	vst.idx.msk $0xffff, v0  }
0x69f: {  	v9 =	vld [tilespmem:$0x4D0];
	_ =	sdelay $0x4  }
0x6a0: {  	v9 =	vadd.f32 $1.000000000e+00, v9;
	_ =	sdelay $0x1  }
0x6a1: {  	v9 =	vmul.f32 $1.280000000e+02, v9;
	_ =	sdelay $0x1  }
0x6a2: {  	v9 =	vtrunc.f32 v9  }
0x6a3: {  	v9 =	vcvt.f32.s32 v9;
	_ =	sdelay $0x1  }
0x6a4: {  	vm10 =	vlt.s32 v9, $0xFF  }
0x6a5: {  	v10 =	vnsel vm10, $0xFF, v9  }
0x6a6: {  	v11 =	vshll.u32 v10, $0x3  }
0x6a7: {  	v61 =	vand.u32 $0x7F, v10;
	v11 =	vand.u32 $0xFFFFFC00, v11  }
0x6a8: {  	v11 =	vor.u32 v61, v11  }
0x6a9: {  	v11 =	vadd.s32 v6, v11;
	_ =	sdelay $0x2  }
0x6aa: {  	vm11 =	vlt.s32 v9, $0x100  }
0x6ab: {  	v9 =	vsel vm11, $0x3F800000, v0  }
0x6ac: {  	[tilespmem:v11+s23+$0x0] =	vst.idx.msk $0xffff, v9  }
0x6ad: {  	v9 =	vld [tilespmem:$0x108E0];
	_ =	sdelay $0x4  }
0x6ae: {  	v11 =	vshll.u32 v9, $0x3  }
0x6af: {  	v9 =	vand.u32 $0x7F, v9;
	v11 =	vand.u32 $0xFFFFFC00, v11  }
0x6b0: {  	v9 =	vor.u32 v9, v11  }
0x6b1: {  	v9 =	vadd.s32 v7, v9;
	_ =	sdelay $0x3  }
0x6b2: {  	[tilespmem:$0x108D0] =	vst v10  }
0x6b3: {  	[tilespmem:v9+s23+$0x0] =	vst.idx.msk $0xffff, v0  }
0x6b4: {  	v9 =	vld [tilespmem:$0x4E0];
	_ =	sdelay $0x4  }
0x6b5: {  	v9 =	vadd.f32 $1.000000000e+00, v9;
	_ =	sdelay $0x1  }
0x6b6: {  	v9 =	vmul.f32 $1.280000000e+02, v9;
	_ =	sdelay $0x1  }
0x6b7: {  	v9 =	vtrunc.f32 v9  }
0x6b8: {  	v9 =	vcvt.f32.s32 v9;
	_ =	sdelay $0x1  }
0x6b9: {  	vm12 =	vlt.s32 v9, $0xFF  }
0x6ba: {  	v10 =	vnsel vm12, $0xFF, v9  }
0x6bb: {  	v11 =	vshll.u32 v10, $0x3  }
0x6bc: {  	v62 =	vand.u32 $0x7F, v10;
	v11 =	vand.u32 $0xFFFFFC00, v11  }
0x6bd: {  	v11 =	vor.u32 v62, v11  }
0x6be: {  	v11 =	vadd.s32 v7, v11;
	_ =	sdelay $0x2  }
0x6bf: {  	vm13 =	vlt.s32 v9, $0x100  }
0x6c0: {  	v9 =	vsel vm13, $0x3F800000, v0  }
0x6c1: {  	[tilespmem:v11+s23+$0x0] =	vst.idx.msk $0xffff, v9  }
0x6c2: {  	v9 =	vld [tilespmem:$0x108F0];
	_ =	sdelay $0x4  }
0x6c3: {  	v11 =	vshll.u32 v9, $0x3  }
0x6c4: {  	v9 =	vand.u32 $0x7F, v9;
	v11 =	vand.u32 $0xFFFFFC00, v11  }
0x6c5: {  	v9 =	vor.u32 v9, v11  }
0x6c6: {  	v9 =	vadd.s32 v8, v9;
	_ =	sdelay $0x3  }
0x6c7: {  	[tilespmem:$0x108E0] =	vst v10  }
0x6c8: {  	[tilespmem:v9+s23+$0x0] =	vst.idx.msk $0xffff, v0  }
0x6c9: {  	v9 =	vld [tilespmem:$0x4F0];
	_ =	sdelay $0x4  }
0x6ca: {  	v9 =	vadd.f32 $1.000000000e+00, v9;
	_ =	sdelay $0x1  }
0x6cb: {  	v9 =	vmul.f32 $1.280000000e+02, v9;
	_ =	sdelay $0x1  }
0x6cc: {  	v9 =	vtrunc.f32 v9  }
0x6cd: {  	v9 =	vcvt.f32.s32 v9;
	_ =	sdelay $0x1  }
0x6ce: {  	vm14 =	vlt.s32 v9, $0xFF  }
0x6cf: {  	v10 =	vnsel vm14, $0xFF, v9  }
0x6d0: {  	v11 =	vshll.u32 v10, $0x3  }
0x6d1: {  	v63 =	vand.u32 $0x7F, v10;
	v11 =	vand.u32 $0xFFFFFC00, v11  }
0x6d2: {  	v11 =	vor.u32 v63, v11  }
0x6d3: {  	v11 =	vadd.s32 v8, v11;
	_ =	sdelay $0x2  }
0x6d4: {  	vm15 =	vlt.s32 v9, $0x100  }
0x6d5: {  	v9 =	vsel vm15, $0x3F800000, v0  }
0x6d6: {  	[tilespmem:v11+s23+$0x0] =	vst.idx.msk $0xffff, v9  }
0x6d7: {  	[tilespmem:$0x108F0] =	vst v10  }
0x6d8: {  	[hbm4b:s13+s2] =	stream.linear.scatter [tilespmem:s23], [sflag:$0x2], $0x8000, $0x38;
	[tilespmem:$0x10900] =	vst v63  }
0x6d9: {  	_ =	swait.ge [sflag:s24], $0x8000  }
0x6da: {  	[sflag:s24] =	ssyncset.done $0x0  }
0x6db: {  	[sflag:s24] =	ssyncadd.s32 $0xFFFF8000  }
0x6dc: {  	v9 =	vld [tilespmem:$0x10800];
	_ =	sdelay $0x4  }
0x6dd: {  	v10 =	vshll.u32 v9, $0x3  }
0x6de: {  	v9 =	vand.u32 $0x7F, v9;
	v10 =	vand.u32 $0xFFFFFC00, v10  }
0x6df: {  	v9 =	vor.u32 v9, v10  }
0x6e0: {  	v9 =	vadd.s32 v1, v9;
	_ =	sdelay $0x4  }
0x6e1: {  	[tilespmem:v9+s22+$0x0] =	vst.idx.msk $0xffff, v0  }
0x6e2: {  	v9 =	vld [tilespmem:$0x500];
	_ =	sdelay $0x4  }
0x6e3: {  	v9 =	vadd.f32 $1.000000000e+00, v9;
	_ =	sdelay $0x1  }
0x6e4: {  	v9 =	vmul.f32 $1.280000000e+02, v9;
	_ =	sdelay $0x1  }
0x6e5: {  	v9 =	vtrunc.f32 v9  }
0x6e6: {  	v9 =	vcvt.f32.s32 v9;
	_ =	sdelay $0x1  }
0x6e7: {  	vm4 =	vlt.s32 v9, $0xFF  }
0x6e8: {  	v10 =	vnsel vm4, $0xFF, v9  }
0x6e9: {  	v11 =	vshll.u32 v10, $0x3  }
0x6ea: {  	v16 =	vand.u32 $0x7F, v10;
	v11 =	vand.u32 $0xFFFFFC00, v11  }
0x6eb: {  	v11 =	vor.u32 v16, v11  }
0x6ec: {  	v11 =	vadd.s32 v1, v11;
	_ =	sdelay $0x2  }
0x6ed: {  	vm5 =	vlt.s32 v9, $0x100  }
0x6ee: {  	v9 =	vsel vm5, $0x3F800000, v0  }
0x6ef: {  	[tilespmem:v11+s22+$0x0] =	vst.idx.msk $0xffff, v9  }
0x6f0: {  	v9 =	vld [tilespmem:$0x10810];
	_ =	sdelay $0x4  }
0x6f1: {  	v11 =	vshll.u32 v9, $0x3  }
0x6f2: {  	v9 =	vand.u32 $0x7F, v9;
	v11 =	vand.u32 $0xFFFFFC00, v11  }
0x6f3: {  	v9 =	vor.u32 v9, v11  }
0x6f4: {  	v9 =	vadd.s32 v2, v9;
	_ =	sdelay $0x3  }
0x6f5: {  	[tilespmem:$0x10800] =	vst v10  }
0x6f6: {  	[tilespmem:v9+s22+$0x0] =	vst.idx.msk $0xffff, v0  }
0x6f7: {  	v9 =	vld [tilespmem:$0x510];
	_ =	sdelay $0x4  }
0x6f8: {  	v9 =	vadd.f32 $1.000000000e+00, v9;
	_ =	sdelay $0x1  }
0x6f9: {  	v9 =	vmul.f32 $1.280000000e+02, v9;
	_ =	sdelay $0x1  }
0x6fa: {  	v9 =	vtrunc.f32 v9  }
0x6fb: {  	v9 =	vcvt.f32.s32 v9;
	_ =	sdelay $0x1  }
0x6fc: {  	vm6 =	vlt.s32 v9, $0xFF  }
0x6fd: {  	v10 =	vnsel vm6, $0xFF, v9  }
0x6fe: {  	v11 =	vshll.u32 v10, $0x3  }
0x6ff: {  	v17 =	vand.u32 $0x7F, v10;
	v11 =	vand.u32 $0xFFFFFC00, v11  }
0x700: {  	v11 =	vor.u32 v17, v11  }
0x701: {  	v11 =	vadd.s32 v2, v11;
	_ =	sdelay $0x2  }
0x702: {  	vm7 =	vlt.s32 v9, $0x100  }
0x703: {  	v9 =	vsel vm7, $0x3F800000, v0  }
0x704: {  	[tilespmem:v11+s22+$0x0] =	vst.idx.msk $0xffff, v9  }
0x705: {  	v9 =	vld [tilespmem:$0x10820];
	_ =	sdelay $0x4  }
0x706: {  	v11 =	vshll.u32 v9, $0x3  }
0x707: {  	v9 =	vand.u32 $0x7F, v9;
	v11 =	vand.u32 $0xFFFFFC00, v11  }
0x708: {  	v9 =	vor.u32 v9, v11  }
0x709: {  	v9 =	vadd.s32 v3, v9;
	_ =	sdelay $0x3  }
0x70a: {  	[tilespmem:$0x10810] =	vst v10  }
0x70b: {  	[tilespmem:v9+s22+$0x0] =	vst.idx.msk $0xffff, v0  }
0x70c: {  	v9 =	vld [tilespmem:$0x520];
	_ =	sdelay $0x4  }
0x70d: {  	v9 =	vadd.f32 $1.000000000e+00, v9;
	_ =	sdelay $0x1  }
0x70e: {  	v9 =	vmul.f32 $1.280000000e+02, v9;
	_ =	sdelay $0x1  }
0x70f: {  	v9 =	vtrunc.f32 v9  }
0x710: {  	v9 =	vcvt.f32.s32 v9;
	_ =	sdelay $0x1  }
0x711: {  	vm8 =	vlt.s32 v9, $0xFF  }
0x712: {  	v10 =	vnsel vm8, $0xFF, v9  }
0x713: {  	v11 =	vshll.u32 v10, $0x3  }
0x714: {  	v18 =	vand.u32 $0x7F, v10;
	v11 =	vand.u32 $0xFFFFFC00, v11  }
0x715: {  	v11 =	vor.u32 v18, v11  }
0x716: {  	v11 =	vadd.s32 v3, v11;
	_ =	sdelay $0x2  }
0x717: {  	vm9 =	vlt.s32 v9, $0x100  }
0x718: {  	v9 =	vsel vm9, $0x3F800000, v0  }
0x719: {  	[tilespmem:v11+s22+$0x0] =	vst.idx.msk $0xffff, v9  }
0x71a: {  	v9 =	vld [tilespmem:$0x10830];
	_ =	sdelay $0x4  }
0x71b: {  	v11 =	vshll.u32 v9, $0x3  }
0x71c: {  	v9 =	vand.u32 $0x7F, v9;
	v11 =	vand.u32 $0xFFFFFC00, v11  }
0x71d: {  	v9 =	vor.u32 v9, v11  }
0x71e: {  	v9 =	vadd.s32 v4, v9;
	_ =	sdelay $0x3  }
0x71f: {  	[tilespmem:$0x10820] =	vst v10  }
0x720: {  	[tilespmem:v9+s22+$0x0] =	vst.idx.msk $0xffff, v0  }
0x721: {  	v9 =	vld [tilespmem:$0x530];
	_ =	sdelay $0x4  }
0x722: {  	v9 =	vadd.f32 $1.000000000e+00, v9;
	_ =	sdelay $0x1  }
0x723: {  	v9 =	vmul.f32 $1.280000000e+02, v9;
	_ =	sdelay $0x1  }
0x724: {  	v9 =	vtrunc.f32 v9  }
0x725: {  	v9 =	vcvt.f32.s32 v9;
	_ =	sdelay $0x1  }
0x726: {  	vm10 =	vlt.s32 v9, $0xFF  }
0x727: {  	v10 =	vnsel vm10, $0xFF, v9  }
0x728: {  	v11 =	vshll.u32 v10, $0x3  }
0x729: {  	v19 =	vand.u32 $0x7F, v10;
	v11 =	vand.u32 $0xFFFFFC00, v11  }
0x72a: {  	v11 =	vor.u32 v19, v11  }
0x72b: {  	v11 =	vadd.s32 v4, v11;
	_ =	sdelay $0x2  }
0x72c: {  	vm11 =	vlt.s32 v9, $0x100  }
0x72d: {  	v9 =	vsel vm11, $0x3F800000, v0  }
0x72e: {  	[tilespmem:v11+s22+$0x0] =	vst.idx.msk $0xffff, v9  }
0x72f: {  	v9 =	vld [tilespmem:$0x10840];
	_ =	sdelay $0x4  }
0x730: {  	v11 =	vshll.u32 v9, $0x3  }
0x731: {  	v9 =	vand.u32 $0x7F, v9;
	v11 =	vand.u32 $0xFFFFFC00, v11  }
0x732: {  	v9 =	vor.u32 v9, v11  }
0x733: {  	v9 =	vadd.s32 v5, v9;
	_ =	sdelay $0x3  }
0x734: {  	[tilespmem:$0x10830] =	vst v10  }
0x735: {  	[tilespmem:v9+s22+$0x0] =	vst.idx.msk $0xffff, v0  }
0x736: {  	v9 =	vld [tilespmem:$0x540];
	_ =	sdelay $0x4  }
0x737: {  	v9 =	vadd.f32 $1.000000000e+00, v9;
	_ =	sdelay $0x1  }
0x738: {  	v9 =	vmul.f32 $1.280000000e+02, v9;
	_ =	sdelay $0x1  }
0x739: {  	v9 =	vtrunc.f32 v9  }
0x73a: {  	v9 =	vcvt.f32.s32 v9;
	_ =	sdelay $0x1  }
0x73b: {  	vm12 =	vlt.s32 v9, $0xFF  }
0x73c: {  	v10 =	vnsel vm12, $0xFF, v9  }
0x73d: {  	v11 =	vshll.u32 v10, $0x3  }
0x73e: {  	v20 =	vand.u32 $0x7F, v10;
	v11 =	vand.u32 $0xFFFFFC00, v11  }
0x73f: {  	v11 =	vor.u32 v20, v11  }
0x740: {  	v11 =	vadd.s32 v5, v11;
	_ =	sdelay $0x2  }
0x741: {  	vm13 =	vlt.s32 v9, $0x100  }
0x742: {  	v9 =	vsel vm13, $0x3F800000, v0  }
0x743: {  	[tilespmem:v11+s22+$0x0] =	vst.idx.msk $0xffff, v9  }
0x744: {  	v9 =	vld [tilespmem:$0x10850];
	_ =	sdelay $0x4  }
0x745: {  	v11 =	vshll.u32 v9, $0x3  }
0x746: {  	v9 =	vand.u32 $0x7F, v9;
	v11 =	vand.u32 $0xFFFFFC00, v11  }
0x747: {  	v9 =	vor.u32 v9, v11  }
0x748: {  	v9 =	vadd.s32 v6, v9;
	_ =	sdelay $0x3  }
0x749: {  	[tilespmem:$0x10840] =	vst v10  }
0x74a: {  	[tilespmem:v9+s22+$0x0] =	vst.idx.msk $0xffff, v0  }
0x74b: {  	v9 =	vld [tilespmem:$0x550];
	_ =	sdelay $0x4  }
0x74c: {  	v9 =	vadd.f32 $1.000000000e+00, v9;
	_ =	sdelay $0x1  }
0x74d: {  	v9 =	vmul.f32 $1.280000000e+02, v9;
	_ =	sdelay $0x1  }
0x74e: {  	v9 =	vtrunc.f32 v9  }
0x74f: {  	v9 =	vcvt.f32.s32 v9;
	_ =	sdelay $0x1  }
0x750: {  	vm14 =	vlt.s32 v9, $0xFF  }
0x751: {  	v10 =	vnsel vm14, $0xFF, v9  }
0x752: {  	v11 =	vshll.u32 v10, $0x3  }
0x753: {  	v21 =	vand.u32 $0x7F, v10;
	v11 =	vand.u32 $0xFFFFFC00, v11  }
0x754: {  	v11 =	vor.u32 v21, v11  }
0x755: {  	v11 =	vadd.s32 v6, v11;
	_ =	sdelay $0x2  }
0x756: {  	vm15 =	vlt.s32 v9, $0x100  }
0x757: {  	v9 =	vsel vm15, $0x3F800000, v0  }
0x758: {  	[tilespmem:v11+s22+$0x0] =	vst.idx.msk $0xffff, v9  }
0x759: {  	v9 =	vld [tilespmem:$0x10860];
	_ =	sdelay $0x4  }
0x75a: {  	v11 =	vshll.u32 v9, $0x3  }
0x75b: {  	v9 =	vand.u32 $0x7F, v9;
	v11 =	vand.u32 $0xFFFFFC00, v11  }
0x75c: {  	v9 =	vor.u32 v9, v11  }
0x75d: {  	v9 =	vadd.s32 v7, v9;
	_ =	sdelay $0x3  }
0x75e: {  	[tilespmem:$0x10850] =	vst v10  }
0x75f: {  	[tilespmem:v9+s22+$0x0] =	vst.idx.msk $0xffff, v0  }
0x760: {  	v9 =	vld [tilespmem:$0x560];
	_ =	sdelay $0x4  }
0x761: {  	v9 =	vadd.f32 $1.000000000e+00, v9;
	_ =	sdelay $0x1  }
0x762: {  	v9 =	vmul.f32 $1.280000000e+02, v9;
	_ =	sdelay $0x1  }
0x763: {  	v9 =	vtrunc.f32 v9  }
0x764: {  	v9 =	vcvt.f32.s32 v9;
	_ =	sdelay $0x1  }
0x765: {  	vm4 =	vlt.s32 v9, $0xFF  }
0x766: {  	v10 =	vnsel vm4, $0xFF, v9  }
0x767: {  	v11 =	vshll.u32 v10, $0x3  }
0x768: {  	v22 =	vand.u32 $0x7F, v10;
	v11 =	vand.u32 $0xFFFFFC00, v11  }
0x769: {  	v11 =	vor.u32 v22, v11  }
0x76a: {  	v11 =	vadd.s32 v7, v11;
	_ =	sdelay $0x2  }
0x76b: {  	vm5 =	vlt.s32 v9, $0x100  }
0x76c: {  	v9 =	vsel vm5, $0x3F800000, v0  }
0x76d: {  	[tilespmem:v11+s22+$0x0] =	vst.idx.msk $0xffff, v9  }
0x76e: {  	v9 =	vld [tilespmem:$0x10870];
	_ =	sdelay $0x4  }
0x76f: {  	v11 =	vshll.u32 v9, $0x3  }
0x770: {  	v9 =	vand.u32 $0x7F, v9;
	v11 =	vand.u32 $0xFFFFFC00, v11  }
0x771: {  	v9 =	vor.u32 v9, v11  }
0x772: {  	v9 =	vadd.s32 v8, v9;
	_ =	sdelay $0x3  }
0x773: {  	[tilespmem:$0x10860] =	vst v10  }
0x774: {  	[tilespmem:v9+s22+$0x0] =	vst.idx.msk $0xffff, v0  }
0x775: {  	v9 =	vld [tilespmem:$0x570];
	_ =	sdelay $0x4  }
0x776: {  	v9 =	vadd.f32 $1.000000000e+00, v9;
	_ =	sdelay $0x1  }
0x777: {  	v9 =	vmul.f32 $1.280000000e+02, v9;
	_ =	sdelay $0x1  }
0x778: {  	v9 =	vtrunc.f32 v9  }
0x779: {  	v9 =	vcvt.f32.s32 v9;
	_ =	sdelay $0x1  }
0x77a: {  	vm6 =	vlt.s32 v9, $0xFF  }
0x77b: {  	v10 =	vnsel vm6, $0xFF, v9  }
0x77c: {  	v11 =	vshll.u32 v10, $0x3  }
0x77d: {  	v23 =	vand.u32 $0x7F, v10;
	v11 =	vand.u32 $0xFFFFFC00, v11  }
0x77e: {  	v11 =	vor.u32 v23, v11  }
0x77f: {  	v11 =	vadd.s32 v8, v11;
	_ =	sdelay $0x2  }
0x780: {  	vm7 =	vlt.s32 v9, $0x100  }
0x781: {  	v9 =	vsel vm7, $0x3F800000, v0  }
0x782: {  	[tilespmem:v11+s22+$0x0] =	vst.idx.msk $0xffff, v9  }
0x783: {  	[tilespmem:$0x10870] =	vst v10  }
0x784: {  	[hbm4b:s14+s2] =	stream.linear.scatter [tilespmem:s22], [sflag:$0x1], $0x8000, $0x38;
	[tilespmem:$0x10900] =	vst v63  }
0x785: {  	_ =	swait.ge [sflag:s25], $0x8000  }
0x786: {  	[sflag:s25] =	ssyncset.done $0x0  }
0x787: {  	[sflag:s25] =	ssyncadd.s32 $0xFFFF8000  }
0x788: {  	v9 =	vld [tilespmem:$0x10880];
	_ =	sdelay $0x4  }
0x789: {  	v10 =	vshll.u32 v9, $0x3  }
0x78a: {  	v9 =	vand.u32 $0x7F, v9;
	v10 =	vand.u32 $0xFFFFFC00, v10  }
0x78b: {  	v9 =	vor.u32 v9, v10  }
0x78c: {  	v9 =	vadd.s32 v1, v9;
	_ =	sdelay $0x4  }
0x78d: {  	[tilespmem:v9+s23+$0x0] =	vst.idx.msk $0xffff, v0  }
0x78e: {  	v9 =	vld [tilespmem:$0x580];
	_ =	sdelay $0x4  }
0x78f: {  	v9 =	vadd.f32 $1.000000000e+00, v9;
	_ =	sdelay $0x1  }
0x790: {  	v9 =	vmul.f32 $1.280000000e+02, v9;
	_ =	sdelay $0x1  }
0x791: {  	v9 =	vtrunc.f32 v9  }
0x792: {  	v9 =	vcvt.f32.s32 v9;
	_ =	sdelay $0x1  }
0x793: {  	vm8 =	vlt.s32 v9, $0xFF  }
0x794: {  	v10 =	vnsel vm8, $0xFF, v9  }
0x795: {  	v11 =	vshll.u32 v10, $0x3  }
0x796: {  	v24 =	vand.u32 $0x7F, v10;
	v11 =	vand.u32 $0xFFFFFC00, v11  }
0x797: {  	v11 =	vor.u32 v24, v11  }
0x798: {  	v11 =	vadd.s32 v1, v11;
	_ =	sdelay $0x2  }
0x799: {  	vm9 =	vlt.s32 v9, $0x100  }
0x79a: {  	v9 =	vsel vm9, $0x3F800000, v0  }
0x79b: {  	[tilespmem:v11+s23+$0x0] =	vst.idx.msk $0xffff, v9  }
0x79c: {  	v9 =	vld [tilespmem:$0x10890];
	_ =	sdelay $0x4  }
0x79d: {  	v11 =	vshll.u32 v9, $0x3  }
0x79e: {  	v9 =	vand.u32 $0x7F, v9;
	v11 =	vand.u32 $0xFFFFFC00, v11  }
0x79f: {  	v9 =	vor.u32 v9, v11  }
0x7a0: {  	v9 =	vadd.s32 v2, v9;
	_ =	sdelay $0x3  }
0x7a1: {  	[tilespmem:$0x10880] =	vst v10  }
0x7a2: {  	[tilespmem:v9+s23+$0x0] =	vst.idx.msk $0xffff, v0  }
0x7a3: {  	v9 =	vld [tilespmem:$0x590];
	_ =	sdelay $0x4  }
0x7a4: {  	v9 =	vadd.f32 $1.000000000e+00, v9;
	_ =	sdelay $0x1  }
0x7a5: {  	v9 =	vmul.f32 $1.280000000e+02, v9;
	_ =	sdelay $0x1  }
0x7a6: {  	v9 =	vtrunc.f32 v9  }
0x7a7: {  	v9 =	vcvt.f32.s32 v9;
	_ =	sdelay $0x1  }
0x7a8: {  	vm10 =	vlt.s32 v9, $0xFF  }
0x7a9: {  	v10 =	vnsel vm10, $0xFF, v9  }
0x7aa: {  	v11 =	vshll.u32 v10, $0x3  }
0x7ab: {  	v25 =	vand.u32 $0x7F, v10;
	v11 =	vand.u32 $0xFFFFFC00, v11  }
0x7ac: {  	v11 =	vor.u32 v25, v11  }
0x7ad: {  	v11 =	vadd.s32 v2, v11;
	_ =	sdelay $0x2  }
0x7ae: {  	vm11 =	vlt.s32 v9, $0x100  }
0x7af: {  	v9 =	vsel vm11, $0x3F800000, v0  }
0x7b0: {  	[tilespmem:v11+s23+$0x0] =	vst.idx.msk $0xffff, v9  }
0x7b1: {  	v9 =	vld [tilespmem:$0x108A0];
	_ =	sdelay $0x4  }
0x7b2: {  	v11 =	vshll.u32 v9, $0x3  }
0x7b3: {  	v9 =	vand.u32 $0x7F, v9;
	v11 =	vand.u32 $0xFFFFFC00, v11  }
0x7b4: {  	v9 =	vor.u32 v9, v11  }
0x7b5: {  	v9 =	vadd.s32 v3, v9;
	_ =	sdelay $0x3  }
0x7b6: {  	[tilespmem:$0x10890] =	vst v10  }
0x7b7: {  	[tilespmem:v9+s23+$0x0] =	vst.idx.msk $0xffff, v0  }
0x7b8: {  	v9 =	vld [tilespmem:$0x5A0];
	_ =	sdelay $0x4  }
0x7b9: {  	v9 =	vadd.f32 $1.000000000e+00, v9;
	_ =	sdelay $0x1  }
0x7ba: {  	v9 =	vmul.f32 $1.280000000e+02, v9;
	_ =	sdelay $0x1  }
0x7bb: {  	v9 =	vtrunc.f32 v9  }
0x7bc: {  	v9 =	vcvt.f32.s32 v9;
	_ =	sdelay $0x1  }
0x7bd: {  	vm12 =	vlt.s32 v9, $0xFF  }
0x7be: {  	v10 =	vnsel vm12, $0xFF, v9  }
0x7bf: {  	v11 =	vshll.u32 v10, $0x3  }
0x7c0: {  	v26 =	vand.u32 $0x7F, v10;
	v11 =	vand.u32 $0xFFFFFC00, v11  }
0x7c1: {  	v11 =	vor.u32 v26, v11  }
0x7c2: {  	v11 =	vadd.s32 v3, v11;
	_ =	sdelay $0x2  }
0x7c3: {  	vm13 =	vlt.s32 v9, $0x100  }
0x7c4: {  	v9 =	vsel vm13, $0x3F800000, v0  }
0x7c5: {  	[tilespmem:v11+s23+$0x0] =	vst.idx.msk $0xffff, v9  }
0x7c6: {  	v9 =	vld [tilespmem:$0x108B0];
	_ =	sdelay $0x4  }
0x7c7: {  	v11 =	vshll.u32 v9, $0x3  }
0x7c8: {  	v9 =	vand.u32 $0x7F, v9;
	v11 =	vand.u32 $0xFFFFFC00, v11  }
0x7c9: {  	v9 =	vor.u32 v9, v11  }
0x7ca: {  	v9 =	vadd.s32 v4, v9;
	_ =	sdelay $0x3  }
0x7cb: {  	[tilespmem:$0x108A0] =	vst v10  }
0x7cc: {  	[tilespmem:v9+s23+$0x0] =	vst.idx.msk $0xffff, v0  }
0x7cd: {  	v9 =	vld [tilespmem:$0x5B0];
	_ =	sdelay $0x4  }
0x7ce: {  	v9 =	vadd.f32 $1.000000000e+00, v9;
	_ =	sdelay $0x1  }
0x7cf: {  	v9 =	vmul.f32 $1.280000000e+02, v9;
	_ =	sdelay $0x1  }
0x7d0: {  	v9 =	vtrunc.f32 v9  }
0x7d1: {  	v9 =	vcvt.f32.s32 v9;
	_ =	sdelay $0x1  }
0x7d2: {  	vm14 =	vlt.s32 v9, $0xFF  }
0x7d3: {  	v10 =	vnsel vm14, $0xFF, v9  }
0x7d4: {  	v11 =	vshll.u32 v10, $0x3  }
0x7d5: {  	v27 =	vand.u32 $0x7F, v10;
	v11 =	vand.u32 $0xFFFFFC00, v11  }
0x7d6: {  	v11 =	vor.u32 v27, v11  }
0x7d7: {  	v11 =	vadd.s32 v4, v11;
	_ =	sdelay $0x2  }
0x7d8: {  	vm15 =	vlt.s32 v9, $0x100  }
0x7d9: {  	v9 =	vsel vm15, $0x3F800000, v0  }
0x7da: {  	[tilespmem:v11+s23+$0x0] =	vst.idx.msk $0xffff, v9  }
0x7db: {  	v9 =	vld [tilespmem:$0x108C0];
	_ =	sdelay $0x4  }
0x7dc: {  	v11 =	vshll.u32 v9, $0x3  }
0x7dd: {  	v9 =	vand.u32 $0x7F, v9;
	v11 =	vand.u32 $0xFFFFFC00, v11  }
0x7de: {  	v9 =	vor.u32 v9, v11  }
0x7df: {  	v9 =	vadd.s32 v5, v9;
	_ =	sdelay $0x3  }
0x7e0: {  	[tilespmem:$0x108B0] =	vst v10  }
0x7e1: {  	[tilespmem:v9+s23+$0x0] =	vst.idx.msk $0xffff, v0  }
0x7e2: {  	v9 =	vld [tilespmem:$0x5C0];
	_ =	sdelay $0x4  }
0x7e3: {  	v9 =	vadd.f32 $1.000000000e+00, v9;
	_ =	sdelay $0x1  }
0x7e4: {  	v9 =	vmul.f32 $1.280000000e+02, v9;
	_ =	sdelay $0x1  }
0x7e5: {  	v9 =	vtrunc.f32 v9  }
0x7e6: {  	v9 =	vcvt.f32.s32 v9;
	_ =	sdelay $0x1  }
0x7e7: {  	vm4 =	vlt.s32 v9, $0xFF  }
0x7e8: {  	v10 =	vnsel vm4, $0xFF, v9  }
0x7e9: {  	v11 =	vshll.u32 v10, $0x3  }
0x7ea: {  	v28 =	vand.u32 $0x7F, v10;
	v11 =	vand.u32 $0xFFFFFC00, v11  }
0x7eb: {  	v11 =	vor.u32 v28, v11  }
0x7ec: {  	v11 =	vadd.s32 v5, v11;
	_ =	sdelay $0x2  }
0x7ed: {  	vm5 =	vlt.s32 v9, $0x100  }
0x7ee: {  	v9 =	vsel vm5, $0x3F800000, v0  }
0x7ef: {  	[tilespmem:v11+s23+$0x0] =	vst.idx.msk $0xffff, v9  }
0x7f0: {  	v9 =	vld [tilespmem:$0x108D0];
	_ =	sdelay $0x4  }
0x7f1: {  	v11 =	vshll.u32 v9, $0x3  }
0x7f2: {  	v9 =	vand.u32 $0x7F, v9;
	v11 =	vand.u32 $0xFFFFFC00, v11  }
0x7f3: {  	v9 =	vor.u32 v9, v11  }
0x7f4: {  	v9 =	vadd.s32 v6, v9;
	_ =	sdelay $0x3  }
0x7f5: {  	[tilespmem:$0x108C0] =	vst v10  }
0x7f6: {  	[tilespmem:v9+s23+$0x0] =	vst.idx.msk $0xffff, v0  }
0x7f7: {  	v9 =	vld [tilespmem:$0x5D0];
	_ =	sdelay $0x4  }
0x7f8: {  	v9 =	vadd.f32 $1.000000000e+00, v9;
	_ =	sdelay $0x1  }
0x7f9: {  	v9 =	vmul.f32 $1.280000000e+02, v9;
	_ =	sdelay $0x1  }
0x7fa: {  	v9 =	vtrunc.f32 v9  }
0x7fb: {  	v9 =	vcvt.f32.s32 v9;
	_ =	sdelay $0x1  }
0x7fc: {  	vm6 =	vlt.s32 v9, $0xFF  }
0x7fd: {  	v10 =	vnsel vm6, $0xFF, v9  }
0x7fe: {  	v11 =	vshll.u32 v10, $0x3  }
0x7ff: {  	v29 =	vand.u32 $0x7F, v10;
	v11 =	vand.u32 $0xFFFFFC00, v11  }
0x800: {  	v11 =	vor.u32 v29, v11  }
0x801: {  	v11 =	vadd.s32 v6, v11;
	_ =	sdelay $0x2  }
0x802: {  	vm7 =	vlt.s32 v9, $0x100  }
0x803: {  	v9 =	vsel vm7, $0x3F800000, v0  }
0x804: {  	[tilespmem:v11+s23+$0x0] =	vst.idx.msk $0xffff, v9  }
0x805: {  	v9 =	vld [tilespmem:$0x108E0];
	_ =	sdelay $0x4  }
0x806: {  	v11 =	vshll.u32 v9, $0x3  }
0x807: {  	v9 =	vand.u32 $0x7F, v9;
	v11 =	vand.u32 $0xFFFFFC00, v11  }
0x808: {  	v9 =	vor.u32 v9, v11  }
0x809: {  	v9 =	vadd.s32 v7, v9;
	_ =	sdelay $0x3  }
0x80a: {  	[tilespmem:$0x108D0] =	vst v10  }
0x80b: {  	[tilespmem:v9+s23+$0x0] =	vst.idx.msk $0xffff, v0  }
0x80c: {  	v9 =	vld [tilespmem:$0x5E0];
	_ =	sdelay $0x4  }
0x80d: {  	v9 =	vadd.f32 $1.000000000e+00, v9;
	_ =	sdelay $0x1  }
0x80e: {  	v9 =	vmul.f32 $1.280000000e+02, v9;
	_ =	sdelay $0x1  }
0x80f: {  	v9 =	vtrunc.f32 v9  }
0x810: {  	v9 =	vcvt.f32.s32 v9;
	_ =	sdelay $0x1  }
0x811: {  	vm8 =	vlt.s32 v9, $0xFF  }
0x812: {  	v10 =	vnsel vm8, $0xFF, v9  }
0x813: {  	v11 =	vshll.u32 v10, $0x3  }
0x814: {  	v30 =	vand.u32 $0x7F, v10;
	v11 =	vand.u32 $0xFFFFFC00, v11  }
0x815: {  	v11 =	vor.u32 v30, v11  }
0x816: {  	v11 =	vadd.s32 v7, v11;
	_ =	sdelay $0x2  }
0x817: {  	vm9 =	vlt.s32 v9, $0x100  }
0x818: {  	v9 =	vsel vm9, $0x3F800000, v0  }
0x819: {  	[tilespmem:v11+s23+$0x0] =	vst.idx.msk $0xffff, v9  }
0x81a: {  	v9 =	vld [tilespmem:$0x108F0];
	_ =	sdelay $0x4  }
0x81b: {  	v11 =	vshll.u32 v9, $0x3  }
0x81c: {  	v9 =	vand.u32 $0x7F, v9;
	v11 =	vand.u32 $0xFFFFFC00, v11  }
0x81d: {  	v9 =	vor.u32 v9, v11  }
0x81e: {  	v9 =	vadd.s32 v8, v9;
	_ =	sdelay $0x3  }
0x81f: {  	[tilespmem:$0x108E0] =	vst v10  }
0x820: {  	[tilespmem:v9+s23+$0x0] =	vst.idx.msk $0xffff, v0  }
0x821: {  	v9 =	vld [tilespmem:$0x5F0];
	_ =	sdelay $0x4  }
0x822: {  	v9 =	vadd.f32 $1.000000000e+00, v9;
	_ =	sdelay $0x1  }
0x823: {  	v9 =	vmul.f32 $1.280000000e+02, v9;
	_ =	sdelay $0x1  }
0x824: {  	v9 =	vtrunc.f32 v9  }
0x825: {  	v9 =	vcvt.f32.s32 v9;
	_ =	sdelay $0x1  }
0x826: {  	vm10 =	vlt.s32 v9, $0xFF  }
0x827: {  	v10 =	vnsel vm10, $0xFF, v9  }
0x828: {  	v11 =	vshll.u32 v10, $0x3  }
0x829: {  	v31 =	vand.u32 $0x7F, v10;
	v11 =	vand.u32 $0xFFFFFC00, v11  }
0x82a: {  	v11 =	vor.u32 v31, v11  }
0x82b: {  	v11 =	vadd.s32 v8, v11;
	_ =	sdelay $0x2  }
0x82c: {  	vm11 =	vlt.s32 v9, $0x100  }
0x82d: {  	v9 =	vsel vm11, $0x3F800000, v0  }
0x82e: {  	[tilespmem:v11+s23+$0x0] =	vst.idx.msk $0xffff, v9  }
0x82f: {  	[tilespmem:$0x108F0] =	vst v10  }
0x830: {  	[hbm4b:s15+s2] =	stream.linear.scatter [tilespmem:s23], [sflag:$0x2], $0x8000, $0x38;
	[tilespmem:$0x10900] =	vst v63  }
0x831: {  	_ =	swait.ge [sflag:s24], $0x8000  }
0x832: {  	[sflag:s24] =	ssyncset.done $0x0  }
0x833: {  	[sflag:s24] =	ssyncadd.s32 $0xFFFF8000  }
0x834: {  	v9 =	vld [tilespmem:$0x10800];
	_ =	sdelay $0x4  }
0x835: {  	v10 =	vshll.u32 v9, $0x3  }
0x836: {  	v9 =	vand.u32 $0x7F, v9;
	v10 =	vand.u32 $0xFFFFFC00, v10  }
0x837: {  	v9 =	vor.u32 v9, v10  }
0x838: {  	v9 =	vadd.s32 v1, v9;
	_ =	sdelay $0x4  }
0x839: {  	[tilespmem:v9+s22+$0x0] =	vst.idx.msk $0xffff, v0  }
0x83a: {  	v9 =	vld [tilespmem:$0x600];
	_ =	sdelay $0x4  }
0x83b: {  	v9 =	vadd.f32 $1.000000000e+00, v9;
	_ =	sdelay $0x1  }
0x83c: {  	v9 =	vmul.f32 $1.280000000e+02, v9;
	_ =	sdelay $0x1  }
0x83d: {  	v9 =	vtrunc.f32 v9  }
0x83e: {  	v9 =	vcvt.f32.s32 v9;
	_ =	sdelay $0x1  }
0x83f: {  	vm12 =	vlt.s32 v9, $0xFF  }
0x840: {  	v10 =	vnsel vm12, $0xFF, v9  }
0x841: {  	v11 =	vshll.u32 v10, $0x3  }
0x842: {  	v32 =	vand.u32 $0x7F, v10;
	v11 =	vand.u32 $0xFFFFFC00, v11  }
0x843: {  	v11 =	vor.u32 v32, v11  }
0x844: {  	v11 =	vadd.s32 v1, v11;
	_ =	sdelay $0x2  }
0x845: {  	vm13 =	vlt.s32 v9, $0x100  }
0x846: {  	v9 =	vsel vm13, $0x3F800000, v0  }
0x847: {  	[tilespmem:v11+s22+$0x0] =	vst.idx.msk $0xffff, v9  }
0x848: {  	v9 =	vld [tilespmem:$0x10810];
	_ =	sdelay $0x4  }
0x849: {  	v11 =	vshll.u32 v9, $0x3  }
0x84a: {  	v9 =	vand.u32 $0x7F, v9;
	v11 =	vand.u32 $0xFFFFFC00, v11  }
0x84b: {  	v9 =	vor.u32 v9, v11  }
0x84c: {  	v9 =	vadd.s32 v2, v9;
	_ =	sdelay $0x3  }
0x84d: {  	[tilespmem:$0x10800] =	vst v10  }
0x84e: {  	[tilespmem:v9+s22+$0x0] =	vst.idx.msk $0xffff, v0  }
0x84f: {  	v9 =	vld [tilespmem:$0x610];
	_ =	sdelay $0x4  }
0x850: {  	v9 =	vadd.f32 $1.000000000e+00, v9;
	_ =	sdelay $0x1  }
0x851: {  	v9 =	vmul.f32 $1.280000000e+02, v9;
	_ =	sdelay $0x1  }
0x852: {  	v9 =	vtrunc.f32 v9  }
0x853: {  	v9 =	vcvt.f32.s32 v9;
	_ =	sdelay $0x1  }
0x854: {  	vm14 =	vlt.s32 v9, $0xFF  }
0x855: {  	v10 =	vnsel vm14, $0xFF, v9  }
0x856: {  	v11 =	vshll.u32 v10, $0x3  }
0x857: {  	v33 =	vand.u32 $0x7F, v10;
	v11 =	vand.u32 $0xFFFFFC00, v11  }
0x858: {  	v11 =	vor.u32 v33, v11  }
0x859: {  	v11 =	vadd.s32 v2, v11;
	_ =	sdelay $0x2  }
0x85a: {  	vm15 =	vlt.s32 v9, $0x100  }
0x85b: {  	v9 =	vsel vm15, $0x3F800000, v0  }
0x85c: {  	[tilespmem:v11+s22+$0x0] =	vst.idx.msk $0xffff, v9  }
0x85d: {  	v9 =	vld [tilespmem:$0x10820];
	_ =	sdelay $0x4  }
0x85e: {  	v11 =	vshll.u32 v9, $0x3  }
0x85f: {  	v9 =	vand.u32 $0x7F, v9;
	v11 =	vand.u32 $0xFFFFFC00, v11  }
0x860: {  	v9 =	vor.u32 v9, v11  }
0x861: {  	v9 =	vadd.s32 v3, v9;
	_ =	sdelay $0x3  }
0x862: {  	[tilespmem:$0x10810] =	vst v10  }
0x863: {  	[tilespmem:v9+s22+$0x0] =	vst.idx.msk $0xffff, v0  }
0x864: {  	v9 =	vld [tilespmem:$0x620];
	_ =	sdelay $0x4  }
0x865: {  	v9 =	vadd.f32 $1.000000000e+00, v9;
	_ =	sdelay $0x1  }
0x866: {  	v9 =	vmul.f32 $1.280000000e+02, v9;
	_ =	sdelay $0x1  }
0x867: {  	v9 =	vtrunc.f32 v9  }
0x868: {  	v9 =	vcvt.f32.s32 v9;
	_ =	sdelay $0x1  }
0x869: {  	vm4 =	vlt.s32 v9, $0xFF  }
0x86a: {  	v10 =	vnsel vm4, $0xFF, v9  }
0x86b: {  	v11 =	vshll.u32 v10, $0x3  }
0x86c: {  	v34 =	vand.u32 $0x7F, v10;
	v11 =	vand.u32 $0xFFFFFC00, v11  }
0x86d: {  	v11 =	vor.u32 v34, v11  }
0x86e: {  	v11 =	vadd.s32 v3, v11;
	_ =	sdelay $0x2  }
0x86f: {  	vm5 =	vlt.s32 v9, $0x100  }
0x870: {  	v9 =	vsel vm5, $0x3F800000, v0  }
0x871: {  	[tilespmem:v11+s22+$0x0] =	vst.idx.msk $0xffff, v9  }
0x872: {  	v9 =	vld [tilespmem:$0x10830];
	_ =	sdelay $0x4  }
0x873: {  	v11 =	vshll.u32 v9, $0x3  }
0x874: {  	v9 =	vand.u32 $0x7F, v9;
	v11 =	vand.u32 $0xFFFFFC00, v11  }
0x875: {  	v9 =	vor.u32 v9, v11  }
0x876: {  	v9 =	vadd.s32 v4, v9;
	_ =	sdelay $0x3  }
0x877: {  	[tilespmem:$0x10820] =	vst v10  }
0x878: {  	[tilespmem:v9+s22+$0x0] =	vst.idx.msk $0xffff, v0  }
0x879: {  	v9 =	vld [tilespmem:$0x630];
	_ =	sdelay $0x4  }
0x87a: {  	v9 =	vadd.f32 $1.000000000e+00, v9;
	_ =	sdelay $0x1  }
0x87b: {  	v9 =	vmul.f32 $1.280000000e+02, v9;
	_ =	sdelay $0x1  }
0x87c: {  	v9 =	vtrunc.f32 v9  }
0x87d: {  	v9 =	vcvt.f32.s32 v9;
	_ =	sdelay $0x1  }
0x87e: {  	vm6 =	vlt.s32 v9, $0xFF  }
0x87f: {  	v10 =	vnsel vm6, $0xFF, v9  }
0x880: {  	v11 =	vshll.u32 v10, $0x3  }
0x881: {  	v35 =	vand.u32 $0x7F, v10;
	v11 =	vand.u32 $0xFFFFFC00, v11  }
0x882: {  	v11 =	vor.u32 v35, v11  }
0x883: {  	v11 =	vadd.s32 v4, v11;
	_ =	sdelay $0x2  }
0x884: {  	vm7 =	vlt.s32 v9, $0x100  }
0x885: {  	v9 =	vsel vm7, $0x3F800000, v0  }
0x886: {  	[tilespmem:v11+s22+$0x0] =	vst.idx.msk $0xffff, v9  }
0x887: {  	v9 =	vld [tilespmem:$0x10840];
	_ =	sdelay $0x4  }
0x888: {  	v11 =	vshll.u32 v9, $0x3  }
0x889: {  	v9 =	vand.u32 $0x7F, v9;
	v11 =	vand.u32 $0xFFFFFC00, v11  }
0x88a: {  	v9 =	vor.u32 v9, v11  }
0x88b: {  	v9 =	vadd.s32 v5, v9;
	_ =	sdelay $0x3  }
0x88c: {  	[tilespmem:$0x10830] =	vst v10  }
0x88d: {  	[tilespmem:v9+s22+$0x0] =	vst.idx.msk $0xffff, v0  }
0x88e: {  	v9 =	vld [tilespmem:$0x640];
	_ =	sdelay $0x4  }
0x88f: {  	v9 =	vadd.f32 $1.000000000e+00, v9;
	_ =	sdelay $0x1  }
0x890: {  	v9 =	vmul.f32 $1.280000000e+02, v9;
	_ =	sdelay $0x1  }
0x891: {  	v9 =	vtrunc.f32 v9  }
0x892: {  	v9 =	vcvt.f32.s32 v9;
	_ =	sdelay $0x1  }
0x893: {  	vm8 =	vlt.s32 v9, $0xFF  }
0x894: {  	v10 =	vnsel vm8, $0xFF, v9  }
0x895: {  	v11 =	vshll.u32 v10, $0x3  }
0x896: {  	v36 =	vand.u32 $0x7F, v10;
	v11 =	vand.u32 $0xFFFFFC00, v11  }
0x897: {  	v11 =	vor.u32 v36, v11  }
0x898: {  	v11 =	vadd.s32 v5, v11;
	_ =	sdelay $0x2  }
0x899: {  	vm9 =	vlt.s32 v9, $0x100  }
0x89a: {  	v9 =	vsel vm9, $0x3F800000, v0  }
0x89b: {  	[tilespmem:v11+s22+$0x0] =	vst.idx.msk $0xffff, v9  }
0x89c: {  	v9 =	vld [tilespmem:$0x10850];
	_ =	sdelay $0x4  }
0x89d: {  	v11 =	vshll.u32 v9, $0x3  }
0x89e: {  	v9 =	vand.u32 $0x7F, v9;
	v11 =	vand.u32 $0xFFFFFC00, v11  }
0x89f: {  	v9 =	vor.u32 v9, v11  }
0x8a0: {  	v9 =	vadd.s32 v6, v9;
	_ =	sdelay $0x3  }
0x8a1: {  	[tilespmem:$0x10840] =	vst v10  }
0x8a2: {  	[tilespmem:v9+s22+$0x0] =	vst.idx.msk $0xffff, v0  }
0x8a3: {  	v9 =	vld [tilespmem:$0x650];
	_ =	sdelay $0x4  }
0x8a4: {  	v9 =	vadd.f32 $1.000000000e+00, v9;
	_ =	sdelay $0x1  }
0x8a5: {  	v9 =	vmul.f32 $1.280000000e+02, v9;
	_ =	sdelay $0x1  }
0x8a6: {  	v9 =	vtrunc.f32 v9  }
0x8a7: {  	v9 =	vcvt.f32.s32 v9;
	_ =	sdelay $0x1  }
0x8a8: {  	vm10 =	vlt.s32 v9, $0xFF  }
0x8a9: {  	v10 =	vnsel vm10, $0xFF, v9  }
0x8aa: {  	v11 =	vshll.u32 v10, $0x3  }
0x8ab: {  	v37 =	vand.u32 $0x7F, v10;
	v11 =	vand.u32 $0xFFFFFC00, v11  }
0x8ac: {  	v11 =	vor.u32 v37, v11  }
0x8ad: {  	v11 =	vadd.s32 v6, v11;
	_ =	sdelay $0x2  }
0x8ae: {  	vm11 =	vlt.s32 v9, $0x100  }
0x8af: {  	v9 =	vsel vm11, $0x3F800000, v0  }
0x8b0: {  	[tilespmem:v11+s22+$0x0] =	vst.idx.msk $0xffff, v9  }
0x8b1: {  	v9 =	vld [tilespmem:$0x10860];
	_ =	sdelay $0x4  }
0x8b2: {  	v11 =	vshll.u32 v9, $0x3  }
0x8b3: {  	v9 =	vand.u32 $0x7F, v9;
	v11 =	vand.u32 $0xFFFFFC00, v11  }
0x8b4: {  	v9 =	vor.u32 v9, v11  }
0x8b5: {  	v9 =	vadd.s32 v7, v9;
	_ =	sdelay $0x3  }
0x8b6: {  	[tilespmem:$0x10850] =	vst v10  }
0x8b7: {  	[tilespmem:v9+s22+$0x0] =	vst.idx.msk $0xffff, v0  }
0x8b8: {  	v9 =	vld [tilespmem:$0x660];
	_ =	sdelay $0x4  }
0x8b9: {  	v9 =	vadd.f32 $1.000000000e+00, v9;
	_ =	sdelay $0x1  }
0x8ba: {  	v9 =	vmul.f32 $1.280000000e+02, v9;
	_ =	sdelay $0x1  }
0x8bb: {  	v9 =	vtrunc.f32 v9  }
0x8bc: {  	v9 =	vcvt.f32.s32 v9;
	_ =	sdelay $0x1  }
0x8bd: {  	vm12 =	vlt.s32 v9, $0xFF  }
0x8be: {  	v10 =	vnsel vm12, $0xFF, v9  }
0x8bf: {  	v11 =	vshll.u32 v10, $0x3  }
0x8c0: {  	v38 =	vand.u32 $0x7F, v10;
	v11 =	vand.u32 $0xFFFFFC00, v11  }
0x8c1: {  	v11 =	vor.u32 v38, v11  }
0x8c2: {  	v11 =	vadd.s32 v7, v11;
	_ =	sdelay $0x2  }
0x8c3: {  	vm13 =	vlt.s32 v9, $0x100  }
0x8c4: {  	v9 =	vsel vm13, $0x3F800000, v0  }
0x8c5: {  	[tilespmem:v11+s22+$0x0] =	vst.idx.msk $0xffff, v9  }
0x8c6: {  	v9 =	vld [tilespmem:$0x10870];
	_ =	sdelay $0x4  }
0x8c7: {  	v11 =	vshll.u32 v9, $0x3  }
0x8c8: {  	v9 =	vand.u32 $0x7F, v9;
	v11 =	vand.u32 $0xFFFFFC00, v11  }
0x8c9: {  	v9 =	vor.u32 v9, v11  }
0x8ca: {  	v9 =	vadd.s32 v8, v9;
	_ =	sdelay $0x3  }
0x8cb: {  	[tilespmem:$0x10860] =	vst v10  }
0x8cc: {  	[tilespmem:v9+s22+$0x0] =	vst.idx.msk $0xffff, v0  }
0x8cd: {  	v9 =	vld [tilespmem:$0x670];
	_ =	sdelay $0x4  }
0x8ce: {  	v9 =	vadd.f32 $1.000000000e+00, v9;
	_ =	sdelay $0x1  }
0x8cf: {  	v9 =	vmul.f32 $1.280000000e+02, v9;
	_ =	sdelay $0x1  }
0x8d0: {  	v9 =	vtrunc.f32 v9  }
0x8d1: {  	v9 =	vcvt.f32.s32 v9;
	_ =	sdelay $0x1  }
0x8d2: {  	vm14 =	vlt.s32 v9, $0xFF  }
0x8d3: {  	v10 =	vnsel vm14, $0xFF, v9  }
0x8d4: {  	v11 =	vshll.u32 v10, $0x3  }
0x8d5: {  	v39 =	vand.u32 $0x7F, v10;
	v11 =	vand.u32 $0xFFFFFC00, v11  }
0x8d6: {  	v11 =	vor.u32 v39, v11  }
0x8d7: {  	v11 =	vadd.s32 v8, v11;
	_ =	sdelay $0x2  }
0x8d8: {  	vm15 =	vlt.s32 v9, $0x100  }
0x8d9: {  	v9 =	vsel vm15, $0x3F800000, v0  }
0x8da: {  	[tilespmem:v11+s22+$0x0] =	vst.idx.msk $0xffff, v9  }
0x8db: {  	[tilespmem:$0x10870] =	vst v10  }
0x8dc: {  	[hbm4b:s16+s2] =	stream.linear.scatter [tilespmem:s22], [sflag:$0x1], $0x8000, $0x38;
	[tilespmem:$0x10900] =	vst v63  }
0x8dd: {  	_ =	swait.ge [sflag:s25], $0x8000  }
0x8de: {  	[sflag:s25] =	ssyncset.done $0x0  }
0x8df: {  	[sflag:s25] =	ssyncadd.s32 $0xFFFF8000  }
0x8e0: {  	v9 =	vld [tilespmem:$0x10880];
	_ =	sdelay $0x4  }
0x8e1: {  	v10 =	vshll.u32 v9, $0x3  }
0x8e2: {  	v9 =	vand.u32 $0x7F, v9;
	v10 =	vand.u32 $0xFFFFFC00, v10  }
0x8e3: {  	v9 =	vor.u32 v9, v10  }
0x8e4: {  	v9 =	vadd.s32 v1, v9;
	_ =	sdelay $0x4  }
0x8e5: {  	[tilespmem:v9+s23+$0x0] =	vst.idx.msk $0xffff, v0  }
0x8e6: {  	v9 =	vld [tilespmem:$0x680];
	_ =	sdelay $0x4  }
0x8e7: {  	v9 =	vadd.f32 $1.000000000e+00, v9;
	_ =	sdelay $0x1  }
0x8e8: {  	v9 =	vmul.f32 $1.280000000e+02, v9;
	_ =	sdelay $0x1  }
0x8e9: {  	v9 =	vtrunc.f32 v9  }
0x8ea: {  	v9 =	vcvt.f32.s32 v9;
	_ =	sdelay $0x1  }
0x8eb: {  	vm4 =	vlt.s32 v9, $0xFF  }
0x8ec: {  	v10 =	vnsel vm4, $0xFF, v9  }
0x8ed: {  	v11 =	vshll.u32 v10, $0x3  }
0x8ee: {  	v40 =	vand.u32 $0x7F, v10;
	v11 =	vand.u32 $0xFFFFFC00, v11  }
0x8ef: {  	v11 =	vor.u32 v40, v11  }
0x8f0: {  	v11 =	vadd.s32 v1, v11;
	_ =	sdelay $0x2  }
0x8f1: {  	vm5 =	vlt.s32 v9, $0x100  }
0x8f2: {  	v9 =	vsel vm5, $0x3F800000, v0  }
0x8f3: {  	[tilespmem:v11+s23+$0x0] =	vst.idx.msk $0xffff, v9  }
0x8f4: {  	v9 =	vld [tilespmem:$0x10890];
	_ =	sdelay $0x4  }
0x8f5: {  	v11 =	vshll.u32 v9, $0x3  }
0x8f6: {  	v9 =	vand.u32 $0x7F, v9;
	v11 =	vand.u32 $0xFFFFFC00, v11  }
0x8f7: {  	v9 =	vor.u32 v9, v11  }
0x8f8: {  	v9 =	vadd.s32 v2, v9;
	_ =	sdelay $0x3  }
0x8f9: {  	[tilespmem:$0x10880] =	vst v10  }
0x8fa: {  	[tilespmem:v9+s23+$0x0] =	vst.idx.msk $0xffff, v0  }
0x8fb: {  	v9 =	vld [tilespmem:$0x690];
	_ =	sdelay $0x4  }
0x8fc: {  	v9 =	vadd.f32 $1.000000000e+00, v9;
	_ =	sdelay $0x1  }
0x8fd: {  	v9 =	vmul.f32 $1.280000000e+02, v9;
	_ =	sdelay $0x1  }
0x8fe: {  	v9 =	vtrunc.f32 v9  }
0x8ff: {  	v9 =	vcvt.f32.s32 v9;
	_ =	sdelay $0x1  }
0x900: {  	vm6 =	vlt.s32 v9, $0xFF  }
0x901: {  	v10 =	vnsel vm6, $0xFF, v9  }
0x902: {  	v11 =	vshll.u32 v10, $0x3  }
0x903: {  	v41 =	vand.u32 $0x7F, v10;
	v11 =	vand.u32 $0xFFFFFC00, v11  }
0x904: {  	v11 =	vor.u32 v41, v11  }
0x905: {  	v11 =	vadd.s32 v2, v11;
	_ =	sdelay $0x2  }
0x906: {  	vm7 =	vlt.s32 v9, $0x100  }
0x907: {  	v9 =	vsel vm7, $0x3F800000, v0  }
0x908: {  	[tilespmem:v11+s23+$0x0] =	vst.idx.msk $0xffff, v9  }
0x909: {  	v9 =	vld [tilespmem:$0x108A0];
	_ =	sdelay $0x4  }
0x90a: {  	v11 =	vshll.u32 v9, $0x3  }
0x90b: {  	v9 =	vand.u32 $0x7F, v9;
	v11 =	vand.u32 $0xFFFFFC00, v11  }
0x90c: {  	v9 =	vor.u32 v9, v11  }
0x90d: {  	v9 =	vadd.s32 v3, v9;
	_ =	sdelay $0x3  }
0x90e: {  	[tilespmem:$0x10890] =	vst v10  }
0x90f: {  	[tilespmem:v9+s23+$0x0] =	vst.idx.msk $0xffff, v0  }
0x910: {  	v9 =	vld [tilespmem:$0x6A0];
	_ =	sdelay $0x4  }
0x911: {  	v9 =	vadd.f32 $1.000000000e+00, v9;
	_ =	sdelay $0x1  }
0x912: {  	v9 =	vmul.f32 $1.280000000e+02, v9;
	_ =	sdelay $0x1  }
0x913: {  	v9 =	vtrunc.f32 v9  }
0x914: {  	v9 =	vcvt.f32.s32 v9;
	_ =	sdelay $0x1  }
0x915: {  	vm8 =	vlt.s32 v9, $0xFF  }
0x916: {  	v10 =	vnsel vm8, $0xFF, v9  }
0x917: {  	v11 =	vshll.u32 v10, $0x3  }
0x918: {  	v42 =	vand.u32 $0x7F, v10;
	v11 =	vand.u32 $0xFFFFFC00, v11  }
0x919: {  	v11 =	vor.u32 v42, v11  }
0x91a: {  	v11 =	vadd.s32 v3, v11;
	_ =	sdelay $0x2  }
0x91b: {  	vm9 =	vlt.s32 v9, $0x100  }
0x91c: {  	v9 =	vsel vm9, $0x3F800000, v0  }
0x91d: {  	[tilespmem:v11+s23+$0x0] =	vst.idx.msk $0xffff, v9  }
0x91e: {  	v9 =	vld [tilespmem:$0x108B0];
	_ =	sdelay $0x4  }
0x91f: {  	v11 =	vshll.u32 v9, $0x3  }
0x920: {  	v9 =	vand.u32 $0x7F, v9;
	v11 =	vand.u32 $0xFFFFFC00, v11  }
0x921: {  	v9 =	vor.u32 v9, v11  }
0x922: {  	v9 =	vadd.s32 v4, v9;
	_ =	sdelay $0x3  }
0x923: {  	[tilespmem:$0x108A0] =	vst v10  }
0x924: {  	[tilespmem:v9+s23+$0x0] =	vst.idx.msk $0xffff, v0  }
0x925: {  	v9 =	vld [tilespmem:$0x6B0];
	_ =	sdelay $0x4  }
0x926: {  	v9 =	vadd.f32 $1.000000000e+00, v9;
	_ =	sdelay $0x1  }
0x927: {  	v9 =	vmul.f32 $1.280000000e+02, v9;
	_ =	sdelay $0x1  }
0x928: {  	v9 =	vtrunc.f32 v9  }
0x929: {  	v9 =	vcvt.f32.s32 v9;
	_ =	sdelay $0x1  }
0x92a: {  	vm10 =	vlt.s32 v9, $0xFF  }
0x92b: {  	v10 =	vnsel vm10, $0xFF, v9  }
0x92c: {  	v11 =	vshll.u32 v10, $0x3  }
0x92d: {  	v43 =	vand.u32 $0x7F, v10;
	v11 =	vand.u32 $0xFFFFFC00, v11  }
0x92e: {  	v11 =	vor.u32 v43, v11  }
0x92f: {  	v11 =	vadd.s32 v4, v11;
	_ =	sdelay $0x2  }
0x930: {  	vm11 =	vlt.s32 v9, $0x100  }
0x931: {  	v9 =	vsel vm11, $0x3F800000, v0  }
0x932: {  	[tilespmem:v11+s23+$0x0] =	vst.idx.msk $0xffff, v9  }
0x933: {  	v9 =	vld [tilespmem:$0x108C0];
	_ =	sdelay $0x4  }
0x934: {  	v11 =	vshll.u32 v9, $0x3  }
0x935: {  	v9 =	vand.u32 $0x7F, v9;
	v11 =	vand.u32 $0xFFFFFC00, v11  }
0x936: {  	v9 =	vor.u32 v9, v11  }
0x937: {  	v9 =	vadd.s32 v5, v9;
	_ =	sdelay $0x3  }
0x938: {  	[tilespmem:$0x108B0] =	vst v10  }
0x939: {  	[tilespmem:v9+s23+$0x0] =	vst.idx.msk $0xffff, v0  }
0x93a: {  	v9 =	vld [tilespmem:$0x6C0];
	_ =	sdelay $0x4  }
0x93b: {  	v9 =	vadd.f32 $1.000000000e+00, v9;
	_ =	sdelay $0x1  }
0x93c: {  	v9 =	vmul.f32 $1.280000000e+02, v9;
	_ =	sdelay $0x1  }
0x93d: {  	v9 =	vtrunc.f32 v9  }
0x93e: {  	v9 =	vcvt.f32.s32 v9;
	_ =	sdelay $0x1  }
0x93f: {  	vm12 =	vlt.s32 v9, $0xFF  }
0x940: {  	v10 =	vnsel vm12, $0xFF, v9  }
0x941: {  	v11 =	vshll.u32 v10, $0x3  }
0x942: {  	v44 =	vand.u32 $0x7F, v10;
	v11 =	vand.u32 $0xFFFFFC00, v11  }
0x943: {  	v11 =	vor.u32 v44, v11  }
0x944: {  	v11 =	vadd.s32 v5, v11;
	_ =	sdelay $0x2  }
0x945: {  	vm13 =	vlt.s32 v9, $0x100  }
0x946: {  	v9 =	vsel vm13, $0x3F800000, v0  }
0x947: {  	[tilespmem:v11+s23+$0x0] =	vst.idx.msk $0xffff, v9  }
0x948: {  	v9 =	vld [tilespmem:$0x108D0];
	_ =	sdelay $0x4  }
0x949: {  	v11 =	vshll.u32 v9, $0x3  }
0x94a: {  	v9 =	vand.u32 $0x7F, v9;
	v11 =	vand.u32 $0xFFFFFC00, v11  }
0x94b: {  	v9 =	vor.u32 v9, v11  }
0x94c: {  	v9 =	vadd.s32 v6, v9;
	_ =	sdelay $0x3  }
0x94d: {  	[tilespmem:$0x108C0] =	vst v10  }
0x94e: {  	[tilespmem:v9+s23+$0x0] =	vst.idx.msk $0xffff, v0  }
0x94f: {  	v9 =	vld [tilespmem:$0x6D0];
	_ =	sdelay $0x4  }
0x950: {  	v9 =	vadd.f32 $1.000000000e+00, v9;
	_ =	sdelay $0x1  }
0x951: {  	v9 =	vmul.f32 $1.280000000e+02, v9;
	_ =	sdelay $0x1  }
0x952: {  	v9 =	vtrunc.f32 v9  }
0x953: {  	v9 =	vcvt.f32.s32 v9;
	_ =	sdelay $0x1  }
0x954: {  	vm14 =	vlt.s32 v9, $0xFF  }
0x955: {  	v10 =	vnsel vm14, $0xFF, v9  }
0x956: {  	v11 =	vshll.u32 v10, $0x3  }
0x957: {  	v45 =	vand.u32 $0x7F, v10;
	v11 =	vand.u32 $0xFFFFFC00, v11  }
0x958: {  	v11 =	vor.u32 v45, v11  }
0x959: {  	v11 =	vadd.s32 v6, v11;
	_ =	sdelay $0x2  }
0x95a: {  	vm15 =	vlt.s32 v9, $0x100  }
0x95b: {  	v9 =	vsel vm15, $0x3F800000, v0  }
0x95c: {  	[tilespmem:v11+s23+$0x0] =	vst.idx.msk $0xffff, v9  }
0x95d: {  	v9 =	vld [tilespmem:$0x108E0];
	_ =	sdelay $0x4  }
0x95e: {  	v11 =	vshll.u32 v9, $0x3  }
0x95f: {  	v9 =	vand.u32 $0x7F, v9;
	v11 =	vand.u32 $0xFFFFFC00, v11  }
0x960: {  	v9 =	vor.u32 v9, v11  }
0x961: {  	v9 =	vadd.s32 v7, v9;
	_ =	sdelay $0x3  }
0x962: {  	[tilespmem:$0x108D0] =	vst v10  }
0x963: {  	[tilespmem:v9+s23+$0x0] =	vst.idx.msk $0xffff, v0  }
0x964: {  	v9 =	vld [tilespmem:$0x6E0];
	_ =	sdelay $0x4  }
0x965: {  	v9 =	vadd.f32 $1.000000000e+00, v9;
	_ =	sdelay $0x1  }
0x966: {  	v9 =	vmul.f32 $1.280000000e+02, v9;
	_ =	sdelay $0x1  }
0x967: {  	v9 =	vtrunc.f32 v9  }
0x968: {  	v9 =	vcvt.f32.s32 v9;
	_ =	sdelay $0x1  }
0x969: {  	vm4 =	vlt.s32 v9, $0xFF  }
0x96a: {  	v10 =	vnsel vm4, $0xFF, v9  }
0x96b: {  	v11 =	vshll.u32 v10, $0x3  }
0x96c: {  	v46 =	vand.u32 $0x7F, v10;
	v11 =	vand.u32 $0xFFFFFC00, v11  }
0x96d: {  	v11 =	vor.u32 v46, v11  }
0x96e: {  	v11 =	vadd.s32 v7, v11;
	_ =	sdelay $0x2  }
0x96f: {  	vm5 =	vlt.s32 v9, $0x100  }
0x970: {  	v9 =	vsel vm5, $0x3F800000, v0  }
0x971: {  	[tilespmem:v11+s23+$0x0] =	vst.idx.msk $0xffff, v9  }
0x972: {  	v9 =	vld [tilespmem:$0x108F0];
	_ =	sdelay $0x4  }
0x973: {  	v11 =	vshll.u32 v9, $0x3  }
0x974: {  	v9 =	vand.u32 $0x7F, v9;
	v11 =	vand.u32 $0xFFFFFC00, v11  }
0x975: {  	v9 =	vor.u32 v9, v11  }
0x976: {  	v9 =	vadd.s32 v8, v9;
	_ =	sdelay $0x3  }
0x977: {  	[tilespmem:$0x108E0] =	vst v10  }
0x978: {  	[tilespmem:v9+s23+$0x0] =	vst.idx.msk $0xffff, v0  }
0x979: {  	v9 =	vld [tilespmem:$0x6F0];
	_ =	sdelay $0x4  }
0x97a: {  	v9 =	vadd.f32 $1.000000000e+00, v9;
	_ =	sdelay $0x1  }
0x97b: {  	v9 =	vmul.f32 $1.280000000e+02, v9;
	_ =	sdelay $0x1  }
0x97c: {  	v9 =	vtrunc.f32 v9  }
0x97d: {  	v9 =	vcvt.f32.s32 v9;
	_ =	sdelay $0x1  }
0x97e: {  	vm6 =	vlt.s32 v9, $0xFF  }
0x97f: {  	v10 =	vnsel vm6, $0xFF, v9  }
0x980: {  	v11 =	vshll.u32 v10, $0x3  }
0x981: {  	v47 =	vand.u32 $0x7F, v10;
	v11 =	vand.u32 $0xFFFFFC00, v11  }
0x982: {  	v11 =	vor.u32 v47, v11  }
0x983: {  	v11 =	vadd.s32 v8, v11;
	_ =	sdelay $0x2  }
0x984: {  	vm7 =	vlt.s32 v9, $0x100  }
0x985: {  	v9 =	vsel vm7, $0x3F800000, v0  }
0x986: {  	[tilespmem:v11+s23+$0x0] =	vst.idx.msk $0xffff, v9  }
0x987: {  	[tilespmem:$0x108F0] =	vst v10  }
0x988: {  	[hbm4b:s17+s2] =	stream.linear.scatter [tilespmem:s23], [sflag:$0x2], $0x8000, $0x38;
	[tilespmem:$0x10900] =	vst v63  }
0x989: {  	_ =	swait.ge [sflag:s24], $0x8000  }
0x98a: {  	[sflag:s24] =	ssyncset.done $0x0  }
0x98b: {  	[sflag:s24] =	ssyncadd.s32 $0xFFFF8000  }
0x98c: {  	v9 =	vld [tilespmem:$0x10800];
	_ =	sdelay $0x4  }
0x98d: {  	v10 =	vshll.u32 v9, $0x3  }
0x98e: {  	v9 =	vand.u32 $0x7F, v9;
	v10 =	vand.u32 $0xFFFFFC00, v10  }
0x98f: {  	v9 =	vor.u32 v9, v10  }
0x990: {  	v9 =	vadd.s32 v1, v9;
	_ =	sdelay $0x4  }
0x991: {  	[tilespmem:v9+s22+$0x0] =	vst.idx.msk $0xffff, v0  }
0x992: {  	v9 =	vld [tilespmem:$0x700];
	_ =	sdelay $0x4  }
0x993: {  	v9 =	vadd.f32 $1.000000000e+00, v9;
	_ =	sdelay $0x1  }
0x994: {  	v9 =	vmul.f32 $1.280000000e+02, v9;
	_ =	sdelay $0x1  }
0x995: {  	v9 =	vtrunc.f32 v9  }
0x996: {  	v9 =	vcvt.f32.s32 v9;
	_ =	sdelay $0x1  }
0x997: {  	vm8 =	vlt.s32 v9, $0xFF  }
0x998: {  	v10 =	vnsel vm8, $0xFF, v9  }
0x999: {  	v11 =	vshll.u32 v10, $0x3  }
0x99a: {  	v48 =	vand.u32 $0x7F, v10;
	v11 =	vand.u32 $0xFFFFFC00, v11  }
0x99b: {  	v11 =	vor.u32 v48, v11  }
0x99c: {  	v11 =	vadd.s32 v1, v11;
	_ =	sdelay $0x2  }
0x99d: {  	vm9 =	vlt.s32 v9, $0x100  }
0x99e: {  	v9 =	vsel vm9, $0x3F800000, v0  }
0x99f: {  	[tilespmem:v11+s22+$0x0] =	vst.idx.msk $0xffff, v9  }
0x9a0: {  	v9 =	vld [tilespmem:$0x10810];
	_ =	sdelay $0x4  }
0x9a1: {  	v11 =	vshll.u32 v9, $0x3  }
0x9a2: {  	v9 =	vand.u32 $0x7F, v9;
	v11 =	vand.u32 $0xFFFFFC00, v11  }
0x9a3: {  	v9 =	vor.u32 v9, v11  }
0x9a4: {  	v9 =	vadd.s32 v2, v9;
	_ =	sdelay $0x3  }
0x9a5: {  	[tilespmem:$0x10800] =	vst v10  }
0x9a6: {  	[tilespmem:v9+s22+$0x0] =	vst.idx.msk $0xffff, v0  }
0x9a7: {  	v9 =	vld [tilespmem:$0x710];
	_ =	sdelay $0x4  }
0x9a8: {  	v9 =	vadd.f32 $1.000000000e+00, v9;
	_ =	sdelay $0x1  }
0x9a9: {  	v9 =	vmul.f32 $1.280000000e+02, v9;
	_ =	sdelay $0x1  }
0x9aa: {  	v9 =	vtrunc.f32 v9  }
0x9ab: {  	v9 =	vcvt.f32.s32 v9;
	_ =	sdelay $0x1  }
0x9ac: {  	vm10 =	vlt.s32 v9, $0xFF  }
0x9ad: {  	v10 =	vnsel vm10, $0xFF, v9  }
0x9ae: {  	v11 =	vshll.u32 v10, $0x3  }
0x9af: {  	v49 =	vand.u32 $0x7F, v10;
	v11 =	vand.u32 $0xFFFFFC00, v11  }
0x9b0: {  	v11 =	vor.u32 v49, v11  }
0x9b1: {  	v11 =	vadd.s32 v2, v11;
	_ =	sdelay $0x2  }
0x9b2: {  	vm11 =	vlt.s32 v9, $0x100  }
0x9b3: {  	v9 =	vsel vm11, $0x3F800000, v0  }
0x9b4: {  	[tilespmem:v11+s22+$0x0] =	vst.idx.msk $0xffff, v9  }
0x9b5: {  	v9 =	vld [tilespmem:$0x10820];
	_ =	sdelay $0x4  }
0x9b6: {  	v11 =	vshll.u32 v9, $0x3  }
0x9b7: {  	v9 =	vand.u32 $0x7F, v9;
	v11 =	vand.u32 $0xFFFFFC00, v11  }
0x9b8: {  	v9 =	vor.u32 v9, v11  }
0x9b9: {  	v9 =	vadd.s32 v3, v9;
	_ =	sdelay $0x3  }
0x9ba: {  	[tilespmem:$0x10810] =	vst v10  }
0x9bb: {  	[tilespmem:v9+s22+$0x0] =	vst.idx.msk $0xffff, v0  }
0x9bc: {  	v9 =	vld [tilespmem:$0x720];
	_ =	sdelay $0x4  }
0x9bd: {  	v9 =	vadd.f32 $1.000000000e+00, v9;
	_ =	sdelay $0x1  }
0x9be: {  	v9 =	vmul.f32 $1.280000000e+02, v9;
	_ =	sdelay $0x1  }
0x9bf: {  	v9 =	vtrunc.f32 v9  }
0x9c0: {  	v9 =	vcvt.f32.s32 v9;
	_ =	sdelay $0x1  }
0x9c1: {  	vm12 =	vlt.s32 v9, $0xFF  }
0x9c2: {  	v10 =	vnsel vm12, $0xFF, v9  }
0x9c3: {  	v11 =	vshll.u32 v10, $0x3  }
0x9c4: {  	v50 =	vand.u32 $0x7F, v10;
	v11 =	vand.u32 $0xFFFFFC00, v11  }
0x9c5: {  	v11 =	vor.u32 v50, v11  }
0x9c6: {  	v11 =	vadd.s32 v3, v11;
	_ =	sdelay $0x2  }
0x9c7: {  	vm13 =	vlt.s32 v9, $0x100  }
0x9c8: {  	v9 =	vsel vm13, $0x3F800000, v0  }
0x9c9: {  	[tilespmem:v11+s22+$0x0] =	vst.idx.msk $0xffff, v9  }
0x9ca: {  	v9 =	vld [tilespmem:$0x10830];
	_ =	sdelay $0x4  }
0x9cb: {  	v11 =	vshll.u32 v9, $0x3  }
0x9cc: {  	v9 =	vand.u32 $0x7F, v9;
	v11 =	vand.u32 $0xFFFFFC00, v11  }
0x9cd: {  	v9 =	vor.u32 v9, v11  }
0x9ce: {  	v9 =	vadd.s32 v4, v9;
	_ =	sdelay $0x3  }
0x9cf: {  	[tilespmem:$0x10820] =	vst v10  }
0x9d0: {  	[tilespmem:v9+s22+$0x0] =	vst.idx.msk $0xffff, v0  }
0x9d1: {  	v9 =	vld [tilespmem:$0x730];
	_ =	sdelay $0x4  }
0x9d2: {  	v9 =	vadd.f32 $1.000000000e+00, v9;
	_ =	sdelay $0x1  }
0x9d3: {  	v9 =	vmul.f32 $1.280000000e+02, v9;
	_ =	sdelay $0x1  }
0x9d4: {  	v9 =	vtrunc.f32 v9  }
0x9d5: {  	v9 =	vcvt.f32.s32 v9;
	_ =	sdelay $0x1  }
0x9d6: {  	vm14 =	vlt.s32 v9, $0xFF  }
0x9d7: {  	v10 =	vnsel vm14, $0xFF, v9  }
0x9d8: {  	v11 =	vshll.u32 v10, $0x3  }
0x9d9: {  	v51 =	vand.u32 $0x7F, v10;
	v11 =	vand.u32 $0xFFFFFC00, v11  }
0x9da: {  	v11 =	vor.u32 v51, v11  }
0x9db: {  	v11 =	vadd.s32 v4, v11;
	_ =	sdelay $0x2  }
0x9dc: {  	vm15 =	vlt.s32 v9, $0x100  }
0x9dd: {  	v9 =	vsel vm15, $0x3F800000, v0  }
0x9de: {  	[tilespmem:v11+s22+$0x0] =	vst.idx.msk $0xffff, v9  }
0x9df: {  	v9 =	vld [tilespmem:$0x10840];
	_ =	sdelay $0x4  }
0x9e0: {  	v11 =	vshll.u32 v9, $0x3  }
0x9e1: {  	v9 =	vand.u32 $0x7F, v9;
	v11 =	vand.u32 $0xFFFFFC00, v11  }
0x9e2: {  	v9 =	vor.u32 v9, v11  }
0x9e3: {  	v9 =	vadd.s32 v5, v9;
	_ =	sdelay $0x3  }
0x9e4: {  	[tilespmem:$0x10830] =	vst v10  }
0x9e5: {  	[tilespmem:v9+s22+$0x0] =	vst.idx.msk $0xffff, v0  }
0x9e6: {  	v9 =	vld [tilespmem:$0x740];
	_ =	sdelay $0x4  }
0x9e7: {  	v9 =	vadd.f32 $1.000000000e+00, v9;
	_ =	sdelay $0x1  }
0x9e8: {  	v9 =	vmul.f32 $1.280000000e+02, v9;
	_ =	sdelay $0x1  }
0x9e9: {  	v9 =	vtrunc.f32 v9  }
0x9ea: {  	v9 =	vcvt.f32.s32 v9;
	_ =	sdelay $0x1  }
0x9eb: {  	vm4 =	vlt.s32 v9, $0xFF  }
0x9ec: {  	v10 =	vnsel vm4, $0xFF, v9  }
0x9ed: {  	v11 =	vshll.u32 v10, $0x3  }
0x9ee: {  	v52 =	vand.u32 $0x7F, v10;
	v11 =	vand.u32 $0xFFFFFC00, v11  }
0x9ef: {  	v11 =	vor.u32 v52, v11  }
0x9f0: {  	v11 =	vadd.s32 v5, v11;
	_ =	sdelay $0x2  }
0x9f1: {  	vm5 =	vlt.s32 v9, $0x100  }
0x9f2: {  	v9 =	vsel vm5, $0x3F800000, v0  }
0x9f3: {  	[tilespmem:v11+s22+$0x0] =	vst.idx.msk $0xffff, v9  }
0x9f4: {  	v9 =	vld [tilespmem:$0x10850];
	_ =	sdelay $0x4  }
0x9f5: {  	v11 =	vshll.u32 v9, $0x3  }
0x9f6: {  	v9 =	vand.u32 $0x7F, v9;
	v11 =	vand.u32 $0xFFFFFC00, v11  }
0x9f7: {  	v9 =	vor.u32 v9, v11  }
0x9f8: {  	v9 =	vadd.s32 v6, v9;
	_ =	sdelay $0x3  }
0x9f9: {  	[tilespmem:$0x10840] =	vst v10  }
0x9fa: {  	[tilespmem:v9+s22+$0x0] =	vst.idx.msk $0xffff, v0  }
0x9fb: {  	v9 =	vld [tilespmem:$0x750];
	_ =	sdelay $0x4  }
0x9fc: {  	v9 =	vadd.f32 $1.000000000e+00, v9;
	_ =	sdelay $0x1  }
0x9fd: {  	v9 =	vmul.f32 $1.280000000e+02, v9;
	_ =	sdelay $0x1  }
0x9fe: {  	v9 =	vtrunc.f32 v9  }
0x9ff: {  	v9 =	vcvt.f32.s32 v9;
	_ =	sdelay $0x1  }
0xa00: {  	vm6 =	vlt.s32 v9, $0xFF  }
0xa01: {  	v10 =	vnsel vm6, $0xFF, v9  }
0xa02: {  	v11 =	vshll.u32 v10, $0x3  }
0xa03: {  	v53 =	vand.u32 $0x7F, v10;
	v11 =	vand.u32 $0xFFFFFC00, v11  }
0xa04: {  	v11 =	vor.u32 v53, v11  }
0xa05: {  	v11 =	vadd.s32 v6, v11;
	_ =	sdelay $0x2  }
0xa06: {  	vm7 =	vlt.s32 v9, $0x100  }
0xa07: {  	v9 =	vsel vm7, $0x3F800000, v0  }
0xa08: {  	[tilespmem:v11+s22+$0x0] =	vst.idx.msk $0xffff, v9  }
0xa09: {  	v9 =	vld [tilespmem:$0x10860];
	_ =	sdelay $0x4  }
0xa0a: {  	v11 =	vshll.u32 v9, $0x3  }
0xa0b: {  	v9 =	vand.u32 $0x7F, v9;
	v11 =	vand.u32 $0xFFFFFC00, v11  }
0xa0c: {  	v9 =	vor.u32 v9, v11  }
0xa0d: {  	v9 =	vadd.s32 v7, v9;
	_ =	sdelay $0x3  }
0xa0e: {  	[tilespmem:$0x10850] =	vst v10  }
0xa0f: {  	[tilespmem:v9+s22+$0x0] =	vst.idx.msk $0xffff, v0  }
0xa10: {  	v9 =	vld [tilespmem:$0x760];
	_ =	sdelay $0x4  }
0xa11: {  	v9 =	vadd.f32 $1.000000000e+00, v9;
	_ =	sdelay $0x1  }
0xa12: {  	v9 =	vmul.f32 $1.280000000e+02, v9;
	_ =	sdelay $0x1  }
0xa13: {  	v9 =	vtrunc.f32 v9  }
0xa14: {  	v9 =	vcvt.f32.s32 v9;
	_ =	sdelay $0x1  }
0xa15: {  	vm8 =	vlt.s32 v9, $0xFF  }
0xa16: {  	v10 =	vnsel vm8, $0xFF, v9  }
0xa17: {  	v11 =	vshll.u32 v10, $0x3  }
0xa18: {  	v54 =	vand.u32 $0x7F, v10;
	v11 =	vand.u32 $0xFFFFFC00, v11  }
0xa19: {  	v11 =	vor.u32 v54, v11  }
0xa1a: {  	v11 =	vadd.s32 v7, v11;
	_ =	sdelay $0x2  }
0xa1b: {  	vm9 =	vlt.s32 v9, $0x100  }
0xa1c: {  	v9 =	vsel vm9, $0x3F800000, v0  }
0xa1d: {  	[tilespmem:v11+s22+$0x0] =	vst.idx.msk $0xffff, v9  }
0xa1e: {  	v9 =	vld [tilespmem:$0x10870];
	_ =	sdelay $0x4  }
0xa1f: {  	v11 =	vshll.u32 v9, $0x3  }
0xa20: {  	v9 =	vand.u32 $0x7F, v9;
	v11 =	vand.u32 $0xFFFFFC00, v11  }
0xa21: {  	v9 =	vor.u32 v9, v11  }
0xa22: {  	v9 =	vadd.s32 v8, v9;
	_ =	sdelay $0x3  }
0xa23: {  	[tilespmem:$0x10860] =	vst v10  }
0xa24: {  	[tilespmem:v9+s22+$0x0] =	vst.idx.msk $0xffff, v0  }
0xa25: {  	v9 =	vld [tilespmem:$0x770];
	_ =	sdelay $0x4  }
0xa26: {  	v9 =	vadd.f32 $1.000000000e+00, v9;
	_ =	sdelay $0x1  }
0xa27: {  	v9 =	vmul.f32 $1.280000000e+02, v9;
	_ =	sdelay $0x1  }
0xa28: {  	v9 =	vtrunc.f32 v9  }
0xa29: {  	v9 =	vcvt.f32.s32 v9;
	_ =	sdelay $0x1  }
0xa2a: {  	vm10 =	vlt.s32 v9, $0xFF  }
0xa2b: {  	v10 =	vnsel vm10, $0xFF, v9  }
0xa2c: {  	v11 =	vshll.u32 v10, $0x3  }
0xa2d: {  	v55 =	vand.u32 $0x7F, v10;
	v11 =	vand.u32 $0xFFFFFC00, v11  }
0xa2e: {  	v11 =	vor.u32 v55, v11  }
0xa2f: {  	v11 =	vadd.s32 v8, v11;
	_ =	sdelay $0x2  }
0xa30: {  	vm11 =	vlt.s32 v9, $0x100  }
0xa31: {  	v9 =	vsel vm11, $0x3F800000, v0  }
0xa32: {  	[tilespmem:v11+s22+$0x0] =	vst.idx.msk $0xffff, v9  }
0xa33: {  	[tilespmem:$0x10870] =	vst v10  }
0xa34: {  	[hbm4b:s18+s2] =	stream.linear.scatter [tilespmem:s22], [sflag:$0x1], $0x8000, $0x38;
	[tilespmem:$0x10900] =	vst v63  }
0xa35: {  	_ =	swait.ge [sflag:s25], $0x8000  }
0xa36: {  	[sflag:s25] =	ssyncset.done $0x0  }
0xa37: {  	[sflag:s25] =	ssyncadd.s32 $0xFFFF8000  }
0xa38: {  	v9 =	vld [tilespmem:$0x10880];
	_ =	sdelay $0x4  }
0xa39: {  	v10 =	vshll.u32 v9, $0x3  }
0xa3a: {  	v9 =	vand.u32 $0x7F, v9;
	v10 =	vand.u32 $0xFFFFFC00, v10  }
0xa3b: {  	v9 =	vor.u32 v9, v10  }
0xa3c: {  	v9 =	vadd.s32 v1, v9;
	_ =	sdelay $0x4  }
0xa3d: {  	[tilespmem:v9+s23+$0x0] =	vst.idx.msk $0xffff, v0  }
0xa3e: {  	v9 =	vld [tilespmem:$0x780];
	_ =	sdelay $0x4  }
0xa3f: {  	v9 =	vadd.f32 $1.000000000e+00, v9;
	_ =	sdelay $0x1  }
0xa40: {  	v9 =	vmul.f32 $1.280000000e+02, v9;
	_ =	sdelay $0x1  }
0xa41: {  	v9 =	vtrunc.f32 v9  }
0xa42: {  	v9 =	vcvt.f32.s32 v9;
	_ =	sdelay $0x1  }
0xa43: {  	vm12 =	vlt.s32 v9, $0xFF  }
0xa44: {  	v10 =	vnsel vm12, $0xFF, v9  }
0xa45: {  	v11 =	vshll.u32 v10, $0x3  }
0xa46: {  	v56 =	vand.u32 $0x7F, v10;
	v11 =	vand.u32 $0xFFFFFC00, v11  }
0xa47: {  	v11 =	vor.u32 v56, v11  }
0xa48: {  	v11 =	vadd.s32 v1, v11;
	_ =	sdelay $0x2  }
0xa49: {  	vm13 =	vlt.s32 v9, $0x100  }
0xa4a: {  	v9 =	vsel vm13, $0x3F800000, v0  }
0xa4b: {  	[tilespmem:v11+s23+$0x0] =	vst.idx.msk $0xffff, v9  }
0xa4c: {  	v9 =	vld [tilespmem:$0x10890];
	_ =	sdelay $0x4  }
0xa4d: {  	v11 =	vshll.u32 v9, $0x3  }
0xa4e: {  	v9 =	vand.u32 $0x7F, v9;
	v11 =	vand.u32 $0xFFFFFC00, v11  }
0xa4f: {  	v9 =	vor.u32 v9, v11  }
0xa50: {  	v9 =	vadd.s32 v2, v9;
	_ =	sdelay $0x3  }
0xa51: {  	[tilespmem:$0x10880] =	vst v10  }
0xa52: {  	[tilespmem:v9+s23+$0x0] =	vst.idx.msk $0xffff, v0  }
0xa53: {  	v9 =	vld [tilespmem:$0x790];
	_ =	sdelay $0x4  }
0xa54: {  	v9 =	vadd.f32 $1.000000000e+00, v9;
	_ =	sdelay $0x1  }
0xa55: {  	v9 =	vmul.f32 $1.280000000e+02, v9;
	_ =	sdelay $0x1  }
0xa56: {  	v9 =	vtrunc.f32 v9  }
0xa57: {  	v9 =	vcvt.f32.s32 v9;
	_ =	sdelay $0x1  }
0xa58: {  	vm14 =	vlt.s32 v9, $0xFF  }
0xa59: {  	v10 =	vnsel vm14, $0xFF, v9  }
0xa5a: {  	v11 =	vshll.u32 v10, $0x3  }
0xa5b: {  	v57 =	vand.u32 $0x7F, v10;
	v11 =	vand.u32 $0xFFFFFC00, v11  }
0xa5c: {  	v11 =	vor.u32 v57, v11  }
0xa5d: {  	v11 =	vadd.s32 v2, v11;
	_ =	sdelay $0x2  }
0xa5e: {  	vm15 =	vlt.s32 v9, $0x100  }
0xa5f: {  	v9 =	vsel vm15, $0x3F800000, v0  }
0xa60: {  	[tilespmem:v11+s23+$0x0] =	vst.idx.msk $0xffff, v9  }
0xa61: {  	v9 =	vld [tilespmem:$0x108A0];
	_ =	sdelay $0x4  }
0xa62: {  	v11 =	vshll.u32 v9, $0x3  }
0xa63: {  	v9 =	vand.u32 $0x7F, v9;
	v11 =	vand.u32 $0xFFFFFC00, v11  }
0xa64: {  	v9 =	vor.u32 v9, v11  }
0xa65: {  	v9 =	vadd.s32 v3, v9;
	_ =	sdelay $0x3  }
0xa66: {  	[tilespmem:$0x10890] =	vst v10  }
0xa67: {  	[tilespmem:v9+s23+$0x0] =	vst.idx.msk $0xffff, v0  }
0xa68: {  	v9 =	vld [tilespmem:$0x7A0];
	_ =	sdelay $0x4  }
0xa69: {  	v9 =	vadd.f32 $1.000000000e+00, v9;
	_ =	sdelay $0x1  }
0xa6a: {  	v9 =	vmul.f32 $1.280000000e+02, v9;
	_ =	sdelay $0x1  }
0xa6b: {  	v9 =	vtrunc.f32 v9  }
0xa6c: {  	v9 =	vcvt.f32.s32 v9;
	_ =	sdelay $0x1  }
0xa6d: {  	vm4 =	vlt.s32 v9, $0xFF  }
0xa6e: {  	v10 =	vnsel vm4, $0xFF, v9  }
0xa6f: {  	v11 =	vshll.u32 v10, $0x3  }
0xa70: {  	v58 =	vand.u32 $0x7F, v10;
	v11 =	vand.u32 $0xFFFFFC00, v11  }
0xa71: {  	v11 =	vor.u32 v58, v11  }
0xa72: {  	v11 =	vadd.s32 v3, v11;
	_ =	sdelay $0x2  }
0xa73: {  	vm5 =	vlt.s32 v9, $0x100  }
0xa74: {  	v9 =	vsel vm5, $0x3F800000, v0  }
0xa75: {  	[tilespmem:v11+s23+$0x0] =	vst.idx.msk $0xffff, v9  }
0xa76: {  	v9 =	vld [tilespmem:$0x108B0];
	_ =	sdelay $0x4  }
0xa77: {  	v11 =	vshll.u32 v9, $0x3  }
0xa78: {  	v9 =	vand.u32 $0x7F, v9;
	v11 =	vand.u32 $0xFFFFFC00, v11  }
0xa79: {  	v9 =	vor.u32 v9, v11  }
0xa7a: {  	v9 =	vadd.s32 v4, v9;
	_ =	sdelay $0x3  }
0xa7b: {  	[tilespmem:$0x108A0] =	vst v10  }
0xa7c: {  	[tilespmem:v9+s23+$0x0] =	vst.idx.msk $0xffff, v0  }
0xa7d: {  	v9 =	vld [tilespmem:$0x7B0];
	_ =	sdelay $0x4  }
0xa7e: {  	v9 =	vadd.f32 $1.000000000e+00, v9;
	_ =	sdelay $0x1  }
0xa7f: {  	v9 =	vmul.f32 $1.280000000e+02, v9;
	_ =	sdelay $0x1  }
0xa80: {  	v9 =	vtrunc.f32 v9  }
0xa81: {  	v9 =	vcvt.f32.s32 v9;
	_ =	sdelay $0x1  }
0xa82: {  	vm6 =	vlt.s32 v9, $0xFF  }
0xa83: {  	v10 =	vnsel vm6, $0xFF, v9  }
0xa84: {  	v11 =	vshll.u32 v10, $0x3  }
0xa85: {  	v59 =	vand.u32 $0x7F, v10;
	v11 =	vand.u32 $0xFFFFFC00, v11  }
0xa86: {  	v11 =	vor.u32 v59, v11  }
0xa87: {  	v11 =	vadd.s32 v4, v11;
	_ =	sdelay $0x2  }
0xa88: {  	vm7 =	vlt.s32 v9, $0x100  }
0xa89: {  	v9 =	vsel vm7, $0x3F800000, v0  }
0xa8a: {  	[tilespmem:v11+s23+$0x0] =	vst.idx.msk $0xffff, v9  }
0xa8b: {  	v9 =	vld [tilespmem:$0x108C0];
	_ =	sdelay $0x4  }
0xa8c: {  	v11 =	vshll.u32 v9, $0x3  }
0xa8d: {  	v9 =	vand.u32 $0x7F, v9;
	v11 =	vand.u32 $0xFFFFFC00, v11  }
0xa8e: {  	v9 =	vor.u32 v9, v11  }
0xa8f: {  	v9 =	vadd.s32 v5, v9;
	_ =	sdelay $0x3  }
0xa90: {  	[tilespmem:$0x108B0] =	vst v10  }
0xa91: {  	[tilespmem:v9+s23+$0x0] =	vst.idx.msk $0xffff, v0  }
0xa92: {  	v9 =	vld [tilespmem:$0x7C0];
	_ =	sdelay $0x4  }
0xa93: {  	v9 =	vadd.f32 $1.000000000e+00, v9;
	_ =	sdelay $0x1  }
0xa94: {  	v9 =	vmul.f32 $1.280000000e+02, v9;
	_ =	sdelay $0x1  }
0xa95: {  	v9 =	vtrunc.f32 v9  }
0xa96: {  	v9 =	vcvt.f32.s32 v9;
	_ =	sdelay $0x1  }
0xa97: {  	vm8 =	vlt.s32 v9, $0xFF  }
0xa98: {  	v10 =	vnsel vm8, $0xFF, v9  }
0xa99: {  	v11 =	vshll.u32 v10, $0x3  }
0xa9a: {  	v60 =	vand.u32 $0x7F, v10;
	v11 =	vand.u32 $0xFFFFFC00, v11  }
0xa9b: {  	v11 =	vor.u32 v60, v11  }
0xa9c: {  	v11 =	vadd.s32 v5, v11;
	_ =	sdelay $0x2  }
0xa9d: {  	vm9 =	vlt.s32 v9, $0x100  }
0xa9e: {  	v9 =	vsel vm9, $0x3F800000, v0  }
0xa9f: {  	[tilespmem:v11+s23+$0x0] =	vst.idx.msk $0xffff, v9  }
0xaa0: {  	v9 =	vld [tilespmem:$0x108D0];
	_ =	sdelay $0x4  }
0xaa1: {  	v11 =	vshll.u32 v9, $0x3  }
0xaa2: {  	v9 =	vand.u32 $0x7F, v9;
	v11 =	vand.u32 $0xFFFFFC00, v11  }
0xaa3: {  	v9 =	vor.u32 v9, v11  }
0xaa4: {  	v9 =	vadd.s32 v6, v9;
	_ =	sdelay $0x3  }
0xaa5: {  	[tilespmem:$0x108C0] =	vst v10  }
0xaa6: {  	[tilespmem:v9+s23+$0x0] =	vst.idx.msk $0xffff, v0  }
0xaa7: {  	v9 =	vld [tilespmem:$0x7D0];
	_ =	sdelay $0x4  }
0xaa8: {  	v9 =	vadd.f32 $1.000000000e+00, v9;
	_ =	sdelay $0x1  }
0xaa9: {  	v9 =	vmul.f32 $1.280000000e+02, v9;
	_ =	sdelay $0x1  }
0xaaa: {  	v9 =	vtrunc.f32 v9  }
0xaab: {  	v9 =	vcvt.f32.s32 v9;
	_ =	sdelay $0x1  }
0xaac: {  	vm10 =	vlt.s32 v9, $0xFF  }
0xaad: {  	v10 =	vnsel vm10, $0xFF, v9  }
0xaae: {  	v11 =	vshll.u32 v10, $0x3  }
0xaaf: {  	v61 =	vand.u32 $0x7F, v10;
	v11 =	vand.u32 $0xFFFFFC00, v11  }
0xab0: {  	v11 =	vor.u32 v61, v11  }
0xab1: {  	v11 =	vadd.s32 v6, v11;
	_ =	sdelay $0x2  }
0xab2: {  	vm11 =	vlt.s32 v9, $0x100  }
0xab3: {  	v9 =	vsel vm11, $0x3F800000, v0  }
0xab4: {  	[tilespmem:v11+s23+$0x0] =	vst.idx.msk $0xffff, v9  }
0xab5: {  	v9 =	vld [tilespmem:$0x108E0];
	_ =	sdelay $0x4  }
0xab6: {  	v11 =	vshll.u32 v9, $0x3  }
0xab7: {  	v9 =	vand.u32 $0x7F, v9;
	v11 =	vand.u32 $0xFFFFFC00, v11  }
0xab8: {  	v9 =	vor.u32 v9, v11  }
0xab9: {  	v9 =	vadd.s32 v7, v9;
	_ =	sdelay $0x3  }
0xaba: {  	[tilespmem:$0x108D0] =	vst v10  }
0xabb: {  	[tilespmem:v9+s23+$0x0] =	vst.idx.msk $0xffff, v0  }
0xabc: {  	v9 =	vld [tilespmem:$0x7E0];
	_ =	sdelay $0x4  }
0xabd: {  	v9 =	vadd.f32 $1.000000000e+00, v9;
	_ =	sdelay $0x1  }
0xabe: {  	v9 =	vmul.f32 $1.280000000e+02, v9;
	_ =	sdelay $0x1  }
0xabf: {  	v9 =	vtrunc.f32 v9  }
0xac0: {  	v9 =	vcvt.f32.s32 v9;
	_ =	sdelay $0x1  }
0xac1: {  	vm12 =	vlt.s32 v9, $0xFF  }
0xac2: {  	v10 =	vnsel vm12, $0xFF, v9  }
0xac3: {  	v11 =	vshll.u32 v10, $0x3  }
0xac4: {  	v62 =	vand.u32 $0x7F, v10;
	v11 =	vand.u32 $0xFFFFFC00, v11  }
0xac5: {  	v11 =	vor.u32 v62, v11  }
0xac6: {  	v11 =	vadd.s32 v7, v11;
	_ =	sdelay $0x2  }
0xac7: {  	vm13 =	vlt.s32 v9, $0x100  }
0xac8: {  	v9 =	vsel vm13, $0x3F800000, v0  }
0xac9: {  	[tilespmem:v11+s23+$0x0] =	vst.idx.msk $0xffff, v9  }
0xaca: {  	v9 =	vld [tilespmem:$0x108F0];
	_ =	sdelay $0x4  }
0xacb: {  	v11 =	vshll.u32 v9, $0x3  }
0xacc: {  	v9 =	vand.u32 $0x7F, v9;
	v11 =	vand.u32 $0xFFFFFC00, v11  }
0xacd: {  	v9 =	vor.u32 v9, v11  }
0xace: {  	v9 =	vadd.s32 v8, v9;
	_ =	sdelay $0x3  }
0xacf: {  	[tilespmem:$0x108E0] =	vst v10  }
0xad0: {  	[tilespmem:v9+s23+$0x0] =	vst.idx.msk $0xffff, v0  }
0xad1: {  	v9 =	vld [tilespmem:$0x7F0];
	_ =	sdelay $0x4  }
0xad2: {  	v9 =	vadd.f32 $1.000000000e+00, v9;
	_ =	sdelay $0x1  }
0xad3: {  	v9 =	vmul.f32 $1.280000000e+02, v9;
	_ =	sdelay $0x1  }
0xad4: {  	v9 =	vtrunc.f32 v9  }
0xad5: {  	v9 =	vcvt.f32.s32 v9;
	_ =	sdelay $0x1  }
0xad6: {  	vm14 =	vlt.s32 v9, $0xFF  }
0xad7: {  	v10 =	vnsel vm14, $0xFF, v9  }
0xad8: {  	v11 =	vshll.u32 v10, $0x3  }
0xad9: {  	v63 =	vand.u32 $0x7F, v10;
	v11 =	vand.u32 $0xFFFFFC00, v11  }
0xada: {  	v11 =	vor.u32 v63, v11  }
0xadb: {  	v11 =	vadd.s32 v8, v11;
	_ =	sdelay $0x2  }
0xadc: {  	vm15 =	vlt.s32 v9, $0x100  }
0xadd: {  	v9 =	vsel vm15, $0x3F800000, v0  }
0xade: {  	[tilespmem:v11+s23+$0x0] =	vst.idx.msk $0xffff, v9  }
0xadf: {  	s26 =	sadd.s32 $0x1, s26;
	[tilespmem:$0x108F0] =	vst v10  }
0xae0: {  	[hbm4b:s19+s2] =	stream.linear.scatter [tilespmem:s23], [sflag:$0x2], $0x8000, $0x38;
	[tilespmem:$0x10900] =	vst v63  }
0xae1: {  	p0 =	sne.s32 s26, s20;
	_ =	swait.ge [sflag:s24], $0x8000  }
.Ltmp1:
0xae2: {  	[sflag:s24] =	ssyncset.done $0x0;
	(pc) =	sbr.rel @p0 .LBB2_1-.Ltmp1, $4  }
0xae3: {  	[sflag:s24] =	ssyncadd.s32 $0xFFFF8000  }
0xae4: {  	_ =	swait.ge [sflag:s25], $0x8000  }
0xae5: {  	[sflag:s25] =	ssyncset.done $0x0  }
0xae6: {  	[sflag:s25] =	ssyncadd.s32 $0xFFFF8000  }
0xae7: {  	_ =	sfence.sel $0x180000  }
0xae8: {  	[bflag:$0x0] =	sbarrier.arrive $0xFFFF  }
0xae9: {  	_ =	strace $0x90000047  }
0xaea: {  	[bflag:$0x2] =	sbarrier.arrive $0xFFFF  }
0xaeb: {  	p0 =	sne.s32 s1, $0x0;
	s0 =	rddreg [dreg:$0x2]  }
0xaec: {  	s0 =	sadd.s32 @!p0 $0x100000, s0  }
0xaed: {  	[sflag:s0] =	ssyncadd.tile.s32 @!p0 $0x1;
	_ =	shalt  }
.Lfunc_end2:
_tile_overlayer_lowered:
.L_overlay_start_2:
0xaee: {  	(tag) =	ssettag $0x2  }
0xaef: {  	s0 =	rddreg [dreg:$0x0];
	s2 =	stileid.u32  }
0xaf0: {  	s1 =	rddreg [dreg:$0x1];
	p0 =	sne.s32 s2, $0x0  }
0xaf1: {  	s3 =	rddreg [dreg:$0x2];
	[bflag:$0x3] =	sbarrier.arrive $0xFFFF;
	s2 =	simm.s32 @!p0 $0x1C03  }
0xaf2: {  	[timem:s3], [sflag:s2] =	dma.local @!p0 [hbm:s0], s1  }
0xaf3: {  	s0 =	simm.s32 @!p0 $0x3  }
0xaf4: {  	_ =	swait.ge @!p0 [sflag:s0], s1  }
0xaf5: {  	s1 =	ssub.s32 @!p0 $0x0, s1;
	[sflag:s0] =	ssyncset.done @!p0 $0x0  }
0xaf6: {  	[sflag:s0] =	ssyncadd.s32 @!p0 s1  }
0xaf7: {  	[bflag:$0x3] =	sbarrier.arrive $0xFFFF  }
0xaf8: {  	_ =	shalt  }

</sc_bundles>
